<compile_context>
chip_gen: v7x
topology: tpu7x:2x2x1
jax: 0.10.2.dev20260603
libtpu: 0.0.44.dev20260713+nightly
codegen_flags: <defaults>
</compile_context>

<pallas_src>
import jax
import jax.numpy as jnp
from jax import lax
from jax.experimental import pallas as pl
from jax.experimental.pallas import tpu as pltpu
from jax.experimental.pallas import tpu_sc as plsc

N = 10000
E = 160000
H = 256
HH = H // 2
EPS = 1e-5
NC, NS, L = 2, 16, 16
K = 80
EPT = E // NS
NB = EPT // K
NPAD = 10240
RPT = NPAD // NS
FC = 16
RB_N = 2000
RB_E = 2000



def _node_mm_body(x_ref, uw_ref, ub_ref, aw_ref, ab_ref, bw_ref, bb_ref,
                  vw_ref, vb_ref, ux_ref, an_ref, bv_ref):
    xb = x_ref[...].astype(jnp.bfloat16)
    dn = (((1,), (1,)), ((), ()))
    ux = lax.dot_general(xb, uw_ref[...].astype(jnp.bfloat16), dn,
                         preferred_element_type=jnp.float32) + ub_ref[...]
    ya = lax.dot_general(xb, aw_ref[...].astype(jnp.bfloat16), dn,
                         preferred_element_type=jnp.float32) + ab_ref[...]
    yb = lax.dot_general(xb, bw_ref[...].astype(jnp.bfloat16), dn,
                         preferred_element_type=jnp.float32) + bb_ref[...]
    yv = lax.dot_general(xb, vw_ref[...].astype(jnp.bfloat16), dn,
                         preferred_element_type=jnp.float32) + vb_ref[...]
    ux_ref[...] = ux
    an_ref[0] = ya[:, :HH]
    an_ref[1] = ya[:, HH:]
    bv_ref[0, :, :HH] = yb[:, :HH]
    bv_ref[0, :, HH:] = yv[:, :HH]
    bv_ref[1, :, :HH] = yb[:, HH:]
    bv_ref[1, :, HH:] = yv[:, HH:]


def _edge_mm_body(e_ref, cw_ref, cb_ref, ce_ref):
    y = lax.dot_general(e_ref[...].astype(jnp.bfloat16),
                        cw_ref[...].astype(jnp.bfloat16),
                        (((1,), (1,)), ((), ())),
                        preferred_element_type=jnp.float32) + cb_ref[...]
    ce_ref[0] = y[:, :HH]
    ce_ref[1] = y[:, HH:]



def _sc_edge_body(src_ref, dst_ref, an_ref, bv_ref, ce_ref,
                  enew_ref, agg_ref, stats_ref,
                  blk_src, blk_dst, isc, isrcA, idstA, a_v, bv_v, ce_v,
                  st_v, zb, acc, sem):
    c = lax.axis_index("c")
    s = lax.axis_index("s")
    coff = c * N
    zero = jnp.zeros((L,), jnp.float32)

    def _zrow(r, carry):
        for j in range(HH // L):
            zb[r, pl.ds(j * L, L)] = zero
        return carry
    lax.fori_loop(0, FC, _zrow, 0)
    for t in range(RPT // FC):
        pltpu.sync_copy(zb, acc.at[pl.ds(s * RPT + t * FC, FC)])
    plsc.subcore_barrier()

    IBB = 25 * K

    def _batch(i, st):
        base = s * EPT + i * K
        b = lax.rem(i, 25)

        @pl.when(b == 0)
        def _load_blk():
            pltpu.sync_copy(src_ref.at[pl.ds(base, IBB)], blk_src)
            pltpu.sync_copy(dst_ref.at[pl.ds(base, IBB)], blk_dst)
        for j in range(K // L):
            sl = pl.ds(j * L, L)
            boff = b * K + j * L
            raw = blk_src[pl.ds(boff, L)]
            isc[sl] = raw
            isrcA[sl] = raw + coff
            idstA[sl] = blk_dst[pl.ds(boff, L)] + coff
        cpa = pltpu.async_copy(an_ref.at[isrcA], a_v, sem)
        cpb = pltpu.async_copy(bv_ref.at[idstA], bv_v, sem)
        cpc = pltpu.async_copy(ce_ref.at[pl.ds(c * E + base, K)], ce_v, sem)
        cpa.wait()
        cpb.wait()
        cpc.wait()

        def _row(r, st2):
            out = list(st2)
            for j in range(HH // L):
                sl = pl.ds(j * L, L)
                t = a_v[r, sl] + bv_v[r, sl] + ce_v[r, sl]
                ce_v[r, sl] = t
                g = 1.0 / (1.0 + jnp.exp(-t))
                a_v[r, sl] = bv_v[r, pl.ds(HH + j * L, L)] * g
                out[j] = out[j] + t
                out[8 + j] = out[8 + j] + t * t
            return tuple(out)
        st = plsc.parallel_loop(0, K, unroll=4, carry=tuple(st))(_row)

        pltpu.sync_copy(ce_v, enew_ref.at[pl.ds(c * E + base, K)])
        pltpu.sync_copy(a_v, acc.at[isc], add=True)
        return st

    st0 = tuple(jnp.zeros((L,), jnp.float32) for _ in range(16))
    st = lax.fori_loop(0, NB, _batch, st0)

    for j in range(HH // L):
        st_v[0, pl.ds(j * L, L)] = st[j]
        st_v[1, pl.ds(j * L, L)] = st[8 + j]
    pltpu.sync_copy(st_v, stats_ref.at[c, s])

    plsc.subcore_barrier()
    for t in range(RPT // FC):
        rows = pl.ds(s * RPT + t * FC, FC)
        pltpu.sync_copy(acc.at[rows], zb)
        pltpu.sync_copy(zb, agg_ref.at[pl.ds(c * NPAD + s * RPT + t * FC, FC)])


def _make_sc_edge():
  return pl.kernel(
    _sc_edge_body,
    out_type=(
        jax.ShapeDtypeStruct((2 * E, HH), jnp.float32),
        jax.ShapeDtypeStruct((2 * NPAD, HH), jnp.float32),
        jax.ShapeDtypeStruct((NC, NS, 2, HH), jnp.float32),
    ),
    mesh=plsc.VectorSubcoreMesh(core_axis_name="c", subcore_axis_name="s",
                                num_cores=NC, num_subcores=NS),
    scratch_types=[
        pltpu.VMEM((25 * K,), jnp.int32),
        pltpu.VMEM((25 * K,), jnp.int32),
        pltpu.VMEM((K,), jnp.int32),
        pltpu.VMEM((K,), jnp.int32),
        pltpu.VMEM((K,), jnp.int32),
        pltpu.VMEM((K, HH), jnp.float32),
        pltpu.VMEM((K, H), jnp.float32),
        pltpu.VMEM((K, HH), jnp.float32),
        pltpu.VMEM((2, HH), jnp.float32),
        pltpu.VMEM((FC, HH), jnp.float32),
        pltpu.VMEM_SHARED((NPAD, HH), jnp.float32),
        pltpu.SemaphoreType.DMA,
    ],
  )



def _xside_body(ux_ref, agg_ref, gx_ref, bx_ref, xout_ref):
    xl = ux_ref[:, :HH] + agg_ref[0, :N]
    xr = ux_ref[:, HH:] + agg_ref[1, :N]
    xn = jnp.concatenate([xl, xr], axis=1)
    mu = jnp.mean(xn, axis=0, keepdims=True)
    var = jnp.mean((xn - mu) ** 2, axis=0, keepdims=True)
    y = (xn - mu) * lax.rsqrt(var + EPS) * gx_ref[...] + bx_ref[...]
    xout_ref[...] = jnp.maximum(y, 0.0)


def _eside_body(stats_ref, ge_ref, be_ref, en_ref, eout_ref):
    stt = stats_ref[...]
    s1 = jnp.sum(stt[:, :, 0, :], axis=1)
    s2 = jnp.sum(stt[:, :, 1, :], axis=1)
    mu = s1 / E
    var = s2 / E - mu * mu
    scale = ge_ref[...] * lax.rsqrt(var + EPS)
    shift = be_ref[...] - mu * scale
    e0 = en_ref[0] * scale[0] + shift[0]
    e1 = en_ref[1] * scale[1] + shift[1]
    eout_ref[:, :HH] = jnp.maximum(e0, 0.0)
    eout_ref[:, HH:] = jnp.maximum(e1, 0.0)



def kernel(x, e, edge_index, U_w, U_b, V_w, V_b, A_w, A_b, B_w, B_b,
           C_w, C_b, gamma_x, beta_x, gamma_e, beta_e):
    src = edge_index[0].astype(jnp.int32)
    dst = edge_index[1].astype(jnp.int32)

    cw = pl.BlockSpec((H, H), lambda i: (0, 0))
    cb = pl.BlockSpec((1, H), lambda i: (0, 0))

    ux, an3, bv3 = pl.pallas_call(
        _node_mm_body,
        grid=(N // RB_N,),
        in_specs=[pl.BlockSpec((RB_N, H), lambda i: (i, 0)),
                  cw, cb, cw, cb, cw, cb, cw, cb],
        out_specs=[pl.BlockSpec((RB_N, H), lambda i: (i, 0)),
                   pl.BlockSpec((2, RB_N, HH), lambda i: (0, i, 0)),
                   pl.BlockSpec((2, RB_N, H), lambda i: (0, i, 0))],
        out_shape=[jax.ShapeDtypeStruct((N, H), jnp.float32),
                   jax.ShapeDtypeStruct((2, N, HH), jnp.float32),
                   jax.ShapeDtypeStruct((2, N, H), jnp.float32)],
    )(x, U_w, U_b.reshape(1, H), A_w, A_b.reshape(1, H),
      B_w, B_b.reshape(1, H), V_w, V_b.reshape(1, H))

    ce3 = pl.pallas_call(
        _edge_mm_body,
        grid=(E // RB_E,),
        in_specs=[pl.BlockSpec((RB_E, H), lambda i: (i, 0)), cw, cb],
        out_specs=pl.BlockSpec((2, RB_E, HH), lambda i: (0, i, 0)),
        out_shape=jax.ShapeDtypeStruct((2, E, HH), jnp.float32),
    )(e, C_w, C_b.reshape(1, H))

    enew, agg, stats = _make_sc_edge()(src, dst,
                                an3.reshape(2 * N, HH),
                                bv3.reshape(2 * N, H),
                                ce3.reshape(2 * E, HH))

    xout = pl.pallas_call(
        _xside_body,
        out_shape=jax.ShapeDtypeStruct((N, H), jnp.float32),
    )(ux, agg.reshape(2, NPAD, HH), gamma_x.reshape(1, H), beta_x.reshape(1, H))

    eout = pl.pallas_call(
        _eside_body,
        grid=(E // RB_E,),
        in_specs=[pl.BlockSpec((NC, NS, 2, HH), lambda i: (0, 0, 0, 0)),
                  pl.BlockSpec((2, HH), lambda i: (0, 0)),
                  pl.BlockSpec((2, HH), lambda i: (0, 0)),
                  pl.BlockSpec((2, RB_E, HH), lambda i: (0, i, 0))],
        out_specs=pl.BlockSpec((RB_E, H), lambda i: (i, 0)),
        out_shape=jax.ShapeDtypeStruct((E, H), jnp.float32),
    )(stats, gamma_e.reshape(2, HH), beta_e.reshape(2, HH),
      enew.reshape(2, E, HH))

    return xout, eout

# --- scband reference (transcript-rebuilt; emitter-appended) ---
"""Pipeline reference for scband-gnnsparse-layer-41266045779975 (READ-ONLY COPY).

The authoritative reference and input builder live on the scoring server;
editing this copy changes nothing except your own understanding.
"""

import jax, jax.numpy as jnp
import numpy as np

N_NODES = 10000
N_EDGES = 160000
H = 256
EPS = 1e-5


def _batch_norm(t, gamma, beta):
    mean = jnp.mean(t, axis=0)
    var = jnp.mean((t - mean) ** 2, axis=0)
    return (t - mean) / jnp.sqrt(var + EPS) * gamma + beta


def setup_inputs(seed: int = 0) -> dict:
    key = jax.random.key(seed)
    ks = jax.random.split(key, 16)
    scale = 1.0 / np.sqrt(H)
    x = jax.random.normal(ks[0], (N_NODES, H), dtype=jnp.float32)
    e = jax.random.normal(ks[1], (N_EDGES, H), dtype=jnp.float32)
    edge_index = jax.random.randint(ks[2], (2, N_EDGES), 0, N_NODES)
    U_w = jax.random.normal(ks[3], (H, H), dtype=jnp.float32) * scale
    U_b = jnp.zeros((H,), dtype=jnp.float32)
    V_w = jax.random.normal(ks[4], (H, H), dtype=jnp.float32) * scale
    V_b = jnp.zeros((H,), dtype=jnp.float32)
    A_w = jax.random.normal(ks[5], (H, H), dtype=jnp.float32) * scale
    A_b = jnp.zeros((H,), dtype=jnp.float32)
    B_w = jax.random.normal(ks[6], (H, H), dtype=jnp.float32) * scale
    B_b = jnp.zeros((H,), dtype=jnp.float32)
    C_w = jax.random.normal(ks[7], (H, H), dtype=jnp.float32) * scale
    C_b = jnp.zeros((H,), dtype=jnp.float32)
    gamma_x = jnp.ones((H,), dtype=jnp.float32)
    beta_x = jnp.zeros((H,), dtype=jnp.float32)
    gamma_e = jnp.ones((H,), dtype=jnp.float32)
    beta_e = jnp.zeros((H,), dtype=jnp.float32)
    return {
        "x": x, "e": e, "edge_index": edge_index,
        "U_w": U_w, "U_b": U_b, "V_w": V_w, "V_b": V_b,
        "A_w": A_w, "A_b": A_b, "B_w": B_w, "B_b": B_b,
        "C_w": C_w, "C_b": C_b,
        "gamma_x": gamma_x, "beta_x": beta_x,
        "gamma_e": gamma_e, "beta_e": beta_e,
    }


def reference(x, e, edge_index, U_w, U_b, V_w, V_b, A_w, A_b, B_w, B_b, C_w, C_b, gamma_x, beta_x, gamma_e, beta_e):
    src = edge_index[0]
    dst = edge_index[1]
    Ux = x @ U_w.T + U_b
    Vx = x[dst] @ V_w.T + V_b
    Ax = x @ A_w.T + A_b
    Bx = x @ B_w.T + B_b
    Ce = e @ C_w.T + C_b
    e_new = Ax[src] + Bx[dst] + Ce
    gates = jax.nn.sigmoid(e_new)
    # aggregation='sum': sparse row-sum == segment_sum over source (row) index
    agg = jax.ops.segment_sum(Vx * gates, src, num_segments=N_NODES)
    x_new = Ux + agg
    x_out = jax.nn.relu(_batch_norm(x_new, gamma_x, beta_x))
    e_out = jax.nn.relu(_batch_norm(e_new, gamma_e, beta_e))
    return (x_out, e_out)

if __name__ == "__main__":
    import jax
    _d = setup_inputs()
    print(jax.jit(kernel)(*tuple(_d.values())))

</pallas_src>

<mosaic_0001>
#map = affine_map<(d0, d1) -> (0)>
#map1 = affine_map<(d0, d1) -> (0, 0)>
#map2 = affine_map<(d0, d1) -> (0, 0, 0, 0)>
module attributes {stable_mosaic.version = 14 : i64} {
  func.func @_sc_edge_body(%arg0: i32, %arg1: i32, %arg2: memref<160000xi32, #tpu.memory_space<hbm>>, %arg3: memref<160000xi32, #tpu.memory_space<hbm>>, %arg4: memref<20000x128xf32, #tpu.memory_space<hbm>>, %arg5: memref<20000x256xf32, #tpu.memory_space<hbm>>, %arg6: memref<320000x128xf32, #tpu.memory_space<hbm>>, %arg7: memref<320000x128xf32, #tpu.memory_space<hbm>>, %arg8: memref<20480x128xf32, #tpu.memory_space<hbm>>, %arg9: memref<2x16x2x128xf32, #tpu.memory_space<hbm>>, %arg10: memref<2000xi32, #tpu.memory_space<vmem>>, %arg11: memref<2000xi32, #tpu.memory_space<vmem>>, %arg12: memref<80xi32, #tpu.memory_space<vmem>>, %arg13: memref<80xi32, #tpu.memory_space<vmem>>, %arg14: memref<80xi32, #tpu.memory_space<vmem>>, %arg15: memref<80x128xf32, #tpu.memory_space<vmem>>, %arg16: memref<80x256xf32, #tpu.memory_space<vmem>>, %arg17: memref<80x128xf32, #tpu.memory_space<vmem>>, %arg18: memref<2x128xf32, #tpu.memory_space<vmem>>, %arg19: memref<16x128xf32, #tpu.memory_space<vmem>>, %arg20: memref<10240x128xf32, #tpu.memory_space<vmem_shared>>, %arg21: memref<!tpu.dma_semaphore, #tpu.memory_space<semaphore_mem>>) attributes {dimension_semantics = [#tpu.dimension_semantics<core_parallel>, #tpu.dimension_semantics<subcore_parallel>], iteration_bounds = array<i64: 2, 16>, scalar_prefetch = 0 : i64, scratch_operands = 12 : i64, tpu.core_type = #tpu.core_type<sc_vector_subcore>, window_params = [{transform_indices = #map}, {transform_indices = #map}, {transform_indices = #map1}, {transform_indices = #map1}, {transform_indices = #map1}, {transform_indices = #map1}, {transform_indices = #map1}, {transform_indices = #map2}]} {
    %mul3A = arith.constant 10000 : i32
    %mul3A_0 = arith.muli %arg0, %mul3A : i32
    %broadcast_in_dim3A = arith.constant 0.000000e+00 : f32
    %broadcast_in_dim3A_1 = vector.broadcast %broadcast_in_dim3A : f32 to vector<16xf32>
    %scan3A = arith.constant 0 : i32
    %scan3A_2 = arith.constant 0 : i32
    %scan3A_3 = arith.constant 16 : i32
    %scan3A_4 = arith.addi %scan3A_2, %scan3A_3 : i32
    %scan3A_5 = arith.constant 1 : i32
    scf.for %scan3A_740 = %scan3A_2 to %scan3A_4 step %scan3A_5  : i32 {
      %swap3A_741 = arith.index_cast %scan3A_740 : i32 to index
      %swap3A_742 = arith.constant 0 : index
      %swap3A_743 = tpu.vector_load %arg19[%swap3A_741, %swap3A_742] {strides = array<i32>} : memref<16x128xf32, #tpu.memory_space<vmem>>, vector<1x16xf32>,
      %swap3A_744 = vector.shape_cast %swap3A_743 : vector<1x16xf32> to vector<16xf32>
      %swap3A_745 = vector.shape_cast %broadcast_in_dim3A_1 : vector<16xf32> to vector<1x16xf32>
      tpu.vector_store %arg19[%swap3A_741, %swap3A_742], %swap3A_745 {strides = array<i32>} : memref<16x128xf32, #tpu.memory_space<vmem>>, vector<1x16xf32>,
      %swap3A_746 = arith.index_cast %scan3A_740 : i32 to index
      %swap3A_747 = arith.constant 16 : index
      %swap3A_748 = tpu.vector_load %arg19[%swap3A_746, %swap3A_747] {strides = array<i32>} : memref<16x128xf32, #tpu.memory_space<vmem>>, vector<1x16xf32>,
      %swap3A_749 = vector.shape_cast %swap3A_748 : vector<1x16xf32> to vector<16xf32>
      %swap3A_750 = vector.shape_cast %broadcast_in_dim3A_1 : vector<16xf32> to vector<1x16xf32>
      tpu.vector_store %arg19[%swap3A_746, %swap3A_747], %swap3A_750 {strides = array<i32>} : memref<16x128xf32, #tpu.memory_space<vmem>>, vector<1x16xf32>,
      %swap3A_751 = arith.index_cast %scan3A_740 : i32 to index
      %swap3A_752 = arith.constant 32 : index
      %swap3A_753 = tpu.vector_load %arg19[%swap3A_751, %swap3A_752] {strides = array<i32>} : memref<16x128xf32, #tpu.memory_space<vmem>>, vector<1x16xf32>,
      %swap3A_754 = vector.shape_cast %swap3A_753 : vector<1x16xf32> to vector<16xf32>
      %swap3A_755 = vector.shape_cast %broadcast_in_dim3A_1 : vector<16xf32> to vector<1x16xf32>
      tpu.vector_store %arg19[%swap3A_751, %swap3A_752], %swap3A_755 {strides = array<i32>} : memref<16x128xf32, #tpu.memory_space<vmem>>, vector<1x16xf32>,
      %swap3A_756 = arith.index_cast %scan3A_740 : i32 to index
      %swap3A_757 = arith.constant 48 : index
      %swap3A_758 = tpu.vector_load %arg19[%swap3A_756, %swap3A_757] {strides = array<i32>} : memref<16x128xf32, #tpu.memory_space<vmem>>, vector<1x16xf32>,
      %swap3A_759 = vector.shape_cast %swap3A_758 : vector<1x16xf32> to vector<16xf32>
      %swap3A_760 = vector.shape_cast %broadcast_in_dim3A_1 : vector<16xf32> to vector<1x16xf32>
      tpu.vector_store %arg19[%swap3A_756, %swap3A_757], %swap3A_760 {strides = array<i32>} : memref<16x128xf32, #tpu.memory_space<vmem>>, vector<1x16xf32>,
      %swap3A_761 = arith.index_cast %scan3A_740 : i32 to index
      %swap3A_762 = arith.constant 64 : index
      %swap3A_763 = tpu.vector_load %arg19[%swap3A_761, %swap3A_762] {strides = array<i32>} : memref<16x128xf32, #tpu.memory_space<vmem>>, vector<1x16xf32>,
      %swap3A_764 = vector.shape_cast %swap3A_763 : vector<1x16xf32> to vector<16xf32>
      %swap3A_765 = vector.shape_cast %broadcast_in_dim3A_1 : vector<16xf32> to vector<1x16xf32>
      tpu.vector_store %arg19[%swap3A_761, %swap3A_762], %swap3A_765 {strides = array<i32>} : memref<16x128xf32, #tpu.memory_space<vmem>>, vector<1x16xf32>,
      %swap3A_766 = arith.index_cast %scan3A_740 : i32 to index
      %swap3A_767 = arith.constant 80 : index
      %swap3A_768 = tpu.vector_load %arg19[%swap3A_766, %swap3A_767] {strides = array<i32>} : memref<16x128xf32, #tpu.memory_space<vmem>>, vector<1x16xf32>,
      %swap3A_769 = vector.shape_cast %swap3A_768 : vector<1x16xf32> to vector<16xf32>
      %swap3A_770 = vector.shape_cast %broadcast_in_dim3A_1 : vector<16xf32> to vector<1x16xf32>
      tpu.vector_store %arg19[%swap3A_766, %swap3A_767], %swap3A_770 {strides = array<i32>} : memref<16x128xf32, #tpu.memory_space<vmem>>, vector<1x16xf32>,
      %swap3A_771 = arith.index_cast %scan3A_740 : i32 to index
      %swap3A_772 = arith.constant 96 : index
      %swap3A_773 = tpu.vector_load %arg19[%swap3A_771, %swap3A_772] {strides = array<i32>} : memref<16x128xf32, #tpu.memory_space<vmem>>, vector<1x16xf32>,
      %swap3A_774 = vector.shape_cast %swap3A_773 : vector<1x16xf32> to vector<16xf32>
      %swap3A_775 = vector.shape_cast %broadcast_in_dim3A_1 : vector<16xf32> to vector<1x16xf32>
      tpu.vector_store %arg19[%swap3A_771, %swap3A_772], %swap3A_775 {strides = array<i32>} : memref<16x128xf32, #tpu.memory_space<vmem>>, vector<1x16xf32>,
      %swap3A_776 = arith.index_cast %scan3A_740 : i32 to index
      %swap3A_777 = arith.constant 112 : index
      %swap3A_778 = tpu.vector_load %arg19[%swap3A_776, %swap3A_777] {strides = array<i32>} : memref<16x128xf32, #tpu.memory_space<vmem>>, vector<1x16xf32>,
      %swap3A_779 = vector.shape_cast %swap3A_778 : vector<1x16xf32> to vector<16xf32>
      %swap3A_780 = vector.shape_cast %broadcast_in_dim3A_1 : vector<16xf32> to vector<1x16xf32>
      tpu.vector_store %arg19[%swap3A_776, %swap3A_777], %swap3A_780 {strides = array<i32>} : memref<16x128xf32, #tpu.memory_space<vmem>>, vector<1x16xf32>,
    }
    %scan3A_6 = arith.constant 16 : i32
    %mul3A_7 = arith.constant 640 : i32
    %mul3A_8 = arith.muli %arg1, %mul3A_7 : i32
    %add3A = arith.constant 0 : i32
    %add3A_9 = arith.addi %mul3A_8, %add3A : i32
    "tpu.region"() ({
      %run_scoped3A = tpu.sem_alloc : memref<!tpu.dma_semaphore, #tpu.memory_space<semaphore_mem>>
      %dma_start3A = arith.constant 0 : i32
      %dma_start3A_740 = tpu.memref_slice %arg20[%add3A_9, %dma_start3A] : memref<10240x128xf32, #tpu.memory_space<vmem_shared>> -> memref<16x128xf32, #tpu.memory_space<vmem_shared>>
      %dma_start3A_741 = arith.constant 0 : i32
      %dma_start3A_742 = tpu.memref_slice %arg20[%add3A_9, %dma_start3A_741] : memref<10240x128xf32, #tpu.memory_space<vmem_shared>> -> memref<16x128xf32, #tpu.memory_space<vmem_shared>>
      tpu.enqueue_dma source(%arg19 : memref<16x128xf32, #tpu.memory_space<vmem>>) target(%dma_start3A_742 : memref<16x128xf32, #tpu.memory_space<vmem_shared>>) target_semaphore(%run_scoped3A : memref<!tpu.dma_semaphore, #tpu.memory_space<semaphore_mem>>)
      %dma_wait3A = arith.constant 0 : i32
      %dma_wait3A_743 = tpu.memref_slice %arg20[%add3A_9, %dma_wait3A] : memref<10240x128xf32, #tpu.memory_space<vmem_shared>> -> memref<16x128xf32, #tpu.memory_space<vmem_shared>>
      %dma_wait3A_744 = arith.constant 0 : i32
      %dma_wait3A_745 = tpu.memref_slice %arg20[%add3A_9, %dma_wait3A_744] : memref<10240x128xf32, #tpu.memory_space<vmem_shared>> -> memref<16x128xf32, #tpu.memory_space<vmem_shared>>
      tpu.wait_dma2 semaphore(%run_scoped3A : memref<!tpu.dma_semaphore, #tpu.memory_space<semaphore_mem>>) src(%arg19 : memref<16x128xf32, #tpu.memory_space<vmem>>) dst(%dma_wait3A_745 : memref<16x128xf32, #tpu.memory_space<vmem_shared>>)
      tpu.yield
    }) : () -> ()
    %mul3A_10 = arith.constant 640 : i32
    %mul3A_11 = arith.muli %arg1, %mul3A_10 : i32
    %add3A_12 = arith.constant 16 : i32
    %add3A_13 = arith.addi %mul3A_11, %add3A_12 : i32
    "tpu.region"() ({
      %run_scoped3A = tpu.sem_alloc : memref<!tpu.dma_semaphore, #tpu.memory_space<semaphore_mem>>
      %dma_start3A = arith.constant 0 : i32
      %dma_start3A_740 = tpu.memref_slice %arg20[%add3A_13, %dma_start3A] : memref<10240x128xf32, #tpu.memory_space<vmem_shared>> -> memref<16x128xf32, #tpu.memory_space<vmem_shared>>
      %dma_start3A_741 = arith.constant 0 : i32
      %dma_start3A_742 = tpu.memref_slice %arg20[%add3A_13, %dma_start3A_741] : memref<10240x128xf32, #tpu.memory_space<vmem_shared>> -> memref<16x128xf32, #tpu.memory_space<vmem_shared>>
      tpu.enqueue_dma source(%arg19 : memref<16x128xf32, #tpu.memory_space<vmem>>) target(%dma_start3A_742 : memref<16x128xf32, #tpu.memory_space<vmem_shared>>) target_semaphore(%run_scoped3A : memref<!tpu.dma_semaphore, #tpu.memory_space<semaphore_mem>>)
      %dma_wait3A = arith.constant 0 : i32
      %dma_wait3A_743 = tpu.memref_slice %arg20[%add3A_13, %dma_wait3A] : memref<10240x128xf32, #tpu.memory_space<vmem_shared>> -> memref<16x128xf32, #tpu.memory_space<vmem_shared>>
      %dma_wait3A_744 = arith.constant 0 : i32
      %dma_wait3A_745 = tpu.memref_slice %arg20[%add3A_13, %dma_wait3A_744] : memref<10240x128xf32, #tpu.memory_space<vmem_shared>> -> memref<16x128xf32, #tpu.memory_space<vmem_shared>>
      tpu.wait_dma2 semaphore(%run_scoped3A : memref<!tpu.dma_semaphore, #tpu.memory_space<semaphore_mem>>) src(%arg19 : memref<16x128xf32, #tpu.memory_space<vmem>>) dst(%dma_wait3A_745 : memref<16x128xf32, #tpu.memory_space<vmem_shared>>)
      tpu.yield
    }) : () -> ()
    %mul3A_14 = arith.constant 640 : i32
    %mul3A_15 = arith.muli %arg1, %mul3A_14 : i32
    %add3A_16 = arith.constant 32 : i32
    %add3A_17 = arith.addi %mul3A_15, %add3A_16 : i32
    "tpu.region"() ({
      %run_scoped3A = tpu.sem_alloc : memref<!tpu.dma_semaphore, #tpu.memory_space<semaphore_mem>>
      %dma_start3A = arith.constant 0 : i32
      %dma_start3A_740 = tpu.memref_slice %arg20[%add3A_17, %dma_start3A] : memref<10240x128xf32, #tpu.memory_space<vmem_shared>> -> memref<16x128xf32, #tpu.memory_space<vmem_shared>>
      %dma_start3A_741 = arith.constant 0 : i32
      %dma_start3A_742 = tpu.memref_slice %arg20[%add3A_17, %dma_start3A_741] : memref<10240x128xf32, #tpu.memory_space<vmem_shared>> -> memref<16x128xf32, #tpu.memory_space<vmem_shared>>
      tpu.enqueue_dma source(%arg19 : memref<16x128xf32, #tpu.memory_space<vmem>>) target(%dma_start3A_742 : memref<16x128xf32, #tpu.memory_space<vmem_shared>>) target_semaphore(%run_scoped3A : memref<!tpu.dma_semaphore, #tpu.memory_space<semaphore_mem>>)
      %dma_wait3A = arith.constant 0 : i32
      %dma_wait3A_743 = tpu.memref_slice %arg20[%add3A_17, %dma_wait3A] : memref<10240x128xf32, #tpu.memory_space<vmem_shared>> -> memref<16x128xf32, #tpu.memory_space<vmem_shared>>
      %dma_wait3A_744 = arith.constant 0 : i32
      %dma_wait3A_745 = tpu.memref_slice %arg20[%add3A_17, %dma_wait3A_744] : memref<10240x128xf32, #tpu.memory_space<vmem_shared>> -> memref<16x128xf32, #tpu.memory_space<vmem_shared>>
      tpu.wait_dma2 semaphore(%run_scoped3A : memref<!tpu.dma_semaphore, #tpu.memory_space<semaphore_mem>>) src(%arg19 : memref<16x128xf32, #tpu.memory_space<vmem>>) dst(%dma_wait3A_745 : memref<16x128xf32, #tpu.memory_space<vmem_shared>>)
      tpu.yield
    }) : () -> ()
    %mul3A_18 = arith.constant 640 : i32
    %mul3A_19 = arith.muli %arg1, %mul3A_18 : i32
    %add3A_20 = arith.constant 48 : i32
    %add3A_21 = arith.addi %mul3A_19, %add3A_20 : i32
    "tpu.region"() ({
      %run_scoped3A = tpu.sem_alloc : memref<!tpu.dma_semaphore, #tpu.memory_space<semaphore_mem>>
      %dma_start3A = arith.constant 0 : i32
      %dma_start3A_740 = tpu.memref_slice %arg20[%add3A_21, %dma_start3A] : memref<10240x128xf32, #tpu.memory_space<vmem_shared>> -> memref<16x128xf32, #tpu.memory_space<vmem_shared>>
      %dma_start3A_741 = arith.constant 0 : i32
      %dma_start3A_742 = tpu.memref_slice %arg20[%add3A_21, %dma_start3A_741] : memref<10240x128xf32, #tpu.memory_space<vmem_shared>> -> memref<16x128xf32, #tpu.memory_space<vmem_shared>>
      tpu.enqueue_dma source(%arg19 : memref<16x128xf32, #tpu.memory_space<vmem>>) target(%dma_start3A_742 : memref<16x128xf32, #tpu.memory_space<vmem_shared>>) target_semaphore(%run_scoped3A : memref<!tpu.dma_semaphore, #tpu.memory_space<semaphore_mem>>)
      %dma_wait3A = arith.constant 0 : i32
      %dma_wait3A_743 = tpu.memref_slice %arg20[%add3A_21, %dma_wait3A] : memref<10240x128xf32, #tpu.memory_space<vmem_shared>> -> memref<16x128xf32, #tpu.memory_space<vmem_shared>>
      %dma_wait3A_744 = arith.constant 0 : i32
      %dma_wait3A_745 = tpu.memref_slice %arg20[%add3A_21, %dma_wait3A_744] : memref<10240x128xf32, #tpu.memory_space<vmem_shared>> -> memref<16x128xf32, #tpu.memory_space<vmem_shared>>
      tpu.wait_dma2 semaphore(%run_scoped3A : memref<!tpu.dma_semaphore, #tpu.memory_space<semaphore_mem>>) src(%arg19 : memref<16x128xf32, #tpu.memory_space<vmem>>) dst(%dma_wait3A_745 : memref<16x128xf32, #tpu.memory_space<vmem_shared>>)
      tpu.yield
    }) : () -> ()
    %mul3A_22 = arith.constant 640 : i32
    %mul3A_23 = arith.muli %arg1, %mul3A_22 : i32
    %add3A_24 = arith.constant 64 : i32
    %add3A_25 = arith.addi %mul3A_23, %add3A_24 : i32
    "tpu.region"() ({
      %run_scoped3A = tpu.sem_alloc : memref<!tpu.dma_semaphore, #tpu.memory_space<semaphore_mem>>
      %dma_start3A = arith.constant 0 : i32
      %dma_start3A_740 = tpu.memref_slice %arg20[%add3A_25, %dma_start3A] : memref<10240x128xf32, #tpu.memory_space<vmem_shared>> -> memref<16x128xf32, #tpu.memory_space<vmem_shared>>
      %dma_start3A_741 = arith.constant 0 : i32
      %dma_start3A_742 = tpu.memref_slice %arg20[%add3A_25, %dma_start3A_741] : memref<10240x128xf32, #tpu.memory_space<vmem_shared>> -> memref<16x128xf32, #tpu.memory_space<vmem_shared>>
      tpu.enqueue_dma source(%arg19 : memref<16x128xf32, #tpu.memory_space<vmem>>) target(%dma_start3A_742 : memref<16x128xf32, #tpu.memory_space<vmem_shared>>) target_semaphore(%run_scoped3A : memref<!tpu.dma_semaphore, #tpu.memory_space<semaphore_mem>>)
      %dma_wait3A = arith.constant 0 : i32
      %dma_wait3A_743 = tpu.memref_slice %arg20[%add3A_25, %dma_wait3A] : memref<10240x128xf32, #tpu.memory_space<vmem_shared>> -> memref<16x128xf32, #tpu.memory_space<vmem_shared>>
      %dma_wait3A_744 = arith.constant 0 : i32
      %dma_wait3A_745 = tpu.memref_slice %arg20[%add3A_25, %dma_wait3A_744] : memref<10240x128xf32, #tpu.memory_space<vmem_shared>> -> memref<16x128xf32, #tpu.memory_space<vmem_shared>>
      tpu.wait_dma2 semaphore(%run_scoped3A : memref<!tpu.dma_semaphore, #tpu.memory_space<semaphore_mem>>) src(%arg19 : memref<16x128xf32, #tpu.memory_space<vmem>>) dst(%dma_wait3A_745 : memref<16x128xf32, #tpu.memory_space<vmem_shared>>)
      tpu.yield
    }) : () -> ()
    %mul3A_26 = arith.constant 640 : i32
    %mul3A_27 = arith.muli %arg1, %mul3A_26 : i32
    %add3A_28 = arith.constant 80 : i32
    %add3A_29 = arith.addi %mul3A_27, %add3A_28 : i32
    "tpu.region"() ({
      %run_scoped3A = tpu.sem_alloc : memref<!tpu.dma_semaphore, #tpu.memory_space<semaphore_mem>>
      %dma_start3A = arith.constant 0 : i32
      %dma_start3A_740 = tpu.memref_slice %arg20[%add3A_29, %dma_start3A] : memref<10240x128xf32, #tpu.memory_space<vmem_shared>> -> memref<16x128xf32, #tpu.memory_space<vmem_shared>>
      %dma_start3A_741 = arith.constant 0 : i32
      %dma_start3A_742 = tpu.memref_slice %arg20[%add3A_29, %dma_start3A_741] : memref<10240x128xf32, #tpu.memory_space<vmem_shared>> -> memref<16x128xf32, #tpu.memory_space<vmem_shared>>
      tpu.enqueue_dma source(%arg19 : memref<16x128xf32, #tpu.memory_space<vmem>>) target(%dma_start3A_742 : memref<16x128xf32, #tpu.memory_space<vmem_shared>>) target_semaphore(%run_scoped3A : memref<!tpu.dma_semaphore, #tpu.memory_space<semaphore_mem>>)
      %dma_wait3A = arith.constant 0 : i32
      %dma_wait3A_743 = tpu.memref_slice %arg20[%add3A_29, %dma_wait3A] : memref<10240x128xf32, #tpu.memory_space<vmem_shared>> -> memref<16x128xf32, #tpu.memory_space<vmem_shared>>
      %dma_wait3A_744 = arith.constant 0 : i32
      %dma_wait3A_745 = tpu.memref_slice %arg20[%add3A_29, %dma_wait3A_744] : memref<10240x128xf32, #tpu.memory_space<vmem_shared>> -> memref<16x128xf32, #tpu.memory_space<vmem_shared>>
      tpu.wait_dma2 semaphore(%run_scoped3A : memref<!tpu.dma_semaphore, #tpu.memory_space<semaphore_mem>>) src(%arg19 : memref<16x128xf32, #tpu.memory_space<vmem>>) dst(%dma_wait3A_745 : memref<16x128xf32, #tpu.memory_space<vmem_shared>>)
      tpu.yield
    }) : () -> ()
    %mul3A_30 = arith.constant 640 : i32
    %mul3A_31 = arith.muli %arg1, %mul3A_30 : i32
    %add3A_32 = arith.constant 96 : i32
    %add3A_33 = arith.addi %mul3A_31, %add3A_32 : i32
    "tpu.region"() ({
      %run_scoped3A = tpu.sem_alloc : memref<!tpu.dma_semaphore, #tpu.memory_space<semaphore_mem>>
      %dma_start3A = arith.constant 0 : i32
      %dma_start3A_740 = tpu.memref_slice %arg20[%add3A_33, %dma_start3A] : memref<10240x128xf32, #tpu.memory_space<vmem_shared>> -> memref<16x128xf32, #tpu.memory_space<vmem_shared>>
      %dma_start3A_741 = arith.constant 0 : i32
      %dma_start3A_742 = tpu.memref_slice %arg20[%add3A_33, %dma_start3A_741] : memref<10240x128xf32, #tpu.memory_space<vmem_shared>> -> memref<16x128xf32, #tpu.memory_space<vmem_shared>>
      tpu.enqueue_dma source(%arg19 : memref<16x128xf32, #tpu.memory_space<vmem>>) target(%dma_start3A_742 : memref<16x128xf32, #tpu.memory_space<vmem_shared>>) target_semaphore(%run_scoped3A : memref<!tpu.dma_semaphore, #tpu.memory_space<semaphore_mem>>)
      %dma_wait3A = arith.constant 0 : i32
      %dma_wait3A_743 = tpu.memref_slice %arg20[%add3A_33, %dma_wait3A] : memref<10240x128xf32, #tpu.memory_space<vmem_shared>> -> memref<16x128xf32, #tpu.memory_space<vmem_shared>>
      %dma_wait3A_744 = arith.constant 0 : i32
      %dma_wait3A_745 = tpu.memref_slice %arg20[%add3A_33, %dma_wait3A_744] : memref<10240x128xf32, #tpu.memory_space<vmem_shared>> -> memref<16x128xf32, #tpu.memory_space<vmem_shared>>
      tpu.wait_dma2 semaphore(%run_scoped3A : memref<!tpu.dma_semaphore, #tpu.memory_space<semaphore_mem>>) src(%arg19 : memref<16x128xf32, #tpu.memory_space<vmem>>) dst(%dma_wait3A_745 : memref<16x128xf32, #tpu.memory_space<vmem_shared>>)
      tpu.yield
    }) : () -> ()
    %mul3A_34 = arith.constant 640 : i32
    %mul3A_35 = arith.muli %arg1, %mul3A_34 : i32
    %add3A_36 = arith.constant 112 : i32
    %add3A_37 = arith.addi %mul3A_35, %add3A_36 : i32
    "tpu.region"() ({
      %run_scoped3A = tpu.sem_alloc : memref<!tpu.dma_semaphore, #tpu.memory_space<semaphore_mem>>
      %dma_start3A = arith.constant 0 : i32
      %dma_start3A_740 = tpu.memref_slice %arg20[%add3A_37, %dma_start3A] : memref<10240x128xf32, #tpu.memory_space<vmem_shared>> -> memref<16x128xf32, #tpu.memory_space<vmem_shared>>
      %dma_start3A_741 = arith.constant 0 : i32
      %dma_start3A_742 = tpu.memref_slice %arg20[%add3A_37, %dma_start3A_741] : memref<10240x128xf32, #tpu.memory_space<vmem_shared>> -> memref<16x128xf32, #tpu.memory_space<vmem_shared>>
      tpu.enqueue_dma source(%arg19 : memref<16x128xf32, #tpu.memory_space<vmem>>) target(%dma_start3A_742 : memref<16x128xf32, #tpu.memory_space<vmem_shared>>) target_semaphore(%run_scoped3A : memref<!tpu.dma_semaphore, #tpu.memory_space<semaphore_mem>>)
      %dma_wait3A = arith.constant 0 : i32
      %dma_wait3A_743 = tpu.memref_slice %arg20[%add3A_37, %dma_wait3A] : memref<10240x128xf32, #tpu.memory_space<vmem_shared>> -> memref<16x128xf32, #tpu.memory_space<vmem_shared>>
      %dma_wait3A_744 = arith.constant 0 : i32
      %dma_wait3A_745 = tpu.memref_slice %arg20[%add3A_37, %dma_wait3A_744] : memref<10240x128xf32, #tpu.memory_space<vmem_shared>> -> memref<16x128xf32, #tpu.memory_space<vmem_shared>>
      tpu.wait_dma2 semaphore(%run_scoped3A : memref<!tpu.dma_semaphore, #tpu.memory_space<semaphore_mem>>) src(%arg19 : memref<16x128xf32, #tpu.memory_space<vmem>>) dst(%dma_wait3A_745 : memref<16x128xf32, #tpu.memory_space<vmem_shared>>)
      tpu.yield
    }) : () -> ()
    %mul3A_38 = arith.constant 640 : i32
    %mul3A_39 = arith.muli %arg1, %mul3A_38 : i32
    %add3A_40 = arith.constant 128 : i32
    %add3A_41 = arith.addi %mul3A_39, %add3A_40 : i32
    "tpu.region"() ({
      %run_scoped3A = tpu.sem_alloc : memref<!tpu.dma_semaphore, #tpu.memory_space<semaphore_mem>>
      %dma_start3A = arith.constant 0 : i32
      %dma_start3A_740 = tpu.memref_slice %arg20[%add3A_41, %dma_start3A] : memref<10240x128xf32, #tpu.memory_space<vmem_shared>> -> memref<16x128xf32, #tpu.memory_space<vmem_shared>>
      %dma_start3A_741 = arith.constant 0 : i32
      %dma_start3A_742 = tpu.memref_slice %arg20[%add3A_41, %dma_start3A_741] : memref<10240x128xf32, #tpu.memory_space<vmem_shared>> -> memref<16x128xf32, #tpu.memory_space<vmem_shared>>
      tpu.enqueue_dma source(%arg19 : memref<16x128xf32, #tpu.memory_space<vmem>>) target(%dma_start3A_742 : memref<16x128xf32, #tpu.memory_space<vmem_shared>>) target_semaphore(%run_scoped3A : memref<!tpu.dma_semaphore, #tpu.memory_space<semaphore_mem>>)
      %dma_wait3A = arith.constant 0 : i32
      %dma_wait3A_743 = tpu.memref_slice %arg20[%add3A_41, %dma_wait3A] : memref<10240x128xf32, #tpu.memory_space<vmem_shared>> -> memref<16x128xf32, #tpu.memory_space<vmem_shared>>
      %dma_wait3A_744 = arith.constant 0 : i32
      %dma_wait3A_745 = tpu.memref_slice %arg20[%add3A_41, %dma_wait3A_744] : memref<10240x128xf32, #tpu.memory_space<vmem_shared>> -> memref<16x128xf32, #tpu.memory_space<vmem_shared>>
      tpu.wait_dma2 semaphore(%run_scoped3A : memref<!tpu.dma_semaphore, #tpu.memory_space<semaphore_mem>>) src(%arg19 : memref<16x128xf32, #tpu.memory_space<vmem>>) dst(%dma_wait3A_745 : memref<16x128xf32, #tpu.memory_space<vmem_shared>>)
      tpu.yield
    }) : () -> ()
    %mul3A_42 = arith.constant 640 : i32
    %mul3A_43 = arith.muli %arg1, %mul3A_42 : i32
    %add3A_44 = arith.constant 144 : i32
    %add3A_45 = arith.addi %mul3A_43, %add3A_44 : i32
    "tpu.region"() ({
      %run_scoped3A = tpu.sem_alloc : memref<!tpu.dma_semaphore, #tpu.memory_space<semaphore_mem>>
      %dma_start3A = arith.constant 0 : i32
      %dma_start3A_740 = tpu.memref_slice %arg20[%add3A_45, %dma_start3A] : memref<10240x128xf32, #tpu.memory_space<vmem_shared>> -> memref<16x128xf32, #tpu.memory_space<vmem_shared>>
      %dma_start3A_741 = arith.constant 0 : i32
      %dma_start3A_742 = tpu.memref_slice %arg20[%add3A_45, %dma_start3A_741] : memref<10240x128xf32, #tpu.memory_space<vmem_shared>> -> memref<16x128xf32, #tpu.memory_space<vmem_shared>>
      tpu.enqueue_dma source(%arg19 : memref<16x128xf32, #tpu.memory_space<vmem>>) target(%dma_start3A_742 : memref<16x128xf32, #tpu.memory_space<vmem_shared>>) target_semaphore(%run_scoped3A : memref<!tpu.dma_semaphore, #tpu.memory_space<semaphore_mem>>)
      %dma_wait3A = arith.constant 0 : i32
      %dma_wait3A_743 = tpu.memref_slice %arg20[%add3A_45, %dma_wait3A] : memref<10240x128xf32, #tpu.memory_space<vmem_shared>> -> memref<16x128xf32, #tpu.memory_space<vmem_shared>>
      %dma_wait3A_744 = arith.constant 0 : i32
      %dma_wait3A_745 = tpu.memref_slice %arg20[%add3A_45, %dma_wait3A_744] : memref<10240x128xf32, #tpu.memory_space<vmem_shared>> -> memref<16x128xf32, #tpu.memory_space<vmem_shared>>
      tpu.wait_dma2 semaphore(%run_scoped3A : memref<!tpu.dma_semaphore, #tpu.memory_space<semaphore_mem>>) src(%arg19 : memref<16x128xf32, #tpu.memory_space<vmem>>) dst(%dma_wait3A_745 : memref<16x128xf32, #tpu.memory_space<vmem_shared>>)
      tpu.yield
    }) : () -> ()
    %mul3A_46 = arith.constant 640 : i32
    %mul3A_47 = arith.muli %arg1, %mul3A_46 : i32
    %add3A_48 = arith.constant 160 : i32
    %add3A_49 = arith.addi %mul3A_47, %add3A_48 : i32
    "tpu.region"() ({
      %run_scoped3A = tpu.sem_alloc : memref<!tpu.dma_semaphore, #tpu.memory_space<semaphore_mem>>
      %dma_start3A = arith.constant 0 : i32
      %dma_start3A_740 = tpu.memref_slice %arg20[%add3A_49, %dma_start3A] : memref<10240x128xf32, #tpu.memory_space<vmem_shared>> -> memref<16x128xf32, #tpu.memory_space<vmem_shared>>
      %dma_start3A_741 = arith.constant 0 : i32
      %dma_start3A_742 = tpu.memref_slice %arg20[%add3A_49, %dma_start3A_741] : memref<10240x128xf32, #tpu.memory_space<vmem_shared>> -> memref<16x128xf32, #tpu.memory_space<vmem_shared>>
      tpu.enqueue_dma source(%arg19 : memref<16x128xf32, #tpu.memory_space<vmem>>) target(%dma_start3A_742 : memref<16x128xf32, #tpu.memory_space<vmem_shared>>) target_semaphore(%run_scoped3A : memref<!tpu.dma_semaphore, #tpu.memory_space<semaphore_mem>>)
      %dma_wait3A = arith.constant 0 : i32
      %dma_wait3A_743 = tpu.memref_slice %arg20[%add3A_49, %dma_wait3A] : memref<10240x128xf32, #tpu.memory_space<vmem_shared>> -> memref<16x128xf32, #tpu.memory_space<vmem_shared>>
      %dma_wait3A_744 = arith.constant 0 : i32
      %dma_wait3A_745 = tpu.memref_slice %arg20[%add3A_49, %dma_wait3A_744] : memref<10240x128xf32, #tpu.memory_space<vmem_shared>> -> memref<16x128xf32, #tpu.memory_space<vmem_shared>>
      tpu.wait_dma2 semaphore(%run_scoped3A : memref<!tpu.dma_semaphore, #tpu.memory_space<semaphore_mem>>) src(%arg19 : memref<16x128xf32, #tpu.memory_space<vmem>>) dst(%dma_wait3A_745 : memref<16x128xf32, #tpu.memory_space<vmem_shared>>)
      tpu.yield
    }) : () -> ()
    %mul3A_50 = arith.constant 640 : i32
    %mul3A_51 = arith.muli %arg1, %mul3A_50 : i32
    %add3A_52 = arith.constant 176 : i32
    %add3A_53 = arith.addi %mul3A_51, %add3A_52 : i32
    "tpu.region"() ({
      %run_scoped3A = tpu.sem_alloc : memref<!tpu.dma_semaphore, #tpu.memory_space<semaphore_mem>>
      %dma_start3A = arith.constant 0 : i32
      %dma_start3A_740 = tpu.memref_slice %arg20[%add3A_53, %dma_start3A] : memref<10240x128xf32, #tpu.memory_space<vmem_shared>> -> memref<16x128xf32, #tpu.memory_space<vmem_shared>>
      %dma_start3A_741 = arith.constant 0 : i32
      %dma_start3A_742 = tpu.memref_slice %arg20[%add3A_53, %dma_start3A_741] : memref<10240x128xf32, #tpu.memory_space<vmem_shared>> -> memref<16x128xf32, #tpu.memory_space<vmem_shared>>
      tpu.enqueue_dma source(%arg19 : memref<16x128xf32, #tpu.memory_space<vmem>>) target(%dma_start3A_742 : memref<16x128xf32, #tpu.memory_space<vmem_shared>>) target_semaphore(%run_scoped3A : memref<!tpu.dma_semaphore, #tpu.memory_space<semaphore_mem>>)
      %dma_wait3A = arith.constant 0 : i32
      %dma_wait3A_743 = tpu.memref_slice %arg20[%add3A_53, %dma_wait3A] : memref<10240x128xf32, #tpu.memory_space<vmem_shared>> -> memref<16x128xf32, #tpu.memory_space<vmem_shared>>
      %dma_wait3A_744 = arith.constant 0 : i32
      %dma_wait3A_745 = tpu.memref_slice %arg20[%add3A_53, %dma_wait3A_744] : memref<10240x128xf32, #tpu.memory_space<vmem_shared>> -> memref<16x128xf32, #tpu.memory_space<vmem_shared>>
      tpu.wait_dma2 semaphore(%run_scoped3A : memref<!tpu.dma_semaphore, #tpu.memory_space<semaphore_mem>>) src(%arg19 : memref<16x128xf32, #tpu.memory_space<vmem>>) dst(%dma_wait3A_745 : memref<16x128xf32, #tpu.memory_space<vmem_shared>>)
      tpu.yield
    }) : () -> ()
    %mul3A_54 = arith.constant 640 : i32
    %mul3A_55 = arith.muli %arg1, %mul3A_54 : i32
    %add3A_56 = arith.constant 192 : i32
    %add3A_57 = arith.addi %mul3A_55, %add3A_56 : i32
    "tpu.region"() ({
      %run_scoped3A = tpu.sem_alloc : memref<!tpu.dma_semaphore, #tpu.memory_space<semaphore_mem>>
      %dma_start3A = arith.constant 0 : i32
      %dma_start3A_740 = tpu.memref_slice %arg20[%add3A_57, %dma_start3A] : memref<10240x128xf32, #tpu.memory_space<vmem_shared>> -> memref<16x128xf32, #tpu.memory_space<vmem_shared>>
      %dma_start3A_741 = arith.constant 0 : i32
      %dma_start3A_742 = tpu.memref_slice %arg20[%add3A_57, %dma_start3A_741] : memref<10240x128xf32, #tpu.memory_space<vmem_shared>> -> memref<16x128xf32, #tpu.memory_space<vmem_shared>>
      tpu.enqueue_dma source(%arg19 : memref<16x128xf32, #tpu.memory_space<vmem>>) target(%dma_start3A_742 : memref<16x128xf32, #tpu.memory_space<vmem_shared>>) target_semaphore(%run_scoped3A : memref<!tpu.dma_semaphore, #tpu.memory_space<semaphore_mem>>)
      %dma_wait3A = arith.constant 0 : i32
      %dma_wait3A_743 = tpu.memref_slice %arg20[%add3A_57, %dma_wait3A] : memref<10240x128xf32, #tpu.memory_space<vmem_shared>> -> memref<16x128xf32, #tpu.memory_space<vmem_shared>>
      %dma_wait3A_744 = arith.constant 0 : i32
      %dma_wait3A_745 = tpu.memref_slice %arg20[%add3A_57, %dma_wait3A_744] : memref<10240x128xf32, #tpu.memory_space<vmem_shared>> -> memref<16x128xf32, #tpu.memory_space<vmem_shared>>
      tpu.wait_dma2 semaphore(%run_scoped3A : memref<!tpu.dma_semaphore, #tpu.memory_space<semaphore_mem>>) src(%arg19 : memref<16x128xf32, #tpu.memory_space<vmem>>) dst(%dma_wait3A_745 : memref<16x128xf32, #tpu.memory_space<vmem_shared>>)
      tpu.yield
    }) : () -> ()
    %mul3A_58 = arith.constant 640 : i32
    %mul3A_59 = arith.muli %arg1, %mul3A_58 : i32
    %add3A_60 = arith.constant 208 : i32
    %add3A_61 = arith.addi %mul3A_59, %add3A_60 : i32
    "tpu.region"() ({
      %run_scoped3A = tpu.sem_alloc : memref<!tpu.dma_semaphore, #tpu.memory_space<semaphore_mem>>
      %dma_start3A = arith.constant 0 : i32
      %dma_start3A_740 = tpu.memref_slice %arg20[%add3A_61, %dma_start3A] : memref<10240x128xf32, #tpu.memory_space<vmem_shared>> -> memref<16x128xf32, #tpu.memory_space<vmem_shared>>
      %dma_start3A_741 = arith.constant 0 : i32
      %dma_start3A_742 = tpu.memref_slice %arg20[%add3A_61, %dma_start3A_741] : memref<10240x128xf32, #tpu.memory_space<vmem_shared>> -> memref<16x128xf32, #tpu.memory_space<vmem_shared>>
      tpu.enqueue_dma source(%arg19 : memref<16x128xf32, #tpu.memory_space<vmem>>) target(%dma_start3A_742 : memref<16x128xf32, #tpu.memory_space<vmem_shared>>) target_semaphore(%run_scoped3A : memref<!tpu.dma_semaphore, #tpu.memory_space<semaphore_mem>>)
      %dma_wait3A = arith.constant 0 : i32
      %dma_wait3A_743 = tpu.memref_slice %arg20[%add3A_61, %dma_wait3A] : memref<10240x128xf32, #tpu.memory_space<vmem_shared>> -> memref<16x128xf32, #tpu.memory_space<vmem_shared>>
      %dma_wait3A_744 = arith.constant 0 : i32
      %dma_wait3A_745 = tpu.memref_slice %arg20[%add3A_61, %dma_wait3A_744] : memref<10240x128xf32, #tpu.memory_space<vmem_shared>> -> memref<16x128xf32, #tpu.memory_space<vmem_shared>>
      tpu.wait_dma2 semaphore(%run_scoped3A : memref<!tpu.dma_semaphore, #tpu.memory_space<semaphore_mem>>) src(%arg19 : memref<16x128xf32, #tpu.memory_space<vmem>>) dst(%dma_wait3A_745 : memref<16x128xf32, #tpu.memory_space<vmem_shared>>)
      tpu.yield
    }) : () -> ()
    %mul3A_62 = arith.constant 640 : i32
    %mul3A_63 = arith.muli %arg1, %mul3A_62 : i32
    %add3A_64 = arith.constant 224 : i32
    %add3A_65 = arith.addi %mul3A_63, %add3A_64 : i32
    "tpu.region"() ({
      %run_scoped3A = tpu.sem_alloc : memref<!tpu.dma_semaphore, #tpu.memory_space<semaphore_mem>>
      %dma_start3A = arith.constant 0 : i32
      %dma_start3A_740 = tpu.memref_slice %arg20[%add3A_65, %dma_start3A] : memref<10240x128xf32, #tpu.memory_space<vmem_shared>> -> memref<16x128xf32, #tpu.memory_space<vmem_shared>>
      %dma_start3A_741 = arith.constant 0 : i32
      %dma_start3A_742 = tpu.memref_slice %arg20[%add3A_65, %dma_start3A_741] : memref<10240x128xf32, #tpu.memory_space<vmem_shared>> -> memref<16x128xf32, #tpu.memory_space<vmem_shared>>
      tpu.enqueue_dma source(%arg19 : memref<16x128xf32, #tpu.memory_space<vmem>>) target(%dma_start3A_742 : memref<16x128xf32, #tpu.memory_space<vmem_shared>>) target_semaphore(%run_scoped3A : memref<!tpu.dma_semaphore, #tpu.memory_space<semaphore_mem>>)
      %dma_wait3A = arith.constant 0 : i32
      %dma_wait3A_743 = tpu.memref_slice %arg20[%add3A_65, %dma_wait3A] : memref<10240x128xf32, #tpu.memory_space<vmem_shared>> -> memref<16x128xf32, #tpu.memory_space<vmem_shared>>
      %dma_wait3A_744 = arith.constant 0 : i32
      %dma_wait3A_745 = tpu.memref_slice %arg20[%add3A_65, %dma_wait3A_744] : memref<10240x128xf32, #tpu.memory_space<vmem_shared>> -> memref<16x128xf32, #tpu.memory_space<vmem_shared>>
      tpu.wait_dma2 semaphore(%run_scoped3A : memref<!tpu.dma_semaphore, #tpu.memory_space<semaphore_mem>>) src(%arg19 : memref<16x128xf32, #tpu.memory_space<vmem>>) dst(%dma_wait3A_745 : memref<16x128xf32, #tpu.memory_space<vmem_shared>>)
      tpu.yield
    }) : () -> ()
    %mul3A_66 = arith.constant 640 : i32
    %mul3A_67 = arith.muli %arg1, %mul3A_66 : i32
    %add3A_68 = arith.constant 240 : i32
    %add3A_69 = arith.addi %mul3A_67, %add3A_68 : i32
    "tpu.region"() ({
      %run_scoped3A = tpu.sem_alloc : memref<!tpu.dma_semaphore, #tpu.memory_space<semaphore_mem>>
      %dma_start3A = arith.constant 0 : i32
      %dma_start3A_740 = tpu.memref_slice %arg20[%add3A_69, %dma_start3A] : memref<10240x128xf32, #tpu.memory_space<vmem_shared>> -> memref<16x128xf32, #tpu.memory_space<vmem_shared>>
      %dma_start3A_741 = arith.constant 0 : i32
      %dma_start3A_742 = tpu.memref_slice %arg20[%add3A_69, %dma_start3A_741] : memref<10240x128xf32, #tpu.memory_space<vmem_shared>> -> memref<16x128xf32, #tpu.memory_space<vmem_shared>>
      tpu.enqueue_dma source(%arg19 : memref<16x128xf32, #tpu.memory_space<vmem>>) target(%dma_start3A_742 : memref<16x128xf32, #tpu.memory_space<vmem_shared>>) target_semaphore(%run_scoped3A : memref<!tpu.dma_semaphore, #tpu.memory_space<semaphore_mem>>)
      %dma_wait3A = arith.constant 0 : i32
      %dma_wait3A_743 = tpu.memref_slice %arg20[%add3A_69, %dma_wait3A] : memref<10240x128xf32, #tpu.memory_space<vmem_shared>> -> memref<16x128xf32, #tpu.memory_space<vmem_shared>>
      %dma_wait3A_744 = arith.constant 0 : i32
      %dma_wait3A_745 = tpu.memref_slice %arg20[%add3A_69, %dma_wait3A_744] : memref<10240x128xf32, #tpu.memory_space<vmem_shared>> -> memref<16x128xf32, #tpu.memory_space<vmem_shared>>
      tpu.wait_dma2 semaphore(%run_scoped3A : memref<!tpu.dma_semaphore, #tpu.memory_space<semaphore_mem>>) src(%arg19 : memref<16x128xf32, #tpu.memory_space<vmem>>) dst(%dma_wait3A_745 : memref<16x128xf32, #tpu.memory_space<vmem_shared>>)
      tpu.yield
    }) : () -> ()
    %mul3A_70 = arith.constant 640 : i32
    %mul3A_71 = arith.muli %arg1, %mul3A_70 : i32
    %add3A_72 = arith.constant 256 : i32
    %add3A_73 = arith.addi %mul3A_71, %add3A_72 : i32
    "tpu.region"() ({
      %run_scoped3A = tpu.sem_alloc : memref<!tpu.dma_semaphore, #tpu.memory_space<semaphore_mem>>
      %dma_start3A = arith.constant 0 : i32
      %dma_start3A_740 = tpu.memref_slice %arg20[%add3A_73, %dma_start3A] : memref<10240x128xf32, #tpu.memory_space<vmem_shared>> -> memref<16x128xf32, #tpu.memory_space<vmem_shared>>
      %dma_start3A_741 = arith.constant 0 : i32
      %dma_start3A_742 = tpu.memref_slice %arg20[%add3A_73, %dma_start3A_741] : memref<10240x128xf32, #tpu.memory_space<vmem_shared>> -> memref<16x128xf32, #tpu.memory_space<vmem_shared>>
      tpu.enqueue_dma source(%arg19 : memref<16x128xf32, #tpu.memory_space<vmem>>) target(%dma_start3A_742 : memref<16x128xf32, #tpu.memory_space<vmem_shared>>) target_semaphore(%run_scoped3A : memref<!tpu.dma_semaphore, #tpu.memory_space<semaphore_mem>>)
      %dma_wait3A = arith.constant 0 : i32
      %dma_wait3A_743 = tpu.memref_slice %arg20[%add3A_73, %dma_wait3A] : memref<10240x128xf32, #tpu.memory_space<vmem_shared>> -> memref<16x128xf32, #tpu.memory_space<vmem_shared>>
      %dma_wait3A_744 = arith.constant 0 : i32
      %dma_wait3A_745 = tpu.memref_slice %arg20[%add3A_73, %dma_wait3A_744] : memref<10240x128xf32, #tpu.memory_space<vmem_shared>> -> memref<16x128xf32, #tpu.memory_space<vmem_shared>>
      tpu.wait_dma2 semaphore(%run_scoped3A : memref<!tpu.dma_semaphore, #tpu.memory_space<semaphore_mem>>) src(%arg19 : memref<16x128xf32, #tpu.memory_space<vmem>>) dst(%dma_wait3A_745 : memref<16x128xf32, #tpu.memory_space<vmem_shared>>)
      tpu.yield
    }) : () -> ()
    %mul3A_74 = arith.constant 640 : i32
    %mul3A_75 = arith.muli %arg1, %mul3A_74 : i32
    %add3A_76 = arith.constant 272 : i32
    %add3A_77 = arith.addi %mul3A_75, %add3A_76 : i32
    "tpu.region"() ({
      %run_scoped3A = tpu.sem_alloc : memref<!tpu.dma_semaphore, #tpu.memory_space<semaphore_mem>>
      %dma_start3A = arith.constant 0 : i32
      %dma_start3A_740 = tpu.memref_slice %arg20[%add3A_77, %dma_start3A] : memref<10240x128xf32, #tpu.memory_space<vmem_shared>> -> memref<16x128xf32, #tpu.memory_space<vmem_shared>>
      %dma_start3A_741 = arith.constant 0 : i32
      %dma_start3A_742 = tpu.memref_slice %arg20[%add3A_77, %dma_start3A_741] : memref<10240x128xf32, #tpu.memory_space<vmem_shared>> -> memref<16x128xf32, #tpu.memory_space<vmem_shared>>
      tpu.enqueue_dma source(%arg19 : memref<16x128xf32, #tpu.memory_space<vmem>>) target(%dma_start3A_742 : memref<16x128xf32, #tpu.memory_space<vmem_shared>>) target_semaphore(%run_scoped3A : memref<!tpu.dma_semaphore, #tpu.memory_space<semaphore_mem>>)
      %dma_wait3A = arith.constant 0 : i32
      %dma_wait3A_743 = tpu.memref_slice %arg20[%add3A_77, %dma_wait3A] : memref<10240x128xf32, #tpu.memory_space<vmem_shared>> -> memref<16x128xf32, #tpu.memory_space<vmem_shared>>
      %dma_wait3A_744 = arith.constant 0 : i32
      %dma_wait3A_745 = tpu.memref_slice %arg20[%add3A_77, %dma_wait3A_744] : memref<10240x128xf32, #tpu.memory_space<vmem_shared>> -> memref<16x128xf32, #tpu.memory_space<vmem_shared>>
      tpu.wait_dma2 semaphore(%run_scoped3A : memref<!tpu.dma_semaphore, #tpu.memory_space<semaphore_mem>>) src(%arg19 : memref<16x128xf32, #tpu.memory_space<vmem>>) dst(%dma_wait3A_745 : memref<16x128xf32, #tpu.memory_space<vmem_shared>>)
      tpu.yield
    }) : () -> ()
    %mul3A_78 = arith.constant 640 : i32
    %mul3A_79 = arith.muli %arg1, %mul3A_78 : i32
    %add3A_80 = arith.constant 288 : i32
    %add3A_81 = arith.addi %mul3A_79, %add3A_80 : i32
    "tpu.region"() ({
      %run_scoped3A = tpu.sem_alloc : memref<!tpu.dma_semaphore, #tpu.memory_space<semaphore_mem>>
      %dma_start3A = arith.constant 0 : i32
      %dma_start3A_740 = tpu.memref_slice %arg20[%add3A_81, %dma_start3A] : memref<10240x128xf32, #tpu.memory_space<vmem_shared>> -> memref<16x128xf32, #tpu.memory_space<vmem_shared>>
      %dma_start3A_741 = arith.constant 0 : i32
      %dma_start3A_742 = tpu.memref_slice %arg20[%add3A_81, %dma_start3A_741] : memref<10240x128xf32, #tpu.memory_space<vmem_shared>> -> memref<16x128xf32, #tpu.memory_space<vmem_shared>>
      tpu.enqueue_dma source(%arg19 : memref<16x128xf32, #tpu.memory_space<vmem>>) target(%dma_start3A_742 : memref<16x128xf32, #tpu.memory_space<vmem_shared>>) target_semaphore(%run_scoped3A : memref<!tpu.dma_semaphore, #tpu.memory_space<semaphore_mem>>)
      %dma_wait3A = arith.constant 0 : i32
      %dma_wait3A_743 = tpu.memref_slice %arg20[%add3A_81, %dma_wait3A] : memref<10240x128xf32, #tpu.memory_space<vmem_shared>> -> memref<16x128xf32, #tpu.memory_space<vmem_shared>>
      %dma_wait3A_744 = arith.constant 0 : i32
      %dma_wait3A_745 = tpu.memref_slice %arg20[%add3A_81, %dma_wait3A_744] : memref<10240x128xf32, #tpu.memory_space<vmem_shared>> -> memref<16x128xf32, #tpu.memory_space<vmem_shared>>
      tpu.wait_dma2 semaphore(%run_scoped3A : memref<!tpu.dma_semaphore, #tpu.memory_space<semaphore_mem>>) src(%arg19 : memref<16x128xf32, #tpu.memory_space<vmem>>) dst(%dma_wait3A_745 : memref<16x128xf32, #tpu.memory_space<vmem_shared>>)
      tpu.yield
    }) : () -> ()
    %mul3A_82 = arith.constant 640 : i32
    %mul3A_83 = arith.muli %arg1, %mul3A_82 : i32
    %add3A_84 = arith.constant 304 : i32
    %add3A_85 = arith.addi %mul3A_83, %add3A_84 : i32
    "tpu.region"() ({
      %run_scoped3A = tpu.sem_alloc : memref<!tpu.dma_semaphore, #tpu.memory_space<semaphore_mem>>
      %dma_start3A = arith.constant 0 : i32
      %dma_start3A_740 = tpu.memref_slice %arg20[%add3A_85, %dma_start3A] : memref<10240x128xf32, #tpu.memory_space<vmem_shared>> -> memref<16x128xf32, #tpu.memory_space<vmem_shared>>
      %dma_start3A_741 = arith.constant 0 : i32
      %dma_start3A_742 = tpu.memref_slice %arg20[%add3A_85, %dma_start3A_741] : memref<10240x128xf32, #tpu.memory_space<vmem_shared>> -> memref<16x128xf32, #tpu.memory_space<vmem_shared>>
      tpu.enqueue_dma source(%arg19 : memref<16x128xf32, #tpu.memory_space<vmem>>) target(%dma_start3A_742 : memref<16x128xf32, #tpu.memory_space<vmem_shared>>) target_semaphore(%run_scoped3A : memref<!tpu.dma_semaphore, #tpu.memory_space<semaphore_mem>>)
      %dma_wait3A = arith.constant 0 : i32
      %dma_wait3A_743 = tpu.memref_slice %arg20[%add3A_85, %dma_wait3A] : memref<10240x128xf32, #tpu.memory_space<vmem_shared>> -> memref<16x128xf32, #tpu.memory_space<vmem_shared>>
      %dma_wait3A_744 = arith.constant 0 : i32
      %dma_wait3A_745 = tpu.memref_slice %arg20[%add3A_85, %dma_wait3A_744] : memref<10240x128xf32, #tpu.memory_space<vmem_shared>> -> memref<16x128xf32, #tpu.memory_space<vmem_shared>>
      tpu.wait_dma2 semaphore(%run_scoped3A : memref<!tpu.dma_semaphore, #tpu.memory_space<semaphore_mem>>) src(%arg19 : memref<16x128xf32, #tpu.memory_space<vmem>>) dst(%dma_wait3A_745 : memref<16x128xf32, #tpu.memory_space<vmem_shared>>)
      tpu.yield
    }) : () -> ()
    %mul3A_86 = arith.constant 640 : i32
    %mul3A_87 = arith.muli %arg1, %mul3A_86 : i32
    %add3A_88 = arith.constant 320 : i32
    %add3A_89 = arith.addi %mul3A_87, %add3A_88 : i32
    "tpu.region"() ({
      %run_scoped3A = tpu.sem_alloc : memref<!tpu.dma_semaphore, #tpu.memory_space<semaphore_mem>>
      %dma_start3A = arith.constant 0 : i32
      %dma_start3A_740 = tpu.memref_slice %arg20[%add3A_89, %dma_start3A] : memref<10240x128xf32, #tpu.memory_space<vmem_shared>> -> memref<16x128xf32, #tpu.memory_space<vmem_shared>>
      %dma_start3A_741 = arith.constant 0 : i32
      %dma_start3A_742 = tpu.memref_slice %arg20[%add3A_89, %dma_start3A_741] : memref<10240x128xf32, #tpu.memory_space<vmem_shared>> -> memref<16x128xf32, #tpu.memory_space<vmem_shared>>
      tpu.enqueue_dma source(%arg19 : memref<16x128xf32, #tpu.memory_space<vmem>>) target(%dma_start3A_742 : memref<16x128xf32, #tpu.memory_space<vmem_shared>>) target_semaphore(%run_scoped3A : memref<!tpu.dma_semaphore, #tpu.memory_space<semaphore_mem>>)
      %dma_wait3A = arith.constant 0 : i32
      %dma_wait3A_743 = tpu.memref_slice %arg20[%add3A_89, %dma_wait3A] : memref<10240x128xf32, #tpu.memory_space<vmem_shared>> -> memref<16x128xf32, #tpu.memory_space<vmem_shared>>
      %dma_wait3A_744 = arith.constant 0 : i32
      %dma_wait3A_745 = tpu.memref_slice %arg20[%add3A_89, %dma_wait3A_744] : memref<10240x128xf32, #tpu.memory_space<vmem_shared>> -> memref<16x128xf32, #tpu.memory_space<vmem_shared>>
      tpu.wait_dma2 semaphore(%run_scoped3A : memref<!tpu.dma_semaphore, #tpu.memory_space<semaphore_mem>>) src(%arg19 : memref<16x128xf32, #tpu.memory_space<vmem>>) dst(%dma_wait3A_745 : memref<16x128xf32, #tpu.memory_space<vmem_shared>>)
      tpu.yield
    }) : () -> ()
    %mul3A_90 = arith.constant 640 : i32
    %mul3A_91 = arith.muli %arg1, %mul3A_90 : i32
    %add3A_92 = arith.constant 336 : i32
    %add3A_93 = arith.addi %mul3A_91, %add3A_92 : i32
    "tpu.region"() ({
      %run_scoped3A = tpu.sem_alloc : memref<!tpu.dma_semaphore, #tpu.memory_space<semaphore_mem>>
      %dma_start3A = arith.constant 0 : i32
      %dma_start3A_740 = tpu.memref_slice %arg20[%add3A_93, %dma_start3A] : memref<10240x128xf32, #tpu.memory_space<vmem_shared>> -> memref<16x128xf32, #tpu.memory_space<vmem_shared>>
      %dma_start3A_741 = arith.constant 0 : i32
      %dma_start3A_742 = tpu.memref_slice %arg20[%add3A_93, %dma_start3A_741] : memref<10240x128xf32, #tpu.memory_space<vmem_shared>> -> memref<16x128xf32, #tpu.memory_space<vmem_shared>>
      tpu.enqueue_dma source(%arg19 : memref<16x128xf32, #tpu.memory_space<vmem>>) target(%dma_start3A_742 : memref<16x128xf32, #tpu.memory_space<vmem_shared>>) target_semaphore(%run_scoped3A : memref<!tpu.dma_semaphore, #tpu.memory_space<semaphore_mem>>)
      %dma_wait3A = arith.constant 0 : i32
      %dma_wait3A_743 = tpu.memref_slice %arg20[%add3A_93, %dma_wait3A] : memref<10240x128xf32, #tpu.memory_space<vmem_shared>> -> memref<16x128xf32, #tpu.memory_space<vmem_shared>>
      %dma_wait3A_744 = arith.constant 0 : i32
      %dma_wait3A_745 = tpu.memref_slice %arg20[%add3A_93, %dma_wait3A_744] : memref<10240x128xf32, #tpu.memory_space<vmem_shared>> -> memref<16x128xf32, #tpu.memory_space<vmem_shared>>
      tpu.wait_dma2 semaphore(%run_scoped3A : memref<!tpu.dma_semaphore, #tpu.memory_space<semaphore_mem>>) src(%arg19 : memref<16x128xf32, #tpu.memory_space<vmem>>) dst(%dma_wait3A_745 : memref<16x128xf32, #tpu.memory_space<vmem_shared>>)
      tpu.yield
    }) : () -> ()
    %mul3A_94 = arith.constant 640 : i32
    %mul3A_95 = arith.muli %arg1, %mul3A_94 : i32
    %add3A_96 = arith.constant 352 : i32
    %add3A_97 = arith.addi %mul3A_95, %add3A_96 : i32
    "tpu.region"() ({
      %run_scoped3A = tpu.sem_alloc : memref<!tpu.dma_semaphore, #tpu.memory_space<semaphore_mem>>
      %dma_start3A = arith.constant 0 : i32
      %dma_start3A_740 = tpu.memref_slice %arg20[%add3A_97, %dma_start3A] : memref<10240x128xf32, #tpu.memory_space<vmem_shared>> -> memref<16x128xf32, #tpu.memory_space<vmem_shared>>
      %dma_start3A_741 = arith.constant 0 : i32
      %dma_start3A_742 = tpu.memref_slice %arg20[%add3A_97, %dma_start3A_741] : memref<10240x128xf32, #tpu.memory_space<vmem_shared>> -> memref<16x128xf32, #tpu.memory_space<vmem_shared>>
      tpu.enqueue_dma source(%arg19 : memref<16x128xf32, #tpu.memory_space<vmem>>) target(%dma_start3A_742 : memref<16x128xf32, #tpu.memory_space<vmem_shared>>) target_semaphore(%run_scoped3A : memref<!tpu.dma_semaphore, #tpu.memory_space<semaphore_mem>>)
      %dma_wait3A = arith.constant 0 : i32
      %dma_wait3A_743 = tpu.memref_slice %arg20[%add3A_97, %dma_wait3A] : memref<10240x128xf32, #tpu.memory_space<vmem_shared>> -> memref<16x128xf32, #tpu.memory_space<vmem_shared>>
      %dma_wait3A_744 = arith.constant 0 : i32
      %dma_wait3A_745 = tpu.memref_slice %arg20[%add3A_97, %dma_wait3A_744] : memref<10240x128xf32, #tpu.memory_space<vmem_shared>> -> memref<16x128xf32, #tpu.memory_space<vmem_shared>>
      tpu.wait_dma2 semaphore(%run_scoped3A : memref<!tpu.dma_semaphore, #tpu.memory_space<semaphore_mem>>) src(%arg19 : memref<16x128xf32, #tpu.memory_space<vmem>>) dst(%dma_wait3A_745 : memref<16x128xf32, #tpu.memory_space<vmem_shared>>)
      tpu.yield
    }) : () -> ()
    %mul3A_98 = arith.constant 640 : i32
    %mul3A_99 = arith.muli %arg1, %mul3A_98 : i32
    %add3A_100 = arith.constant 368 : i32
    %add3A_101 = arith.addi %mul3A_99, %add3A_100 : i32
    "tpu.region"() ({
      %run_scoped3A = tpu.sem_alloc : memref<!tpu.dma_semaphore, #tpu.memory_space<semaphore_mem>>
      %dma_start3A = arith.constant 0 : i32
      %dma_start3A_740 = tpu.memref_slice %arg20[%add3A_101, %dma_start3A] : memref<10240x128xf32, #tpu.memory_space<vmem_shared>> -> memref<16x128xf32, #tpu.memory_space<vmem_shared>>
      %dma_start3A_741 = arith.constant 0 : i32
      %dma_start3A_742 = tpu.memref_slice %arg20[%add3A_101, %dma_start3A_741] : memref<10240x128xf32, #tpu.memory_space<vmem_shared>> -> memref<16x128xf32, #tpu.memory_space<vmem_shared>>
      tpu.enqueue_dma source(%arg19 : memref<16x128xf32, #tpu.memory_space<vmem>>) target(%dma_start3A_742 : memref<16x128xf32, #tpu.memory_space<vmem_shared>>) target_semaphore(%run_scoped3A : memref<!tpu.dma_semaphore, #tpu.memory_space<semaphore_mem>>)
      %dma_wait3A = arith.constant 0 : i32
      %dma_wait3A_743 = tpu.memref_slice %arg20[%add3A_101, %dma_wait3A] : memref<10240x128xf32, #tpu.memory_space<vmem_shared>> -> memref<16x128xf32, #tpu.memory_space<vmem_shared>>
      %dma_wait3A_744 = arith.constant 0 : i32
      %dma_wait3A_745 = tpu.memref_slice %arg20[%add3A_101, %dma_wait3A_744] : memref<10240x128xf32, #tpu.memory_space<vmem_shared>> -> memref<16x128xf32, #tpu.memory_space<vmem_shared>>
      tpu.wait_dma2 semaphore(%run_scoped3A : memref<!tpu.dma_semaphore, #tpu.memory_space<semaphore_mem>>) src(%arg19 : memref<16x128xf32, #tpu.memory_space<vmem>>) dst(%dma_wait3A_745 : memref<16x128xf32, #tpu.memory_space<vmem_shared>>)
      tpu.yield
    }) : () -> ()
    %mul3A_102 = arith.constant 640 : i32
    %mul3A_103 = arith.muli %arg1, %mul3A_102 : i32
    %add3A_104 = arith.constant 384 : i32
    %add3A_105 = arith.addi %mul3A_103, %add3A_104 : i32
    "tpu.region"() ({
      %run_scoped3A = tpu.sem_alloc : memref<!tpu.dma_semaphore, #tpu.memory_space<semaphore_mem>>
      %dma_start3A = arith.constant 0 : i32
      %dma_start3A_740 = tpu.memref_slice %arg20[%add3A_105, %dma_start3A] : memref<10240x128xf32, #tpu.memory_space<vmem_shared>> -> memref<16x128xf32, #tpu.memory_space<vmem_shared>>
      %dma_start3A_741 = arith.constant 0 : i32
      %dma_start3A_742 = tpu.memref_slice %arg20[%add3A_105, %dma_start3A_741] : memref<10240x128xf32, #tpu.memory_space<vmem_shared>> -> memref<16x128xf32, #tpu.memory_space<vmem_shared>>
      tpu.enqueue_dma source(%arg19 : memref<16x128xf32, #tpu.memory_space<vmem>>) target(%dma_start3A_742 : memref<16x128xf32, #tpu.memory_space<vmem_shared>>) target_semaphore(%run_scoped3A : memref<!tpu.dma_semaphore, #tpu.memory_space<semaphore_mem>>)
      %dma_wait3A = arith.constant 0 : i32
      %dma_wait3A_743 = tpu.memref_slice %arg20[%add3A_105, %dma_wait3A] : memref<10240x128xf32, #tpu.memory_space<vmem_shared>> -> memref<16x128xf32, #tpu.memory_space<vmem_shared>>
      %dma_wait3A_744 = arith.constant 0 : i32
      %dma_wait3A_745 = tpu.memref_slice %arg20[%add3A_105, %dma_wait3A_744] : memref<10240x128xf32, #tpu.memory_space<vmem_shared>> -> memref<16x128xf32, #tpu.memory_space<vmem_shared>>
      tpu.wait_dma2 semaphore(%run_scoped3A : memref<!tpu.dma_semaphore, #tpu.memory_space<semaphore_mem>>) src(%arg19 : memref<16x128xf32, #tpu.memory_space<vmem>>) dst(%dma_wait3A_745 : memref<16x128xf32, #tpu.memory_space<vmem_shared>>)
      tpu.yield
    }) : () -> ()
    %mul3A_106 = arith.constant 640 : i32
    %mul3A_107 = arith.muli %arg1, %mul3A_106 : i32
    %add3A_108 = arith.constant 400 : i32
    %add3A_109 = arith.addi %mul3A_107, %add3A_108 : i32
    "tpu.region"() ({
      %run_scoped3A = tpu.sem_alloc : memref<!tpu.dma_semaphore, #tpu.memory_space<semaphore_mem>>
      %dma_start3A = arith.constant 0 : i32
      %dma_start3A_740 = tpu.memref_slice %arg20[%add3A_109, %dma_start3A] : memref<10240x128xf32, #tpu.memory_space<vmem_shared>> -> memref<16x128xf32, #tpu.memory_space<vmem_shared>>
      %dma_start3A_741 = arith.constant 0 : i32
      %dma_start3A_742 = tpu.memref_slice %arg20[%add3A_109, %dma_start3A_741] : memref<10240x128xf32, #tpu.memory_space<vmem_shared>> -> memref<16x128xf32, #tpu.memory_space<vmem_shared>>
      tpu.enqueue_dma source(%arg19 : memref<16x128xf32, #tpu.memory_space<vmem>>) target(%dma_start3A_742 : memref<16x128xf32, #tpu.memory_space<vmem_shared>>) target_semaphore(%run_scoped3A : memref<!tpu.dma_semaphore, #tpu.memory_space<semaphore_mem>>)
      %dma_wait3A = arith.constant 0 : i32
      %dma_wait3A_743 = tpu.memref_slice %arg20[%add3A_109, %dma_wait3A] : memref<10240x128xf32, #tpu.memory_space<vmem_shared>> -> memref<16x128xf32, #tpu.memory_space<vmem_shared>>
      %dma_wait3A_744 = arith.constant 0 : i32
      %dma_wait3A_745 = tpu.memref_slice %arg20[%add3A_109, %dma_wait3A_744] : memref<10240x128xf32, #tpu.memory_space<vmem_shared>> -> memref<16x128xf32, #tpu.memory_space<vmem_shared>>
      tpu.wait_dma2 semaphore(%run_scoped3A : memref<!tpu.dma_semaphore, #tpu.memory_space<semaphore_mem>>) src(%arg19 : memref<16x128xf32, #tpu.memory_space<vmem>>) dst(%dma_wait3A_745 : memref<16x128xf32, #tpu.memory_space<vmem_shared>>)
      tpu.yield
    }) : () -> ()
    %mul3A_110 = arith.constant 640 : i32
    %mul3A_111 = arith.muli %arg1, %mul3A_110 : i32
    %add3A_112 = arith.constant 416 : i32
    %add3A_113 = arith.addi %mul3A_111, %add3A_112 : i32
    "tpu.region"() ({
      %run_scoped3A = tpu.sem_alloc : memref<!tpu.dma_semaphore, #tpu.memory_space<semaphore_mem>>
      %dma_start3A = arith.constant 0 : i32
      %dma_start3A_740 = tpu.memref_slice %arg20[%add3A_113, %dma_start3A] : memref<10240x128xf32, #tpu.memory_space<vmem_shared>> -> memref<16x128xf32, #tpu.memory_space<vmem_shared>>
      %dma_start3A_741 = arith.constant 0 : i32
      %dma_start3A_742 = tpu.memref_slice %arg20[%add3A_113, %dma_start3A_741] : memref<10240x128xf32, #tpu.memory_space<vmem_shared>> -> memref<16x128xf32, #tpu.memory_space<vmem_shared>>
      tpu.enqueue_dma source(%arg19 : memref<16x128xf32, #tpu.memory_space<vmem>>) target(%dma_start3A_742 : memref<16x128xf32, #tpu.memory_space<vmem_shared>>) target_semaphore(%run_scoped3A : memref<!tpu.dma_semaphore, #tpu.memory_space<semaphore_mem>>)
      %dma_wait3A = arith.constant 0 : i32
      %dma_wait3A_743 = tpu.memref_slice %arg20[%add3A_113, %dma_wait3A] : memref<10240x128xf32, #tpu.memory_space<vmem_shared>> -> memref<16x128xf32, #tpu.memory_space<vmem_shared>>
      %dma_wait3A_744 = arith.constant 0 : i32
      %dma_wait3A_745 = tpu.memref_slice %arg20[%add3A_113, %dma_wait3A_744] : memref<10240x128xf32, #tpu.memory_space<vmem_shared>> -> memref<16x128xf32, #tpu.memory_space<vmem_shared>>
      tpu.wait_dma2 semaphore(%run_scoped3A : memref<!tpu.dma_semaphore, #tpu.memory_space<semaphore_mem>>) src(%arg19 : memref<16x128xf32, #tpu.memory_space<vmem>>) dst(%dma_wait3A_745 : memref<16x128xf32, #tpu.memory_space<vmem_shared>>)
      tpu.yield
    }) : () -> ()
    %mul3A_114 = arith.constant 640 : i32
    %mul3A_115 = arith.muli %arg1, %mul3A_114 : i32
    %add3A_116 = arith.constant 432 : i32
    %add3A_117 = arith.addi %mul3A_115, %add3A_116 : i32
    "tpu.region"() ({
      %run_scoped3A = tpu.sem_alloc : memref<!tpu.dma_semaphore, #tpu.memory_space<semaphore_mem>>
      %dma_start3A = arith.constant 0 : i32
      %dma_start3A_740 = tpu.memref_slice %arg20[%add3A_117, %dma_start3A] : memref<10240x128xf32, #tpu.memory_space<vmem_shared>> -> memref<16x128xf32, #tpu.memory_space<vmem_shared>>
      %dma_start3A_741 = arith.constant 0 : i32
      %dma_start3A_742 = tpu.memref_slice %arg20[%add3A_117, %dma_start3A_741] : memref<10240x128xf32, #tpu.memory_space<vmem_shared>> -> memref<16x128xf32, #tpu.memory_space<vmem_shared>>
      tpu.enqueue_dma source(%arg19 : memref<16x128xf32, #tpu.memory_space<vmem>>) target(%dma_start3A_742 : memref<16x128xf32, #tpu.memory_space<vmem_shared>>) target_semaphore(%run_scoped3A : memref<!tpu.dma_semaphore, #tpu.memory_space<semaphore_mem>>)
      %dma_wait3A = arith.constant 0 : i32
      %dma_wait3A_743 = tpu.memref_slice %arg20[%add3A_117, %dma_wait3A] : memref<10240x128xf32, #tpu.memory_space<vmem_shared>> -> memref<16x128xf32, #tpu.memory_space<vmem_shared>>
      %dma_wait3A_744 = arith.constant 0 : i32
      %dma_wait3A_745 = tpu.memref_slice %arg20[%add3A_117, %dma_wait3A_744] : memref<10240x128xf32, #tpu.memory_space<vmem_shared>> -> memref<16x128xf32, #tpu.memory_space<vmem_shared>>
      tpu.wait_dma2 semaphore(%run_scoped3A : memref<!tpu.dma_semaphore, #tpu.memory_space<semaphore_mem>>) src(%arg19 : memref<16x128xf32, #tpu.memory_space<vmem>>) dst(%dma_wait3A_745 : memref<16x128xf32, #tpu.memory_space<vmem_shared>>)
      tpu.yield
    }) : () -> ()
    %mul3A_118 = arith.constant 640 : i32
    %mul3A_119 = arith.muli %arg1, %mul3A_118 : i32
    %add3A_120 = arith.constant 448 : i32
    %add3A_121 = arith.addi %mul3A_119, %add3A_120 : i32
    "tpu.region"() ({
      %run_scoped3A = tpu.sem_alloc : memref<!tpu.dma_semaphore, #tpu.memory_space<semaphore_mem>>
      %dma_start3A = arith.constant 0 : i32
      %dma_start3A_740 = tpu.memref_slice %arg20[%add3A_121, %dma_start3A] : memref<10240x128xf32, #tpu.memory_space<vmem_shared>> -> memref<16x128xf32, #tpu.memory_space<vmem_shared>>
      %dma_start3A_741 = arith.constant 0 : i32
      %dma_start3A_742 = tpu.memref_slice %arg20[%add3A_121, %dma_start3A_741] : memref<10240x128xf32, #tpu.memory_space<vmem_shared>> -> memref<16x128xf32, #tpu.memory_space<vmem_shared>>
      tpu.enqueue_dma source(%arg19 : memref<16x128xf32, #tpu.memory_space<vmem>>) target(%dma_start3A_742 : memref<16x128xf32, #tpu.memory_space<vmem_shared>>) target_semaphore(%run_scoped3A : memref<!tpu.dma_semaphore, #tpu.memory_space<semaphore_mem>>)
      %dma_wait3A = arith.constant 0 : i32
      %dma_wait3A_743 = tpu.memref_slice %arg20[%add3A_121, %dma_wait3A] : memref<10240x128xf32, #tpu.memory_space<vmem_shared>> -> memref<16x128xf32, #tpu.memory_space<vmem_shared>>
      %dma_wait3A_744 = arith.constant 0 : i32
      %dma_wait3A_745 = tpu.memref_slice %arg20[%add3A_121, %dma_wait3A_744] : memref<10240x128xf32, #tpu.memory_space<vmem_shared>> -> memref<16x128xf32, #tpu.memory_space<vmem_shared>>
      tpu.wait_dma2 semaphore(%run_scoped3A : memref<!tpu.dma_semaphore, #tpu.memory_space<semaphore_mem>>) src(%arg19 : memref<16x128xf32, #tpu.memory_space<vmem>>) dst(%dma_wait3A_745 : memref<16x128xf32, #tpu.memory_space<vmem_shared>>)
      tpu.yield
    }) : () -> ()
    %mul3A_122 = arith.constant 640 : i32
    %mul3A_123 = arith.muli %arg1, %mul3A_122 : i32
    %add3A_124 = arith.constant 464 : i32
    %add3A_125 = arith.addi %mul3A_123, %add3A_124 : i32
    "tpu.region"() ({
      %run_scoped3A = tpu.sem_alloc : memref<!tpu.dma_semaphore, #tpu.memory_space<semaphore_mem>>
      %dma_start3A = arith.constant 0 : i32
      %dma_start3A_740 = tpu.memref_slice %arg20[%add3A_125, %dma_start3A] : memref<10240x128xf32, #tpu.memory_space<vmem_shared>> -> memref<16x128xf32, #tpu.memory_space<vmem_shared>>
      %dma_start3A_741 = arith.constant 0 : i32
      %dma_start3A_742 = tpu.memref_slice %arg20[%add3A_125, %dma_start3A_741] : memref<10240x128xf32, #tpu.memory_space<vmem_shared>> -> memref<16x128xf32, #tpu.memory_space<vmem_shared>>
      tpu.enqueue_dma source(%arg19 : memref<16x128xf32, #tpu.memory_space<vmem>>) target(%dma_start3A_742 : memref<16x128xf32, #tpu.memory_space<vmem_shared>>) target_semaphore(%run_scoped3A : memref<!tpu.dma_semaphore, #tpu.memory_space<semaphore_mem>>)
      %dma_wait3A = arith.constant 0 : i32
      %dma_wait3A_743 = tpu.memref_slice %arg20[%add3A_125, %dma_wait3A] : memref<10240x128xf32, #tpu.memory_space<vmem_shared>> -> memref<16x128xf32, #tpu.memory_space<vmem_shared>>
      %dma_wait3A_744 = arith.constant 0 : i32
      %dma_wait3A_745 = tpu.memref_slice %arg20[%add3A_125, %dma_wait3A_744] : memref<10240x128xf32, #tpu.memory_space<vmem_shared>> -> memref<16x128xf32, #tpu.memory_space<vmem_shared>>
      tpu.wait_dma2 semaphore(%run_scoped3A : memref<!tpu.dma_semaphore, #tpu.memory_space<semaphore_mem>>) src(%arg19 : memref<16x128xf32, #tpu.memory_space<vmem>>) dst(%dma_wait3A_745 : memref<16x128xf32, #tpu.memory_space<vmem_shared>>)
      tpu.yield
    }) : () -> ()
    %mul3A_126 = arith.constant 640 : i32
    %mul3A_127 = arith.muli %arg1, %mul3A_126 : i32
    %add3A_128 = arith.constant 480 : i32
    %add3A_129 = arith.addi %mul3A_127, %add3A_128 : i32
    "tpu.region"() ({
      %run_scoped3A = tpu.sem_alloc : memref<!tpu.dma_semaphore, #tpu.memory_space<semaphore_mem>>
      %dma_start3A = arith.constant 0 : i32
      %dma_start3A_740 = tpu.memref_slice %arg20[%add3A_129, %dma_start3A] : memref<10240x128xf32, #tpu.memory_space<vmem_shared>> -> memref<16x128xf32, #tpu.memory_space<vmem_shared>>
      %dma_start3A_741 = arith.constant 0 : i32
      %dma_start3A_742 = tpu.memref_slice %arg20[%add3A_129, %dma_start3A_741] : memref<10240x128xf32, #tpu.memory_space<vmem_shared>> -> memref<16x128xf32, #tpu.memory_space<vmem_shared>>
      tpu.enqueue_dma source(%arg19 : memref<16x128xf32, #tpu.memory_space<vmem>>) target(%dma_start3A_742 : memref<16x128xf32, #tpu.memory_space<vmem_shared>>) target_semaphore(%run_scoped3A : memref<!tpu.dma_semaphore, #tpu.memory_space<semaphore_mem>>)
      %dma_wait3A = arith.constant 0 : i32
      %dma_wait3A_743 = tpu.memref_slice %arg20[%add3A_129, %dma_wait3A] : memref<10240x128xf32, #tpu.memory_space<vmem_shared>> -> memref<16x128xf32, #tpu.memory_space<vmem_shared>>
      %dma_wait3A_744 = arith.constant 0 : i32
      %dma_wait3A_745 = tpu.memref_slice %arg20[%add3A_129, %dma_wait3A_744] : memref<10240x128xf32, #tpu.memory_space<vmem_shared>> -> memref<16x128xf32, #tpu.memory_space<vmem_shared>>
      tpu.wait_dma2 semaphore(%run_scoped3A : memref<!tpu.dma_semaphore, #tpu.memory_space<semaphore_mem>>) src(%arg19 : memref<16x128xf32, #tpu.memory_space<vmem>>) dst(%dma_wait3A_745 : memref<16x128xf32, #tpu.memory_space<vmem_shared>>)
      tpu.yield
    }) : () -> ()
    %mul3A_130 = arith.constant 640 : i32
    %mul3A_131 = arith.muli %arg1, %mul3A_130 : i32
    %add3A_132 = arith.constant 496 : i32
    %add3A_133 = arith.addi %mul3A_131, %add3A_132 : i32
    "tpu.region"() ({
      %run_scoped3A = tpu.sem_alloc : memref<!tpu.dma_semaphore, #tpu.memory_space<semaphore_mem>>
      %dma_start3A = arith.constant 0 : i32
      %dma_start3A_740 = tpu.memref_slice %arg20[%add3A_133, %dma_start3A] : memref<10240x128xf32, #tpu.memory_space<vmem_shared>> -> memref<16x128xf32, #tpu.memory_space<vmem_shared>>
      %dma_start3A_741 = arith.constant 0 : i32
      %dma_start3A_742 = tpu.memref_slice %arg20[%add3A_133, %dma_start3A_741] : memref<10240x128xf32, #tpu.memory_space<vmem_shared>> -> memref<16x128xf32, #tpu.memory_space<vmem_shared>>
      tpu.enqueue_dma source(%arg19 : memref<16x128xf32, #tpu.memory_space<vmem>>) target(%dma_start3A_742 : memref<16x128xf32, #tpu.memory_space<vmem_shared>>) target_semaphore(%run_scoped3A : memref<!tpu.dma_semaphore, #tpu.memory_space<semaphore_mem>>)
      %dma_wait3A = arith.constant 0 : i32
      %dma_wait3A_743 = tpu.memref_slice %arg20[%add3A_133, %dma_wait3A] : memref<10240x128xf32, #tpu.memory_space<vmem_shared>> -> memref<16x128xf32, #tpu.memory_space<vmem_shared>>
      %dma_wait3A_744 = arith.constant 0 : i32
      %dma_wait3A_745 = tpu.memref_slice %arg20[%add3A_133, %dma_wait3A_744] : memref<10240x128xf32, #tpu.memory_space<vmem_shared>> -> memref<16x128xf32, #tpu.memory_space<vmem_shared>>
      tpu.wait_dma2 semaphore(%run_scoped3A : memref<!tpu.dma_semaphore, #tpu.memory_space<semaphore_mem>>) src(%arg19 : memref<16x128xf32, #tpu.memory_space<vmem>>) dst(%dma_wait3A_745 : memref<16x128xf32, #tpu.memory_space<vmem_shared>>)
      tpu.yield
    }) : () -> ()
    %mul3A_134 = arith.constant 640 : i32
    %mul3A_135 = arith.muli %arg1, %mul3A_134 : i32
    %add3A_136 = arith.constant 512 : i32
    %add3A_137 = arith.addi %mul3A_135, %add3A_136 : i32
    "tpu.region"() ({
      %run_scoped3A = tpu.sem_alloc : memref<!tpu.dma_semaphore, #tpu.memory_space<semaphore_mem>>
      %dma_start3A = arith.constant 0 : i32
      %dma_start3A_740 = tpu.memref_slice %arg20[%add3A_137, %dma_start3A] : memref<10240x128xf32, #tpu.memory_space<vmem_shared>> -> memref<16x128xf32, #tpu.memory_space<vmem_shared>>
      %dma_start3A_741 = arith.constant 0 : i32
      %dma_start3A_742 = tpu.memref_slice %arg20[%add3A_137, %dma_start3A_741] : memref<10240x128xf32, #tpu.memory_space<vmem_shared>> -> memref<16x128xf32, #tpu.memory_space<vmem_shared>>
      tpu.enqueue_dma source(%arg19 : memref<16x128xf32, #tpu.memory_space<vmem>>) target(%dma_start3A_742 : memref<16x128xf32, #tpu.memory_space<vmem_shared>>) target_semaphore(%run_scoped3A : memref<!tpu.dma_semaphore, #tpu.memory_space<semaphore_mem>>)
      %dma_wait3A = arith.constant 0 : i32
      %dma_wait3A_743 = tpu.memref_slice %arg20[%add3A_137, %dma_wait3A] : memref<10240x128xf32, #tpu.memory_space<vmem_shared>> -> memref<16x128xf32, #tpu.memory_space<vmem_shared>>
      %dma_wait3A_744 = arith.constant 0 : i32
      %dma_wait3A_745 = tpu.memref_slice %arg20[%add3A_137, %dma_wait3A_744] : memref<10240x128xf32, #tpu.memory_space<vmem_shared>> -> memref<16x128xf32, #tpu.memory_space<vmem_shared>>
      tpu.wait_dma2 semaphore(%run_scoped3A : memref<!tpu.dma_semaphore, #tpu.memory_space<semaphore_mem>>) src(%arg19 : memref<16x128xf32, #tpu.memory_space<vmem>>) dst(%dma_wait3A_745 : memref<16x128xf32, #tpu.memory_space<vmem_shared>>)
      tpu.yield
    }) : () -> ()
    %mul3A_138 = arith.constant 640 : i32
    %mul3A_139 = arith.muli %arg1, %mul3A_138 : i32
    %add3A_140 = arith.constant 528 : i32
    %add3A_141 = arith.addi %mul3A_139, %add3A_140 : i32
    "tpu.region"() ({
      %run_scoped3A = tpu.sem_alloc : memref<!tpu.dma_semaphore, #tpu.memory_space<semaphore_mem>>
      %dma_start3A = arith.constant 0 : i32
      %dma_start3A_740 = tpu.memref_slice %arg20[%add3A_141, %dma_start3A] : memref<10240x128xf32, #tpu.memory_space<vmem_shared>> -> memref<16x128xf32, #tpu.memory_space<vmem_shared>>
      %dma_start3A_741 = arith.constant 0 : i32
      %dma_start3A_742 = tpu.memref_slice %arg20[%add3A_141, %dma_start3A_741] : memref<10240x128xf32, #tpu.memory_space<vmem_shared>> -> memref<16x128xf32, #tpu.memory_space<vmem_shared>>
      tpu.enqueue_dma source(%arg19 : memref<16x128xf32, #tpu.memory_space<vmem>>) target(%dma_start3A_742 : memref<16x128xf32, #tpu.memory_space<vmem_shared>>) target_semaphore(%run_scoped3A : memref<!tpu.dma_semaphore, #tpu.memory_space<semaphore_mem>>)
      %dma_wait3A = arith.constant 0 : i32
      %dma_wait3A_743 = tpu.memref_slice %arg20[%add3A_141, %dma_wait3A] : memref<10240x128xf32, #tpu.memory_space<vmem_shared>> -> memref<16x128xf32, #tpu.memory_space<vmem_shared>>
      %dma_wait3A_744 = arith.constant 0 : i32
      %dma_wait3A_745 = tpu.memref_slice %arg20[%add3A_141, %dma_wait3A_744] : memref<10240x128xf32, #tpu.memory_space<vmem_shared>> -> memref<16x128xf32, #tpu.memory_space<vmem_shared>>
      tpu.wait_dma2 semaphore(%run_scoped3A : memref<!tpu.dma_semaphore, #tpu.memory_space<semaphore_mem>>) src(%arg19 : memref<16x128xf32, #tpu.memory_space<vmem>>) dst(%dma_wait3A_745 : memref<16x128xf32, #tpu.memory_space<vmem_shared>>)
      tpu.yield
    }) : () -> ()
    %mul3A_142 = arith.constant 640 : i32
    %mul3A_143 = arith.muli %arg1, %mul3A_142 : i32
    %add3A_144 = arith.constant 544 : i32
    %add3A_145 = arith.addi %mul3A_143, %add3A_144 : i32
    "tpu.region"() ({
      %run_scoped3A = tpu.sem_alloc : memref<!tpu.dma_semaphore, #tpu.memory_space<semaphore_mem>>
      %dma_start3A = arith.constant 0 : i32
      %dma_start3A_740 = tpu.memref_slice %arg20[%add3A_145, %dma_start3A] : memref<10240x128xf32, #tpu.memory_space<vmem_shared>> -> memref<16x128xf32, #tpu.memory_space<vmem_shared>>
      %dma_start3A_741 = arith.constant 0 : i32
      %dma_start3A_742 = tpu.memref_slice %arg20[%add3A_145, %dma_start3A_741] : memref<10240x128xf32, #tpu.memory_space<vmem_shared>> -> memref<16x128xf32, #tpu.memory_space<vmem_shared>>
      tpu.enqueue_dma source(%arg19 : memref<16x128xf32, #tpu.memory_space<vmem>>) target(%dma_start3A_742 : memref<16x128xf32, #tpu.memory_space<vmem_shared>>) target_semaphore(%run_scoped3A : memref<!tpu.dma_semaphore, #tpu.memory_space<semaphore_mem>>)
      %dma_wait3A = arith.constant 0 : i32
      %dma_wait3A_743 = tpu.memref_slice %arg20[%add3A_145, %dma_wait3A] : memref<10240x128xf32, #tpu.memory_space<vmem_shared>> -> memref<16x128xf32, #tpu.memory_space<vmem_shared>>
      %dma_wait3A_744 = arith.constant 0 : i32
      %dma_wait3A_745 = tpu.memref_slice %arg20[%add3A_145, %dma_wait3A_744] : memref<10240x128xf32, #tpu.memory_space<vmem_shared>> -> memref<16x128xf32, #tpu.memory_space<vmem_shared>>
      tpu.wait_dma2 semaphore(%run_scoped3A : memref<!tpu.dma_semaphore, #tpu.memory_space<semaphore_mem>>) src(%arg19 : memref<16x128xf32, #tpu.memory_space<vmem>>) dst(%dma_wait3A_745 : memref<16x128xf32, #tpu.memory_space<vmem_shared>>)
      tpu.yield
    }) : () -> ()
    %mul3A_146 = arith.constant 640 : i32
    %mul3A_147 = arith.muli %arg1, %mul3A_146 : i32
    %add3A_148 = arith.constant 560 : i32
    %add3A_149 = arith.addi %mul3A_147, %add3A_148 : i32
    "tpu.region"() ({
      %run_scoped3A = tpu.sem_alloc : memref<!tpu.dma_semaphore, #tpu.memory_space<semaphore_mem>>
      %dma_start3A = arith.constant 0 : i32
      %dma_start3A_740 = tpu.memref_slice %arg20[%add3A_149, %dma_start3A] : memref<10240x128xf32, #tpu.memory_space<vmem_shared>> -> memref<16x128xf32, #tpu.memory_space<vmem_shared>>
      %dma_start3A_741 = arith.constant 0 : i32
      %dma_start3A_742 = tpu.memref_slice %arg20[%add3A_149, %dma_start3A_741] : memref<10240x128xf32, #tpu.memory_space<vmem_shared>> -> memref<16x128xf32, #tpu.memory_space<vmem_shared>>
      tpu.enqueue_dma source(%arg19 : memref<16x128xf32, #tpu.memory_space<vmem>>) target(%dma_start3A_742 : memref<16x128xf32, #tpu.memory_space<vmem_shared>>) target_semaphore(%run_scoped3A : memref<!tpu.dma_semaphore, #tpu.memory_space<semaphore_mem>>)
      %dma_wait3A = arith.constant 0 : i32
      %dma_wait3A_743 = tpu.memref_slice %arg20[%add3A_149, %dma_wait3A] : memref<10240x128xf32, #tpu.memory_space<vmem_shared>> -> memref<16x128xf32, #tpu.memory_space<vmem_shared>>
      %dma_wait3A_744 = arith.constant 0 : i32
      %dma_wait3A_745 = tpu.memref_slice %arg20[%add3A_149, %dma_wait3A_744] : memref<10240x128xf32, #tpu.memory_space<vmem_shared>> -> memref<16x128xf32, #tpu.memory_space<vmem_shared>>
      tpu.wait_dma2 semaphore(%run_scoped3A : memref<!tpu.dma_semaphore, #tpu.memory_space<semaphore_mem>>) src(%arg19 : memref<16x128xf32, #tpu.memory_space<vmem>>) dst(%dma_wait3A_745 : memref<16x128xf32, #tpu.memory_space<vmem_shared>>)
      tpu.yield
    }) : () -> ()
    %mul3A_150 = arith.constant 640 : i32
    %mul3A_151 = arith.muli %arg1, %mul3A_150 : i32
    %add3A_152 = arith.constant 576 : i32
    %add3A_153 = arith.addi %mul3A_151, %add3A_152 : i32
    "tpu.region"() ({
      %run_scoped3A = tpu.sem_alloc : memref<!tpu.dma_semaphore, #tpu.memory_space<semaphore_mem>>
      %dma_start3A = arith.constant 0 : i32
      %dma_start3A_740 = tpu.memref_slice %arg20[%add3A_153, %dma_start3A] : memref<10240x128xf32, #tpu.memory_space<vmem_shared>> -> memref<16x128xf32, #tpu.memory_space<vmem_shared>>
      %dma_start3A_741 = arith.constant 0 : i32
      %dma_start3A_742 = tpu.memref_slice %arg20[%add3A_153, %dma_start3A_741] : memref<10240x128xf32, #tpu.memory_space<vmem_shared>> -> memref<16x128xf32, #tpu.memory_space<vmem_shared>>
      tpu.enqueue_dma source(%arg19 : memref<16x128xf32, #tpu.memory_space<vmem>>) target(%dma_start3A_742 : memref<16x128xf32, #tpu.memory_space<vmem_shared>>) target_semaphore(%run_scoped3A : memref<!tpu.dma_semaphore, #tpu.memory_space<semaphore_mem>>)
      %dma_wait3A = arith.constant 0 : i32
      %dma_wait3A_743 = tpu.memref_slice %arg20[%add3A_153, %dma_wait3A] : memref<10240x128xf32, #tpu.memory_space<vmem_shared>> -> memref<16x128xf32, #tpu.memory_space<vmem_shared>>
      %dma_wait3A_744 = arith.constant 0 : i32
      %dma_wait3A_745 = tpu.memref_slice %arg20[%add3A_153, %dma_wait3A_744] : memref<10240x128xf32, #tpu.memory_space<vmem_shared>> -> memref<16x128xf32, #tpu.memory_space<vmem_shared>>
      tpu.wait_dma2 semaphore(%run_scoped3A : memref<!tpu.dma_semaphore, #tpu.memory_space<semaphore_mem>>) src(%arg19 : memref<16x128xf32, #tpu.memory_space<vmem>>) dst(%dma_wait3A_745 : memref<16x128xf32, #tpu.memory_space<vmem_shared>>)
      tpu.yield
    }) : () -> ()
    %mul3A_154 = arith.constant 640 : i32
    %mul3A_155 = arith.muli %arg1, %mul3A_154 : i32
    %add3A_156 = arith.constant 592 : i32
    %add3A_157 = arith.addi %mul3A_155, %add3A_156 : i32
    "tpu.region"() ({
      %run_scoped3A = tpu.sem_alloc : memref<!tpu.dma_semaphore, #tpu.memory_space<semaphore_mem>>
      %dma_start3A = arith.constant 0 : i32
      %dma_start3A_740 = tpu.memref_slice %arg20[%add3A_157, %dma_start3A] : memref<10240x128xf32, #tpu.memory_space<vmem_shared>> -> memref<16x128xf32, #tpu.memory_space<vmem_shared>>
      %dma_start3A_741 = arith.constant 0 : i32
      %dma_start3A_742 = tpu.memref_slice %arg20[%add3A_157, %dma_start3A_741] : memref<10240x128xf32, #tpu.memory_space<vmem_shared>> -> memref<16x128xf32, #tpu.memory_space<vmem_shared>>
      tpu.enqueue_dma source(%arg19 : memref<16x128xf32, #tpu.memory_space<vmem>>) target(%dma_start3A_742 : memref<16x128xf32, #tpu.memory_space<vmem_shared>>) target_semaphore(%run_scoped3A : memref<!tpu.dma_semaphore, #tpu.memory_space<semaphore_mem>>)
      %dma_wait3A = arith.constant 0 : i32
      %dma_wait3A_743 = tpu.memref_slice %arg20[%add3A_157, %dma_wait3A] : memref<10240x128xf32, #tpu.memory_space<vmem_shared>> -> memref<16x128xf32, #tpu.memory_space<vmem_shared>>
      %dma_wait3A_744 = arith.constant 0 : i32
      %dma_wait3A_745 = tpu.memref_slice %arg20[%add3A_157, %dma_wait3A_744] : memref<10240x128xf32, #tpu.memory_space<vmem_shared>> -> memref<16x128xf32, #tpu.memory_space<vmem_shared>>
      tpu.wait_dma2 semaphore(%run_scoped3A : memref<!tpu.dma_semaphore, #tpu.memory_space<semaphore_mem>>) src(%arg19 : memref<16x128xf32, #tpu.memory_space<vmem>>) dst(%dma_wait3A_745 : memref<16x128xf32, #tpu.memory_space<vmem_shared>>)
      tpu.yield
    }) : () -> ()
    %mul3A_158 = arith.constant 640 : i32
    %mul3A_159 = arith.muli %arg1, %mul3A_158 : i32
    %add3A_160 = arith.constant 608 : i32
    %add3A_161 = arith.addi %mul3A_159, %add3A_160 : i32
    "tpu.region"() ({
      %run_scoped3A = tpu.sem_alloc : memref<!tpu.dma_semaphore, #tpu.memory_space<semaphore_mem>>
      %dma_start3A = arith.constant 0 : i32
      %dma_start3A_740 = tpu.memref_slice %arg20[%add3A_161, %dma_start3A] : memref<10240x128xf32, #tpu.memory_space<vmem_shared>> -> memref<16x128xf32, #tpu.memory_space<vmem_shared>>
      %dma_start3A_741 = arith.constant 0 : i32
      %dma_start3A_742 = tpu.memref_slice %arg20[%add3A_161, %dma_start3A_741] : memref<10240x128xf32, #tpu.memory_space<vmem_shared>> -> memref<16x128xf32, #tpu.memory_space<vmem_shared>>
      tpu.enqueue_dma source(%arg19 : memref<16x128xf32, #tpu.memory_space<vmem>>) target(%dma_start3A_742 : memref<16x128xf32, #tpu.memory_space<vmem_shared>>) target_semaphore(%run_scoped3A : memref<!tpu.dma_semaphore, #tpu.memory_space<semaphore_mem>>)
      %dma_wait3A = arith.constant 0 : i32
      %dma_wait3A_743 = tpu.memref_slice %arg20[%add3A_161, %dma_wait3A] : memref<10240x128xf32, #tpu.memory_space<vmem_shared>> -> memref<16x128xf32, #tpu.memory_space<vmem_shared>>
      %dma_wait3A_744 = arith.constant 0 : i32
      %dma_wait3A_745 = tpu.memref_slice %arg20[%add3A_161, %dma_wait3A_744] : memref<10240x128xf32, #tpu.memory_space<vmem_shared>> -> memref<16x128xf32, #tpu.memory_space<vmem_shared>>
      tpu.wait_dma2 semaphore(%run_scoped3A : memref<!tpu.dma_semaphore, #tpu.memory_space<semaphore_mem>>) src(%arg19 : memref<16x128xf32, #tpu.memory_space<vmem>>) dst(%dma_wait3A_745 : memref<16x128xf32, #tpu.memory_space<vmem_shared>>)
      tpu.yield
    }) : () -> ()
    %mul3A_162 = arith.constant 640 : i32
    %mul3A_163 = arith.muli %arg1, %mul3A_162 : i32
    %add3A_164 = arith.constant 624 : i32
    %add3A_165 = arith.addi %mul3A_163, %add3A_164 : i32
    "tpu.region"() ({
      %run_scoped3A = tpu.sem_alloc : memref<!tpu.dma_semaphore, #tpu.memory_space<semaphore_mem>>
      %dma_start3A = arith.constant 0 : i32
      %dma_start3A_740 = tpu.memref_slice %arg20[%add3A_165, %dma_start3A] : memref<10240x128xf32, #tpu.memory_space<vmem_shared>> -> memref<16x128xf32, #tpu.memory_space<vmem_shared>>
      %dma_start3A_741 = arith.constant 0 : i32
      %dma_start3A_742 = tpu.memref_slice %arg20[%add3A_165, %dma_start3A_741] : memref<10240x128xf32, #tpu.memory_space<vmem_shared>> -> memref<16x128xf32, #tpu.memory_space<vmem_shared>>
      tpu.enqueue_dma source(%arg19 : memref<16x128xf32, #tpu.memory_space<vmem>>) target(%dma_start3A_742 : memref<16x128xf32, #tpu.memory_space<vmem_shared>>) target_semaphore(%run_scoped3A : memref<!tpu.dma_semaphore, #tpu.memory_space<semaphore_mem>>)
      %dma_wait3A = arith.constant 0 : i32
      %dma_wait3A_743 = tpu.memref_slice %arg20[%add3A_165, %dma_wait3A] : memref<10240x128xf32, #tpu.memory_space<vmem_shared>> -> memref<16x128xf32, #tpu.memory_space<vmem_shared>>
      %dma_wait3A_744 = arith.constant 0 : i32
      %dma_wait3A_745 = tpu.memref_slice %arg20[%add3A_165, %dma_wait3A_744] : memref<10240x128xf32, #tpu.memory_space<vmem_shared>> -> memref<16x128xf32, #tpu.memory_space<vmem_shared>>
      tpu.wait_dma2 semaphore(%run_scoped3A : memref<!tpu.dma_semaphore, #tpu.memory_space<semaphore_mem>>) src(%arg19 : memref<16x128xf32, #tpu.memory_space<vmem>>) dst(%dma_wait3A_745 : memref<16x128xf32, #tpu.memory_space<vmem_shared>>)
      tpu.yield
    }) : () -> ()
    %barrier3A = arith.constant 0 : index
    tpu.barrier barrier_id(%barrier3A)
    %broadcast_in_dim3A_166 = arith.constant 0.000000e+00 : f32
    %broadcast_in_dim3A_167 = vector.broadcast %broadcast_in_dim3A_166 : f32 to vector<16xf32>
    %broadcast_in_dim3A_168 = arith.constant 0.000000e+00 : f32
    %broadcast_in_dim3A_169 = vector.broadcast %broadcast_in_dim3A_168 : f32 to vector<16xf32>
    %broadcast_in_dim3A_170 = arith.constant 0.000000e+00 : f32
    %broadcast_in_dim3A_171 = vector.broadcast %broadcast_in_dim3A_170 : f32 to vector<16xf32>
    %broadcast_in_dim3A_172 = arith.constant 0.000000e+00 : f32
    %broadcast_in_dim3A_173 = vector.broadcast %broadcast_in_dim3A_172 : f32 to vector<16xf32>
    %broadcast_in_dim3A_174 = arith.constant 0.000000e+00 : f32
    %broadcast_in_dim3A_175 = vector.broadcast %broadcast_in_dim3A_174 : f32 to vector<16xf32>
    %broadcast_in_dim3A_176 = arith.constant 0.000000e+00 : f32
    %broadcast_in_dim3A_177 = vector.broadcast %broadcast_in_dim3A_176 : f32 to vector<16xf32>
    %broadcast_in_dim3A_178 = arith.constant 0.000000e+00 : f32
    %broadcast_in_dim3A_179 = vector.broadcast %broadcast_in_dim3A_178 : f32 to vector<16xf32>
    %broadcast_in_dim3A_180 = arith.constant 0.000000e+00 : f32
    %broadcast_in_dim3A_181 = vector.broadcast %broadcast_in_dim3A_180 : f32 to vector<16xf32>
    %broadcast_in_dim3A_182 = arith.constant 0.000000e+00 : f32
    %broadcast_in_dim3A_183 = vector.broadcast %broadcast_in_dim3A_182 : f32 to vector<16xf32>
    %broadcast_in_dim3A_184 = arith.constant 0.000000e+00 : f32
    %broadcast_in_dim3A_185 = vector.broadcast %broadcast_in_dim3A_184 : f32 to vector<16xf32>
    %broadcast_in_dim3A_186 = arith.constant 0.000000e+00 : f32
    %broadcast_in_dim3A_187 = vector.broadcast %broadcast_in_dim3A_186 : f32 to vector<16xf32>
    %broadcast_in_dim3A_188 = arith.constant 0.000000e+00 : f32
    %broadcast_in_dim3A_189 = vector.broadcast %broadcast_in_dim3A_188 : f32 to vector<16xf32>
    %broadcast_in_dim3A_190 = arith.constant 0.000000e+00 : f32
    %broadcast_in_dim3A_191 = vector.broadcast %broadcast_in_dim3A_190 : f32 to vector<16xf32>
    %broadcast_in_dim3A_192 = arith.constant 0.000000e+00 : f32
    %broadcast_in_dim3A_193 = vector.broadcast %broadcast_in_dim3A_192 : f32 to vector<16xf32>
    %broadcast_in_dim3A_194 = arith.constant 0.000000e+00 : f32
    %broadcast_in_dim3A_195 = vector.broadcast %broadcast_in_dim3A_194 : f32 to vector<16xf32>
    %broadcast_in_dim3A_196 = arith.constant 0.000000e+00 : f32
    %broadcast_in_dim3A_197 = vector.broadcast %broadcast_in_dim3A_196 : f32 to vector<16xf32>
    %scan3A_198 = arith.constant 0 : i32
    %scan3A_199 = arith.constant 125 : i32
    %scan3A_200 = arith.addi %scan3A_198, %scan3A_199 : i32
    %scan3A_201 = arith.constant 1 : i32
    %scan3A_202:16 = scf.for %scan3A_740 = %scan3A_198 to %scan3A_200 step %scan3A_201 iter_args(%scan3A_741 = %broadcast_in_dim3A_167, %scan3A_742 = %broadcast_in_dim3A_169, %scan3A_743 = %broadcast_in_dim3A_171, %scan3A_744 = %broadcast_in_dim3A_173, %scan3A_745 = %broadcast_in_dim3A_175, %scan3A_746 = %broadcast_in_dim3A_177, %scan3A_747 = %broadcast_in_dim3A_179, %scan3A_748 = %broadcast_in_dim3A_181, %scan3A_749 = %broadcast_in_dim3A_183, %scan3A_750 = %broadcast_in_dim3A_185, %scan3A_751 = %broadcast_in_dim3A_187, %scan3A_752 = %broadcast_in_dim3A_189, %scan3A_753 = %broadcast_in_dim3A_191, %scan3A_754 = %broadcast_in_dim3A_193, %scan3A_755 = %broadcast_in_dim3A_195, %scan3A_756 = %broadcast_in_dim3A_197) -> (vector<16xf32>, vector<16xf32>, vector<16xf32>, vector<16xf32>, vector<16xf32>, vector<16xf32>, vector<16xf32>, vector<16xf32>, vector<16xf32>, vector<16xf32>, vector<16xf32>, vector<16xf32>, vector<16xf32>, vector<16xf32>, vector<16xf32>, vector<16xf32>)  : i32 {
      %mul3A_757 = arith.constant 10000 : i32
      %mul3A_758 = arith.muli %arg1, %mul3A_757 : i32
      %mul3A_759 = arith.constant 80 : i32
      %mul3A_760 = arith.muli %scan3A_740, %mul3A_759 : i32
      %add3A_761 = arith.addi %mul3A_758, %mul3A_760 : i32
      %rem3A = arith.constant 25 : i32
      %rem3A_762 = arith.remsi %scan3A_740, %rem3A : i32
      %eq3A = arith.constant 0 : i32
      %eq3A_763 = arith.cmpi eq, %rem3A_762, %eq3A : i32
      %convert_element_type3A = arith.extui %eq3A_763 : i1 to i32
      %cond3A = arith.constant 0 : i32
      %cond3A_764 = arith.cmpi ne, %convert_element_type3A, %cond3A : i32
      scf.if %cond3A_764 {
        "tpu.region"() ({
          %run_scoped3A = tpu.sem_alloc : memref<!tpu.dma_semaphore, #tpu.memory_space<semaphore_mem>>
          %dma_start3A_921 = tpu.memref_slice %arg2[%add3A_761] : memref<160000xi32, #tpu.memory_space<hbm>> -> memref<2000xi32, #tpu.memory_space<hbm>>
          %dma_start3A_922 = tpu.memref_slice %arg2[%add3A_761] : memref<160000xi32, #tpu.memory_space<hbm>> -> memref<2000xi32, #tpu.memory_space<hbm>>
          tpu.enqueue_dma source(%dma_start3A_922 : memref<2000xi32, #tpu.memory_space<hbm>>) target(%arg10 : memref<2000xi32, #tpu.memory_space<vmem>>) target_semaphore(%run_scoped3A : memref<!tpu.dma_semaphore, #tpu.memory_space<semaphore_mem>>)
          %dma_wait3A_923 = tpu.memref_slice %arg2[%add3A_761] : memref<160000xi32, #tpu.memory_space<hbm>> -> memref<2000xi32, #tpu.memory_space<hbm>>
          %dma_wait3A_924 = tpu.memref_slice %arg2[%add3A_761] : memref<160000xi32, #tpu.memory_space<hbm>> -> memref<2000xi32, #tpu.memory_space<hbm>>
          tpu.wait_dma2 semaphore(%run_scoped3A : memref<!tpu.dma_semaphore, #tpu.memory_space<semaphore_mem>>) src(%dma_wait3A_924 : memref<2000xi32, #tpu.memory_space<hbm>>) dst(%arg10 : memref<2000xi32, #tpu.memory_space<vmem>>)
          tpu.yield
        }) : () -> ()
        "tpu.region"() ({
          %run_scoped3A = tpu.sem_alloc : memref<!tpu.dma_semaphore, #tpu.memory_space<semaphore_mem>>
          %dma_start3A_921 = tpu.memref_slice %arg3[%add3A_761] : memref<160000xi32, #tpu.memory_space<hbm>> -> memref<2000xi32, #tpu.memory_space<hbm>>
          %dma_start3A_922 = tpu.memref_slice %arg3[%add3A_761] : memref<160000xi32, #tpu.memory_space<hbm>> -> memref<2000xi32, #tpu.memory_space<hbm>>
          tpu.enqueue_dma source(%dma_start3A_922 : memref<2000xi32, #tpu.memory_space<hbm>>) target(%arg11 : memref<2000xi32, #tpu.memory_space<vmem>>) target_semaphore(%run_scoped3A : memref<!tpu.dma_semaphore, #tpu.memory_space<semaphore_mem>>)
          %dma_wait3A_923 = tpu.memref_slice %arg3[%add3A_761] : memref<160000xi32, #tpu.memory_space<hbm>> -> memref<2000xi32, #tpu.memory_space<hbm>>
          %dma_wait3A_924 = tpu.memref_slice %arg3[%add3A_761] : memref<160000xi32, #tpu.memory_space<hbm>> -> memref<2000xi32, #tpu.memory_space<hbm>>
          tpu.wait_dma2 semaphore(%run_scoped3A : memref<!tpu.dma_semaphore, #tpu.memory_space<semaphore_mem>>) src(%dma_wait3A_924 : memref<2000xi32, #tpu.memory_space<hbm>>) dst(%arg11 : memref<2000xi32, #tpu.memory_space<vmem>>)
          tpu.yield
        }) : () -> ()
      } else {
      }
      %mul3A_765 = arith.constant 80 : i32
      %mul3A_766 = arith.muli %rem3A_762, %mul3A_765 : i32
      %add3A_767 = arith.constant 0 : i32
      %add3A_768 = arith.addi %mul3A_766, %add3A_767 : i32
      %get3A = arith.index_cast %add3A_768 : i32 to index
      %get3A_769 = tpu.vector_load %arg10[%get3A] {strides = array<i32>} : memref<2000xi32, #tpu.memory_space<vmem>>, vector<16xi32>,
      %get3A_770 = vector.shape_cast %get3A_769 : vector<16xi32> to vector<16xi32>
      %swap3A_771 = arith.constant 0 : index
      %swap3A_772 = tpu.vector_load %arg12[%swap3A_771] {strides = array<i32>} : memref<80xi32, #tpu.memory_space<vmem>>, vector<16xi32>,
      %swap3A_773 = vector.shape_cast %swap3A_772 : vector<16xi32> to vector<16xi32>
      %swap3A_774 = vector.shape_cast %get3A_770 : vector<16xi32> to vector<16xi32>
      tpu.vector_store %arg12[%swap3A_771], %swap3A_774 {strides = array<i32>} : memref<80xi32, #tpu.memory_space<vmem>>, vector<16xi32>,
      %add3A_775 = vector.broadcast %mul3A_0 : i32 to vector<16xi32>
      %add3A_776 = arith.addi %get3A_770, %add3A_775 : vector<16xi32>
      %swap3A_777 = arith.constant 0 : index
      %swap3A_778 = tpu.vector_load %arg13[%swap3A_777] {strides = array<i32>} : memref<80xi32, #tpu.memory_space<vmem>>, vector<16xi32>,
      %swap3A_779 = vector.shape_cast %swap3A_778 : vector<16xi32> to vector<16xi32>
      %swap3A_780 = vector.shape_cast %add3A_776 : vector<16xi32> to vector<16xi32>
      tpu.vector_store %arg13[%swap3A_777], %swap3A_780 {strides = array<i32>} : memref<80xi32, #tpu.memory_space<vmem>>, vector<16xi32>,
      %get3A_781 = arith.index_cast %add3A_768 : i32 to index
      %get3A_782 = tpu.vector_load %arg11[%get3A_781] {strides = array<i32>} : memref<2000xi32, #tpu.memory_space<vmem>>, vector<16xi32>,
      %get3A_783 = vector.shape_cast %get3A_782 : vector<16xi32> to vector<16xi32>
      %add3A_784 = vector.broadcast %mul3A_0 : i32 to vector<16xi32>
      %add3A_785 = arith.addi %get3A_783, %add3A_784 : vector<16xi32>
      %swap3A_786 = arith.constant 0 : index
      %swap3A_787 = tpu.vector_load %arg14[%swap3A_786] {strides = array<i32>} : memref<80xi32, #tpu.memory_space<vmem>>, vector<16xi32>,
      %swap3A_788 = vector.shape_cast %swap3A_787 : vector<16xi32> to vector<16xi32>
      %swap3A_789 = vector.shape_cast %add3A_785 : vector<16xi32> to vector<16xi32>
      tpu.vector_store %arg14[%swap3A_786], %swap3A_789 {strides = array<i32>} : memref<80xi32, #tpu.memory_space<vmem>>, vector<16xi32>,
      %mul3A_790 = arith.constant 80 : i32
      %mul3A_791 = arith.muli %rem3A_762, %mul3A_790 : i32
      %add3A_792 = arith.constant 16 : i32
      %add3A_793 = arith.addi %mul3A_791, %add3A_792 : i32
      %get3A_794 = arith.index_cast %add3A_793 : i32 to index
      %get3A_795 = tpu.vector_load %arg10[%get3A_794] {strides = array<i32>} : memref<2000xi32, #tpu.memory_space<vmem>>, vector<16xi32>,
      %get3A_796 = vector.shape_cast %get3A_795 : vector<16xi32> to vector<16xi32>
      %swap3A_797 = arith.constant 16 : index
      %swap3A_798 = tpu.vector_load %arg12[%swap3A_797] {strides = array<i32>} : memref<80xi32, #tpu.memory_space<vmem>>, vector<16xi32>,
      %swap3A_799 = vector.shape_cast %swap3A_798 : vector<16xi32> to vector<16xi32>
      %swap3A_800 = vector.shape_cast %get3A_796 : vector<16xi32> to vector<16xi32>
      tpu.vector_store %arg12[%swap3A_797], %swap3A_800 {strides = array<i32>} : memref<80xi32, #tpu.memory_space<vmem>>, vector<16xi32>,
      %add3A_801 = vector.broadcast %mul3A_0 : i32 to vector<16xi32>
      %add3A_802 = arith.addi %get3A_796, %add3A_801 : vector<16xi32>
      %swap3A_803 = arith.constant 16 : index
      %swap3A_804 = tpu.vector_load %arg13[%swap3A_803] {strides = array<i32>} : memref<80xi32, #tpu.memory_space<vmem>>, vector<16xi32>,
      %swap3A_805 = vector.shape_cast %swap3A_804 : vector<16xi32> to vector<16xi32>
      %swap3A_806 = vector.shape_cast %add3A_802 : vector<16xi32> to vector<16xi32>
      tpu.vector_store %arg13[%swap3A_803], %swap3A_806 {strides = array<i32>} : memref<80xi32, #tpu.memory_space<vmem>>, vector<16xi32>,
      %get3A_807 = arith.index_cast %add3A_793 : i32 to index
      %get3A_808 = tpu.vector_load %arg11[%get3A_807] {strides = array<i32>} : memref<2000xi32, #tpu.memory_space<vmem>>, vector<16xi32>,
      %get3A_809 = vector.shape_cast %get3A_808 : vector<16xi32> to vector<16xi32>
      %add3A_810 = vector.broadcast %mul3A_0 : i32 to vector<16xi32>
      %add3A_811 = arith.addi %get3A_809, %add3A_810 : vector<16xi32>
      %swap3A_812 = arith.constant 16 : index
      %swap3A_813 = tpu.vector_load %arg14[%swap3A_812] {strides = array<i32>} : memref<80xi32, #tpu.memory_space<vmem>>, vector<16xi32>,
      %swap3A_814 = vector.shape_cast %swap3A_813 : vector<16xi32> to vector<16xi32>
      %swap3A_815 = vector.shape_cast %add3A_811 : vector<16xi32> to vector<16xi32>
      tpu.vector_store %arg14[%swap3A_812], %swap3A_815 {strides = array<i32>} : memref<80xi32, #tpu.memory_space<vmem>>, vector<16xi32>,
      %mul3A_816 = arith.constant 80 : i32
      %mul3A_817 = arith.muli %rem3A_762, %mul3A_816 : i32
      %add3A_818 = arith.constant 32 : i32
      %add3A_819 = arith.addi %mul3A_817, %add3A_818 : i32
      %get3A_820 = arith.index_cast %add3A_819 : i32 to index
      %get3A_821 = tpu.vector_load %arg10[%get3A_820] {strides = array<i32>} : memref<2000xi32, #tpu.memory_space<vmem>>, vector<16xi32>,
      %get3A_822 = vector.shape_cast %get3A_821 : vector<16xi32> to vector<16xi32>
      %swap3A_823 = arith.constant 32 : index
      %swap3A_824 = tpu.vector_load %arg12[%swap3A_823] {strides = array<i32>} : memref<80xi32, #tpu.memory_space<vmem>>, vector<16xi32>,
      %swap3A_825 = vector.shape_cast %swap3A_824 : vector<16xi32> to vector<16xi32>
      %swap3A_826 = vector.shape_cast %get3A_822 : vector<16xi32> to vector<16xi32>
      tpu.vector_store %arg12[%swap3A_823], %swap3A_826 {strides = array<i32>} : memref<80xi32, #tpu.memory_space<vmem>>, vector<16xi32>,
      %add3A_827 = vector.broadcast %mul3A_0 : i32 to vector<16xi32>
      %add3A_828 = arith.addi %get3A_822, %add3A_827 : vector<16xi32>
      %swap3A_829 = arith.constant 32 : index
      %swap3A_830 = tpu.vector_load %arg13[%swap3A_829] {strides = array<i32>} : memref<80xi32, #tpu.memory_space<vmem>>, vector<16xi32>,
      %swap3A_831 = vector.shape_cast %swap3A_830 : vector<16xi32> to vector<16xi32>
      %swap3A_832 = vector.shape_cast %add3A_828 : vector<16xi32> to vector<16xi32>
      tpu.vector_store %arg13[%swap3A_829], %swap3A_832 {strides = array<i32>} : memref<80xi32, #tpu.memory_space<vmem>>, vector<16xi32>,
      %get3A_833 = arith.index_cast %add3A_819 : i32 to index
      %get3A_834 = tpu.vector_load %arg11[%get3A_833] {strides = array<i32>} : memref<2000xi32, #tpu.memory_space<vmem>>, vector<16xi32>,
      %get3A_835 = vector.shape_cast %get3A_834 : vector<16xi32> to vector<16xi32>
      %add3A_836 = vector.broadcast %mul3A_0 : i32 to vector<16xi32>
      %add3A_837 = arith.addi %get3A_835, %add3A_836 : vector<16xi32>
      %swap3A_838 = arith.constant 32 : index
      %swap3A_839 = tpu.vector_load %arg14[%swap3A_838] {strides = array<i32>} : memref<80xi32, #tpu.memory_space<vmem>>, vector<16xi32>,
      %swap3A_840 = vector.shape_cast %swap3A_839 : vector<16xi32> to vector<16xi32>
      %swap3A_841 = vector.shape_cast %add3A_837 : vector<16xi32> to vector<16xi32>
      tpu.vector_store %arg14[%swap3A_838], %swap3A_841 {strides = array<i32>} : memref<80xi32, #tpu.memory_space<vmem>>, vector<16xi32>,
      %mul3A_842 = arith.constant 80 : i32
      %mul3A_843 = arith.muli %rem3A_762, %mul3A_842 : i32
      %add3A_844 = arith.constant 48 : i32
      %add3A_845 = arith.addi %mul3A_843, %add3A_844 : i32
      %get3A_846 = arith.index_cast %add3A_845 : i32 to index
      %get3A_847 = tpu.vector_load %arg10[%get3A_846] {strides = array<i32>} : memref<2000xi32, #tpu.memory_space<vmem>>, vector<16xi32>,
      %get3A_848 = vector.shape_cast %get3A_847 : vector<16xi32> to vector<16xi32>
      %swap3A_849 = arith.constant 48 : index
      %swap3A_850 = tpu.vector_load %arg12[%swap3A_849] {strides = array<i32>} : memref<80xi32, #tpu.memory_space<vmem>>, vector<16xi32>,
      %swap3A_851 = vector.shape_cast %swap3A_850 : vector<16xi32> to vector<16xi32>
      %swap3A_852 = vector.shape_cast %get3A_848 : vector<16xi32> to vector<16xi32>
      tpu.vector_store %arg12[%swap3A_849], %swap3A_852 {strides = array<i32>} : memref<80xi32, #tpu.memory_space<vmem>>, vector<16xi32>,
      %add3A_853 = vector.broadcast %mul3A_0 : i32 to vector<16xi32>
      %add3A_854 = arith.addi %get3A_848, %add3A_853 : vector<16xi32>
      %swap3A_855 = arith.constant 48 : index
      %swap3A_856 = tpu.vector_load %arg13[%swap3A_855] {strides = array<i32>} : memref<80xi32, #tpu.memory_space<vmem>>, vector<16xi32>,
      %swap3A_857 = vector.shape_cast %swap3A_856 : vector<16xi32> to vector<16xi32>
      %swap3A_858 = vector.shape_cast %add3A_854 : vector<16xi32> to vector<16xi32>
      tpu.vector_store %arg13[%swap3A_855], %swap3A_858 {strides = array<i32>} : memref<80xi32, #tpu.memory_space<vmem>>, vector<16xi32>,
      %get3A_859 = arith.index_cast %add3A_845 : i32 to index
      %get3A_860 = tpu.vector_load %arg11[%get3A_859] {strides = array<i32>} : memref<2000xi32, #tpu.memory_space<vmem>>, vector<16xi32>,
      %get3A_861 = vector.shape_cast %get3A_860 : vector<16xi32> to vector<16xi32>
      %add3A_862 = vector.broadcast %mul3A_0 : i32 to vector<16xi32>
      %add3A_863 = arith.addi %get3A_861, %add3A_862 : vector<16xi32>
      %swap3A_864 = arith.constant 48 : index
      %swap3A_865 = tpu.vector_load %arg14[%swap3A_864] {strides = array<i32>} : memref<80xi32, #tpu.memory_space<vmem>>, vector<16xi32>,
      %swap3A_866 = vector.shape_cast %swap3A_865 : vector<16xi32> to vector<16xi32>
      %swap3A_867 = vector.shape_cast %add3A_863 : vector<16xi32> to vector<16xi32>
      tpu.vector_store %arg14[%swap3A_864], %swap3A_867 {strides = array<i32>} : memref<80xi32, #tpu.memory_space<vmem>>, vector<16xi32>,
      %mul3A_868 = arith.constant 80 : i32
      %mul3A_869 = arith.muli %rem3A_762, %mul3A_868 : i32
      %add3A_870 = arith.constant 64 : i32
      %add3A_871 = arith.addi %mul3A_869, %add3A_870 : i32
      %get3A_872 = arith.index_cast %add3A_871 : i32 to index
      %get3A_873 = tpu.vector_load %arg10[%get3A_872] {strides = array<i32>} : memref<2000xi32, #tpu.memory_space<vmem>>, vector<16xi32>,
      %get3A_874 = vector.shape_cast %get3A_873 : vector<16xi32> to vector<16xi32>
      %swap3A_875 = arith.constant 64 : index
      %swap3A_876 = tpu.vector_load %arg12[%swap3A_875] {strides = array<i32>} : memref<80xi32, #tpu.memory_space<vmem>>, vector<16xi32>,
      %swap3A_877 = vector.shape_cast %swap3A_876 : vector<16xi32> to vector<16xi32>
      %swap3A_878 = vector.shape_cast %get3A_874 : vector<16xi32> to vector<16xi32>
      tpu.vector_store %arg12[%swap3A_875], %swap3A_878 {strides = array<i32>} : memref<80xi32, #tpu.memory_space<vmem>>, vector<16xi32>,
      %add3A_879 = vector.broadcast %mul3A_0 : i32 to vector<16xi32>
      %add3A_880 = arith.addi %get3A_874, %add3A_879 : vector<16xi32>
      %swap3A_881 = arith.constant 64 : index
      %swap3A_882 = tpu.vector_load %arg13[%swap3A_881] {strides = array<i32>} : memref<80xi32, #tpu.memory_space<vmem>>, vector<16xi32>,
      %swap3A_883 = vector.shape_cast %swap3A_882 : vector<16xi32> to vector<16xi32>
      %swap3A_884 = vector.shape_cast %add3A_880 : vector<16xi32> to vector<16xi32>
      tpu.vector_store %arg13[%swap3A_881], %swap3A_884 {strides = array<i32>} : memref<80xi32, #tpu.memory_space<vmem>>, vector<16xi32>,
      %get3A_885 = arith.index_cast %add3A_871 : i32 to index
      %get3A_886 = tpu.vector_load %arg11[%get3A_885] {strides = array<i32>} : memref<2000xi32, #tpu.memory_space<vmem>>, vector<16xi32>,
      %get3A_887 = vector.shape_cast %get3A_886 : vector<16xi32> to vector<16xi32>
      %add3A_888 = vector.broadcast %mul3A_0 : i32 to vector<16xi32>
      %add3A_889 = arith.addi %get3A_887, %add3A_888 : vector<16xi32>
      %swap3A_890 = arith.constant 64 : index
      %swap3A_891 = tpu.vector_load %arg14[%swap3A_890] {strides = array<i32>} : memref<80xi32, #tpu.memory_space<vmem>>, vector<16xi32>,
      %swap3A_892 = vector.shape_cast %swap3A_891 : vector<16xi32> to vector<16xi32>
      %swap3A_893 = vector.shape_cast %add3A_889 : vector<16xi32> to vector<16xi32>
      tpu.vector_store %arg14[%swap3A_890], %swap3A_893 {strides = array<i32>} : memref<80xi32, #tpu.memory_space<vmem>>, vector<16xi32>,
      %dma_start3A = arith.constant 0 : i32
      %dma_start3A_894 = arith.constant 0 : i32
      %dma_start3A_895 = tpu.memref_slice %arg4[%dma_start3A, %dma_start3A_894] : memref<20000x128xf32, #tpu.memory_space<hbm>> -> memref<20000x128xf32, #tpu.memory_space<hbm>>
      tpu.enqueue_indirect_dma source(%dma_start3A_895 : memref<20000x128xf32, #tpu.memory_space<hbm>>) target(%arg15 : memref<80x128xf32, #tpu.memory_space<vmem>>) offsets(%arg13 : memref<80xi32, #tpu.memory_space<vmem>>) semaphore(%arg21 : memref<!tpu.dma_semaphore, #tpu.memory_space<semaphore_mem>>)
      %dma_start3A_896 = arith.constant 0 : i32
      %dma_start3A_897 = arith.constant 0 : i32
      %dma_start3A_898 = tpu.memref_slice %arg5[%dma_start3A_896, %dma_start3A_897] : memref<20000x256xf32, #tpu.memory_space<hbm>> -> memref<20000x256xf32, #tpu.memory_space<hbm>>
      tpu.enqueue_indirect_dma source(%dma_start3A_898 : memref<20000x256xf32, #tpu.memory_space<hbm>>) target(%arg16 : memref<80x256xf32, #tpu.memory_space<vmem>>) offsets(%arg14 : memref<80xi32, #tpu.memory_space<vmem>>) semaphore(%arg21 : memref<!tpu.dma_semaphore, #tpu.memory_space<semaphore_mem>>)
      %mul3A_899 = arith.constant 160000 : i32
      %mul3A_900 = arith.muli %arg0, %mul3A_899 : i32
      %add3A_901 = arith.addi %mul3A_900, %add3A_761 : i32
      %dma_start3A_902 = arith.constant 0 : i32
      %dma_start3A_903 = tpu.memref_slice %arg6[%add3A_901, %dma_start3A_902] : memref<320000x128xf32, #tpu.memory_space<hbm>> -> memref<80x128xf32, #tpu.memory_space<hbm>>
      %dma_start3A_904 = arith.constant 0 : i32
      %dma_start3A_905 = tpu.memref_slice %arg6[%add3A_901, %dma_start3A_904] : memref<320000x128xf32, #tpu.memory_space<hbm>> -> memref<80x128xf32, #tpu.memory_space<hbm>>
      tpu.enqueue_dma source(%dma_start3A_905 : memref<80x128xf32, #tpu.memory_space<hbm>>) target(%arg17 : memref<80x128xf32, #tpu.memory_space<vmem>>) target_semaphore(%arg21 : memref<!tpu.dma_semaphore, #tpu.memory_space<semaphore_mem>>)
      %dma_wait3A = arith.constant 0 : i32
      %dma_wait3A_906 = arith.constant 0 : i32
      %dma_wait3A_907 = tpu.memref_slice %arg4[%dma_wait3A, %dma_wait3A_906] : memref<20000x128xf32, #tpu.memory_space<hbm>> -> memref<20000x128xf32, #tpu.memory_space<hbm>>
      tpu.wait_indirect_dma semaphore(%arg21 : memref<!tpu.dma_semaphore, #tpu.memory_space<semaphore_mem>>) src(%dma_wait3A_907 : memref<20000x128xf32, #tpu.memory_space<hbm>>) dst(%arg15 : memref<80x128xf32, #tpu.memory_space<vmem>>)
      %dma_wait3A_908 = arith.constant 0 : i32
      %dma_wait3A_909 = arith.constant 0 : i32
      %dma_wait3A_910 = tpu.memref_slice %arg5[%dma_wait3A_908, %dma_wait3A_909] : memref<20000x256xf32, #tpu.memory_space<hbm>> -> memref<20000x256xf32, #tpu.memory_space<hbm>>
      tpu.wait_indirect_dma semaphore(%arg21 : memref<!tpu.dma_semaphore, #tpu.memory_space<semaphore_mem>>) src(%dma_wait3A_910 : memref<20000x256xf32, #tpu.memory_space<hbm>>) dst(%arg16 : memref<80x256xf32, #tpu.memory_space<vmem>>)
      %dma_wait3A_911 = arith.constant 0 : i32
      %dma_wait3A_912 = tpu.memref_slice %arg6[%add3A_901, %dma_wait3A_911] : memref<320000x128xf32, #tpu.memory_space<hbm>> -> memref<80x128xf32, #tpu.memory_space<hbm>>
      %dma_wait3A_913 = arith.constant 0 : i32
      %dma_wait3A_914 = tpu.memref_slice %arg6[%add3A_901, %dma_wait3A_913] : memref<320000x128xf32, #tpu.memory_space<hbm>> -> memref<80x128xf32, #tpu.memory_space<hbm>>
      tpu.wait_dma2 semaphore(%arg21 : memref<!tpu.dma_semaphore, #tpu.memory_space<semaphore_mem>>) src(%dma_wait3A_914 : memref<80x128xf32, #tpu.memory_space<hbm>>) dst(%arg17 : memref<80x128xf32, #tpu.memory_space<vmem>>)
      %parallel_loop3A = arith.constant 0 : i32
      %parallel_loop3A_915 = arith.constant 80 : i32
      %parallel_loop3A_916 = arith.constant 1 : i32
      %parallel_loop3A_917:16 = scf.for %parallel_loop3A_921 = %parallel_loop3A to %parallel_loop3A_915 step %parallel_loop3A_916 iter_args(%parallel_loop3A_922 = %scan3A_741, %parallel_loop3A_923 = %scan3A_742, %parallel_loop3A_924 = %scan3A_743, %parallel_loop3A_925 = %scan3A_744, %parallel_loop3A_926 = %scan3A_745, %parallel_loop3A_927 = %scan3A_746, %parallel_loop3A_928 = %scan3A_747, %parallel_loop3A_929 = %scan3A_748, %parallel_loop3A_930 = %scan3A_749, %parallel_loop3A_931 = %scan3A_750, %parallel_loop3A_932 = %scan3A_751, %parallel_loop3A_933 = %scan3A_752, %parallel_loop3A_934 = %scan3A_753, %parallel_loop3A_935 = %scan3A_754, %parallel_loop3A_936 = %scan3A_755, %parallel_loop3A_937 = %scan3A_756) -> (vector<16xf32>, vector<16xf32>, vector<16xf32>, vector<16xf32>, vector<16xf32>, vector<16xf32>, vector<16xf32>, vector<16xf32>, vector<16xf32>, vector<16xf32>, vector<16xf32>, vector<16xf32>, vector<16xf32>, vector<16xf32>, vector<16xf32>, vector<16xf32>)  : i32 {
        %parallel_loop3A_938 = arith.index_cast %parallel_loop3A_921 : i32 to index
        %parallel_loop3A_939 = arith.constant 0 : index
        %parallel_loop3A_940 = tpu.vector_load %arg15[%parallel_loop3A_938, %parallel_loop3A_939] {strides = array<i32>} : memref<80x128xf32, #tpu.memory_space<vmem>>, vector<1x16xf32>,
        %parallel_loop3A_941 = vector.shape_cast %parallel_loop3A_940 : vector<1x16xf32> to vector<16xf32>
        %parallel_loop3A_942 = arith.index_cast %parallel_loop3A_921 : i32 to index
        %parallel_loop3A_943 = arith.constant 0 : index
        %parallel_loop3A_944 = tpu.vector_load %arg16[%parallel_loop3A_942, %parallel_loop3A_943] {strides = array<i32>} : memref<80x256xf32, #tpu.memory_space<vmem>>, vector<1x16xf32>,
        %parallel_loop3A_945 = vector.shape_cast %parallel_loop3A_944 : vector<1x16xf32> to vector<16xf32>
        %parallel_loop3A_946 = arith.addf %parallel_loop3A_941, %parallel_loop3A_945 : vector<16xf32>
        %parallel_loop3A_947 = arith.index_cast %parallel_loop3A_921 : i32 to index
        %parallel_loop3A_948 = arith.constant 0 : index
        %parallel_loop3A_949 = tpu.vector_load %arg17[%parallel_loop3A_947, %parallel_loop3A_948] {strides = array<i32>} : memref<80x128xf32, #tpu.memory_space<vmem>>, vector<1x16xf32>,
        %parallel_loop3A_950 = vector.shape_cast %parallel_loop3A_949 : vector<1x16xf32> to vector<16xf32>
        %parallel_loop3A_951 = arith.addf %parallel_loop3A_946, %parallel_loop3A_950 : vector<16xf32>
        %parallel_loop3A_952 = arith.index_cast %parallel_loop3A_921 : i32 to index
        %parallel_loop3A_953 = arith.constant 0 : index
        %parallel_loop3A_954 = tpu.vector_load %arg17[%parallel_loop3A_952, %parallel_loop3A_953] {strides = array<i32>} : memref<80x128xf32, #tpu.memory_space<vmem>>, vector<1x16xf32>,
        %parallel_loop3A_955 = vector.shape_cast %parallel_loop3A_954 : vector<1x16xf32> to vector<16xf32>
        %parallel_loop3A_956 = vector.shape_cast %parallel_loop3A_951 : vector<16xf32> to vector<1x16xf32>
        tpu.vector_store %arg17[%parallel_loop3A_952, %parallel_loop3A_953], %parallel_loop3A_956 {strides = array<i32>} : memref<80x128xf32, #tpu.memory_space<vmem>>, vector<1x16xf32>,
        %parallel_loop3A_957 = arith.constant 0.000000e+00 : f32
        %parallel_loop3A_958 = vector.broadcast %parallel_loop3A_957 : f32 to vector<16xf32>
        %parallel_loop3A_959 = arith.subf %parallel_loop3A_958, %parallel_loop3A_951 : vector<16xf32>
        %parallel_loop3A_960 = math.exp %parallel_loop3A_959 : vector<16xf32>
        %parallel_loop3A_961 = arith.constant 1.000000e+00 : f32
        %parallel_loop3A_962 = vector.broadcast %parallel_loop3A_961 : f32 to vector<16xf32>
        %parallel_loop3A_963 = arith.addf %parallel_loop3A_962, %parallel_loop3A_960 : vector<16xf32>
        %parallel_loop3A_964 = arith.constant 1.000000e+00 : f32
        %parallel_loop3A_965 = vector.broadcast %parallel_loop3A_964 : f32 to vector<16xf32>
        %parallel_loop3A_966 = arith.divf %parallel_loop3A_965, %parallel_loop3A_963 : vector<16xf32>
        %parallel_loop3A_967 = arith.index_cast %parallel_loop3A_921 : i32 to index
        %parallel_loop3A_968 = arith.constant 128 : index
        %parallel_loop3A_969 = tpu.vector_load %arg16[%parallel_loop3A_967, %parallel_loop3A_968] {strides = array<i32>} : memref<80x256xf32, #tpu.memory_space<vmem>>, vector<1x16xf32>,
        %parallel_loop3A_970 = vector.shape_cast %parallel_loop3A_969 : vector<1x16xf32> to vector<16xf32>
        %parallel_loop3A_971 = arith.mulf %parallel_loop3A_970, %parallel_loop3A_966 : vector<16xf32>
        %parallel_loop3A_972 = arith.index_cast %parallel_loop3A_921 : i32 to index
        %parallel_loop3A_973 = arith.constant 0 : index
        %parallel_loop3A_974 = tpu.vector_load %arg15[%parallel_loop3A_972, %parallel_loop3A_973] {strides = array<i32>} : memref<80x128xf32, #tpu.memory_space<vmem>>, vector<1x16xf32>,
        %parallel_loop3A_975 = vector.shape_cast %parallel_loop3A_974 : vector<1x16xf32> to vector<16xf32>
        %parallel_loop3A_976 = vector.shape_cast %parallel_loop3A_971 : vector<16xf32> to vector<1x16xf32>
        tpu.vector_store %arg15[%parallel_loop3A_972, %parallel_loop3A_973], %parallel_loop3A_976 {strides = array<i32>} : memref<80x128xf32, #tpu.memory_space<vmem>>, vector<1x16xf32>,
        %parallel_loop3A_977 = arith.addf %parallel_loop3A_922, %parallel_loop3A_951 : vector<16xf32>
        %parallel_loop3A_978 = arith.mulf %parallel_loop3A_951, %parallel_loop3A_951 : vector<16xf32>
        %parallel_loop3A_979 = arith.addf %parallel_loop3A_930, %parallel_loop3A_978 : vector<16xf32>
        %parallel_loop3A_980 = arith.index_cast %parallel_loop3A_921 : i32 to index
        %parallel_loop3A_981 = arith.constant 16 : index
        %parallel_loop3A_982 = tpu.vector_load %arg15[%parallel_loop3A_980, %parallel_loop3A_981] {strides = array<i32>} : memref<80x128xf32, #tpu.memory_space<vmem>>, vector<1x16xf32>,
        %parallel_loop3A_983 = vector.shape_cast %parallel_loop3A_982 : vector<1x16xf32> to vector<16xf32>
        %parallel_loop3A_984 = arith.index_cast %parallel_loop3A_921 : i32 to index
        %parallel_loop3A_985 = arith.constant 16 : index
        %parallel_loop3A_986 = tpu.vector_load %arg16[%parallel_loop3A_984, %parallel_loop3A_985] {strides = array<i32>} : memref<80x256xf32, #tpu.memory_space<vmem>>, vector<1x16xf32>,
        %parallel_loop3A_987 = vector.shape_cast %parallel_loop3A_986 : vector<1x16xf32> to vector<16xf32>
        %parallel_loop3A_988 = arith.addf %parallel_loop3A_983, %parallel_loop3A_987 : vector<16xf32>
        %parallel_loop3A_989 = arith.index_cast %parallel_loop3A_921 : i32 to index
        %parallel_loop3A_990 = arith.constant 16 : index
        %parallel_loop3A_991 = tpu.vector_load %arg17[%parallel_loop3A_989, %parallel_loop3A_990] {strides = array<i32>} : memref<80x128xf32, #tpu.memory_space<vmem>>, vector<1x16xf32>,
        %parallel_loop3A_992 = vector.shape_cast %parallel_loop3A_991 : vector<1x16xf32> to vector<16xf32>
        %parallel_loop3A_993 = arith.addf %parallel_loop3A_988, %parallel_loop3A_992 : vector<16xf32>
        %parallel_loop3A_994 = arith.index_cast %parallel_loop3A_921 : i32 to index
        %parallel_loop3A_995 = arith.constant 16 : index
        %parallel_loop3A_996 = tpu.vector_load %arg17[%parallel_loop3A_994, %parallel_loop3A_995] {strides = array<i32>} : memref<80x128xf32, #tpu.memory_space<vmem>>, vector<1x16xf32>,
        %parallel_loop3A_997 = vector.shape_cast %parallel_loop3A_996 : vector<1x16xf32> to vector<16xf32>
        %parallel_loop3A_998 = vector.shape_cast %parallel_loop3A_993 : vector<16xf32> to vector<1x16xf32>
        tpu.vector_store %arg17[%parallel_loop3A_994, %parallel_loop3A_995], %parallel_loop3A_998 {strides = array<i32>} : memref<80x128xf32, #tpu.memory_space<vmem>>, vector<1x16xf32>,
        %parallel_loop3A_999 = arith.constant 0.000000e+00 : f32
        %parallel_loop3A_1000 = vector.broadcast %parallel_loop3A_999 : f32 to vector<16xf32>
        %parallel_loop3A_1001 = arith.subf %parallel_loop3A_1000, %parallel_loop3A_993 : vector<16xf32>
        %parallel_loop3A_1002 = math.exp %parallel_loop3A_1001 : vector<16xf32>
        %parallel_loop3A_1003 = arith.constant 1.000000e+00 : f32
        %parallel_loop3A_1004 = vector.broadcast %parallel_loop3A_1003 : f32 to vector<16xf32>
        %parallel_loop3A_1005 = arith.addf %parallel_loop3A_1004, %parallel_loop3A_1002 : vector<16xf32>
        %parallel_loop3A_1006 = arith.constant 1.000000e+00 : f32
        %parallel_loop3A_1007 = vector.broadcast %parallel_loop3A_1006 : f32 to vector<16xf32>
        %parallel_loop3A_1008 = arith.divf %parallel_loop3A_1007, %parallel_loop3A_1005 : vector<16xf32>
        %parallel_loop3A_1009 = arith.index_cast %parallel_loop3A_921 : i32 to index
        %parallel_loop3A_1010 = arith.constant 144 : index
        %parallel_loop3A_1011 = tpu.vector_load %arg16[%parallel_loop3A_1009, %parallel_loop3A_1010] {strides = array<i32>} : memref<80x256xf32, #tpu.memory_space<vmem>>, vector<1x16xf32>,
        %parallel_loop3A_1012 = vector.shape_cast %parallel_loop3A_1011 : vector<1x16xf32> to vector<16xf32>
        %parallel_loop3A_1013 = arith.mulf %parallel_loop3A_1012, %parallel_loop3A_1008 : vector<16xf32>
        %parallel_loop3A_1014 = arith.index_cast %parallel_loop3A_921 : i32 to index
        %parallel_loop3A_1015 = arith.constant 16 : index
        %parallel_loop3A_1016 = tpu.vector_load %arg15[%parallel_loop3A_1014, %parallel_loop3A_1015] {strides = array<i32>} : memref<80x128xf32, #tpu.memory_space<vmem>>, vector<1x16xf32>,
        %parallel_loop3A_1017 = vector.shape_cast %parallel_loop3A_1016 : vector<1x16xf32> to vector<16xf32>
        %parallel_loop3A_1018 = vector.shape_cast %parallel_loop3A_1013 : vector<16xf32> to vector<1x16xf32>
        tpu.vector_store %arg15[%parallel_loop3A_1014, %parallel_loop3A_1015], %parallel_loop3A_1018 {strides = array<i32>} : memref<80x128xf32, #tpu.memory_space<vmem>>, vector<1x16xf32>,
        %parallel_loop3A_1019 = arith.addf %parallel_loop3A_923, %parallel_loop3A_993 : vector<16xf32>
        %parallel_loop3A_1020 = arith.mulf %parallel_loop3A_993, %parallel_loop3A_993 : vector<16xf32>
        %parallel_loop3A_1021 = arith.addf %parallel_loop3A_931, %parallel_loop3A_1020 : vector<16xf32>
        %parallel_loop3A_1022 = arith.index_cast %parallel_loop3A_921 : i32 to index
        %parallel_loop3A_1023 = arith.constant 32 : index
        %parallel_loop3A_1024 = tpu.vector_load %arg15[%parallel_loop3A_1022, %parallel_loop3A_1023] {strides = array<i32>} : memref<80x128xf32, #tpu.memory_space<vmem>>, vector<1x16xf32>,
        %parallel_loop3A_1025 = vector.shape_cast %parallel_loop3A_1024 : vector<1x16xf32> to vector<16xf32>
        %parallel_loop3A_1026 = arith.index_cast %parallel_loop3A_921 : i32 to index
        %parallel_loop3A_1027 = arith.constant 32 : index
        %parallel_loop3A_1028 = tpu.vector_load %arg16[%parallel_loop3A_1026, %parallel_loop3A_1027] {strides = array<i32>} : memref<80x256xf32, #tpu.memory_space<vmem>>, vector<1x16xf32>,
        %parallel_loop3A_1029 = vector.shape_cast %parallel_loop3A_1028 : vector<1x16xf32> to vector<16xf32>
        %parallel_loop3A_1030 = arith.addf %parallel_loop3A_1025, %parallel_loop3A_1029 : vector<16xf32>
        %parallel_loop3A_1031 = arith.index_cast %parallel_loop3A_921 : i32 to index
        %parallel_loop3A_1032 = arith.constant 32 : index
        %parallel_loop3A_1033 = tpu.vector_load %arg17[%parallel_loop3A_1031, %parallel_loop3A_1032] {strides = array<i32>} : memref<80x128xf32, #tpu.memory_space<vmem>>, vector<1x16xf32>,
        %parallel_loop3A_1034 = vector.shape_cast %parallel_loop3A_1033 : vector<1x16xf32> to vector<16xf32>
        %parallel_loop3A_1035 = arith.addf %parallel_loop3A_1030, %parallel_loop3A_1034 : vector<16xf32>
        %parallel_loop3A_1036 = arith.index_cast %parallel_loop3A_921 : i32 to index
        %parallel_loop3A_1037 = arith.constant 32 : index
        %parallel_loop3A_1038 = tpu.vector_load %arg17[%parallel_loop3A_1036, %parallel_loop3A_1037] {strides = array<i32>} : memref<80x128xf32, #tpu.memory_space<vmem>>, vector<1x16xf32>,
        %parallel_loop3A_1039 = vector.shape_cast %parallel_loop3A_1038 : vector<1x16xf32> to vector<16xf32>
        %parallel_loop3A_1040 = vector.shape_cast %parallel_loop3A_1035 : vector<16xf32> to vector<1x16xf32>
        tpu.vector_store %arg17[%parallel_loop3A_1036, %parallel_loop3A_1037], %parallel_loop3A_1040 {strides = array<i32>} : memref<80x128xf32, #tpu.memory_space<vmem>>, vector<1x16xf32>,
        %parallel_loop3A_1041 = arith.constant 0.000000e+00 : f32
        %parallel_loop3A_1042 = vector.broadcast %parallel_loop3A_1041 : f32 to vector<16xf32>
        %parallel_loop3A_1043 = arith.subf %parallel_loop3A_1042, %parallel_loop3A_1035 : vector<16xf32>
        %parallel_loop3A_1044 = math.exp %parallel_loop3A_1043 : vector<16xf32>
        %parallel_loop3A_1045 = arith.constant 1.000000e+00 : f32
        %parallel_loop3A_1046 = vector.broadcast %parallel_loop3A_1045 : f32 to vector<16xf32>
        %parallel_loop3A_1047 = arith.addf %parallel_loop3A_1046, %parallel_loop3A_1044 : vector<16xf32>
        %parallel_loop3A_1048 = arith.constant 1.000000e+00 : f32
        %parallel_loop3A_1049 = vector.broadcast %parallel_loop3A_1048 : f32 to vector<16xf32>
        %parallel_loop3A_1050 = arith.divf %parallel_loop3A_1049, %parallel_loop3A_1047 : vector<16xf32>
        %parallel_loop3A_1051 = arith.index_cast %parallel_loop3A_921 : i32 to index
        %parallel_loop3A_1052 = arith.constant 160 : index
        %parallel_loop3A_1053 = tpu.vector_load %arg16[%parallel_loop3A_1051, %parallel_loop3A_1052] {strides = array<i32>} : memref<80x256xf32, #tpu.memory_space<vmem>>, vector<1x16xf32>,
        %parallel_loop3A_1054 = vector.shape_cast %parallel_loop3A_1053 : vector<1x16xf32> to vector<16xf32>
        %parallel_loop3A_1055 = arith.mulf %parallel_loop3A_1054, %parallel_loop3A_1050 : vector<16xf32>
        %parallel_loop3A_1056 = arith.index_cast %parallel_loop3A_921 : i32 to index
        %parallel_loop3A_1057 = arith.constant 32 : index
        %parallel_loop3A_1058 = tpu.vector_load %arg15[%parallel_loop3A_1056, %parallel_loop3A_1057] {strides = array<i32>} : memref<80x128xf32, #tpu.memory_space<vmem>>, vector<1x16xf32>,
        %parallel_loop3A_1059 = vector.shape_cast %parallel_loop3A_1058 : vector<1x16xf32> to vector<16xf32>
        %parallel_loop3A_1060 = vector.shape_cast %parallel_loop3A_1055 : vector<16xf32> to vector<1x16xf32>
        tpu.vector_store %arg15[%parallel_loop3A_1056, %parallel_loop3A_1057], %parallel_loop3A_1060 {strides = array<i32>} : memref<80x128xf32, #tpu.memory_space<vmem>>, vector<1x16xf32>,
        %parallel_loop3A_1061 = arith.addf %parallel_loop3A_924, %parallel_loop3A_1035 : vector<16xf32>
        %parallel_loop3A_1062 = arith.mulf %parallel_loop3A_1035, %parallel_loop3A_1035 : vector<16xf32>
        %parallel_loop3A_1063 = arith.addf %parallel_loop3A_932, %parallel_loop3A_1062 : vector<16xf32>
        %parallel_loop3A_1064 = arith.index_cast %parallel_loop3A_921 : i32 to index
        %parallel_loop3A_1065 = arith.constant 48 : index
        %parallel_loop3A_1066 = tpu.vector_load %arg15[%parallel_loop3A_1064, %parallel_loop3A_1065] {strides = array<i32>} : memref<80x128xf32, #tpu.memory_space<vmem>>, vector<1x16xf32>,
        %parallel_loop3A_1067 = vector.shape_cast %parallel_loop3A_1066 : vector<1x16xf32> to vector<16xf32>
        %parallel_loop3A_1068 = arith.index_cast %parallel_loop3A_921 : i32 to index
        %parallel_loop3A_1069 = arith.constant 48 : index
        %parallel_loop3A_1070 = tpu.vector_load %arg16[%parallel_loop3A_1068, %parallel_loop3A_1069] {strides = array<i32>} : memref<80x256xf32, #tpu.memory_space<vmem>>, vector<1x16xf32>,
        %parallel_loop3A_1071 = vector.shape_cast %parallel_loop3A_1070 : vector<1x16xf32> to vector<16xf32>
        %parallel_loop3A_1072 = arith.addf %parallel_loop3A_1067, %parallel_loop3A_1071 : vector<16xf32>
        %parallel_loop3A_1073 = arith.index_cast %parallel_loop3A_921 : i32 to index
        %parallel_loop3A_1074 = arith.constant 48 : index
        %parallel_loop3A_1075 = tpu.vector_load %arg17[%parallel_loop3A_1073, %parallel_loop3A_1074] {strides = array<i32>} : memref<80x128xf32, #tpu.memory_space<vmem>>, vector<1x16xf32>,
        %parallel_loop3A_1076 = vector.shape_cast %parallel_loop3A_1075 : vector<1x16xf32> to vector<16xf32>
        %parallel_loop3A_1077 = arith.addf %parallel_loop3A_1072, %parallel_loop3A_1076 : vector<16xf32>
        %parallel_loop3A_1078 = arith.index_cast %parallel_loop3A_921 : i32 to index
        %parallel_loop3A_1079 = arith.constant 48 : index
        %parallel_loop3A_1080 = tpu.vector_load %arg17[%parallel_loop3A_1078, %parallel_loop3A_1079] {strides = array<i32>} : memref<80x128xf32, #tpu.memory_space<vmem>>, vector<1x16xf32>,
        %parallel_loop3A_1081 = vector.shape_cast %parallel_loop3A_1080 : vector<1x16xf32> to vector<16xf32>
        %parallel_loop3A_1082 = vector.shape_cast %parallel_loop3A_1077 : vector<16xf32> to vector<1x16xf32>
        tpu.vector_store %arg17[%parallel_loop3A_1078, %parallel_loop3A_1079], %parallel_loop3A_1082 {strides = array<i32>} : memref<80x128xf32, #tpu.memory_space<vmem>>, vector<1x16xf32>,
        %parallel_loop3A_1083 = arith.constant 0.000000e+00 : f32
        %parallel_loop3A_1084 = vector.broadcast %parallel_loop3A_1083 : f32 to vector<16xf32>
        %parallel_loop3A_1085 = arith.subf %parallel_loop3A_1084, %parallel_loop3A_1077 : vector<16xf32>
        %parallel_loop3A_1086 = math.exp %parallel_loop3A_1085 : vector<16xf32>
        %parallel_loop3A_1087 = arith.constant 1.000000e+00 : f32
        %parallel_loop3A_1088 = vector.broadcast %parallel_loop3A_1087 : f32 to vector<16xf32>
        %parallel_loop3A_1089 = arith.addf %parallel_loop3A_1088, %parallel_loop3A_1086 : vector<16xf32>
        %parallel_loop3A_1090 = arith.constant 1.000000e+00 : f32
        %parallel_loop3A_1091 = vector.broadcast %parallel_loop3A_1090 : f32 to vector<16xf32>
        %parallel_loop3A_1092 = arith.divf %parallel_loop3A_1091, %parallel_loop3A_1089 : vector<16xf32>
        %parallel_loop3A_1093 = arith.index_cast %parallel_loop3A_921 : i32 to index
        %parallel_loop3A_1094 = arith.constant 176 : index
        %parallel_loop3A_1095 = tpu.vector_load %arg16[%parallel_loop3A_1093, %parallel_loop3A_1094] {strides = array<i32>} : memref<80x256xf32, #tpu.memory_space<vmem>>, vector<1x16xf32>,
        %parallel_loop3A_1096 = vector.shape_cast %parallel_loop3A_1095 : vector<1x16xf32> to vector<16xf32>
        %parallel_loop3A_1097 = arith.mulf %parallel_loop3A_1096, %parallel_loop3A_1092 : vector<16xf32>
        %parallel_loop3A_1098 = arith.index_cast %parallel_loop3A_921 : i32 to index
        %parallel_loop3A_1099 = arith.constant 48 : index
        %parallel_loop3A_1100 = tpu.vector_load %arg15[%parallel_loop3A_1098, %parallel_loop3A_1099] {strides = array<i32>} : memref<80x128xf32, #tpu.memory_space<vmem>>, vector<1x16xf32>,
        %parallel_loop3A_1101 = vector.shape_cast %parallel_loop3A_1100 : vector<1x16xf32> to vector<16xf32>
        %parallel_loop3A_1102 = vector.shape_cast %parallel_loop3A_1097 : vector<16xf32> to vector<1x16xf32>
        tpu.vector_store %arg15[%parallel_loop3A_1098, %parallel_loop3A_1099], %parallel_loop3A_1102 {strides = array<i32>} : memref<80x128xf32, #tpu.memory_space<vmem>>, vector<1x16xf32>,
        %parallel_loop3A_1103 = arith.addf %parallel_loop3A_925, %parallel_loop3A_1077 : vector<16xf32>
        %parallel_loop3A_1104 = arith.mulf %parallel_loop3A_1077, %parallel_loop3A_1077 : vector<16xf32>
        %parallel_loop3A_1105 = arith.addf %parallel_loop3A_933, %parallel_loop3A_1104 : vector<16xf32>
        %parallel_loop3A_1106 = arith.index_cast %parallel_loop3A_921 : i32 to index
        %parallel_loop3A_1107 = arith.constant 64 : index
        %parallel_loop3A_1108 = tpu.vector_load %arg15[%parallel_loop3A_1106, %parallel_loop3A_1107] {strides = array<i32>} : memref<80x128xf32, #tpu.memory_space<vmem>>, vector<1x16xf32>,
        %parallel_loop3A_1109 = vector.shape_cast %parallel_loop3A_1108 : vector<1x16xf32> to vector<16xf32>
        %parallel_loop3A_1110 = arith.index_cast %parallel_loop3A_921 : i32 to index
        %parallel_loop3A_1111 = arith.constant 64 : index
        %parallel_loop3A_1112 = tpu.vector_load %arg16[%parallel_loop3A_1110, %parallel_loop3A_1111] {strides = array<i32>} : memref<80x256xf32, #tpu.memory_space<vmem>>, vector<1x16xf32>,
        %parallel_loop3A_1113 = vector.shape_cast %parallel_loop3A_1112 : vector<1x16xf32> to vector<16xf32>
        %parallel_loop3A_1114 = arith.addf %parallel_loop3A_1109, %parallel_loop3A_1113 : vector<16xf32>
        %parallel_loop3A_1115 = arith.index_cast %parallel_loop3A_921 : i32 to index
        %parallel_loop3A_1116 = arith.constant 64 : index
        %parallel_loop3A_1117 = tpu.vector_load %arg17[%parallel_loop3A_1115, %parallel_loop3A_1116] {strides = array<i32>} : memref<80x128xf32, #tpu.memory_space<vmem>>, vector<1x16xf32>,
        %parallel_loop3A_1118 = vector.shape_cast %parallel_loop3A_1117 : vector<1x16xf32> to vector<16xf32>
        %parallel_loop3A_1119 = arith.addf %parallel_loop3A_1114, %parallel_loop3A_1118 : vector<16xf32>
        %parallel_loop3A_1120 = arith.index_cast %parallel_loop3A_921 : i32 to index
        %parallel_loop3A_1121 = arith.constant 64 : index
        %parallel_loop3A_1122 = tpu.vector_load %arg17[%parallel_loop3A_1120, %parallel_loop3A_1121] {strides = array<i32>} : memref<80x128xf32, #tpu.memory_space<vmem>>, vector<1x16xf32>,
        %parallel_loop3A_1123 = vector.shape_cast %parallel_loop3A_1122 : vector<1x16xf32> to vector<16xf32>
        %parallel_loop3A_1124 = vector.shape_cast %parallel_loop3A_1119 : vector<16xf32> to vector<1x16xf32>
        tpu.vector_store %arg17[%parallel_loop3A_1120, %parallel_loop3A_1121], %parallel_loop3A_1124 {strides = array<i32>} : memref<80x128xf32, #tpu.memory_space<vmem>>, vector<1x16xf32>,
        %parallel_loop3A_1125 = arith.constant 0.000000e+00 : f32
        %parallel_loop3A_1126 = vector.broadcast %parallel_loop3A_1125 : f32 to vector<16xf32>
        %parallel_loop3A_1127 = arith.subf %parallel_loop3A_1126, %parallel_loop3A_1119 : vector<16xf32>
        %parallel_loop3A_1128 = math.exp %parallel_loop3A_1127 : vector<16xf32>
        %parallel_loop3A_1129 = arith.constant 1.000000e+00 : f32
        %parallel_loop3A_1130 = vector.broadcast %parallel_loop3A_1129 : f32 to vector<16xf32>
        %parallel_loop3A_1131 = arith.addf %parallel_loop3A_1130, %parallel_loop3A_1128 : vector<16xf32>
        %parallel_loop3A_1132 = arith.constant 1.000000e+00 : f32
        %parallel_loop3A_1133 = vector.broadcast %parallel_loop3A_1132 : f32 to vector<16xf32>
        %parallel_loop3A_1134 = arith.divf %parallel_loop3A_1133, %parallel_loop3A_1131 : vector<16xf32>
        %parallel_loop3A_1135 = arith.index_cast %parallel_loop3A_921 : i32 to index
        %parallel_loop3A_1136 = arith.constant 192 : index
        %parallel_loop3A_1137 = tpu.vector_load %arg16[%parallel_loop3A_1135, %parallel_loop3A_1136] {strides = array<i32>} : memref<80x256xf32, #tpu.memory_space<vmem>>, vector<1x16xf32>,
        %parallel_loop3A_1138 = vector.shape_cast %parallel_loop3A_1137 : vector<1x16xf32> to vector<16xf32>
        %parallel_loop3A_1139 = arith.mulf %parallel_loop3A_1138, %parallel_loop3A_1134 : vector<16xf32>
        %parallel_loop3A_1140 = arith.index_cast %parallel_loop3A_921 : i32 to index
        %parallel_loop3A_1141 = arith.constant 64 : index
        %parallel_loop3A_1142 = tpu.vector_load %arg15[%parallel_loop3A_1140, %parallel_loop3A_1141] {strides = array<i32>} : memref<80x128xf32, #tpu.memory_space<vmem>>, vector<1x16xf32>,
        %parallel_loop3A_1143 = vector.shape_cast %parallel_loop3A_1142 : vector<1x16xf32> to vector<16xf32>
        %parallel_loop3A_1144 = vector.shape_cast %parallel_loop3A_1139 : vector<16xf32> to vector<1x16xf32>
        tpu.vector_store %arg15[%parallel_loop3A_1140, %parallel_loop3A_1141], %parallel_loop3A_1144 {strides = array<i32>} : memref<80x128xf32, #tpu.memory_space<vmem>>, vector<1x16xf32>,
        %parallel_loop3A_1145 = arith.addf %parallel_loop3A_926, %parallel_loop3A_1119 : vector<16xf32>
        %parallel_loop3A_1146 = arith.mulf %parallel_loop3A_1119, %parallel_loop3A_1119 : vector<16xf32>
        %parallel_loop3A_1147 = arith.addf %parallel_loop3A_934, %parallel_loop3A_1146 : vector<16xf32>
        %parallel_loop3A_1148 = arith.index_cast %parallel_loop3A_921 : i32 to index
        %parallel_loop3A_1149 = arith.constant 80 : index
        %parallel_loop3A_1150 = tpu.vector_load %arg15[%parallel_loop3A_1148, %parallel_loop3A_1149] {strides = array<i32>} : memref<80x128xf32, #tpu.memory_space<vmem>>, vector<1x16xf32>,
        %parallel_loop3A_1151 = vector.shape_cast %parallel_loop3A_1150 : vector<1x16xf32> to vector<16xf32>
        %parallel_loop3A_1152 = arith.index_cast %parallel_loop3A_921 : i32 to index
        %parallel_loop3A_1153 = arith.constant 80 : index
        %parallel_loop3A_1154 = tpu.vector_load %arg16[%parallel_loop3A_1152, %parallel_loop3A_1153] {strides = array<i32>} : memref<80x256xf32, #tpu.memory_space<vmem>>, vector<1x16xf32>,
        %parallel_loop3A_1155 = vector.shape_cast %parallel_loop3A_1154 : vector<1x16xf32> to vector<16xf32>
        %parallel_loop3A_1156 = arith.addf %parallel_loop3A_1151, %parallel_loop3A_1155 : vector<16xf32>
        %parallel_loop3A_1157 = arith.index_cast %parallel_loop3A_921 : i32 to index
        %parallel_loop3A_1158 = arith.constant 80 : index
        %parallel_loop3A_1159 = tpu.vector_load %arg17[%parallel_loop3A_1157, %parallel_loop3A_1158] {strides = array<i32>} : memref<80x128xf32, #tpu.memory_space<vmem>>, vector<1x16xf32>,
        %parallel_loop3A_1160 = vector.shape_cast %parallel_loop3A_1159 : vector<1x16xf32> to vector<16xf32>
        %parallel_loop3A_1161 = arith.addf %parallel_loop3A_1156, %parallel_loop3A_1160 : vector<16xf32>
        %parallel_loop3A_1162 = arith.index_cast %parallel_loop3A_921 : i32 to index
        %parallel_loop3A_1163 = arith.constant 80 : index
        %parallel_loop3A_1164 = tpu.vector_load %arg17[%parallel_loop3A_1162, %parallel_loop3A_1163] {strides = array<i32>} : memref<80x128xf32, #tpu.memory_space<vmem>>, vector<1x16xf32>,
        %parallel_loop3A_1165 = vector.shape_cast %parallel_loop3A_1164 : vector<1x16xf32> to vector<16xf32>
        %parallel_loop3A_1166 = vector.shape_cast %parallel_loop3A_1161 : vector<16xf32> to vector<1x16xf32>
        tpu.vector_store %arg17[%parallel_loop3A_1162, %parallel_loop3A_1163], %parallel_loop3A_1166 {strides = array<i32>} : memref<80x128xf32, #tpu.memory_space<vmem>>, vector<1x16xf32>,
        %parallel_loop3A_1167 = arith.constant 0.000000e+00 : f32
        %parallel_loop3A_1168 = vector.broadcast %parallel_loop3A_1167 : f32 to vector<16xf32>
        %parallel_loop3A_1169 = arith.subf %parallel_loop3A_1168, %parallel_loop3A_1161 : vector<16xf32>
        %parallel_loop3A_1170 = math.exp %parallel_loop3A_1169 : vector<16xf32>
        %parallel_loop3A_1171 = arith.constant 1.000000e+00 : f32
        %parallel_loop3A_1172 = vector.broadcast %parallel_loop3A_1171 : f32 to vector<16xf32>
        %parallel_loop3A_1173 = arith.addf %parallel_loop3A_1172, %parallel_loop3A_1170 : vector<16xf32>
        %parallel_loop3A_1174 = arith.constant 1.000000e+00 : f32
        %parallel_loop3A_1175 = vector.broadcast %parallel_loop3A_1174 : f32 to vector<16xf32>
        %parallel_loop3A_1176 = arith.divf %parallel_loop3A_1175, %parallel_loop3A_1173 : vector<16xf32>
        %parallel_loop3A_1177 = arith.index_cast %parallel_loop3A_921 : i32 to index
        %parallel_loop3A_1178 = arith.constant 208 : index
        %parallel_loop3A_1179 = tpu.vector_load %arg16[%parallel_loop3A_1177, %parallel_loop3A_1178] {strides = array<i32>} : memref<80x256xf32, #tpu.memory_space<vmem>>, vector<1x16xf32>,
        %parallel_loop3A_1180 = vector.shape_cast %parallel_loop3A_1179 : vector<1x16xf32> to vector<16xf32>
        %parallel_loop3A_1181 = arith.mulf %parallel_loop3A_1180, %parallel_loop3A_1176 : vector<16xf32>
        %parallel_loop3A_1182 = arith.index_cast %parallel_loop3A_921 : i32 to index
        %parallel_loop3A_1183 = arith.constant 80 : index
        %parallel_loop3A_1184 = tpu.vector_load %arg15[%parallel_loop3A_1182, %parallel_loop3A_1183] {strides = array<i32>} : memref<80x128xf32, #tpu.memory_space<vmem>>, vector<1x16xf32>,
        %parallel_loop3A_1185 = vector.shape_cast %parallel_loop3A_1184 : vector<1x16xf32> to vector<16xf32>
        %parallel_loop3A_1186 = vector.shape_cast %parallel_loop3A_1181 : vector<16xf32> to vector<1x16xf32>
        tpu.vector_store %arg15[%parallel_loop3A_1182, %parallel_loop3A_1183], %parallel_loop3A_1186 {strides = array<i32>} : memref<80x128xf32, #tpu.memory_space<vmem>>, vector<1x16xf32>,
        %parallel_loop3A_1187 = arith.addf %parallel_loop3A_927, %parallel_loop3A_1161 : vector<16xf32>
        %parallel_loop3A_1188 = arith.mulf %parallel_loop3A_1161, %parallel_loop3A_1161 : vector<16xf32>
        %parallel_loop3A_1189 = arith.addf %parallel_loop3A_935, %parallel_loop3A_1188 : vector<16xf32>
        %parallel_loop3A_1190 = arith.index_cast %parallel_loop3A_921 : i32 to index
        %parallel_loop3A_1191 = arith.constant 96 : index
        %parallel_loop3A_1192 = tpu.vector_load %arg15[%parallel_loop3A_1190, %parallel_loop3A_1191] {strides = array<i32>} : memref<80x128xf32, #tpu.memory_space<vmem>>, vector<1x16xf32>,
        %parallel_loop3A_1193 = vector.shape_cast %parallel_loop3A_1192 : vector<1x16xf32> to vector<16xf32>
        %parallel_loop3A_1194 = arith.index_cast %parallel_loop3A_921 : i32 to index
        %parallel_loop3A_1195 = arith.constant 96 : index
        %parallel_loop3A_1196 = tpu.vector_load %arg16[%parallel_loop3A_1194, %parallel_loop3A_1195] {strides = array<i32>} : memref<80x256xf32, #tpu.memory_space<vmem>>, vector<1x16xf32>,
        %parallel_loop3A_1197 = vector.shape_cast %parallel_loop3A_1196 : vector<1x16xf32> to vector<16xf32>
        %parallel_loop3A_1198 = arith.addf %parallel_loop3A_1193, %parallel_loop3A_1197 : vector<16xf32>
        %parallel_loop3A_1199 = arith.index_cast %parallel_loop3A_921 : i32 to index
        %parallel_loop3A_1200 = arith.constant 96 : index
        %parallel_loop3A_1201 = tpu.vector_load %arg17[%parallel_loop3A_1199, %parallel_loop3A_1200] {strides = array<i32>} : memref<80x128xf32, #tpu.memory_space<vmem>>, vector<1x16xf32>,
        %parallel_loop3A_1202 = vector.shape_cast %parallel_loop3A_1201 : vector<1x16xf32> to vector<16xf32>
        %parallel_loop3A_1203 = arith.addf %parallel_loop3A_1198, %parallel_loop3A_1202 : vector<16xf32>
        %parallel_loop3A_1204 = arith.index_cast %parallel_loop3A_921 : i32 to index
        %parallel_loop3A_1205 = arith.constant 96 : index
        %parallel_loop3A_1206 = tpu.vector_load %arg17[%parallel_loop3A_1204, %parallel_loop3A_1205] {strides = array<i32>} : memref<80x128xf32, #tpu.memory_space<vmem>>, vector<1x16xf32>,
        %parallel_loop3A_1207 = vector.shape_cast %parallel_loop3A_1206 : vector<1x16xf32> to vector<16xf32>
        %parallel_loop3A_1208 = vector.shape_cast %parallel_loop3A_1203 : vector<16xf32> to vector<1x16xf32>
        tpu.vector_store %arg17[%parallel_loop3A_1204, %parallel_loop3A_1205], %parallel_loop3A_1208 {strides = array<i32>} : memref<80x128xf32, #tpu.memory_space<vmem>>, vector<1x16xf32>,
        %parallel_loop3A_1209 = arith.constant 0.000000e+00 : f32
        %parallel_loop3A_1210 = vector.broadcast %parallel_loop3A_1209 : f32 to vector<16xf32>
        %parallel_loop3A_1211 = arith.subf %parallel_loop3A_1210, %parallel_loop3A_1203 : vector<16xf32>
        %parallel_loop3A_1212 = math.exp %parallel_loop3A_1211 : vector<16xf32>
        %parallel_loop3A_1213 = arith.constant 1.000000e+00 : f32
        %parallel_loop3A_1214 = vector.broadcast %parallel_loop3A_1213 : f32 to vector<16xf32>
        %parallel_loop3A_1215 = arith.addf %parallel_loop3A_1214, %parallel_loop3A_1212 : vector<16xf32>
        %parallel_loop3A_1216 = arith.constant 1.000000e+00 : f32
        %parallel_loop3A_1217 = vector.broadcast %parallel_loop3A_1216 : f32 to vector<16xf32>
        %parallel_loop3A_1218 = arith.divf %parallel_loop3A_1217, %parallel_loop3A_1215 : vector<16xf32>
        %parallel_loop3A_1219 = arith.index_cast %parallel_loop3A_921 : i32 to index
        %parallel_loop3A_1220 = arith.constant 224 : index
        %parallel_loop3A_1221 = tpu.vector_load %arg16[%parallel_loop3A_1219, %parallel_loop3A_1220] {strides = array<i32>} : memref<80x256xf32, #tpu.memory_space<vmem>>, vector<1x16xf32>,
        %parallel_loop3A_1222 = vector.shape_cast %parallel_loop3A_1221 : vector<1x16xf32> to vector<16xf32>
        %parallel_loop3A_1223 = arith.mulf %parallel_loop3A_1222, %parallel_loop3A_1218 : vector<16xf32>
        %parallel_loop3A_1224 = arith.index_cast %parallel_loop3A_921 : i32 to index
        %parallel_loop3A_1225 = arith.constant 96 : index
        %parallel_loop3A_1226 = tpu.vector_load %arg15[%parallel_loop3A_1224, %parallel_loop3A_1225] {strides = array<i32>} : memref<80x128xf32, #tpu.memory_space<vmem>>, vector<1x16xf32>,
        %parallel_loop3A_1227 = vector.shape_cast %parallel_loop3A_1226 : vector<1x16xf32> to vector<16xf32>
        %parallel_loop3A_1228 = vector.shape_cast %parallel_loop3A_1223 : vector<16xf32> to vector<1x16xf32>
        tpu.vector_store %arg15[%parallel_loop3A_1224, %parallel_loop3A_1225], %parallel_loop3A_1228 {strides = array<i32>} : memref<80x128xf32, #tpu.memory_space<vmem>>, vector<1x16xf32>,
        %parallel_loop3A_1229 = arith.addf %parallel_loop3A_928, %parallel_loop3A_1203 : vector<16xf32>
        %parallel_loop3A_1230 = arith.mulf %parallel_loop3A_1203, %parallel_loop3A_1203 : vector<16xf32>
        %parallel_loop3A_1231 = arith.addf %parallel_loop3A_936, %parallel_loop3A_1230 : vector<16xf32>
        %parallel_loop3A_1232 = arith.index_cast %parallel_loop3A_921 : i32 to index
        %parallel_loop3A_1233 = arith.constant 112 : index
        %parallel_loop3A_1234 = tpu.vector_load %arg15[%parallel_loop3A_1232, %parallel_loop3A_1233] {strides = array<i32>} : memref<80x128xf32, #tpu.memory_space<vmem>>, vector<1x16xf32>,
        %parallel_loop3A_1235 = vector.shape_cast %parallel_loop3A_1234 : vector<1x16xf32> to vector<16xf32>
        %parallel_loop3A_1236 = arith.index_cast %parallel_loop3A_921 : i32 to index
        %parallel_loop3A_1237 = arith.constant 112 : index
        %parallel_loop3A_1238 = tpu.vector_load %arg16[%parallel_loop3A_1236, %parallel_loop3A_1237] {strides = array<i32>} : memref<80x256xf32, #tpu.memory_space<vmem>>, vector<1x16xf32>,
        %parallel_loop3A_1239 = vector.shape_cast %parallel_loop3A_1238 : vector<1x16xf32> to vector<16xf32>
        %parallel_loop3A_1240 = arith.addf %parallel_loop3A_1235, %parallel_loop3A_1239 : vector<16xf32>
        %parallel_loop3A_1241 = arith.index_cast %parallel_loop3A_921 : i32 to index
        %parallel_loop3A_1242 = arith.constant 112 : index
        %parallel_loop3A_1243 = tpu.vector_load %arg17[%parallel_loop3A_1241, %parallel_loop3A_1242] {strides = array<i32>} : memref<80x128xf32, #tpu.memory_space<vmem>>, vector<1x16xf32>,
        %parallel_loop3A_1244 = vector.shape_cast %parallel_loop3A_1243 : vector<1x16xf32> to vector<16xf32>
        %parallel_loop3A_1245 = arith.addf %parallel_loop3A_1240, %parallel_loop3A_1244 : vector<16xf32>
        %parallel_loop3A_1246 = arith.index_cast %parallel_loop3A_921 : i32 to index
        %parallel_loop3A_1247 = arith.constant 112 : index
        %parallel_loop3A_1248 = tpu.vector_load %arg17[%parallel_loop3A_1246, %parallel_loop3A_1247] {strides = array<i32>} : memref<80x128xf32, #tpu.memory_space<vmem>>, vector<1x16xf32>,
        %parallel_loop3A_1249 = vector.shape_cast %parallel_loop3A_1248 : vector<1x16xf32> to vector<16xf32>
        %parallel_loop3A_1250 = vector.shape_cast %parallel_loop3A_1245 : vector<16xf32> to vector<1x16xf32>
        tpu.vector_store %arg17[%parallel_loop3A_1246, %parallel_loop3A_1247], %parallel_loop3A_1250 {strides = array<i32>} : memref<80x128xf32, #tpu.memory_space<vmem>>, vector<1x16xf32>,
        %parallel_loop3A_1251 = arith.constant 0.000000e+00 : f32
        %parallel_loop3A_1252 = vector.broadcast %parallel_loop3A_1251 : f32 to vector<16xf32>
        %parallel_loop3A_1253 = arith.subf %parallel_loop3A_1252, %parallel_loop3A_1245 : vector<16xf32>
        %parallel_loop3A_1254 = math.exp %parallel_loop3A_1253 : vector<16xf32>
        %parallel_loop3A_1255 = arith.constant 1.000000e+00 : f32
        %parallel_loop3A_1256 = vector.broadcast %parallel_loop3A_1255 : f32 to vector<16xf32>
        %parallel_loop3A_1257 = arith.addf %parallel_loop3A_1256, %parallel_loop3A_1254 : vector<16xf32>
        %parallel_loop3A_1258 = arith.constant 1.000000e+00 : f32
        %parallel_loop3A_1259 = vector.broadcast %parallel_loop3A_1258 : f32 to vector<16xf32>
        %parallel_loop3A_1260 = arith.divf %parallel_loop3A_1259, %parallel_loop3A_1257 : vector<16xf32>
        %parallel_loop3A_1261 = arith.index_cast %parallel_loop3A_921 : i32 to index
        %parallel_loop3A_1262 = arith.constant 240 : index
        %parallel_loop3A_1263 = tpu.vector_load %arg16[%parallel_loop3A_1261, %parallel_loop3A_1262] {strides = array<i32>} : memref<80x256xf32, #tpu.memory_space<vmem>>, vector<1x16xf32>,
        %parallel_loop3A_1264 = vector.shape_cast %parallel_loop3A_1263 : vector<1x16xf32> to vector<16xf32>
        %parallel_loop3A_1265 = arith.mulf %parallel_loop3A_1264, %parallel_loop3A_1260 : vector<16xf32>
        %parallel_loop3A_1266 = arith.index_cast %parallel_loop3A_921 : i32 to index
        %parallel_loop3A_1267 = arith.constant 112 : index
        %parallel_loop3A_1268 = tpu.vector_load %arg15[%parallel_loop3A_1266, %parallel_loop3A_1267] {strides = array<i32>} : memref<80x128xf32, #tpu.memory_space<vmem>>, vector<1x16xf32>,
        %parallel_loop3A_1269 = vector.shape_cast %parallel_loop3A_1268 : vector<1x16xf32> to vector<16xf32>
        %parallel_loop3A_1270 = vector.shape_cast %parallel_loop3A_1265 : vector<16xf32> to vector<1x16xf32>
        tpu.vector_store %arg15[%parallel_loop3A_1266, %parallel_loop3A_1267], %parallel_loop3A_1270 {strides = array<i32>} : memref<80x128xf32, #tpu.memory_space<vmem>>, vector<1x16xf32>,
        %parallel_loop3A_1271 = arith.addf %parallel_loop3A_929, %parallel_loop3A_1245 : vector<16xf32>
        %parallel_loop3A_1272 = arith.mulf %parallel_loop3A_1245, %parallel_loop3A_1245 : vector<16xf32>
        %parallel_loop3A_1273 = arith.addf %parallel_loop3A_937, %parallel_loop3A_1272 : vector<16xf32>
        scf.yield %parallel_loop3A_977, %parallel_loop3A_1019, %parallel_loop3A_1061, %parallel_loop3A_1103, %parallel_loop3A_1145, %parallel_loop3A_1187, %parallel_loop3A_1229, %parallel_loop3A_1271, %parallel_loop3A_979, %parallel_loop3A_1021, %parallel_loop3A_1063, %parallel_loop3A_1105, %parallel_loop3A_1147, %parallel_loop3A_1189, %parallel_loop3A_1231, %parallel_loop3A_1273 : vector<16xf32>, vector<16xf32>, vector<16xf32>, vector<16xf32>, vector<16xf32>, vector<16xf32>, vector<16xf32>, vector<16xf32>, vector<16xf32>, vector<16xf32>, vector<16xf32>, vector<16xf32>, vector<16xf32>, vector<16xf32>, vector<16xf32>, vector<16xf32>
      } {sc.loop_unroll_factor = 4 : i64, sc.parallel_access}
      %mul3A_918 = arith.constant 160000 : i32
      %mul3A_919 = arith.muli %arg0, %mul3A_918 : i32
      %add3A_920 = arith.addi %mul3A_919, %add3A_761 : i32
      "tpu.region"() ({
        %run_scoped3A = tpu.sem_alloc : memref<!tpu.dma_semaphore, #tpu.memory_space<semaphore_mem>>
        %dma_start3A_921 = arith.constant 0 : i32
        %dma_start3A_922 = tpu.memref_slice %arg7[%add3A_920, %dma_start3A_921] : memref<320000x128xf32, #tpu.memory_space<hbm>> -> memref<80x128xf32, #tpu.memory_space<hbm>>
        %dma_start3A_923 = arith.constant 0 : i32
        %dma_start3A_924 = tpu.memref_slice %arg7[%add3A_920, %dma_start3A_923] : memref<320000x128xf32, #tpu.memory_space<hbm>> -> memref<80x128xf32, #tpu.memory_space<hbm>>
        tpu.enqueue_dma source(%arg17 : memref<80x128xf32, #tpu.memory_space<vmem>>) target(%dma_start3A_924 : memref<80x128xf32, #tpu.memory_space<hbm>>) target_semaphore(%run_scoped3A : memref<!tpu.dma_semaphore, #tpu.memory_space<semaphore_mem>>)
        %dma_wait3A_925 = arith.constant 0 : i32
        %dma_wait3A_926 = tpu.memref_slice %arg7[%add3A_920, %dma_wait3A_925] : memref<320000x128xf32, #tpu.memory_space<hbm>> -> memref<80x128xf32, #tpu.memory_space<hbm>>
        %dma_wait3A_927 = arith.constant 0 : i32
        %dma_wait3A_928 = tpu.memref_slice %arg7[%add3A_920, %dma_wait3A_927] : memref<320000x128xf32, #tpu.memory_space<hbm>> -> memref<80x128xf32, #tpu.memory_space<hbm>>
        tpu.wait_dma2 semaphore(%run_scoped3A : memref<!tpu.dma_semaphore, #tpu.memory_space<semaphore_mem>>) src(%arg17 : memref<80x128xf32, #tpu.memory_space<vmem>>) dst(%dma_wait3A_928 : memref<80x128xf32, #tpu.memory_space<hbm>>)
        tpu.yield
      }) : () -> ()
      "tpu.region"() ({
        %run_scoped3A = tpu.sem_alloc : memref<!tpu.dma_semaphore, #tpu.memory_space<semaphore_mem>>
        %dma_start3A_921 = arith.constant 0 : i32
        %dma_start3A_922 = arith.constant 0 : i32
        %dma_start3A_923 = tpu.memref_slice %arg20[%dma_start3A_921, %dma_start3A_922] : memref<10240x128xf32, #tpu.memory_space<vmem_shared>> -> memref<10240x128xf32, #tpu.memory_space<vmem_shared>>
        tpu.enqueue_indirect_dma source(%arg15 : memref<80x128xf32, #tpu.memory_space<vmem>>) target(%dma_start3A_923 : memref<10240x128xf32, #tpu.memory_space<vmem_shared>>) offsets(%arg12 : memref<80xi32, #tpu.memory_space<vmem>>) semaphore(%run_scoped3A : memref<!tpu.dma_semaphore, #tpu.memory_space<semaphore_mem>>) {add = true}
        %dma_wait3A_924 = arith.constant 0 : i32
        %dma_wait3A_925 = arith.constant 0 : i32
        %dma_wait3A_926 = tpu.memref_slice %arg20[%dma_wait3A_924, %dma_wait3A_925] : memref<10240x128xf32, #tpu.memory_space<vmem_shared>> -> memref<10240x128xf32, #tpu.memory_space<vmem_shared>>
        tpu.wait_indirect_dma semaphore(%run_scoped3A : memref<!tpu.dma_semaphore, #tpu.memory_space<semaphore_mem>>) src(%arg15 : memref<80x128xf32, #tpu.memory_space<vmem>>) dst(%dma_wait3A_926 : memref<10240x128xf32, #tpu.memory_space<vmem_shared>>)
        tpu.yield
      }) : () -> ()
      scf.yield %parallel_loop3A_917#0, %parallel_loop3A_917#1, %parallel_loop3A_917#2, %parallel_loop3A_917#3, %parallel_loop3A_917#4, %parallel_loop3A_917#5, %parallel_loop3A_917#6, %parallel_loop3A_917#7, %parallel_loop3A_917#8, %parallel_loop3A_917#9, %parallel_loop3A_917#10, %parallel_loop3A_917#11, %parallel_loop3A_917#12, %parallel_loop3A_917#13, %parallel_loop3A_917#14, %parallel_loop3A_917#15 : vector<16xf32>, vector<16xf32>, vector<16xf32>, vector<16xf32>, vector<16xf32>, vector<16xf32>, vector<16xf32>, vector<16xf32>, vector<16xf32>, vector<16xf32>, vector<16xf32>, vector<16xf32>, vector<16xf32>, vector<16xf32>, vector<16xf32>, vector<16xf32>
    }
    %scan3A_203 = arith.constant 125 : i32
    %swap3A = arith.constant 0 : i32
    %swap3A_204 = arith.index_cast %swap3A : i32 to index
    %swap3A_205 = arith.constant 0 : index
    %swap3A_206 = tpu.vector_load %arg18[%swap3A_204, %swap3A_205] {strides = array<i32>} : memref<2x128xf32, #tpu.memory_space<vmem>>, vector<1x16xf32>,
    %swap3A_207 = vector.shape_cast %swap3A_206 : vector<1x16xf32> to vector<16xf32>
    %swap3A_208 = vector.shape_cast %scan3A_202#0 : vector<16xf32> to vector<1x16xf32>
    tpu.vector_store %arg18[%swap3A_204, %swap3A_205], %swap3A_208 {strides = array<i32>} : memref<2x128xf32, #tpu.memory_space<vmem>>, vector<1x16xf32>,
    %swap3A_209 = arith.constant 1 : i32
    %swap3A_210 = arith.index_cast %swap3A_209 : i32 to index
    %swap3A_211 = arith.constant 0 : index
    %swap3A_212 = tpu.vector_load %arg18[%swap3A_210, %swap3A_211] {strides = array<i32>} : memref<2x128xf32, #tpu.memory_space<vmem>>, vector<1x16xf32>,
    %swap3A_213 = vector.shape_cast %swap3A_212 : vector<1x16xf32> to vector<16xf32>
    %swap3A_214 = vector.shape_cast %scan3A_202#8 : vector<16xf32> to vector<1x16xf32>
    tpu.vector_store %arg18[%swap3A_210, %swap3A_211], %swap3A_214 {strides = array<i32>} : memref<2x128xf32, #tpu.memory_space<vmem>>, vector<1x16xf32>,
    %swap3A_215 = arith.constant 0 : i32
    %swap3A_216 = arith.index_cast %swap3A_215 : i32 to index
    %swap3A_217 = arith.constant 16 : index
    %swap3A_218 = tpu.vector_load %arg18[%swap3A_216, %swap3A_217] {strides = array<i32>} : memref<2x128xf32, #tpu.memory_space<vmem>>, vector<1x16xf32>,
    %swap3A_219 = vector.shape_cast %swap3A_218 : vector<1x16xf32> to vector<16xf32>
    %swap3A_220 = vector.shape_cast %scan3A_202#1 : vector<16xf32> to vector<1x16xf32>
    tpu.vector_store %arg18[%swap3A_216, %swap3A_217], %swap3A_220 {strides = array<i32>} : memref<2x128xf32, #tpu.memory_space<vmem>>, vector<1x16xf32>,
    %swap3A_221 = arith.constant 1 : i32
    %swap3A_222 = arith.index_cast %swap3A_221 : i32 to index
    %swap3A_223 = arith.constant 16 : index
    %swap3A_224 = tpu.vector_load %arg18[%swap3A_222, %swap3A_223] {strides = array<i32>} : memref<2x128xf32, #tpu.memory_space<vmem>>, vector<1x16xf32>,
    %swap3A_225 = vector.shape_cast %swap3A_224 : vector<1x16xf32> to vector<16xf32>
    %swap3A_226 = vector.shape_cast %scan3A_202#9 : vector<16xf32> to vector<1x16xf32>
    tpu.vector_store %arg18[%swap3A_222, %swap3A_223], %swap3A_226 {strides = array<i32>} : memref<2x128xf32, #tpu.memory_space<vmem>>, vector<1x16xf32>,
    %swap3A_227 = arith.constant 0 : i32
    %swap3A_228 = arith.index_cast %swap3A_227 : i32 to index
    %swap3A_229 = arith.constant 32 : index
    %swap3A_230 = tpu.vector_load %arg18[%swap3A_228, %swap3A_229] {strides = array<i32>} : memref<2x128xf32, #tpu.memory_space<vmem>>, vector<1x16xf32>,
    %swap3A_231 = vector.shape_cast %swap3A_230 : vector<1x16xf32> to vector<16xf32>
    %swap3A_232 = vector.shape_cast %scan3A_202#2 : vector<16xf32> to vector<1x16xf32>
    tpu.vector_store %arg18[%swap3A_228, %swap3A_229], %swap3A_232 {strides = array<i32>} : memref<2x128xf32, #tpu.memory_space<vmem>>, vector<1x16xf32>,
    %swap3A_233 = arith.constant 1 : i32
    %swap3A_234 = arith.index_cast %swap3A_233 : i32 to index
    %swap3A_235 = arith.constant 32 : index
    %swap3A_236 = tpu.vector_load %arg18[%swap3A_234, %swap3A_235] {strides = array<i32>} : memref<2x128xf32, #tpu.memory_space<vmem>>, vector<1x16xf32>,
    %swap3A_237 = vector.shape_cast %swap3A_236 : vector<1x16xf32> to vector<16xf32>
    %swap3A_238 = vector.shape_cast %scan3A_202#10 : vector<16xf32> to vector<1x16xf32>
    tpu.vector_store %arg18[%swap3A_234, %swap3A_235], %swap3A_238 {strides = array<i32>} : memref<2x128xf32, #tpu.memory_space<vmem>>, vector<1x16xf32>,
    %swap3A_239 = arith.constant 0 : i32
    %swap3A_240 = arith.index_cast %swap3A_239 : i32 to index
    %swap3A_241 = arith.constant 48 : index
    %swap3A_242 = tpu.vector_load %arg18[%swap3A_240, %swap3A_241] {strides = array<i32>} : memref<2x128xf32, #tpu.memory_space<vmem>>, vector<1x16xf32>,
    %swap3A_243 = vector.shape_cast %swap3A_242 : vector<1x16xf32> to vector<16xf32>
    %swap3A_244 = vector.shape_cast %scan3A_202#3 : vector<16xf32> to vector<1x16xf32>
    tpu.vector_store %arg18[%swap3A_240, %swap3A_241], %swap3A_244 {strides = array<i32>} : memref<2x128xf32, #tpu.memory_space<vmem>>, vector<1x16xf32>,
    %swap3A_245 = arith.constant 1 : i32
    %swap3A_246 = arith.index_cast %swap3A_245 : i32 to index
    %swap3A_247 = arith.constant 48 : index
    %swap3A_248 = tpu.vector_load %arg18[%swap3A_246, %swap3A_247] {strides = array<i32>} : memref<2x128xf32, #tpu.memory_space<vmem>>, vector<1x16xf32>,
    %swap3A_249 = vector.shape_cast %swap3A_248 : vector<1x16xf32> to vector<16xf32>
    %swap3A_250 = vector.shape_cast %scan3A_202#11 : vector<16xf32> to vector<1x16xf32>
    tpu.vector_store %arg18[%swap3A_246, %swap3A_247], %swap3A_250 {strides = array<i32>} : memref<2x128xf32, #tpu.memory_space<vmem>>, vector<1x16xf32>,
    %swap3A_251 = arith.constant 0 : i32
    %swap3A_252 = arith.index_cast %swap3A_251 : i32 to index
    %swap3A_253 = arith.constant 64 : index
    %swap3A_254 = tpu.vector_load %arg18[%swap3A_252, %swap3A_253] {strides = array<i32>} : memref<2x128xf32, #tpu.memory_space<vmem>>, vector<1x16xf32>,
    %swap3A_255 = vector.shape_cast %swap3A_254 : vector<1x16xf32> to vector<16xf32>
    %swap3A_256 = vector.shape_cast %scan3A_202#4 : vector<16xf32> to vector<1x16xf32>
    tpu.vector_store %arg18[%swap3A_252, %swap3A_253], %swap3A_256 {strides = array<i32>} : memref<2x128xf32, #tpu.memory_space<vmem>>, vector<1x16xf32>,
    %swap3A_257 = arith.constant 1 : i32
    %swap3A_258 = arith.index_cast %swap3A_257 : i32 to index
    %swap3A_259 = arith.constant 64 : index
    %swap3A_260 = tpu.vector_load %arg18[%swap3A_258, %swap3A_259] {strides = array<i32>} : memref<2x128xf32, #tpu.memory_space<vmem>>, vector<1x16xf32>,
    %swap3A_261 = vector.shape_cast %swap3A_260 : vector<1x16xf32> to vector<16xf32>
    %swap3A_262 = vector.shape_cast %scan3A_202#12 : vector<16xf32> to vector<1x16xf32>
    tpu.vector_store %arg18[%swap3A_258, %swap3A_259], %swap3A_262 {strides = array<i32>} : memref<2x128xf32, #tpu.memory_space<vmem>>, vector<1x16xf32>,
    %swap3A_263 = arith.constant 0 : i32
    %swap3A_264 = arith.index_cast %swap3A_263 : i32 to index
    %swap3A_265 = arith.constant 80 : index
    %swap3A_266 = tpu.vector_load %arg18[%swap3A_264, %swap3A_265] {strides = array<i32>} : memref<2x128xf32, #tpu.memory_space<vmem>>, vector<1x16xf32>,
    %swap3A_267 = vector.shape_cast %swap3A_266 : vector<1x16xf32> to vector<16xf32>
    %swap3A_268 = vector.shape_cast %scan3A_202#5 : vector<16xf32> to vector<1x16xf32>
    tpu.vector_store %arg18[%swap3A_264, %swap3A_265], %swap3A_268 {strides = array<i32>} : memref<2x128xf32, #tpu.memory_space<vmem>>, vector<1x16xf32>,
    %swap3A_269 = arith.constant 1 : i32
    %swap3A_270 = arith.index_cast %swap3A_269 : i32 to index
    %swap3A_271 = arith.constant 80 : index
    %swap3A_272 = tpu.vector_load %arg18[%swap3A_270, %swap3A_271] {strides = array<i32>} : memref<2x128xf32, #tpu.memory_space<vmem>>, vector<1x16xf32>,
    %swap3A_273 = vector.shape_cast %swap3A_272 : vector<1x16xf32> to vector<16xf32>
    %swap3A_274 = vector.shape_cast %scan3A_202#13 : vector<16xf32> to vector<1x16xf32>
    tpu.vector_store %arg18[%swap3A_270, %swap3A_271], %swap3A_274 {strides = array<i32>} : memref<2x128xf32, #tpu.memory_space<vmem>>, vector<1x16xf32>,
    %swap3A_275 = arith.constant 0 : i32
    %swap3A_276 = arith.index_cast %swap3A_275 : i32 to index
    %swap3A_277 = arith.constant 96 : index
    %swap3A_278 = tpu.vector_load %arg18[%swap3A_276, %swap3A_277] {strides = array<i32>} : memref<2x128xf32, #tpu.memory_space<vmem>>, vector<1x16xf32>,
    %swap3A_279 = vector.shape_cast %swap3A_278 : vector<1x16xf32> to vector<16xf32>
    %swap3A_280 = vector.shape_cast %scan3A_202#6 : vector<16xf32> to vector<1x16xf32>
    tpu.vector_store %arg18[%swap3A_276, %swap3A_277], %swap3A_280 {strides = array<i32>} : memref<2x128xf32, #tpu.memory_space<vmem>>, vector<1x16xf32>,
    %swap3A_281 = arith.constant 1 : i32
    %swap3A_282 = arith.index_cast %swap3A_281 : i32 to index
    %swap3A_283 = arith.constant 96 : index
    %swap3A_284 = tpu.vector_load %arg18[%swap3A_282, %swap3A_283] {strides = array<i32>} : memref<2x128xf32, #tpu.memory_space<vmem>>, vector<1x16xf32>,
    %swap3A_285 = vector.shape_cast %swap3A_284 : vector<1x16xf32> to vector<16xf32>
    %swap3A_286 = vector.shape_cast %scan3A_202#14 : vector<16xf32> to vector<1x16xf32>
    tpu.vector_store %arg18[%swap3A_282, %swap3A_283], %swap3A_286 {strides = array<i32>} : memref<2x128xf32, #tpu.memory_space<vmem>>, vector<1x16xf32>,
    %swap3A_287 = arith.constant 0 : i32
    %swap3A_288 = arith.index_cast %swap3A_287 : i32 to index
    %swap3A_289 = arith.constant 112 : index
    %swap3A_290 = tpu.vector_load %arg18[%swap3A_288, %swap3A_289] {strides = array<i32>} : memref<2x128xf32, #tpu.memory_space<vmem>>, vector<1x16xf32>,
    %swap3A_291 = vector.shape_cast %swap3A_290 : vector<1x16xf32> to vector<16xf32>
    %swap3A_292 = vector.shape_cast %scan3A_202#7 : vector<16xf32> to vector<1x16xf32>
    tpu.vector_store %arg18[%swap3A_288, %swap3A_289], %swap3A_292 {strides = array<i32>} : memref<2x128xf32, #tpu.memory_space<vmem>>, vector<1x16xf32>,
    %swap3A_293 = arith.constant 1 : i32
    %swap3A_294 = arith.index_cast %swap3A_293 : i32 to index
    %swap3A_295 = arith.constant 112 : index
    %swap3A_296 = tpu.vector_load %arg18[%swap3A_294, %swap3A_295] {strides = array<i32>} : memref<2x128xf32, #tpu.memory_space<vmem>>, vector<1x16xf32>,
    %swap3A_297 = vector.shape_cast %swap3A_296 : vector<1x16xf32> to vector<16xf32>
    %swap3A_298 = vector.shape_cast %scan3A_202#15 : vector<16xf32> to vector<1x16xf32>
    tpu.vector_store %arg18[%swap3A_294, %swap3A_295], %swap3A_298 {strides = array<i32>} : memref<2x128xf32, #tpu.memory_space<vmem>>, vector<1x16xf32>,
    "tpu.region"() ({
      %run_scoped3A = tpu.sem_alloc : memref<!tpu.dma_semaphore, #tpu.memory_space<semaphore_mem>>
      %dma_start3A = arith.constant 0 : i32
      %dma_start3A_740 = arith.constant 0 : i32
      %dma_start3A_741 = tpu.memref_slice %arg9[%arg0, %arg1, %dma_start3A, %dma_start3A_740] : memref<2x16x2x128xf32, #tpu.memory_space<hbm>> -> memref<1x1x2x128xf32, #tpu.memory_space<hbm>>
      %dma_start3A_742 = tpu.memref_squeeze %dma_start3A_741 : memref<1x1x2x128xf32, #tpu.memory_space<hbm>> -> memref<2x128xf32, #tpu.memory_space<hbm>>
      %dma_start3A_743 = arith.constant 0 : i32
      %dma_start3A_744 = arith.constant 0 : i32
      %dma_start3A_745 = tpu.memref_slice %arg9[%arg0, %arg1, %dma_start3A_743, %dma_start3A_744] : memref<2x16x2x128xf32, #tpu.memory_space<hbm>> -> memref<1x1x2x128xf32, #tpu.memory_space<hbm>>
      %dma_start3A_746 = tpu.memref_squeeze %dma_start3A_745 : memref<1x1x2x128xf32, #tpu.memory_space<hbm>> -> memref<2x128xf32, #tpu.memory_space<hbm>>
      tpu.enqueue_dma source(%arg18 : memref<2x128xf32, #tpu.memory_space<vmem>>) target(%dma_start3A_746 : memref<2x128xf32, #tpu.memory_space<hbm>>) target_semaphore(%run_scoped3A : memref<!tpu.dma_semaphore, #tpu.memory_space<semaphore_mem>>)
      %dma_wait3A = arith.constant 0 : i32
      %dma_wait3A_747 = arith.constant 0 : i32
      %dma_wait3A_748 = tpu.memref_slice %arg9[%arg0, %arg1, %dma_wait3A, %dma_wait3A_747] : memref<2x16x2x128xf32, #tpu.memory_space<hbm>> -> memref<1x1x2x128xf32, #tpu.memory_space<hbm>>
      %dma_wait3A_749 = tpu.memref_squeeze %dma_wait3A_748 : memref<1x1x2x128xf32, #tpu.memory_space<hbm>> -> memref<2x128xf32, #tpu.memory_space<hbm>>
      %dma_wait3A_750 = arith.constant 0 : i32
      %dma_wait3A_751 = arith.constant 0 : i32
      %dma_wait3A_752 = tpu.memref_slice %arg9[%arg0, %arg1, %dma_wait3A_750, %dma_wait3A_751] : memref<2x16x2x128xf32, #tpu.memory_space<hbm>> -> memref<1x1x2x128xf32, #tpu.memory_space<hbm>>
      %dma_wait3A_753 = tpu.memref_squeeze %dma_wait3A_752 : memref<1x1x2x128xf32, #tpu.memory_space<hbm>> -> memref<2x128xf32, #tpu.memory_space<hbm>>
      tpu.wait_dma2 semaphore(%run_scoped3A : memref<!tpu.dma_semaphore, #tpu.memory_space<semaphore_mem>>) src(%arg18 : memref<2x128xf32, #tpu.memory_space<vmem>>) dst(%dma_wait3A_753 : memref<2x128xf32, #tpu.memory_space<hbm>>)
      tpu.yield
    }) : () -> ()
    %barrier3A_299 = arith.constant 0 : index
    tpu.barrier barrier_id(%barrier3A_299)
    %mul3A_300 = arith.constant 640 : i32
    %mul3A_301 = arith.muli %arg1, %mul3A_300 : i32
    %add3A_302 = arith.constant 0 : i32
    %add3A_303 = arith.addi %mul3A_301, %add3A_302 : i32
    "tpu.region"() ({
      %run_scoped3A = tpu.sem_alloc : memref<!tpu.dma_semaphore, #tpu.memory_space<semaphore_mem>>
      %dma_start3A = arith.constant 0 : i32
      %dma_start3A_740 = tpu.memref_slice %arg20[%add3A_303, %dma_start3A] : memref<10240x128xf32, #tpu.memory_space<vmem_shared>> -> memref<16x128xf32, #tpu.memory_space<vmem_shared>>
      %dma_start3A_741 = arith.constant 0 : i32
      %dma_start3A_742 = tpu.memref_slice %arg20[%add3A_303, %dma_start3A_741] : memref<10240x128xf32, #tpu.memory_space<vmem_shared>> -> memref<16x128xf32, #tpu.memory_space<vmem_shared>>
      tpu.enqueue_dma source(%dma_start3A_742 : memref<16x128xf32, #tpu.memory_space<vmem_shared>>) target(%arg19 : memref<16x128xf32, #tpu.memory_space<vmem>>) target_semaphore(%run_scoped3A : memref<!tpu.dma_semaphore, #tpu.memory_space<semaphore_mem>>)
      %dma_wait3A = arith.constant 0 : i32
      %dma_wait3A_743 = tpu.memref_slice %arg20[%add3A_303, %dma_wait3A] : memref<10240x128xf32, #tpu.memory_space<vmem_shared>> -> memref<16x128xf32, #tpu.memory_space<vmem_shared>>
      %dma_wait3A_744 = arith.constant 0 : i32
      %dma_wait3A_745 = tpu.memref_slice %arg20[%add3A_303, %dma_wait3A_744] : memref<10240x128xf32, #tpu.memory_space<vmem_shared>> -> memref<16x128xf32, #tpu.memory_space<vmem_shared>>
      tpu.wait_dma2 semaphore(%run_scoped3A : memref<!tpu.dma_semaphore, #tpu.memory_space<semaphore_mem>>) src(%dma_wait3A_745 : memref<16x128xf32, #tpu.memory_space<vmem_shared>>) dst(%arg19 : memref<16x128xf32, #tpu.memory_space<vmem>>)
      tpu.yield
    }) : () -> ()
    %mul3A_304 = arith.constant 10240 : i32
    %mul3A_305 = arith.muli %arg0, %mul3A_304 : i32
    %mul3A_306 = arith.constant 640 : i32
    %mul3A_307 = arith.muli %arg1, %mul3A_306 : i32
    %add3A_308 = arith.addi %mul3A_305, %mul3A_307 : i32
    %add3A_309 = arith.constant 0 : i32
    %add3A_310 = arith.addi %add3A_308, %add3A_309 : i32
    "tpu.region"() ({
      %run_scoped3A = tpu.sem_alloc : memref<!tpu.dma_semaphore, #tpu.memory_space<semaphore_mem>>
      %dma_start3A = arith.constant 0 : i32
      %dma_start3A_740 = tpu.memref_slice %arg8[%add3A_310, %dma_start3A] : memref<20480x128xf32, #tpu.memory_space<hbm>> -> memref<16x128xf32, #tpu.memory_space<hbm>>
      %dma_start3A_741 = arith.constant 0 : i32
      %dma_start3A_742 = tpu.memref_slice %arg8[%add3A_310, %dma_start3A_741] : memref<20480x128xf32, #tpu.memory_space<hbm>> -> memref<16x128xf32, #tpu.memory_space<hbm>>
      tpu.enqueue_dma source(%arg19 : memref<16x128xf32, #tpu.memory_space<vmem>>) target(%dma_start3A_742 : memref<16x128xf32, #tpu.memory_space<hbm>>) target_semaphore(%run_scoped3A : memref<!tpu.dma_semaphore, #tpu.memory_space<semaphore_mem>>)
      %dma_wait3A = arith.constant 0 : i32
      %dma_wait3A_743 = tpu.memref_slice %arg8[%add3A_310, %dma_wait3A] : memref<20480x128xf32, #tpu.memory_space<hbm>> -> memref<16x128xf32, #tpu.memory_space<hbm>>
      %dma_wait3A_744 = arith.constant 0 : i32
      %dma_wait3A_745 = tpu.memref_slice %arg8[%add3A_310, %dma_wait3A_744] : memref<20480x128xf32, #tpu.memory_space<hbm>> -> memref<16x128xf32, #tpu.memory_space<hbm>>
      tpu.wait_dma2 semaphore(%run_scoped3A : memref<!tpu.dma_semaphore, #tpu.memory_space<semaphore_mem>>) src(%arg19 : memref<16x128xf32, #tpu.memory_space<vmem>>) dst(%dma_wait3A_745 : memref<16x128xf32, #tpu.memory_space<hbm>>)
      tpu.yield
    }) : () -> ()
    %mul3A_311 = arith.constant 640 : i32
    %mul3A_312 = arith.muli %arg1, %mul3A_311 : i32
    %add3A_313 = arith.constant 16 : i32
    %add3A_314 = arith.addi %mul3A_312, %add3A_313 : i32
    "tpu.region"() ({
      %run_scoped3A = tpu.sem_alloc : memref<!tpu.dma_semaphore, #tpu.memory_space<semaphore_mem>>
      %dma_start3A = arith.constant 0 : i32
      %dma_start3A_740 = tpu.memref_slice %arg20[%add3A_314, %dma_start3A] : memref<10240x128xf32, #tpu.memory_space<vmem_shared>> -> memref<16x128xf32, #tpu.memory_space<vmem_shared>>
      %dma_start3A_741 = arith.constant 0 : i32
      %dma_start3A_742 = tpu.memref_slice %arg20[%add3A_314, %dma_start3A_741] : memref<10240x128xf32, #tpu.memory_space<vmem_shared>> -> memref<16x128xf32, #tpu.memory_space<vmem_shared>>
      tpu.enqueue_dma source(%dma_start3A_742 : memref<16x128xf32, #tpu.memory_space<vmem_shared>>) target(%arg19 : memref<16x128xf32, #tpu.memory_space<vmem>>) target_semaphore(%run_scoped3A : memref<!tpu.dma_semaphore, #tpu.memory_space<semaphore_mem>>)
      %dma_wait3A = arith.constant 0 : i32
      %dma_wait3A_743 = tpu.memref_slice %arg20[%add3A_314, %dma_wait3A] : memref<10240x128xf32, #tpu.memory_space<vmem_shared>> -> memref<16x128xf32, #tpu.memory_space<vmem_shared>>
      %dma_wait3A_744 = arith.constant 0 : i32
      %dma_wait3A_745 = tpu.memref_slice %arg20[%add3A_314, %dma_wait3A_744] : memref<10240x128xf32, #tpu.memory_space<vmem_shared>> -> memref<16x128xf32, #tpu.memory_space<vmem_shared>>
      tpu.wait_dma2 semaphore(%run_scoped3A : memref<!tpu.dma_semaphore, #tpu.memory_space<semaphore_mem>>) src(%dma_wait3A_745 : memref<16x128xf32, #tpu.memory_space<vmem_shared>>) dst(%arg19 : memref<16x128xf32, #tpu.memory_space<vmem>>)
      tpu.yield
    }) : () -> ()
    %mul3A_315 = arith.constant 10240 : i32
    %mul3A_316 = arith.muli %arg0, %mul3A_315 : i32
    %mul3A_317 = arith.constant 640 : i32
    %mul3A_318 = arith.muli %arg1, %mul3A_317 : i32
    %add3A_319 = arith.addi %mul3A_316, %mul3A_318 : i32
    %add3A_320 = arith.constant 16 : i32
    %add3A_321 = arith.addi %add3A_319, %add3A_320 : i32
    "tpu.region"() ({
      %run_scoped3A = tpu.sem_alloc : memref<!tpu.dma_semaphore, #tpu.memory_space<semaphore_mem>>
      %dma_start3A = arith.constant 0 : i32
      %dma_start3A_740 = tpu.memref_slice %arg8[%add3A_321, %dma_start3A] : memref<20480x128xf32, #tpu.memory_space<hbm>> -> memref<16x128xf32, #tpu.memory_space<hbm>>
      %dma_start3A_741 = arith.constant 0 : i32
      %dma_start3A_742 = tpu.memref_slice %arg8[%add3A_321, %dma_start3A_741] : memref<20480x128xf32, #tpu.memory_space<hbm>> -> memref<16x128xf32, #tpu.memory_space<hbm>>
      tpu.enqueue_dma source(%arg19 : memref<16x128xf32, #tpu.memory_space<vmem>>) target(%dma_start3A_742 : memref<16x128xf32, #tpu.memory_space<hbm>>) target_semaphore(%run_scoped3A : memref<!tpu.dma_semaphore, #tpu.memory_space<semaphore_mem>>)
      %dma_wait3A = arith.constant 0 : i32
      %dma_wait3A_743 = tpu.memref_slice %arg8[%add3A_321, %dma_wait3A] : memref<20480x128xf32, #tpu.memory_space<hbm>> -> memref<16x128xf32, #tpu.memory_space<hbm>>
      %dma_wait3A_744 = arith.constant 0 : i32
      %dma_wait3A_745 = tpu.memref_slice %arg8[%add3A_321, %dma_wait3A_744] : memref<20480x128xf32, #tpu.memory_space<hbm>> -> memref<16x128xf32, #tpu.memory_space<hbm>>
      tpu.wait_dma2 semaphore(%run_scoped3A : memref<!tpu.dma_semaphore, #tpu.memory_space<semaphore_mem>>) src(%arg19 : memref<16x128xf32, #tpu.memory_space<vmem>>) dst(%dma_wait3A_745 : memref<16x128xf32, #tpu.memory_space<hbm>>)
      tpu.yield
    }) : () -> ()
    %mul3A_322 = arith.constant 640 : i32
    %mul3A_323 = arith.muli %arg1, %mul3A_322 : i32
    %add3A_324 = arith.constant 32 : i32
    %add3A_325 = arith.addi %mul3A_323, %add3A_324 : i32
    "tpu.region"() ({
      %run_scoped3A = tpu.sem_alloc : memref<!tpu.dma_semaphore, #tpu.memory_space<semaphore_mem>>
      %dma_start3A = arith.constant 0 : i32
      %dma_start3A_740 = tpu.memref_slice %arg20[%add3A_325, %dma_start3A] : memref<10240x128xf32, #tpu.memory_space<vmem_shared>> -> memref<16x128xf32, #tpu.memory_space<vmem_shared>>
      %dma_start3A_741 = arith.constant 0 : i32
      %dma_start3A_742 = tpu.memref_slice %arg20[%add3A_325, %dma_start3A_741] : memref<10240x128xf32, #tpu.memory_space<vmem_shared>> -> memref<16x128xf32, #tpu.memory_space<vmem_shared>>
      tpu.enqueue_dma source(%dma_start3A_742 : memref<16x128xf32, #tpu.memory_space<vmem_shared>>) target(%arg19 : memref<16x128xf32, #tpu.memory_space<vmem>>) target_semaphore(%run_scoped3A : memref<!tpu.dma_semaphore, #tpu.memory_space<semaphore_mem>>)
      %dma_wait3A = arith.constant 0 : i32
      %dma_wait3A_743 = tpu.memref_slice %arg20[%add3A_325, %dma_wait3A] : memref<10240x128xf32, #tpu.memory_space<vmem_shared>> -> memref<16x128xf32, #tpu.memory_space<vmem_shared>>
      %dma_wait3A_744 = arith.constant 0 : i32
      %dma_wait3A_745 = tpu.memref_slice %arg20[%add3A_325, %dma_wait3A_744] : memref<10240x128xf32, #tpu.memory_space<vmem_shared>> -> memref<16x128xf32, #tpu.memory_space<vmem_shared>>
      tpu.wait_dma2 semaphore(%run_scoped3A : memref<!tpu.dma_semaphore, #tpu.memory_space<semaphore_mem>>) src(%dma_wait3A_745 : memref<16x128xf32, #tpu.memory_space<vmem_shared>>) dst(%arg19 : memref<16x128xf32, #tpu.memory_space<vmem>>)
      tpu.yield
    }) : () -> ()
    %mul3A_326 = arith.constant 10240 : i32
    %mul3A_327 = arith.muli %arg0, %mul3A_326 : i32
    %mul3A_328 = arith.constant 640 : i32
    %mul3A_329 = arith.muli %arg1, %mul3A_328 : i32
    %add3A_330 = arith.addi %mul3A_327, %mul3A_329 : i32
    %add3A_331 = arith.constant 32 : i32
    %add3A_332 = arith.addi %add3A_330, %add3A_331 : i32
    "tpu.region"() ({
      %run_scoped3A = tpu.sem_alloc : memref<!tpu.dma_semaphore, #tpu.memory_space<semaphore_mem>>
      %dma_start3A = arith.constant 0 : i32
      %dma_start3A_740 = tpu.memref_slice %arg8[%add3A_332, %dma_start3A] : memref<20480x128xf32, #tpu.memory_space<hbm>> -> memref<16x128xf32, #tpu.memory_space<hbm>>
      %dma_start3A_741 = arith.constant 0 : i32
      %dma_start3A_742 = tpu.memref_slice %arg8[%add3A_332, %dma_start3A_741] : memref<20480x128xf32, #tpu.memory_space<hbm>> -> memref<16x128xf32, #tpu.memory_space<hbm>>
      tpu.enqueue_dma source(%arg19 : memref<16x128xf32, #tpu.memory_space<vmem>>) target(%dma_start3A_742 : memref<16x128xf32, #tpu.memory_space<hbm>>) target_semaphore(%run_scoped3A : memref<!tpu.dma_semaphore, #tpu.memory_space<semaphore_mem>>)
      %dma_wait3A = arith.constant 0 : i32
      %dma_wait3A_743 = tpu.memref_slice %arg8[%add3A_332, %dma_wait3A] : memref<20480x128xf32, #tpu.memory_space<hbm>> -> memref<16x128xf32, #tpu.memory_space<hbm>>
      %dma_wait3A_744 = arith.constant 0 : i32
      %dma_wait3A_745 = tpu.memref_slice %arg8[%add3A_332, %dma_wait3A_744] : memref<20480x128xf32, #tpu.memory_space<hbm>> -> memref<16x128xf32, #tpu.memory_space<hbm>>
      tpu.wait_dma2 semaphore(%run_scoped3A : memref<!tpu.dma_semaphore, #tpu.memory_space<semaphore_mem>>) src(%arg19 : memref<16x128xf32, #tpu.memory_space<vmem>>) dst(%dma_wait3A_745 : memref<16x128xf32, #tpu.memory_space<hbm>>)
      tpu.yield
    }) : () -> ()
    %mul3A_333 = arith.constant 640 : i32
    %mul3A_334 = arith.muli %arg1, %mul3A_333 : i32
    %add3A_335 = arith.constant 48 : i32
    %add3A_336 = arith.addi %mul3A_334, %add3A_335 : i32
    "tpu.region"() ({
      %run_scoped3A = tpu.sem_alloc : memref<!tpu.dma_semaphore, #tpu.memory_space<semaphore_mem>>
      %dma_start3A = arith.constant 0 : i32
      %dma_start3A_740 = tpu.memref_slice %arg20[%add3A_336, %dma_start3A] : memref<10240x128xf32, #tpu.memory_space<vmem_shared>> -> memref<16x128xf32, #tpu.memory_space<vmem_shared>>
      %dma_start3A_741 = arith.constant 0 : i32
      %dma_start3A_742 = tpu.memref_slice %arg20[%add3A_336, %dma_start3A_741] : memref<10240x128xf32, #tpu.memory_space<vmem_shared>> -> memref<16x128xf32, #tpu.memory_space<vmem_shared>>
      tpu.enqueue_dma source(%dma_start3A_742 : memref<16x128xf32, #tpu.memory_space<vmem_shared>>) target(%arg19 : memref<16x128xf32, #tpu.memory_space<vmem>>) target_semaphore(%run_scoped3A : memref<!tpu.dma_semaphore, #tpu.memory_space<semaphore_mem>>)
      %dma_wait3A = arith.constant 0 : i32
      %dma_wait3A_743 = tpu.memref_slice %arg20[%add3A_336, %dma_wait3A] : memref<10240x128xf32, #tpu.memory_space<vmem_shared>> -> memref<16x128xf32, #tpu.memory_space<vmem_shared>>
      %dma_wait3A_744 = arith.constant 0 : i32
      %dma_wait3A_745 = tpu.memref_slice %arg20[%add3A_336, %dma_wait3A_744] : memref<10240x128xf32, #tpu.memory_space<vmem_shared>> -> memref<16x128xf32, #tpu.memory_space<vmem_shared>>
      tpu.wait_dma2 semaphore(%run_scoped3A : memref<!tpu.dma_semaphore, #tpu.memory_space<semaphore_mem>>) src(%dma_wait3A_745 : memref<16x128xf32, #tpu.memory_space<vmem_shared>>) dst(%arg19 : memref<16x128xf32, #tpu.memory_space<vmem>>)
      tpu.yield
    }) : () -> ()
    %mul3A_337 = arith.constant 10240 : i32
    %mul3A_338 = arith.muli %arg0, %mul3A_337 : i32
    %mul3A_339 = arith.constant 640 : i32
    %mul3A_340 = arith.muli %arg1, %mul3A_339 : i32
    %add3A_341 = arith.addi %mul3A_338, %mul3A_340 : i32
    %add3A_342 = arith.constant 48 : i32
    %add3A_343 = arith.addi %add3A_341, %add3A_342 : i32
    "tpu.region"() ({
      %run_scoped3A = tpu.sem_alloc : memref<!tpu.dma_semaphore, #tpu.memory_space<semaphore_mem>>
      %dma_start3A = arith.constant 0 : i32
      %dma_start3A_740 = tpu.memref_slice %arg8[%add3A_343, %dma_start3A] : memref<20480x128xf32, #tpu.memory_space<hbm>> -> memref<16x128xf32, #tpu.memory_space<hbm>>
      %dma_start3A_741 = arith.constant 0 : i32
      %dma_start3A_742 = tpu.memref_slice %arg8[%add3A_343, %dma_start3A_741] : memref<20480x128xf32, #tpu.memory_space<hbm>> -> memref<16x128xf32, #tpu.memory_space<hbm>>
      tpu.enqueue_dma source(%arg19 : memref<16x128xf32, #tpu.memory_space<vmem>>) target(%dma_start3A_742 : memref<16x128xf32, #tpu.memory_space<hbm>>) target_semaphore(%run_scoped3A : memref<!tpu.dma_semaphore, #tpu.memory_space<semaphore_mem>>)
      %dma_wait3A = arith.constant 0 : i32
      %dma_wait3A_743 = tpu.memref_slice %arg8[%add3A_343, %dma_wait3A] : memref<20480x128xf32, #tpu.memory_space<hbm>> -> memref<16x128xf32, #tpu.memory_space<hbm>>
      %dma_wait3A_744 = arith.constant 0 : i32
      %dma_wait3A_745 = tpu.memref_slice %arg8[%add3A_343, %dma_wait3A_744] : memref<20480x128xf32, #tpu.memory_space<hbm>> -> memref<16x128xf32, #tpu.memory_space<hbm>>
      tpu.wait_dma2 semaphore(%run_scoped3A : memref<!tpu.dma_semaphore, #tpu.memory_space<semaphore_mem>>) src(%arg19 : memref<16x128xf32, #tpu.memory_space<vmem>>) dst(%dma_wait3A_745 : memref<16x128xf32, #tpu.memory_space<hbm>>)
      tpu.yield
    }) : () -> ()
    %mul3A_344 = arith.constant 640 : i32
    %mul3A_345 = arith.muli %arg1, %mul3A_344 : i32
    %add3A_346 = arith.constant 64 : i32
    %add3A_347 = arith.addi %mul3A_345, %add3A_346 : i32
    "tpu.region"() ({
      %run_scoped3A = tpu.sem_alloc : memref<!tpu.dma_semaphore, #tpu.memory_space<semaphore_mem>>
      %dma_start3A = arith.constant 0 : i32
      %dma_start3A_740 = tpu.memref_slice %arg20[%add3A_347, %dma_start3A] : memref<10240x128xf32, #tpu.memory_space<vmem_shared>> -> memref<16x128xf32, #tpu.memory_space<vmem_shared>>
      %dma_start3A_741 = arith.constant 0 : i32
      %dma_start3A_742 = tpu.memref_slice %arg20[%add3A_347, %dma_start3A_741] : memref<10240x128xf32, #tpu.memory_space<vmem_shared>> -> memref<16x128xf32, #tpu.memory_space<vmem_shared>>
      tpu.enqueue_dma source(%dma_start3A_742 : memref<16x128xf32, #tpu.memory_space<vmem_shared>>) target(%arg19 : memref<16x128xf32, #tpu.memory_space<vmem>>) target_semaphore(%run_scoped3A : memref<!tpu.dma_semaphore, #tpu.memory_space<semaphore_mem>>)
      %dma_wait3A = arith.constant 0 : i32
      %dma_wait3A_743 = tpu.memref_slice %arg20[%add3A_347, %dma_wait3A] : memref<10240x128xf32, #tpu.memory_space<vmem_shared>> -> memref<16x128xf32, #tpu.memory_space<vmem_shared>>
      %dma_wait3A_744 = arith.constant 0 : i32
      %dma_wait3A_745 = tpu.memref_slice %arg20[%add3A_347, %dma_wait3A_744] : memref<10240x128xf32, #tpu.memory_space<vmem_shared>> -> memref<16x128xf32, #tpu.memory_space<vmem_shared>>
      tpu.wait_dma2 semaphore(%run_scoped3A : memref<!tpu.dma_semaphore, #tpu.memory_space<semaphore_mem>>) src(%dma_wait3A_745 : memref<16x128xf32, #tpu.memory_space<vmem_shared>>) dst(%arg19 : memref<16x128xf32, #tpu.memory_space<vmem>>)
      tpu.yield
    }) : () -> ()
    %mul3A_348 = arith.constant 10240 : i32
    %mul3A_349 = arith.muli %arg0, %mul3A_348 : i32
    %mul3A_350 = arith.constant 640 : i32
    %mul3A_351 = arith.muli %arg1, %mul3A_350 : i32
    %add3A_352 = arith.addi %mul3A_349, %mul3A_351 : i32
    %add3A_353 = arith.constant 64 : i32
    %add3A_354 = arith.addi %add3A_352, %add3A_353 : i32
    "tpu.region"() ({
      %run_scoped3A = tpu.sem_alloc : memref<!tpu.dma_semaphore, #tpu.memory_space<semaphore_mem>>
      %dma_start3A = arith.constant 0 : i32
      %dma_start3A_740 = tpu.memref_slice %arg8[%add3A_354, %dma_start3A] : memref<20480x128xf32, #tpu.memory_space<hbm>> -> memref<16x128xf32, #tpu.memory_space<hbm>>
      %dma_start3A_741 = arith.constant 0 : i32
      %dma_start3A_742 = tpu.memref_slice %arg8[%add3A_354, %dma_start3A_741] : memref<20480x128xf32, #tpu.memory_space<hbm>> -> memref<16x128xf32, #tpu.memory_space<hbm>>
      tpu.enqueue_dma source(%arg19 : memref<16x128xf32, #tpu.memory_space<vmem>>) target(%dma_start3A_742 : memref<16x128xf32, #tpu.memory_space<hbm>>) target_semaphore(%run_scoped3A : memref<!tpu.dma_semaphore, #tpu.memory_space<semaphore_mem>>)
      %dma_wait3A = arith.constant 0 : i32
      %dma_wait3A_743 = tpu.memref_slice %arg8[%add3A_354, %dma_wait3A] : memref<20480x128xf32, #tpu.memory_space<hbm>> -> memref<16x128xf32, #tpu.memory_space<hbm>>
      %dma_wait3A_744 = arith.constant 0 : i32
      %dma_wait3A_745 = tpu.memref_slice %arg8[%add3A_354, %dma_wait3A_744] : memref<20480x128xf32, #tpu.memory_space<hbm>> -> memref<16x128xf32, #tpu.memory_space<hbm>>
      tpu.wait_dma2 semaphore(%run_scoped3A : memref<!tpu.dma_semaphore, #tpu.memory_space<semaphore_mem>>) src(%arg19 : memref<16x128xf32, #tpu.memory_space<vmem>>) dst(%dma_wait3A_745 : memref<16x128xf32, #tpu.memory_space<hbm>>)
      tpu.yield
    }) : () -> ()
    %mul3A_355 = arith.constant 640 : i32
    %mul3A_356 = arith.muli %arg1, %mul3A_355 : i32
    %add3A_357 = arith.constant 80 : i32
    %add3A_358 = arith.addi %mul3A_356, %add3A_357 : i32
    "tpu.region"() ({
      %run_scoped3A = tpu.sem_alloc : memref<!tpu.dma_semaphore, #tpu.memory_space<semaphore_mem>>
      %dma_start3A = arith.constant 0 : i32
      %dma_start3A_740 = tpu.memref_slice %arg20[%add3A_358, %dma_start3A] : memref<10240x128xf32, #tpu.memory_space<vmem_shared>> -> memref<16x128xf32, #tpu.memory_space<vmem_shared>>
      %dma_start3A_741 = arith.constant 0 : i32
      %dma_start3A_742 = tpu.memref_slice %arg20[%add3A_358, %dma_start3A_741] : memref<10240x128xf32, #tpu.memory_space<vmem_shared>> -> memref<16x128xf32, #tpu.memory_space<vmem_shared>>
      tpu.enqueue_dma source(%dma_start3A_742 : memref<16x128xf32, #tpu.memory_space<vmem_shared>>) target(%arg19 : memref<16x128xf32, #tpu.memory_space<vmem>>) target_semaphore(%run_scoped3A : memref<!tpu.dma_semaphore, #tpu.memory_space<semaphore_mem>>)
      %dma_wait3A = arith.constant 0 : i32
      %dma_wait3A_743 = tpu.memref_slice %arg20[%add3A_358, %dma_wait3A] : memref<10240x128xf32, #tpu.memory_space<vmem_shared>> -> memref<16x128xf32, #tpu.memory_space<vmem_shared>>
      %dma_wait3A_744 = arith.constant 0 : i32
      %dma_wait3A_745 = tpu.memref_slice %arg20[%add3A_358, %dma_wait3A_744] : memref<10240x128xf32, #tpu.memory_space<vmem_shared>> -> memref<16x128xf32, #tpu.memory_space<vmem_shared>>
      tpu.wait_dma2 semaphore(%run_scoped3A : memref<!tpu.dma_semaphore, #tpu.memory_space<semaphore_mem>>) src(%dma_wait3A_745 : memref<16x128xf32, #tpu.memory_space<vmem_shared>>) dst(%arg19 : memref<16x128xf32, #tpu.memory_space<vmem>>)
      tpu.yield
    }) : () -> ()
    %mul3A_359 = arith.constant 10240 : i32
    %mul3A_360 = arith.muli %arg0, %mul3A_359 : i32
    %mul3A_361 = arith.constant 640 : i32
    %mul3A_362 = arith.muli %arg1, %mul3A_361 : i32
    %add3A_363 = arith.addi %mul3A_360, %mul3A_362 : i32
    %add3A_364 = arith.constant 80 : i32
    %add3A_365 = arith.addi %add3A_363, %add3A_364 : i32
    "tpu.region"() ({
      %run_scoped3A = tpu.sem_alloc : memref<!tpu.dma_semaphore, #tpu.memory_space<semaphore_mem>>
      %dma_start3A = arith.constant 0 : i32
      %dma_start3A_740 = tpu.memref_slice %arg8[%add3A_365, %dma_start3A] : memref<20480x128xf32, #tpu.memory_space<hbm>> -> memref<16x128xf32, #tpu.memory_space<hbm>>
      %dma_start3A_741 = arith.constant 0 : i32
      %dma_start3A_742 = tpu.memref_slice %arg8[%add3A_365, %dma_start3A_741] : memref<20480x128xf32, #tpu.memory_space<hbm>> -> memref<16x128xf32, #tpu.memory_space<hbm>>
      tpu.enqueue_dma source(%arg19 : memref<16x128xf32, #tpu.memory_space<vmem>>) target(%dma_start3A_742 : memref<16x128xf32, #tpu.memory_space<hbm>>) target_semaphore(%run_scoped3A : memref<!tpu.dma_semaphore, #tpu.memory_space<semaphore_mem>>)
      %dma_wait3A = arith.constant 0 : i32
      %dma_wait3A_743 = tpu.memref_slice %arg8[%add3A_365, %dma_wait3A] : memref<20480x128xf32, #tpu.memory_space<hbm>> -> memref<16x128xf32, #tpu.memory_space<hbm>>
      %dma_wait3A_744 = arith.constant 0 : i32
      %dma_wait3A_745 = tpu.memref_slice %arg8[%add3A_365, %dma_wait3A_744] : memref<20480x128xf32, #tpu.memory_space<hbm>> -> memref<16x128xf32, #tpu.memory_space<hbm>>
      tpu.wait_dma2 semaphore(%run_scoped3A : memref<!tpu.dma_semaphore, #tpu.memory_space<semaphore_mem>>) src(%arg19 : memref<16x128xf32, #tpu.memory_space<vmem>>) dst(%dma_wait3A_745 : memref<16x128xf32, #tpu.memory_space<hbm>>)
      tpu.yield
    }) : () -> ()
    %mul3A_366 = arith.constant 640 : i32
    %mul3A_367 = arith.muli %arg1, %mul3A_366 : i32
    %add3A_368 = arith.constant 96 : i32
    %add3A_369 = arith.addi %mul3A_367, %add3A_368 : i32
    "tpu.region"() ({
      %run_scoped3A = tpu.sem_alloc : memref<!tpu.dma_semaphore, #tpu.memory_space<semaphore_mem>>
      %dma_start3A = arith.constant 0 : i32
      %dma_start3A_740 = tpu.memref_slice %arg20[%add3A_369, %dma_start3A] : memref<10240x128xf32, #tpu.memory_space<vmem_shared>> -> memref<16x128xf32, #tpu.memory_space<vmem_shared>>
      %dma_start3A_741 = arith.constant 0 : i32
      %dma_start3A_742 = tpu.memref_slice %arg20[%add3A_369, %dma_start3A_741] : memref<10240x128xf32, #tpu.memory_space<vmem_shared>> -> memref<16x128xf32, #tpu.memory_space<vmem_shared>>
      tpu.enqueue_dma source(%dma_start3A_742 : memref<16x128xf32, #tpu.memory_space<vmem_shared>>) target(%arg19 : memref<16x128xf32, #tpu.memory_space<vmem>>) target_semaphore(%run_scoped3A : memref<!tpu.dma_semaphore, #tpu.memory_space<semaphore_mem>>)
      %dma_wait3A = arith.constant 0 : i32
      %dma_wait3A_743 = tpu.memref_slice %arg20[%add3A_369, %dma_wait3A] : memref<10240x128xf32, #tpu.memory_space<vmem_shared>> -> memref<16x128xf32, #tpu.memory_space<vmem_shared>>
      %dma_wait3A_744 = arith.constant 0 : i32
      %dma_wait3A_745 = tpu.memref_slice %arg20[%add3A_369, %dma_wait3A_744] : memref<10240x128xf32, #tpu.memory_space<vmem_shared>> -> memref<16x128xf32, #tpu.memory_space<vmem_shared>>
      tpu.wait_dma2 semaphore(%run_scoped3A : memref<!tpu.dma_semaphore, #tpu.memory_space<semaphore_mem>>) src(%dma_wait3A_745 : memref<16x128xf32, #tpu.memory_space<vmem_shared>>) dst(%arg19 : memref<16x128xf32, #tpu.memory_space<vmem>>)
      tpu.yield
    }) : () -> ()
    %mul3A_370 = arith.constant 10240 : i32
    %mul3A_371 = arith.muli %arg0, %mul3A_370 : i32
    %mul3A_372 = arith.constant 640 : i32
    %mul3A_373 = arith.muli %arg1, %mul3A_372 : i32
    %add3A_374 = arith.addi %mul3A_371, %mul3A_373 : i32
    %add3A_375 = arith.constant 96 : i32
    %add3A_376 = arith.addi %add3A_374, %add3A_375 : i32
    "tpu.region"() ({
      %run_scoped3A = tpu.sem_alloc : memref<!tpu.dma_semaphore, #tpu.memory_space<semaphore_mem>>
      %dma_start3A = arith.constant 0 : i32
      %dma_start3A_740 = tpu.memref_slice %arg8[%add3A_376, %dma_start3A] : memref<20480x128xf32, #tpu.memory_space<hbm>> -> memref<16x128xf32, #tpu.memory_space<hbm>>
      %dma_start3A_741 = arith.constant 0 : i32
      %dma_start3A_742 = tpu.memref_slice %arg8[%add3A_376, %dma_start3A_741] : memref<20480x128xf32, #tpu.memory_space<hbm>> -> memref<16x128xf32, #tpu.memory_space<hbm>>
      tpu.enqueue_dma source(%arg19 : memref<16x128xf32, #tpu.memory_space<vmem>>) target(%dma_start3A_742 : memref<16x128xf32, #tpu.memory_space<hbm>>) target_semaphore(%run_scoped3A : memref<!tpu.dma_semaphore, #tpu.memory_space<semaphore_mem>>)
      %dma_wait3A = arith.constant 0 : i32
      %dma_wait3A_743 = tpu.memref_slice %arg8[%add3A_376, %dma_wait3A] : memref<20480x128xf32, #tpu.memory_space<hbm>> -> memref<16x128xf32, #tpu.memory_space<hbm>>
      %dma_wait3A_744 = arith.constant 0 : i32
      %dma_wait3A_745 = tpu.memref_slice %arg8[%add3A_376, %dma_wait3A_744] : memref<20480x128xf32, #tpu.memory_space<hbm>> -> memref<16x128xf32, #tpu.memory_space<hbm>>
      tpu.wait_dma2 semaphore(%run_scoped3A : memref<!tpu.dma_semaphore, #tpu.memory_space<semaphore_mem>>) src(%arg19 : memref<16x128xf32, #tpu.memory_space<vmem>>) dst(%dma_wait3A_745 : memref<16x128xf32, #tpu.memory_space<hbm>>)
      tpu.yield
    }) : () -> ()
    %mul3A_377 = arith.constant 640 : i32
    %mul3A_378 = arith.muli %arg1, %mul3A_377 : i32
    %add3A_379 = arith.constant 112 : i32
    %add3A_380 = arith.addi %mul3A_378, %add3A_379 : i32
    "tpu.region"() ({
      %run_scoped3A = tpu.sem_alloc : memref<!tpu.dma_semaphore, #tpu.memory_space<semaphore_mem>>
      %dma_start3A = arith.constant 0 : i32
      %dma_start3A_740 = tpu.memref_slice %arg20[%add3A_380, %dma_start3A] : memref<10240x128xf32, #tpu.memory_space<vmem_shared>> -> memref<16x128xf32, #tpu.memory_space<vmem_shared>>
      %dma_start3A_741 = arith.constant 0 : i32
      %dma_start3A_742 = tpu.memref_slice %arg20[%add3A_380, %dma_start3A_741] : memref<10240x128xf32, #tpu.memory_space<vmem_shared>> -> memref<16x128xf32, #tpu.memory_space<vmem_shared>>
      tpu.enqueue_dma source(%dma_start3A_742 : memref<16x128xf32, #tpu.memory_space<vmem_shared>>) target(%arg19 : memref<16x128xf32, #tpu.memory_space<vmem>>) target_semaphore(%run_scoped3A : memref<!tpu.dma_semaphore, #tpu.memory_space<semaphore_mem>>)
      %dma_wait3A = arith.constant 0 : i32
      %dma_wait3A_743 = tpu.memref_slice %arg20[%add3A_380, %dma_wait3A] : memref<10240x128xf32, #tpu.memory_space<vmem_shared>> -> memref<16x128xf32, #tpu.memory_space<vmem_shared>>
      %dma_wait3A_744 = arith.constant 0 : i32
      %dma_wait3A_745 = tpu.memref_slice %arg20[%add3A_380, %dma_wait3A_744] : memref<10240x128xf32, #tpu.memory_space<vmem_shared>> -> memref<16x128xf32, #tpu.memory_space<vmem_shared>>
      tpu.wait_dma2 semaphore(%run_scoped3A : memref<!tpu.dma_semaphore, #tpu.memory_space<semaphore_mem>>) src(%dma_wait3A_745 : memref<16x128xf32, #tpu.memory_space<vmem_shared>>) dst(%arg19 : memref<16x128xf32, #tpu.memory_space<vmem>>)
      tpu.yield
    }) : () -> ()
    %mul3A_381 = arith.constant 10240 : i32
    %mul3A_382 = arith.muli %arg0, %mul3A_381 : i32
    %mul3A_383 = arith.constant 640 : i32
    %mul3A_384 = arith.muli %arg1, %mul3A_383 : i32
    %add3A_385 = arith.addi %mul3A_382, %mul3A_384 : i32
    %add3A_386 = arith.constant 112 : i32
    %add3A_387 = arith.addi %add3A_385, %add3A_386 : i32
    "tpu.region"() ({
      %run_scoped3A = tpu.sem_alloc : memref<!tpu.dma_semaphore, #tpu.memory_space<semaphore_mem>>
      %dma_start3A = arith.constant 0 : i32
      %dma_start3A_740 = tpu.memref_slice %arg8[%add3A_387, %dma_start3A] : memref<20480x128xf32, #tpu.memory_space<hbm>> -> memref<16x128xf32, #tpu.memory_space<hbm>>
      %dma_start3A_741 = arith.constant 0 : i32
      %dma_start3A_742 = tpu.memref_slice %arg8[%add3A_387, %dma_start3A_741] : memref<20480x128xf32, #tpu.memory_space<hbm>> -> memref<16x128xf32, #tpu.memory_space<hbm>>
      tpu.enqueue_dma source(%arg19 : memref<16x128xf32, #tpu.memory_space<vmem>>) target(%dma_start3A_742 : memref<16x128xf32, #tpu.memory_space<hbm>>) target_semaphore(%run_scoped3A : memref<!tpu.dma_semaphore, #tpu.memory_space<semaphore_mem>>)
      %dma_wait3A = arith.constant 0 : i32
      %dma_wait3A_743 = tpu.memref_slice %arg8[%add3A_387, %dma_wait3A] : memref<20480x128xf32, #tpu.memory_space<hbm>> -> memref<16x128xf32, #tpu.memory_space<hbm>>
      %dma_wait3A_744 = arith.constant 0 : i32
      %dma_wait3A_745 = tpu.memref_slice %arg8[%add3A_387, %dma_wait3A_744] : memref<20480x128xf32, #tpu.memory_space<hbm>> -> memref<16x128xf32, #tpu.memory_space<hbm>>
      tpu.wait_dma2 semaphore(%run_scoped3A : memref<!tpu.dma_semaphore, #tpu.memory_space<semaphore_mem>>) src(%arg19 : memref<16x128xf32, #tpu.memory_space<vmem>>) dst(%dma_wait3A_745 : memref<16x128xf32, #tpu.memory_space<hbm>>)
      tpu.yield
    }) : () -> ()
    %mul3A_388 = arith.constant 640 : i32
    %mul3A_389 = arith.muli %arg1, %mul3A_388 : i32
    %add3A_390 = arith.constant 128 : i32
    %add3A_391 = arith.addi %mul3A_389, %add3A_390 : i32
    "tpu.region"() ({
      %run_scoped3A = tpu.sem_alloc : memref<!tpu.dma_semaphore, #tpu.memory_space<semaphore_mem>>
      %dma_start3A = arith.constant 0 : i32
      %dma_start3A_740 = tpu.memref_slice %arg20[%add3A_391, %dma_start3A] : memref<10240x128xf32, #tpu.memory_space<vmem_shared>> -> memref<16x128xf32, #tpu.memory_space<vmem_shared>>
      %dma_start3A_741 = arith.constant 0 : i32
      %dma_start3A_742 = tpu.memref_slice %arg20[%add3A_391, %dma_start3A_741] : memref<10240x128xf32, #tpu.memory_space<vmem_shared>> -> memref<16x128xf32, #tpu.memory_space<vmem_shared>>
      tpu.enqueue_dma source(%dma_start3A_742 : memref<16x128xf32, #tpu.memory_space<vmem_shared>>) target(%arg19 : memref<16x128xf32, #tpu.memory_space<vmem>>) target_semaphore(%run_scoped3A : memref<!tpu.dma_semaphore, #tpu.memory_space<semaphore_mem>>)
      %dma_wait3A = arith.constant 0 : i32
      %dma_wait3A_743 = tpu.memref_slice %arg20[%add3A_391, %dma_wait3A] : memref<10240x128xf32, #tpu.memory_space<vmem_shared>> -> memref<16x128xf32, #tpu.memory_space<vmem_shared>>
      %dma_wait3A_744 = arith.constant 0 : i32
      %dma_wait3A_745 = tpu.memref_slice %arg20[%add3A_391, %dma_wait3A_744] : memref<10240x128xf32, #tpu.memory_space<vmem_shared>> -> memref<16x128xf32, #tpu.memory_space<vmem_shared>>
      tpu.wait_dma2 semaphore(%run_scoped3A : memref<!tpu.dma_semaphore, #tpu.memory_space<semaphore_mem>>) src(%dma_wait3A_745 : memref<16x128xf32, #tpu.memory_space<vmem_shared>>) dst(%arg19 : memref<16x128xf32, #tpu.memory_space<vmem>>)
      tpu.yield
    }) : () -> ()
    %mul3A_392 = arith.constant 10240 : i32
    %mul3A_393 = arith.muli %arg0, %mul3A_392 : i32
    %mul3A_394 = arith.constant 640 : i32
    %mul3A_395 = arith.muli %arg1, %mul3A_394 : i32
    %add3A_396 = arith.addi %mul3A_393, %mul3A_395 : i32
    %add3A_397 = arith.constant 128 : i32
    %add3A_398 = arith.addi %add3A_396, %add3A_397 : i32
    "tpu.region"() ({
      %run_scoped3A = tpu.sem_alloc : memref<!tpu.dma_semaphore, #tpu.memory_space<semaphore_mem>>
      %dma_start3A = arith.constant 0 : i32
      %dma_start3A_740 = tpu.memref_slice %arg8[%add3A_398, %dma_start3A] : memref<20480x128xf32, #tpu.memory_space<hbm>> -> memref<16x128xf32, #tpu.memory_space<hbm>>
      %dma_start3A_741 = arith.constant 0 : i32
      %dma_start3A_742 = tpu.memref_slice %arg8[%add3A_398, %dma_start3A_741] : memref<20480x128xf32, #tpu.memory_space<hbm>> -> memref<16x128xf32, #tpu.memory_space<hbm>>
      tpu.enqueue_dma source(%arg19 : memref<16x128xf32, #tpu.memory_space<vmem>>) target(%dma_start3A_742 : memref<16x128xf32, #tpu.memory_space<hbm>>) target_semaphore(%run_scoped3A : memref<!tpu.dma_semaphore, #tpu.memory_space<semaphore_mem>>)
      %dma_wait3A = arith.constant 0 : i32
      %dma_wait3A_743 = tpu.memref_slice %arg8[%add3A_398, %dma_wait3A] : memref<20480x128xf32, #tpu.memory_space<hbm>> -> memref<16x128xf32, #tpu.memory_space<hbm>>
      %dma_wait3A_744 = arith.constant 0 : i32
      %dma_wait3A_745 = tpu.memref_slice %arg8[%add3A_398, %dma_wait3A_744] : memref<20480x128xf32, #tpu.memory_space<hbm>> -> memref<16x128xf32, #tpu.memory_space<hbm>>
      tpu.wait_dma2 semaphore(%run_scoped3A : memref<!tpu.dma_semaphore, #tpu.memory_space<semaphore_mem>>) src(%arg19 : memref<16x128xf32, #tpu.memory_space<vmem>>) dst(%dma_wait3A_745 : memref<16x128xf32, #tpu.memory_space<hbm>>)
      tpu.yield
    }) : () -> ()
    %mul3A_399 = arith.constant 640 : i32
    %mul3A_400 = arith.muli %arg1, %mul3A_399 : i32
    %add3A_401 = arith.constant 144 : i32
    %add3A_402 = arith.addi %mul3A_400, %add3A_401 : i32
    "tpu.region"() ({
      %run_scoped3A = tpu.sem_alloc : memref<!tpu.dma_semaphore, #tpu.memory_space<semaphore_mem>>
      %dma_start3A = arith.constant 0 : i32
      %dma_start3A_740 = tpu.memref_slice %arg20[%add3A_402, %dma_start3A] : memref<10240x128xf32, #tpu.memory_space<vmem_shared>> -> memref<16x128xf32, #tpu.memory_space<vmem_shared>>
      %dma_start3A_741 = arith.constant 0 : i32
      %dma_start3A_742 = tpu.memref_slice %arg20[%add3A_402, %dma_start3A_741] : memref<10240x128xf32, #tpu.memory_space<vmem_shared>> -> memref<16x128xf32, #tpu.memory_space<vmem_shared>>
      tpu.enqueue_dma source(%dma_start3A_742 : memref<16x128xf32, #tpu.memory_space<vmem_shared>>) target(%arg19 : memref<16x128xf32, #tpu.memory_space<vmem>>) target_semaphore(%run_scoped3A : memref<!tpu.dma_semaphore, #tpu.memory_space<semaphore_mem>>)
      %dma_wait3A = arith.constant 0 : i32
      %dma_wait3A_743 = tpu.memref_slice %arg20[%add3A_402, %dma_wait3A] : memref<10240x128xf32, #tpu.memory_space<vmem_shared>> -> memref<16x128xf32, #tpu.memory_space<vmem_shared>>
      %dma_wait3A_744 = arith.constant 0 : i32
      %dma_wait3A_745 = tpu.memref_slice %arg20[%add3A_402, %dma_wait3A_744] : memref<10240x128xf32, #tpu.memory_space<vmem_shared>> -> memref<16x128xf32, #tpu.memory_space<vmem_shared>>
      tpu.wait_dma2 semaphore(%run_scoped3A : memref<!tpu.dma_semaphore, #tpu.memory_space<semaphore_mem>>) src(%dma_wait3A_745 : memref<16x128xf32, #tpu.memory_space<vmem_shared>>) dst(%arg19 : memref<16x128xf32, #tpu.memory_space<vmem>>)
      tpu.yield
    }) : () -> ()
    %mul3A_403 = arith.constant 10240 : i32
    %mul3A_404 = arith.muli %arg0, %mul3A_403 : i32
    %mul3A_405 = arith.constant 640 : i32
    %mul3A_406 = arith.muli %arg1, %mul3A_405 : i32
    %add3A_407 = arith.addi %mul3A_404, %mul3A_406 : i32
    %add3A_408 = arith.constant 144 : i32
    %add3A_409 = arith.addi %add3A_407, %add3A_408 : i32
    "tpu.region"() ({
      %run_scoped3A = tpu.sem_alloc : memref<!tpu.dma_semaphore, #tpu.memory_space<semaphore_mem>>
      %dma_start3A = arith.constant 0 : i32
      %dma_start3A_740 = tpu.memref_slice %arg8[%add3A_409, %dma_start3A] : memref<20480x128xf32, #tpu.memory_space<hbm>> -> memref<16x128xf32, #tpu.memory_space<hbm>>
      %dma_start3A_741 = arith.constant 0 : i32
      %dma_start3A_742 = tpu.memref_slice %arg8[%add3A_409, %dma_start3A_741] : memref<20480x128xf32, #tpu.memory_space<hbm>> -> memref<16x128xf32, #tpu.memory_space<hbm>>
      tpu.enqueue_dma source(%arg19 : memref<16x128xf32, #tpu.memory_space<vmem>>) target(%dma_start3A_742 : memref<16x128xf32, #tpu.memory_space<hbm>>) target_semaphore(%run_scoped3A : memref<!tpu.dma_semaphore, #tpu.memory_space<semaphore_mem>>)
      %dma_wait3A = arith.constant 0 : i32
      %dma_wait3A_743 = tpu.memref_slice %arg8[%add3A_409, %dma_wait3A] : memref<20480x128xf32, #tpu.memory_space<hbm>> -> memref<16x128xf32, #tpu.memory_space<hbm>>
      %dma_wait3A_744 = arith.constant 0 : i32
      %dma_wait3A_745 = tpu.memref_slice %arg8[%add3A_409, %dma_wait3A_744] : memref<20480x128xf32, #tpu.memory_space<hbm>> -> memref<16x128xf32, #tpu.memory_space<hbm>>
      tpu.wait_dma2 semaphore(%run_scoped3A : memref<!tpu.dma_semaphore, #tpu.memory_space<semaphore_mem>>) src(%arg19 : memref<16x128xf32, #tpu.memory_space<vmem>>) dst(%dma_wait3A_745 : memref<16x128xf32, #tpu.memory_space<hbm>>)
      tpu.yield
    }) : () -> ()
    %mul3A_410 = arith.constant 640 : i32
    %mul3A_411 = arith.muli %arg1, %mul3A_410 : i32
    %add3A_412 = arith.constant 160 : i32
    %add3A_413 = arith.addi %mul3A_411, %add3A_412 : i32
    "tpu.region"() ({
      %run_scoped3A = tpu.sem_alloc : memref<!tpu.dma_semaphore, #tpu.memory_space<semaphore_mem>>
      %dma_start3A = arith.constant 0 : i32
      %dma_start3A_740 = tpu.memref_slice %arg20[%add3A_413, %dma_start3A] : memref<10240x128xf32, #tpu.memory_space<vmem_shared>> -> memref<16x128xf32, #tpu.memory_space<vmem_shared>>
      %dma_start3A_741 = arith.constant 0 : i32
      %dma_start3A_742 = tpu.memref_slice %arg20[%add3A_413, %dma_start3A_741] : memref<10240x128xf32, #tpu.memory_space<vmem_shared>> -> memref<16x128xf32, #tpu.memory_space<vmem_shared>>
      tpu.enqueue_dma source(%dma_start3A_742 : memref<16x128xf32, #tpu.memory_space<vmem_shared>>) target(%arg19 : memref<16x128xf32, #tpu.memory_space<vmem>>) target_semaphore(%run_scoped3A : memref<!tpu.dma_semaphore, #tpu.memory_space<semaphore_mem>>)
      %dma_wait3A = arith.constant 0 : i32
      %dma_wait3A_743 = tpu.memref_slice %arg20[%add3A_413, %dma_wait3A] : memref<10240x128xf32, #tpu.memory_space<vmem_shared>> -> memref<16x128xf32, #tpu.memory_space<vmem_shared>>
      %dma_wait3A_744 = arith.constant 0 : i32
      %dma_wait3A_745 = tpu.memref_slice %arg20[%add3A_413, %dma_wait3A_744] : memref<10240x128xf32, #tpu.memory_space<vmem_shared>> -> memref<16x128xf32, #tpu.memory_space<vmem_shared>>
      tpu.wait_dma2 semaphore(%run_scoped3A : memref<!tpu.dma_semaphore, #tpu.memory_space<semaphore_mem>>) src(%dma_wait3A_745 : memref<16x128xf32, #tpu.memory_space<vmem_shared>>) dst(%arg19 : memref<16x128xf32, #tpu.memory_space<vmem>>)
      tpu.yield
    }) : () -> ()
    %mul3A_414 = arith.constant 10240 : i32
    %mul3A_415 = arith.muli %arg0, %mul3A_414 : i32
    %mul3A_416 = arith.constant 640 : i32
    %mul3A_417 = arith.muli %arg1, %mul3A_416 : i32
    %add3A_418 = arith.addi %mul3A_415, %mul3A_417 : i32
    %add3A_419 = arith.constant 160 : i32
    %add3A_420 = arith.addi %add3A_418, %add3A_419 : i32
    "tpu.region"() ({
      %run_scoped3A = tpu.sem_alloc : memref<!tpu.dma_semaphore, #tpu.memory_space<semaphore_mem>>
      %dma_start3A = arith.constant 0 : i32
      %dma_start3A_740 = tpu.memref_slice %arg8[%add3A_420, %dma_start3A] : memref<20480x128xf32, #tpu.memory_space<hbm>> -> memref<16x128xf32, #tpu.memory_space<hbm>>
      %dma_start3A_741 = arith.constant 0 : i32
      %dma_start3A_742 = tpu.memref_slice %arg8[%add3A_420, %dma_start3A_741] : memref<20480x128xf32, #tpu.memory_space<hbm>> -> memref<16x128xf32, #tpu.memory_space<hbm>>
      tpu.enqueue_dma source(%arg19 : memref<16x128xf32, #tpu.memory_space<vmem>>) target(%dma_start3A_742 : memref<16x128xf32, #tpu.memory_space<hbm>>) target_semaphore(%run_scoped3A : memref<!tpu.dma_semaphore, #tpu.memory_space<semaphore_mem>>)
      %dma_wait3A = arith.constant 0 : i32
      %dma_wait3A_743 = tpu.memref_slice %arg8[%add3A_420, %dma_wait3A] : memref<20480x128xf32, #tpu.memory_space<hbm>> -> memref<16x128xf32, #tpu.memory_space<hbm>>
      %dma_wait3A_744 = arith.constant 0 : i32
      %dma_wait3A_745 = tpu.memref_slice %arg8[%add3A_420, %dma_wait3A_744] : memref<20480x128xf32, #tpu.memory_space<hbm>> -> memref<16x128xf32, #tpu.memory_space<hbm>>
      tpu.wait_dma2 semaphore(%run_scoped3A : memref<!tpu.dma_semaphore, #tpu.memory_space<semaphore_mem>>) src(%arg19 : memref<16x128xf32, #tpu.memory_space<vmem>>) dst(%dma_wait3A_745 : memref<16x128xf32, #tpu.memory_space<hbm>>)
      tpu.yield
    }) : () -> ()
    %mul3A_421 = arith.constant 640 : i32
    %mul3A_422 = arith.muli %arg1, %mul3A_421 : i32
    %add3A_423 = arith.constant 176 : i32
    %add3A_424 = arith.addi %mul3A_422, %add3A_423 : i32
    "tpu.region"() ({
      %run_scoped3A = tpu.sem_alloc : memref<!tpu.dma_semaphore, #tpu.memory_space<semaphore_mem>>
      %dma_start3A = arith.constant 0 : i32
      %dma_start3A_740 = tpu.memref_slice %arg20[%add3A_424, %dma_start3A] : memref<10240x128xf32, #tpu.memory_space<vmem_shared>> -> memref<16x128xf32, #tpu.memory_space<vmem_shared>>
      %dma_start3A_741 = arith.constant 0 : i32
      %dma_start3A_742 = tpu.memref_slice %arg20[%add3A_424, %dma_start3A_741] : memref<10240x128xf32, #tpu.memory_space<vmem_shared>> -> memref<16x128xf32, #tpu.memory_space<vmem_shared>>
      tpu.enqueue_dma source(%dma_start3A_742 : memref<16x128xf32, #tpu.memory_space<vmem_shared>>) target(%arg19 : memref<16x128xf32, #tpu.memory_space<vmem>>) target_semaphore(%run_scoped3A : memref<!tpu.dma_semaphore, #tpu.memory_space<semaphore_mem>>)
      %dma_wait3A = arith.constant 0 : i32
      %dma_wait3A_743 = tpu.memref_slice %arg20[%add3A_424, %dma_wait3A] : memref<10240x128xf32, #tpu.memory_space<vmem_shared>> -> memref<16x128xf32, #tpu.memory_space<vmem_shared>>
      %dma_wait3A_744 = arith.constant 0 : i32
      %dma_wait3A_745 = tpu.memref_slice %arg20[%add3A_424, %dma_wait3A_744] : memref<10240x128xf32, #tpu.memory_space<vmem_shared>> -> memref<16x128xf32, #tpu.memory_space<vmem_shared>>
      tpu.wait_dma2 semaphore(%run_scoped3A : memref<!tpu.dma_semaphore, #tpu.memory_space<semaphore_mem>>) src(%dma_wait3A_745 : memref<16x128xf32, #tpu.memory_space<vmem_shared>>) dst(%arg19 : memref<16x128xf32, #tpu.memory_space<vmem>>)
      tpu.yield
    }) : () -> ()
    %mul3A_425 = arith.constant 10240 : i32
    %mul3A_426 = arith.muli %arg0, %mul3A_425 : i32
    %mul3A_427 = arith.constant 640 : i32
    %mul3A_428 = arith.muli %arg1, %mul3A_427 : i32
    %add3A_429 = arith.addi %mul3A_426, %mul3A_428 : i32
    %add3A_430 = arith.constant 176 : i32
    %add3A_431 = arith.addi %add3A_429, %add3A_430 : i32
    "tpu.region"() ({
      %run_scoped3A = tpu.sem_alloc : memref<!tpu.dma_semaphore, #tpu.memory_space<semaphore_mem>>
      %dma_start3A = arith.constant 0 : i32
      %dma_start3A_740 = tpu.memref_slice %arg8[%add3A_431, %dma_start3A] : memref<20480x128xf32, #tpu.memory_space<hbm>> -> memref<16x128xf32, #tpu.memory_space<hbm>>
      %dma_start3A_741 = arith.constant 0 : i32
      %dma_start3A_742 = tpu.memref_slice %arg8[%add3A_431, %dma_start3A_741] : memref<20480x128xf32, #tpu.memory_space<hbm>> -> memref<16x128xf32, #tpu.memory_space<hbm>>
      tpu.enqueue_dma source(%arg19 : memref<16x128xf32, #tpu.memory_space<vmem>>) target(%dma_start3A_742 : memref<16x128xf32, #tpu.memory_space<hbm>>) target_semaphore(%run_scoped3A : memref<!tpu.dma_semaphore, #tpu.memory_space<semaphore_mem>>)
      %dma_wait3A = arith.constant 0 : i32
      %dma_wait3A_743 = tpu.memref_slice %arg8[%add3A_431, %dma_wait3A] : memref<20480x128xf32, #tpu.memory_space<hbm>> -> memref<16x128xf32, #tpu.memory_space<hbm>>
      %dma_wait3A_744 = arith.constant 0 : i32
      %dma_wait3A_745 = tpu.memref_slice %arg8[%add3A_431, %dma_wait3A_744] : memref<20480x128xf32, #tpu.memory_space<hbm>> -> memref<16x128xf32, #tpu.memory_space<hbm>>
      tpu.wait_dma2 semaphore(%run_scoped3A : memref<!tpu.dma_semaphore, #tpu.memory_space<semaphore_mem>>) src(%arg19 : memref<16x128xf32, #tpu.memory_space<vmem>>) dst(%dma_wait3A_745 : memref<16x128xf32, #tpu.memory_space<hbm>>)
      tpu.yield
    }) : () -> ()
    %mul3A_432 = arith.constant 640 : i32
    %mul3A_433 = arith.muli %arg1, %mul3A_432 : i32
    %add3A_434 = arith.constant 192 : i32
    %add3A_435 = arith.addi %mul3A_433, %add3A_434 : i32
    "tpu.region"() ({
      %run_scoped3A = tpu.sem_alloc : memref<!tpu.dma_semaphore, #tpu.memory_space<semaphore_mem>>
      %dma_start3A = arith.constant 0 : i32
      %dma_start3A_740 = tpu.memref_slice %arg20[%add3A_435, %dma_start3A] : memref<10240x128xf32, #tpu.memory_space<vmem_shared>> -> memref<16x128xf32, #tpu.memory_space<vmem_shared>>
      %dma_start3A_741 = arith.constant 0 : i32
      %dma_start3A_742 = tpu.memref_slice %arg20[%add3A_435, %dma_start3A_741] : memref<10240x128xf32, #tpu.memory_space<vmem_shared>> -> memref<16x128xf32, #tpu.memory_space<vmem_shared>>
      tpu.enqueue_dma source(%dma_start3A_742 : memref<16x128xf32, #tpu.memory_space<vmem_shared>>) target(%arg19 : memref<16x128xf32, #tpu.memory_space<vmem>>) target_semaphore(%run_scoped3A : memref<!tpu.dma_semaphore, #tpu.memory_space<semaphore_mem>>)
      %dma_wait3A = arith.constant 0 : i32
      %dma_wait3A_743 = tpu.memref_slice %arg20[%add3A_435, %dma_wait3A] : memref<10240x128xf32, #tpu.memory_space<vmem_shared>> -> memref<16x128xf32, #tpu.memory_space<vmem_shared>>
      %dma_wait3A_744 = arith.constant 0 : i32
      %dma_wait3A_745 = tpu.memref_slice %arg20[%add3A_435, %dma_wait3A_744] : memref<10240x128xf32, #tpu.memory_space<vmem_shared>> -> memref<16x128xf32, #tpu.memory_space<vmem_shared>>
      tpu.wait_dma2 semaphore(%run_scoped3A : memref<!tpu.dma_semaphore, #tpu.memory_space<semaphore_mem>>) src(%dma_wait3A_745 : memref<16x128xf32, #tpu.memory_space<vmem_shared>>) dst(%arg19 : memref<16x128xf32, #tpu.memory_space<vmem>>)
      tpu.yield
    }) : () -> ()
    %mul3A_436 = arith.constant 10240 : i32
    %mul3A_437 = arith.muli %arg0, %mul3A_436 : i32
    %mul3A_438 = arith.constant 640 : i32
    %mul3A_439 = arith.muli %arg1, %mul3A_438 : i32
    %add3A_440 = arith.addi %mul3A_437, %mul3A_439 : i32
    %add3A_441 = arith.constant 192 : i32
    %add3A_442 = arith.addi %add3A_440, %add3A_441 : i32
    "tpu.region"() ({
      %run_scoped3A = tpu.sem_alloc : memref<!tpu.dma_semaphore, #tpu.memory_space<semaphore_mem>>
      %dma_start3A = arith.constant 0 : i32
      %dma_start3A_740 = tpu.memref_slice %arg8[%add3A_442, %dma_start3A] : memref<20480x128xf32, #tpu.memory_space<hbm>> -> memref<16x128xf32, #tpu.memory_space<hbm>>
      %dma_start3A_741 = arith.constant 0 : i32
      %dma_start3A_742 = tpu.memref_slice %arg8[%add3A_442, %dma_start3A_741] : memref<20480x128xf32, #tpu.memory_space<hbm>> -> memref<16x128xf32, #tpu.memory_space<hbm>>
      tpu.enqueue_dma source(%arg19 : memref<16x128xf32, #tpu.memory_space<vmem>>) target(%dma_start3A_742 : memref<16x128xf32, #tpu.memory_space<hbm>>) target_semaphore(%run_scoped3A : memref<!tpu.dma_semaphore, #tpu.memory_space<semaphore_mem>>)
      %dma_wait3A = arith.constant 0 : i32
      %dma_wait3A_743 = tpu.memref_slice %arg8[%add3A_442, %dma_wait3A] : memref<20480x128xf32, #tpu.memory_space<hbm>> -> memref<16x128xf32, #tpu.memory_space<hbm>>
      %dma_wait3A_744 = arith.constant 0 : i32
      %dma_wait3A_745 = tpu.memref_slice %arg8[%add3A_442, %dma_wait3A_744] : memref<20480x128xf32, #tpu.memory_space<hbm>> -> memref<16x128xf32, #tpu.memory_space<hbm>>
      tpu.wait_dma2 semaphore(%run_scoped3A : memref<!tpu.dma_semaphore, #tpu.memory_space<semaphore_mem>>) src(%arg19 : memref<16x128xf32, #tpu.memory_space<vmem>>) dst(%dma_wait3A_745 : memref<16x128xf32, #tpu.memory_space<hbm>>)
      tpu.yield
    }) : () -> ()
    %mul3A_443 = arith.constant 640 : i32
    %mul3A_444 = arith.muli %arg1, %mul3A_443 : i32
    %add3A_445 = arith.constant 208 : i32
    %add3A_446 = arith.addi %mul3A_444, %add3A_445 : i32
    "tpu.region"() ({
      %run_scoped3A = tpu.sem_alloc : memref<!tpu.dma_semaphore, #tpu.memory_space<semaphore_mem>>
      %dma_start3A = arith.constant 0 : i32
      %dma_start3A_740 = tpu.memref_slice %arg20[%add3A_446, %dma_start3A] : memref<10240x128xf32, #tpu.memory_space<vmem_shared>> -> memref<16x128xf32, #tpu.memory_space<vmem_shared>>
      %dma_start3A_741 = arith.constant 0 : i32
      %dma_start3A_742 = tpu.memref_slice %arg20[%add3A_446, %dma_start3A_741] : memref<10240x128xf32, #tpu.memory_space<vmem_shared>> -> memref<16x128xf32, #tpu.memory_space<vmem_shared>>
      tpu.enqueue_dma source(%dma_start3A_742 : memref<16x128xf32, #tpu.memory_space<vmem_shared>>) target(%arg19 : memref<16x128xf32, #tpu.memory_space<vmem>>) target_semaphore(%run_scoped3A : memref<!tpu.dma_semaphore, #tpu.memory_space<semaphore_mem>>)
      %dma_wait3A = arith.constant 0 : i32
      %dma_wait3A_743 = tpu.memref_slice %arg20[%add3A_446, %dma_wait3A] : memref<10240x128xf32, #tpu.memory_space<vmem_shared>> -> memref<16x128xf32, #tpu.memory_space<vmem_shared>>
      %dma_wait3A_744 = arith.constant 0 : i32
      %dma_wait3A_745 = tpu.memref_slice %arg20[%add3A_446, %dma_wait3A_744] : memref<10240x128xf32, #tpu.memory_space<vmem_shared>> -> memref<16x128xf32, #tpu.memory_space<vmem_shared>>
      tpu.wait_dma2 semaphore(%run_scoped3A : memref<!tpu.dma_semaphore, #tpu.memory_space<semaphore_mem>>) src(%dma_wait3A_745 : memref<16x128xf32, #tpu.memory_space<vmem_shared>>) dst(%arg19 : memref<16x128xf32, #tpu.memory_space<vmem>>)
      tpu.yield
    }) : () -> ()
    %mul3A_447 = arith.constant 10240 : i32
    %mul3A_448 = arith.muli %arg0, %mul3A_447 : i32
    %mul3A_449 = arith.constant 640 : i32
    %mul3A_450 = arith.muli %arg1, %mul3A_449 : i32
    %add3A_451 = arith.addi %mul3A_448, %mul3A_450 : i32
    %add3A_452 = arith.constant 208 : i32
    %add3A_453 = arith.addi %add3A_451, %add3A_452 : i32
    "tpu.region"() ({
      %run_scoped3A = tpu.sem_alloc : memref<!tpu.dma_semaphore, #tpu.memory_space<semaphore_mem>>
      %dma_start3A = arith.constant 0 : i32
      %dma_start3A_740 = tpu.memref_slice %arg8[%add3A_453, %dma_start3A] : memref<20480x128xf32, #tpu.memory_space<hbm>> -> memref<16x128xf32, #tpu.memory_space<hbm>>
      %dma_start3A_741 = arith.constant 0 : i32
      %dma_start3A_742 = tpu.memref_slice %arg8[%add3A_453, %dma_start3A_741] : memref<20480x128xf32, #tpu.memory_space<hbm>> -> memref<16x128xf32, #tpu.memory_space<hbm>>
      tpu.enqueue_dma source(%arg19 : memref<16x128xf32, #tpu.memory_space<vmem>>) target(%dma_start3A_742 : memref<16x128xf32, #tpu.memory_space<hbm>>) target_semaphore(%run_scoped3A : memref<!tpu.dma_semaphore, #tpu.memory_space<semaphore_mem>>)
      %dma_wait3A = arith.constant 0 : i32
      %dma_wait3A_743 = tpu.memref_slice %arg8[%add3A_453, %dma_wait3A] : memref<20480x128xf32, #tpu.memory_space<hbm>> -> memref<16x128xf32, #tpu.memory_space<hbm>>
      %dma_wait3A_744 = arith.constant 0 : i32
      %dma_wait3A_745 = tpu.memref_slice %arg8[%add3A_453, %dma_wait3A_744] : memref<20480x128xf32, #tpu.memory_space<hbm>> -> memref<16x128xf32, #tpu.memory_space<hbm>>
      tpu.wait_dma2 semaphore(%run_scoped3A : memref<!tpu.dma_semaphore, #tpu.memory_space<semaphore_mem>>) src(%arg19 : memref<16x128xf32, #tpu.memory_space<vmem>>) dst(%dma_wait3A_745 : memref<16x128xf32, #tpu.memory_space<hbm>>)
      tpu.yield
    }) : () -> ()
    %mul3A_454 = arith.constant 640 : i32
    %mul3A_455 = arith.muli %arg1, %mul3A_454 : i32
    %add3A_456 = arith.constant 224 : i32
    %add3A_457 = arith.addi %mul3A_455, %add3A_456 : i32
    "tpu.region"() ({
      %run_scoped3A = tpu.sem_alloc : memref<!tpu.dma_semaphore, #tpu.memory_space<semaphore_mem>>
      %dma_start3A = arith.constant 0 : i32
      %dma_start3A_740 = tpu.memref_slice %arg20[%add3A_457, %dma_start3A] : memref<10240x128xf32, #tpu.memory_space<vmem_shared>> -> memref<16x128xf32, #tpu.memory_space<vmem_shared>>
      %dma_start3A_741 = arith.constant 0 : i32
      %dma_start3A_742 = tpu.memref_slice %arg20[%add3A_457, %dma_start3A_741] : memref<10240x128xf32, #tpu.memory_space<vmem_shared>> -> memref<16x128xf32, #tpu.memory_space<vmem_shared>>
      tpu.enqueue_dma source(%dma_start3A_742 : memref<16x128xf32, #tpu.memory_space<vmem_shared>>) target(%arg19 : memref<16x128xf32, #tpu.memory_space<vmem>>) target_semaphore(%run_scoped3A : memref<!tpu.dma_semaphore, #tpu.memory_space<semaphore_mem>>)
      %dma_wait3A = arith.constant 0 : i32
      %dma_wait3A_743 = tpu.memref_slice %arg20[%add3A_457, %dma_wait3A] : memref<10240x128xf32, #tpu.memory_space<vmem_shared>> -> memref<16x128xf32, #tpu.memory_space<vmem_shared>>
      %dma_wait3A_744 = arith.constant 0 : i32
      %dma_wait3A_745 = tpu.memref_slice %arg20[%add3A_457, %dma_wait3A_744] : memref<10240x128xf32, #tpu.memory_space<vmem_shared>> -> memref<16x128xf32, #tpu.memory_space<vmem_shared>>
      tpu.wait_dma2 semaphore(%run_scoped3A : memref<!tpu.dma_semaphore, #tpu.memory_space<semaphore_mem>>) src(%dma_wait3A_745 : memref<16x128xf32, #tpu.memory_space<vmem_shared>>) dst(%arg19 : memref<16x128xf32, #tpu.memory_space<vmem>>)
      tpu.yield
    }) : () -> ()
    %mul3A_458 = arith.constant 10240 : i32
    %mul3A_459 = arith.muli %arg0, %mul3A_458 : i32
    %mul3A_460 = arith.constant 640 : i32
    %mul3A_461 = arith.muli %arg1, %mul3A_460 : i32
    %add3A_462 = arith.addi %mul3A_459, %mul3A_461 : i32
    %add3A_463 = arith.constant 224 : i32
    %add3A_464 = arith.addi %add3A_462, %add3A_463 : i32
    "tpu.region"() ({
      %run_scoped3A = tpu.sem_alloc : memref<!tpu.dma_semaphore, #tpu.memory_space<semaphore_mem>>
      %dma_start3A = arith.constant 0 : i32
      %dma_start3A_740 = tpu.memref_slice %arg8[%add3A_464, %dma_start3A] : memref<20480x128xf32, #tpu.memory_space<hbm>> -> memref<16x128xf32, #tpu.memory_space<hbm>>
      %dma_start3A_741 = arith.constant 0 : i32
      %dma_start3A_742 = tpu.memref_slice %arg8[%add3A_464, %dma_start3A_741] : memref<20480x128xf32, #tpu.memory_space<hbm>> -> memref<16x128xf32, #tpu.memory_space<hbm>>
      tpu.enqueue_dma source(%arg19 : memref<16x128xf32, #tpu.memory_space<vmem>>) target(%dma_start3A_742 : memref<16x128xf32, #tpu.memory_space<hbm>>) target_semaphore(%run_scoped3A : memref<!tpu.dma_semaphore, #tpu.memory_space<semaphore_mem>>)
      %dma_wait3A = arith.constant 0 : i32
      %dma_wait3A_743 = tpu.memref_slice %arg8[%add3A_464, %dma_wait3A] : memref<20480x128xf32, #tpu.memory_space<hbm>> -> memref<16x128xf32, #tpu.memory_space<hbm>>
      %dma_wait3A_744 = arith.constant 0 : i32
      %dma_wait3A_745 = tpu.memref_slice %arg8[%add3A_464, %dma_wait3A_744] : memref<20480x128xf32, #tpu.memory_space<hbm>> -> memref<16x128xf32, #tpu.memory_space<hbm>>
      tpu.wait_dma2 semaphore(%run_scoped3A : memref<!tpu.dma_semaphore, #tpu.memory_space<semaphore_mem>>) src(%arg19 : memref<16x128xf32, #tpu.memory_space<vmem>>) dst(%dma_wait3A_745 : memref<16x128xf32, #tpu.memory_space<hbm>>)
      tpu.yield
    }) : () -> ()
    %mul3A_465 = arith.constant 640 : i32
    %mul3A_466 = arith.muli %arg1, %mul3A_465 : i32
    %add3A_467 = arith.constant 240 : i32
    %add3A_468 = arith.addi %mul3A_466, %add3A_467 : i32
    "tpu.region"() ({
      %run_scoped3A = tpu.sem_alloc : memref<!tpu.dma_semaphore, #tpu.memory_space<semaphore_mem>>
      %dma_start3A = arith.constant 0 : i32
      %dma_start3A_740 = tpu.memref_slice %arg20[%add3A_468, %dma_start3A] : memref<10240x128xf32, #tpu.memory_space<vmem_shared>> -> memref<16x128xf32, #tpu.memory_space<vmem_shared>>
      %dma_start3A_741 = arith.constant 0 : i32
      %dma_start3A_742 = tpu.memref_slice %arg20[%add3A_468, %dma_start3A_741] : memref<10240x128xf32, #tpu.memory_space<vmem_shared>> -> memref<16x128xf32, #tpu.memory_space<vmem_shared>>
      tpu.enqueue_dma source(%dma_start3A_742 : memref<16x128xf32, #tpu.memory_space<vmem_shared>>) target(%arg19 : memref<16x128xf32, #tpu.memory_space<vmem>>) target_semaphore(%run_scoped3A : memref<!tpu.dma_semaphore, #tpu.memory_space<semaphore_mem>>)
      %dma_wait3A = arith.constant 0 : i32
      %dma_wait3A_743 = tpu.memref_slice %arg20[%add3A_468, %dma_wait3A] : memref<10240x128xf32, #tpu.memory_space<vmem_shared>> -> memref<16x128xf32, #tpu.memory_space<vmem_shared>>
      %dma_wait3A_744 = arith.constant 0 : i32
      %dma_wait3A_745 = tpu.memref_slice %arg20[%add3A_468, %dma_wait3A_744] : memref<10240x128xf32, #tpu.memory_space<vmem_shared>> -> memref<16x128xf32, #tpu.memory_space<vmem_shared>>
      tpu.wait_dma2 semaphore(%run_scoped3A : memref<!tpu.dma_semaphore, #tpu.memory_space<semaphore_mem>>) src(%dma_wait3A_745 : memref<16x128xf32, #tpu.memory_space<vmem_shared>>) dst(%arg19 : memref<16x128xf32, #tpu.memory_space<vmem>>)
      tpu.yield
    }) : () -> ()
    %mul3A_469 = arith.constant 10240 : i32
    %mul3A_470 = arith.muli %arg0, %mul3A_469 : i32
    %mul3A_471 = arith.constant 640 : i32
    %mul3A_472 = arith.muli %arg1, %mul3A_471 : i32
    %add3A_473 = arith.addi %mul3A_470, %mul3A_472 : i32
    %add3A_474 = arith.constant 240 : i32
    %add3A_475 = arith.addi %add3A_473, %add3A_474 : i32
    "tpu.region"() ({
      %run_scoped3A = tpu.sem_alloc : memref<!tpu.dma_semaphore, #tpu.memory_space<semaphore_mem>>
      %dma_start3A = arith.constant 0 : i32
      %dma_start3A_740 = tpu.memref_slice %arg8[%add3A_475, %dma_start3A] : memref<20480x128xf32, #tpu.memory_space<hbm>> -> memref<16x128xf32, #tpu.memory_space<hbm>>
      %dma_start3A_741 = arith.constant 0 : i32
      %dma_start3A_742 = tpu.memref_slice %arg8[%add3A_475, %dma_start3A_741] : memref<20480x128xf32, #tpu.memory_space<hbm>> -> memref<16x128xf32, #tpu.memory_space<hbm>>
      tpu.enqueue_dma source(%arg19 : memref<16x128xf32, #tpu.memory_space<vmem>>) target(%dma_start3A_742 : memref<16x128xf32, #tpu.memory_space<hbm>>) target_semaphore(%run_scoped3A : memref<!tpu.dma_semaphore, #tpu.memory_space<semaphore_mem>>)
      %dma_wait3A = arith.constant 0 : i32
      %dma_wait3A_743 = tpu.memref_slice %arg8[%add3A_475, %dma_wait3A] : memref<20480x128xf32, #tpu.memory_space<hbm>> -> memref<16x128xf32, #tpu.memory_space<hbm>>
      %dma_wait3A_744 = arith.constant 0 : i32
      %dma_wait3A_745 = tpu.memref_slice %arg8[%add3A_475, %dma_wait3A_744] : memref<20480x128xf32, #tpu.memory_space<hbm>> -> memref<16x128xf32, #tpu.memory_space<hbm>>
      tpu.wait_dma2 semaphore(%run_scoped3A : memref<!tpu.dma_semaphore, #tpu.memory_space<semaphore_mem>>) src(%arg19 : memref<16x128xf32, #tpu.memory_space<vmem>>) dst(%dma_wait3A_745 : memref<16x128xf32, #tpu.memory_space<hbm>>)
      tpu.yield
    }) : () -> ()
    %mul3A_476 = arith.constant 640 : i32
    %mul3A_477 = arith.muli %arg1, %mul3A_476 : i32
    %add3A_478 = arith.constant 256 : i32
    %add3A_479 = arith.addi %mul3A_477, %add3A_478 : i32
    "tpu.region"() ({
      %run_scoped3A = tpu.sem_alloc : memref<!tpu.dma_semaphore, #tpu.memory_space<semaphore_mem>>
      %dma_start3A = arith.constant 0 : i32
      %dma_start3A_740 = tpu.memref_slice %arg20[%add3A_479, %dma_start3A] : memref<10240x128xf32, #tpu.memory_space<vmem_shared>> -> memref<16x128xf32, #tpu.memory_space<vmem_shared>>
      %dma_start3A_741 = arith.constant 0 : i32
      %dma_start3A_742 = tpu.memref_slice %arg20[%add3A_479, %dma_start3A_741] : memref<10240x128xf32, #tpu.memory_space<vmem_shared>> -> memref<16x128xf32, #tpu.memory_space<vmem_shared>>
      tpu.enqueue_dma source(%dma_start3A_742 : memref<16x128xf32, #tpu.memory_space<vmem_shared>>) target(%arg19 : memref<16x128xf32, #tpu.memory_space<vmem>>) target_semaphore(%run_scoped3A : memref<!tpu.dma_semaphore, #tpu.memory_space<semaphore_mem>>)
      %dma_wait3A = arith.constant 0 : i32
      %dma_wait3A_743 = tpu.memref_slice %arg20[%add3A_479, %dma_wait3A] : memref<10240x128xf32, #tpu.memory_space<vmem_shared>> -> memref<16x128xf32, #tpu.memory_space<vmem_shared>>
      %dma_wait3A_744 = arith.constant 0 : i32
      %dma_wait3A_745 = tpu.memref_slice %arg20[%add3A_479, %dma_wait3A_744] : memref<10240x128xf32, #tpu.memory_space<vmem_shared>> -> memref<16x128xf32, #tpu.memory_space<vmem_shared>>
      tpu.wait_dma2 semaphore(%run_scoped3A : memref<!tpu.dma_semaphore, #tpu.memory_space<semaphore_mem>>) src(%dma_wait3A_745 : memref<16x128xf32, #tpu.memory_space<vmem_shared>>) dst(%arg19 : memref<16x128xf32, #tpu.memory_space<vmem>>)
      tpu.yield
    }) : () -> ()
    %mul3A_480 = arith.constant 10240 : i32
    %mul3A_481 = arith.muli %arg0, %mul3A_480 : i32
    %mul3A_482 = arith.constant 640 : i32
    %mul3A_483 = arith.muli %arg1, %mul3A_482 : i32
    %add3A_484 = arith.addi %mul3A_481, %mul3A_483 : i32
    %add3A_485 = arith.constant 256 : i32
    %add3A_486 = arith.addi %add3A_484, %add3A_485 : i32
    "tpu.region"() ({
      %run_scoped3A = tpu.sem_alloc : memref<!tpu.dma_semaphore, #tpu.memory_space<semaphore_mem>>
      %dma_start3A = arith.constant 0 : i32
      %dma_start3A_740 = tpu.memref_slice %arg8[%add3A_486, %dma_start3A] : memref<20480x128xf32, #tpu.memory_space<hbm>> -> memref<16x128xf32, #tpu.memory_space<hbm>>
      %dma_start3A_741 = arith.constant 0 : i32
      %dma_start3A_742 = tpu.memref_slice %arg8[%add3A_486, %dma_start3A_741] : memref<20480x128xf32, #tpu.memory_space<hbm>> -> memref<16x128xf32, #tpu.memory_space<hbm>>
      tpu.enqueue_dma source(%arg19 : memref<16x128xf32, #tpu.memory_space<vmem>>) target(%dma_start3A_742 : memref<16x128xf32, #tpu.memory_space<hbm>>) target_semaphore(%run_scoped3A : memref<!tpu.dma_semaphore, #tpu.memory_space<semaphore_mem>>)
      %dma_wait3A = arith.constant 0 : i32
      %dma_wait3A_743 = tpu.memref_slice %arg8[%add3A_486, %dma_wait3A] : memref<20480x128xf32, #tpu.memory_space<hbm>> -> memref<16x128xf32, #tpu.memory_space<hbm>>
      %dma_wait3A_744 = arith.constant 0 : i32
      %dma_wait3A_745 = tpu.memref_slice %arg8[%add3A_486, %dma_wait3A_744] : memref<20480x128xf32, #tpu.memory_space<hbm>> -> memref<16x128xf32, #tpu.memory_space<hbm>>
      tpu.wait_dma2 semaphore(%run_scoped3A : memref<!tpu.dma_semaphore, #tpu.memory_space<semaphore_mem>>) src(%arg19 : memref<16x128xf32, #tpu.memory_space<vmem>>) dst(%dma_wait3A_745 : memref<16x128xf32, #tpu.memory_space<hbm>>)
      tpu.yield
    }) : () -> ()
    %mul3A_487 = arith.constant 640 : i32
    %mul3A_488 = arith.muli %arg1, %mul3A_487 : i32
    %add3A_489 = arith.constant 272 : i32
    %add3A_490 = arith.addi %mul3A_488, %add3A_489 : i32
    "tpu.region"() ({
      %run_scoped3A = tpu.sem_alloc : memref<!tpu.dma_semaphore, #tpu.memory_space<semaphore_mem>>
      %dma_start3A = arith.constant 0 : i32
      %dma_start3A_740 = tpu.memref_slice %arg20[%add3A_490, %dma_start3A] : memref<10240x128xf32, #tpu.memory_space<vmem_shared>> -> memref<16x128xf32, #tpu.memory_space<vmem_shared>>
      %dma_start3A_741 = arith.constant 0 : i32
      %dma_start3A_742 = tpu.memref_slice %arg20[%add3A_490, %dma_start3A_741] : memref<10240x128xf32, #tpu.memory_space<vmem_shared>> -> memref<16x128xf32, #tpu.memory_space<vmem_shared>>
      tpu.enqueue_dma source(%dma_start3A_742 : memref<16x128xf32, #tpu.memory_space<vmem_shared>>) target(%arg19 : memref<16x128xf32, #tpu.memory_space<vmem>>) target_semaphore(%run_scoped3A : memref<!tpu.dma_semaphore, #tpu.memory_space<semaphore_mem>>)
      %dma_wait3A = arith.constant 0 : i32
      %dma_wait3A_743 = tpu.memref_slice %arg20[%add3A_490, %dma_wait3A] : memref<10240x128xf32, #tpu.memory_space<vmem_shared>> -> memref<16x128xf32, #tpu.memory_space<vmem_shared>>
      %dma_wait3A_744 = arith.constant 0 : i32
      %dma_wait3A_745 = tpu.memref_slice %arg20[%add3A_490, %dma_wait3A_744] : memref<10240x128xf32, #tpu.memory_space<vmem_shared>> -> memref<16x128xf32, #tpu.memory_space<vmem_shared>>
      tpu.wait_dma2 semaphore(%run_scoped3A : memref<!tpu.dma_semaphore, #tpu.memory_space<semaphore_mem>>) src(%dma_wait3A_745 : memref<16x128xf32, #tpu.memory_space<vmem_shared>>) dst(%arg19 : memref<16x128xf32, #tpu.memory_space<vmem>>)
      tpu.yield
    }) : () -> ()
    %mul3A_491 = arith.constant 10240 : i32
    %mul3A_492 = arith.muli %arg0, %mul3A_491 : i32
    %mul3A_493 = arith.constant 640 : i32
    %mul3A_494 = arith.muli %arg1, %mul3A_493 : i32
    %add3A_495 = arith.addi %mul3A_492, %mul3A_494 : i32
    %add3A_496 = arith.constant 272 : i32
    %add3A_497 = arith.addi %add3A_495, %add3A_496 : i32
    "tpu.region"() ({
      %run_scoped3A = tpu.sem_alloc : memref<!tpu.dma_semaphore, #tpu.memory_space<semaphore_mem>>
      %dma_start3A = arith.constant 0 : i32
      %dma_start3A_740 = tpu.memref_slice %arg8[%add3A_497, %dma_start3A] : memref<20480x128xf32, #tpu.memory_space<hbm>> -> memref<16x128xf32, #tpu.memory_space<hbm>>
      %dma_start3A_741 = arith.constant 0 : i32
      %dma_start3A_742 = tpu.memref_slice %arg8[%add3A_497, %dma_start3A_741] : memref<20480x128xf32, #tpu.memory_space<hbm>> -> memref<16x128xf32, #tpu.memory_space<hbm>>
      tpu.enqueue_dma source(%arg19 : memref<16x128xf32, #tpu.memory_space<vmem>>) target(%dma_start3A_742 : memref<16x128xf32, #tpu.memory_space<hbm>>) target_semaphore(%run_scoped3A : memref<!tpu.dma_semaphore, #tpu.memory_space<semaphore_mem>>)
      %dma_wait3A = arith.constant 0 : i32
      %dma_wait3A_743 = tpu.memref_slice %arg8[%add3A_497, %dma_wait3A] : memref<20480x128xf32, #tpu.memory_space<hbm>> -> memref<16x128xf32, #tpu.memory_space<hbm>>
      %dma_wait3A_744 = arith.constant 0 : i32
      %dma_wait3A_745 = tpu.memref_slice %arg8[%add3A_497, %dma_wait3A_744] : memref<20480x128xf32, #tpu.memory_space<hbm>> -> memref<16x128xf32, #tpu.memory_space<hbm>>
      tpu.wait_dma2 semaphore(%run_scoped3A : memref<!tpu.dma_semaphore, #tpu.memory_space<semaphore_mem>>) src(%arg19 : memref<16x128xf32, #tpu.memory_space<vmem>>) dst(%dma_wait3A_745 : memref<16x128xf32, #tpu.memory_space<hbm>>)
      tpu.yield
    }) : () -> ()
    %mul3A_498 = arith.constant 640 : i32
    %mul3A_499 = arith.muli %arg1, %mul3A_498 : i32
    %add3A_500 = arith.constant 288 : i32
    %add3A_501 = arith.addi %mul3A_499, %add3A_500 : i32
    "tpu.region"() ({
      %run_scoped3A = tpu.sem_alloc : memref<!tpu.dma_semaphore, #tpu.memory_space<semaphore_mem>>
      %dma_start3A = arith.constant 0 : i32
      %dma_start3A_740 = tpu.memref_slice %arg20[%add3A_501, %dma_start3A] : memref<10240x128xf32, #tpu.memory_space<vmem_shared>> -> memref<16x128xf32, #tpu.memory_space<vmem_shared>>
      %dma_start3A_741 = arith.constant 0 : i32
      %dma_start3A_742 = tpu.memref_slice %arg20[%add3A_501, %dma_start3A_741] : memref<10240x128xf32, #tpu.memory_space<vmem_shared>> -> memref<16x128xf32, #tpu.memory_space<vmem_shared>>
      tpu.enqueue_dma source(%dma_start3A_742 : memref<16x128xf32, #tpu.memory_space<vmem_shared>>) target(%arg19 : memref<16x128xf32, #tpu.memory_space<vmem>>) target_semaphore(%run_scoped3A : memref<!tpu.dma_semaphore, #tpu.memory_space<semaphore_mem>>)
      %dma_wait3A = arith.constant 0 : i32
      %dma_wait3A_743 = tpu.memref_slice %arg20[%add3A_501, %dma_wait3A] : memref<10240x128xf32, #tpu.memory_space<vmem_shared>> -> memref<16x128xf32, #tpu.memory_space<vmem_shared>>
      %dma_wait3A_744 = arith.constant 0 : i32
      %dma_wait3A_745 = tpu.memref_slice %arg20[%add3A_501, %dma_wait3A_744] : memref<10240x128xf32, #tpu.memory_space<vmem_shared>> -> memref<16x128xf32, #tpu.memory_space<vmem_shared>>
      tpu.wait_dma2 semaphore(%run_scoped3A : memref<!tpu.dma_semaphore, #tpu.memory_space<semaphore_mem>>) src(%dma_wait3A_745 : memref<16x128xf32, #tpu.memory_space<vmem_shared>>) dst(%arg19 : memref<16x128xf32, #tpu.memory_space<vmem>>)
      tpu.yield
    }) : () -> ()
    %mul3A_502 = arith.constant 10240 : i32
    %mul3A_503 = arith.muli %arg0, %mul3A_502 : i32
    %mul3A_504 = arith.constant 640 : i32
    %mul3A_505 = arith.muli %arg1, %mul3A_504 : i32
    %add3A_506 = arith.addi %mul3A_503, %mul3A_505 : i32
    %add3A_507 = arith.constant 288 : i32
    %add3A_508 = arith.addi %add3A_506, %add3A_507 : i32
    "tpu.region"() ({
      %run_scoped3A = tpu.sem_alloc : memref<!tpu.dma_semaphore, #tpu.memory_space<semaphore_mem>>
      %dma_start3A = arith.constant 0 : i32
      %dma_start3A_740 = tpu.memref_slice %arg8[%add3A_508, %dma_start3A] : memref<20480x128xf32, #tpu.memory_space<hbm>> -> memref<16x128xf32, #tpu.memory_space<hbm>>
      %dma_start3A_741 = arith.constant 0 : i32
      %dma_start3A_742 = tpu.memref_slice %arg8[%add3A_508, %dma_start3A_741] : memref<20480x128xf32, #tpu.memory_space<hbm>> -> memref<16x128xf32, #tpu.memory_space<hbm>>
      tpu.enqueue_dma source(%arg19 : memref<16x128xf32, #tpu.memory_space<vmem>>) target(%dma_start3A_742 : memref<16x128xf32, #tpu.memory_space<hbm>>) target_semaphore(%run_scoped3A : memref<!tpu.dma_semaphore, #tpu.memory_space<semaphore_mem>>)
      %dma_wait3A = arith.constant 0 : i32
      %dma_wait3A_743 = tpu.memref_slice %arg8[%add3A_508, %dma_wait3A] : memref<20480x128xf32, #tpu.memory_space<hbm>> -> memref<16x128xf32, #tpu.memory_space<hbm>>
      %dma_wait3A_744 = arith.constant 0 : i32
      %dma_wait3A_745 = tpu.memref_slice %arg8[%add3A_508, %dma_wait3A_744] : memref<20480x128xf32, #tpu.memory_space<hbm>> -> memref<16x128xf32, #tpu.memory_space<hbm>>
      tpu.wait_dma2 semaphore(%run_scoped3A : memref<!tpu.dma_semaphore, #tpu.memory_space<semaphore_mem>>) src(%arg19 : memref<16x128xf32, #tpu.memory_space<vmem>>) dst(%dma_wait3A_745 : memref<16x128xf32, #tpu.memory_space<hbm>>)
      tpu.yield
    }) : () -> ()
    %mul3A_509 = arith.constant 640 : i32
    %mul3A_510 = arith.muli %arg1, %mul3A_509 : i32
    %add3A_511 = arith.constant 304 : i32
    %add3A_512 = arith.addi %mul3A_510, %add3A_511 : i32
    "tpu.region"() ({
      %run_scoped3A = tpu.sem_alloc : memref<!tpu.dma_semaphore, #tpu.memory_space<semaphore_mem>>
      %dma_start3A = arith.constant 0 : i32
      %dma_start3A_740 = tpu.memref_slice %arg20[%add3A_512, %dma_start3A] : memref<10240x128xf32, #tpu.memory_space<vmem_shared>> -> memref<16x128xf32, #tpu.memory_space<vmem_shared>>
      %dma_start3A_741 = arith.constant 0 : i32
      %dma_start3A_742 = tpu.memref_slice %arg20[%add3A_512, %dma_start3A_741] : memref<10240x128xf32, #tpu.memory_space<vmem_shared>> -> memref<16x128xf32, #tpu.memory_space<vmem_shared>>
      tpu.enqueue_dma source(%dma_start3A_742 : memref<16x128xf32, #tpu.memory_space<vmem_shared>>) target(%arg19 : memref<16x128xf32, #tpu.memory_space<vmem>>) target_semaphore(%run_scoped3A : memref<!tpu.dma_semaphore, #tpu.memory_space<semaphore_mem>>)
      %dma_wait3A = arith.constant 0 : i32
      %dma_wait3A_743 = tpu.memref_slice %arg20[%add3A_512, %dma_wait3A] : memref<10240x128xf32, #tpu.memory_space<vmem_shared>> -> memref<16x128xf32, #tpu.memory_space<vmem_shared>>
      %dma_wait3A_744 = arith.constant 0 : i32
      %dma_wait3A_745 = tpu.memref_slice %arg20[%add3A_512, %dma_wait3A_744] : memref<10240x128xf32, #tpu.memory_space<vmem_shared>> -> memref<16x128xf32, #tpu.memory_space<vmem_shared>>
      tpu.wait_dma2 semaphore(%run_scoped3A : memref<!tpu.dma_semaphore, #tpu.memory_space<semaphore_mem>>) src(%dma_wait3A_745 : memref<16x128xf32, #tpu.memory_space<vmem_shared>>) dst(%arg19 : memref<16x128xf32, #tpu.memory_space<vmem>>)
      tpu.yield
    }) : () -> ()
    %mul3A_513 = arith.constant 10240 : i32
    %mul3A_514 = arith.muli %arg0, %mul3A_513 : i32
    %mul3A_515 = arith.constant 640 : i32
    %mul3A_516 = arith.muli %arg1, %mul3A_515 : i32
    %add3A_517 = arith.addi %mul3A_514, %mul3A_516 : i32
    %add3A_518 = arith.constant 304 : i32
    %add3A_519 = arith.addi %add3A_517, %add3A_518 : i32
    "tpu.region"() ({
      %run_scoped3A = tpu.sem_alloc : memref<!tpu.dma_semaphore, #tpu.memory_space<semaphore_mem>>
      %dma_start3A = arith.constant 0 : i32
      %dma_start3A_740 = tpu.memref_slice %arg8[%add3A_519, %dma_start3A] : memref<20480x128xf32, #tpu.memory_space<hbm>> -> memref<16x128xf32, #tpu.memory_space<hbm>>
      %dma_start3A_741 = arith.constant 0 : i32
      %dma_start3A_742 = tpu.memref_slice %arg8[%add3A_519, %dma_start3A_741] : memref<20480x128xf32, #tpu.memory_space<hbm>> -> memref<16x128xf32, #tpu.memory_space<hbm>>
      tpu.enqueue_dma source(%arg19 : memref<16x128xf32, #tpu.memory_space<vmem>>) target(%dma_start3A_742 : memref<16x128xf32, #tpu.memory_space<hbm>>) target_semaphore(%run_scoped3A : memref<!tpu.dma_semaphore, #tpu.memory_space<semaphore_mem>>)
      %dma_wait3A = arith.constant 0 : i32
      %dma_wait3A_743 = tpu.memref_slice %arg8[%add3A_519, %dma_wait3A] : memref<20480x128xf32, #tpu.memory_space<hbm>> -> memref<16x128xf32, #tpu.memory_space<hbm>>
      %dma_wait3A_744 = arith.constant 0 : i32
      %dma_wait3A_745 = tpu.memref_slice %arg8[%add3A_519, %dma_wait3A_744] : memref<20480x128xf32, #tpu.memory_space<hbm>> -> memref<16x128xf32, #tpu.memory_space<hbm>>
      tpu.wait_dma2 semaphore(%run_scoped3A : memref<!tpu.dma_semaphore, #tpu.memory_space<semaphore_mem>>) src(%arg19 : memref<16x128xf32, #tpu.memory_space<vmem>>) dst(%dma_wait3A_745 : memref<16x128xf32, #tpu.memory_space<hbm>>)
      tpu.yield
    }) : () -> ()
    %mul3A_520 = arith.constant 640 : i32
    %mul3A_521 = arith.muli %arg1, %mul3A_520 : i32
    %add3A_522 = arith.constant 320 : i32
    %add3A_523 = arith.addi %mul3A_521, %add3A_522 : i32
    "tpu.region"() ({
      %run_scoped3A = tpu.sem_alloc : memref<!tpu.dma_semaphore, #tpu.memory_space<semaphore_mem>>
      %dma_start3A = arith.constant 0 : i32
      %dma_start3A_740 = tpu.memref_slice %arg20[%add3A_523, %dma_start3A] : memref<10240x128xf32, #tpu.memory_space<vmem_shared>> -> memref<16x128xf32, #tpu.memory_space<vmem_shared>>
      %dma_start3A_741 = arith.constant 0 : i32
      %dma_start3A_742 = tpu.memref_slice %arg20[%add3A_523, %dma_start3A_741] : memref<10240x128xf32, #tpu.memory_space<vmem_shared>> -> memref<16x128xf32, #tpu.memory_space<vmem_shared>>
      tpu.enqueue_dma source(%dma_start3A_742 : memref<16x128xf32, #tpu.memory_space<vmem_shared>>) target(%arg19 : memref<16x128xf32, #tpu.memory_space<vmem>>) target_semaphore(%run_scoped3A : memref<!tpu.dma_semaphore, #tpu.memory_space<semaphore_mem>>)
      %dma_wait3A = arith.constant 0 : i32
      %dma_wait3A_743 = tpu.memref_slice %arg20[%add3A_523, %dma_wait3A] : memref<10240x128xf32, #tpu.memory_space<vmem_shared>> -> memref<16x128xf32, #tpu.memory_space<vmem_shared>>
      %dma_wait3A_744 = arith.constant 0 : i32
      %dma_wait3A_745 = tpu.memref_slice %arg20[%add3A_523, %dma_wait3A_744] : memref<10240x128xf32, #tpu.memory_space<vmem_shared>> -> memref<16x128xf32, #tpu.memory_space<vmem_shared>>
      tpu.wait_dma2 semaphore(%run_scoped3A : memref<!tpu.dma_semaphore, #tpu.memory_space<semaphore_mem>>) src(%dma_wait3A_745 : memref<16x128xf32, #tpu.memory_space<vmem_shared>>) dst(%arg19 : memref<16x128xf32, #tpu.memory_space<vmem>>)
      tpu.yield
    }) : () -> ()
    %mul3A_524 = arith.constant 10240 : i32
    %mul3A_525 = arith.muli %arg0, %mul3A_524 : i32
    %mul3A_526 = arith.constant 640 : i32
    %mul3A_527 = arith.muli %arg1, %mul3A_526 : i32
    %add3A_528 = arith.addi %mul3A_525, %mul3A_527 : i32
    %add3A_529 = arith.constant 320 : i32
    %add3A_530 = arith.addi %add3A_528, %add3A_529 : i32
    "tpu.region"() ({
      %run_scoped3A = tpu.sem_alloc : memref<!tpu.dma_semaphore, #tpu.memory_space<semaphore_mem>>
      %dma_start3A = arith.constant 0 : i32
      %dma_start3A_740 = tpu.memref_slice %arg8[%add3A_530, %dma_start3A] : memref<20480x128xf32, #tpu.memory_space<hbm>> -> memref<16x128xf32, #tpu.memory_space<hbm>>
      %dma_start3A_741 = arith.constant 0 : i32
      %dma_start3A_742 = tpu.memref_slice %arg8[%add3A_530, %dma_start3A_741] : memref<20480x128xf32, #tpu.memory_space<hbm>> -> memref<16x128xf32, #tpu.memory_space<hbm>>
      tpu.enqueue_dma source(%arg19 : memref<16x128xf32, #tpu.memory_space<vmem>>) target(%dma_start3A_742 : memref<16x128xf32, #tpu.memory_space<hbm>>) target_semaphore(%run_scoped3A : memref<!tpu.dma_semaphore, #tpu.memory_space<semaphore_mem>>)
      %dma_wait3A = arith.constant 0 : i32
      %dma_wait3A_743 = tpu.memref_slice %arg8[%add3A_530, %dma_wait3A] : memref<20480x128xf32, #tpu.memory_space<hbm>> -> memref<16x128xf32, #tpu.memory_space<hbm>>
      %dma_wait3A_744 = arith.constant 0 : i32
      %dma_wait3A_745 = tpu.memref_slice %arg8[%add3A_530, %dma_wait3A_744] : memref<20480x128xf32, #tpu.memory_space<hbm>> -> memref<16x128xf32, #tpu.memory_space<hbm>>
      tpu.wait_dma2 semaphore(%run_scoped3A : memref<!tpu.dma_semaphore, #tpu.memory_space<semaphore_mem>>) src(%arg19 : memref<16x128xf32, #tpu.memory_space<vmem>>) dst(%dma_wait3A_745 : memref<16x128xf32, #tpu.memory_space<hbm>>)
      tpu.yield
    }) : () -> ()
    %mul3A_531 = arith.constant 640 : i32
    %mul3A_532 = arith.muli %arg1, %mul3A_531 : i32
    %add3A_533 = arith.constant 336 : i32
    %add3A_534 = arith.addi %mul3A_532, %add3A_533 : i32
    "tpu.region"() ({
      %run_scoped3A = tpu.sem_alloc : memref<!tpu.dma_semaphore, #tpu.memory_space<semaphore_mem>>
      %dma_start3A = arith.constant 0 : i32
      %dma_start3A_740 = tpu.memref_slice %arg20[%add3A_534, %dma_start3A] : memref<10240x128xf32, #tpu.memory_space<vmem_shared>> -> memref<16x128xf32, #tpu.memory_space<vmem_shared>>
      %dma_start3A_741 = arith.constant 0 : i32
      %dma_start3A_742 = tpu.memref_slice %arg20[%add3A_534, %dma_start3A_741] : memref<10240x128xf32, #tpu.memory_space<vmem_shared>> -> memref<16x128xf32, #tpu.memory_space<vmem_shared>>
      tpu.enqueue_dma source(%dma_start3A_742 : memref<16x128xf32, #tpu.memory_space<vmem_shared>>) target(%arg19 : memref<16x128xf32, #tpu.memory_space<vmem>>) target_semaphore(%run_scoped3A : memref<!tpu.dma_semaphore, #tpu.memory_space<semaphore_mem>>)
      %dma_wait3A = arith.constant 0 : i32
      %dma_wait3A_743 = tpu.memref_slice %arg20[%add3A_534, %dma_wait3A] : memref<10240x128xf32, #tpu.memory_space<vmem_shared>> -> memref<16x128xf32, #tpu.memory_space<vmem_shared>>
      %dma_wait3A_744 = arith.constant 0 : i32
      %dma_wait3A_745 = tpu.memref_slice %arg20[%add3A_534, %dma_wait3A_744] : memref<10240x128xf32, #tpu.memory_space<vmem_shared>> -> memref<16x128xf32, #tpu.memory_space<vmem_shared>>
      tpu.wait_dma2 semaphore(%run_scoped3A : memref<!tpu.dma_semaphore, #tpu.memory_space<semaphore_mem>>) src(%dma_wait3A_745 : memref<16x128xf32, #tpu.memory_space<vmem_shared>>) dst(%arg19 : memref<16x128xf32, #tpu.memory_space<vmem>>)
      tpu.yield
    }) : () -> ()
    %mul3A_535 = arith.constant 10240 : i32
    %mul3A_536 = arith.muli %arg0, %mul3A_535 : i32
    %mul3A_537 = arith.constant 640 : i32
    %mul3A_538 = arith.muli %arg1, %mul3A_537 : i32
    %add3A_539 = arith.addi %mul3A_536, %mul3A_538 : i32
    %add3A_540 = arith.constant 336 : i32
    %add3A_541 = arith.addi %add3A_539, %add3A_540 : i32
    "tpu.region"() ({
      %run_scoped3A = tpu.sem_alloc : memref<!tpu.dma_semaphore, #tpu.memory_space<semaphore_mem>>
      %dma_start3A = arith.constant 0 : i32
      %dma_start3A_740 = tpu.memref_slice %arg8[%add3A_541, %dma_start3A] : memref<20480x128xf32, #tpu.memory_space<hbm>> -> memref<16x128xf32, #tpu.memory_space<hbm>>
      %dma_start3A_741 = arith.constant 0 : i32
      %dma_start3A_742 = tpu.memref_slice %arg8[%add3A_541, %dma_start3A_741] : memref<20480x128xf32, #tpu.memory_space<hbm>> -> memref<16x128xf32, #tpu.memory_space<hbm>>
      tpu.enqueue_dma source(%arg19 : memref<16x128xf32, #tpu.memory_space<vmem>>) target(%dma_start3A_742 : memref<16x128xf32, #tpu.memory_space<hbm>>) target_semaphore(%run_scoped3A : memref<!tpu.dma_semaphore, #tpu.memory_space<semaphore_mem>>)
      %dma_wait3A = arith.constant 0 : i32
      %dma_wait3A_743 = tpu.memref_slice %arg8[%add3A_541, %dma_wait3A] : memref<20480x128xf32, #tpu.memory_space<hbm>> -> memref<16x128xf32, #tpu.memory_space<hbm>>
      %dma_wait3A_744 = arith.constant 0 : i32
      %dma_wait3A_745 = tpu.memref_slice %arg8[%add3A_541, %dma_wait3A_744] : memref<20480x128xf32, #tpu.memory_space<hbm>> -> memref<16x128xf32, #tpu.memory_space<hbm>>
      tpu.wait_dma2 semaphore(%run_scoped3A : memref<!tpu.dma_semaphore, #tpu.memory_space<semaphore_mem>>) src(%arg19 : memref<16x128xf32, #tpu.memory_space<vmem>>) dst(%dma_wait3A_745 : memref<16x128xf32, #tpu.memory_space<hbm>>)
      tpu.yield
    }) : () -> ()
    %mul3A_542 = arith.constant 640 : i32
    %mul3A_543 = arith.muli %arg1, %mul3A_542 : i32
    %add3A_544 = arith.constant 352 : i32
    %add3A_545 = arith.addi %mul3A_543, %add3A_544 : i32
    "tpu.region"() ({
      %run_scoped3A = tpu.sem_alloc : memref<!tpu.dma_semaphore, #tpu.memory_space<semaphore_mem>>
      %dma_start3A = arith.constant 0 : i32
      %dma_start3A_740 = tpu.memref_slice %arg20[%add3A_545, %dma_start3A] : memref<10240x128xf32, #tpu.memory_space<vmem_shared>> -> memref<16x128xf32, #tpu.memory_space<vmem_shared>>
      %dma_start3A_741 = arith.constant 0 : i32
      %dma_start3A_742 = tpu.memref_slice %arg20[%add3A_545, %dma_start3A_741] : memref<10240x128xf32, #tpu.memory_space<vmem_shared>> -> memref<16x128xf32, #tpu.memory_space<vmem_shared>>
      tpu.enqueue_dma source(%dma_start3A_742 : memref<16x128xf32, #tpu.memory_space<vmem_shared>>) target(%arg19 : memref<16x128xf32, #tpu.memory_space<vmem>>) target_semaphore(%run_scoped3A : memref<!tpu.dma_semaphore, #tpu.memory_space<semaphore_mem>>)
      %dma_wait3A = arith.constant 0 : i32
      %dma_wait3A_743 = tpu.memref_slice %arg20[%add3A_545, %dma_wait3A] : memref<10240x128xf32, #tpu.memory_space<vmem_shared>> -> memref<16x128xf32, #tpu.memory_space<vmem_shared>>
      %dma_wait3A_744 = arith.constant 0 : i32
      %dma_wait3A_745 = tpu.memref_slice %arg20[%add3A_545, %dma_wait3A_744] : memref<10240x128xf32, #tpu.memory_space<vmem_shared>> -> memref<16x128xf32, #tpu.memory_space<vmem_shared>>
      tpu.wait_dma2 semaphore(%run_scoped3A : memref<!tpu.dma_semaphore, #tpu.memory_space<semaphore_mem>>) src(%dma_wait3A_745 : memref<16x128xf32, #tpu.memory_space<vmem_shared>>) dst(%arg19 : memref<16x128xf32, #tpu.memory_space<vmem>>)
      tpu.yield
    }) : () -> ()
    %mul3A_546 = arith.constant 10240 : i32
    %mul3A_547 = arith.muli %arg0, %mul3A_546 : i32
    %mul3A_548 = arith.constant 640 : i32
    %mul3A_549 = arith.muli %arg1, %mul3A_548 : i32
    %add3A_550 = arith.addi %mul3A_547, %mul3A_549 : i32
    %add3A_551 = arith.constant 352 : i32
    %add3A_552 = arith.addi %add3A_550, %add3A_551 : i32
    "tpu.region"() ({
      %run_scoped3A = tpu.sem_alloc : memref<!tpu.dma_semaphore, #tpu.memory_space<semaphore_mem>>
      %dma_start3A = arith.constant 0 : i32
      %dma_start3A_740 = tpu.memref_slice %arg8[%add3A_552, %dma_start3A] : memref<20480x128xf32, #tpu.memory_space<hbm>> -> memref<16x128xf32, #tpu.memory_space<hbm>>
      %dma_start3A_741 = arith.constant 0 : i32
      %dma_start3A_742 = tpu.memref_slice %arg8[%add3A_552, %dma_start3A_741] : memref<20480x128xf32, #tpu.memory_space<hbm>> -> memref<16x128xf32, #tpu.memory_space<hbm>>
      tpu.enqueue_dma source(%arg19 : memref<16x128xf32, #tpu.memory_space<vmem>>) target(%dma_start3A_742 : memref<16x128xf32, #tpu.memory_space<hbm>>) target_semaphore(%run_scoped3A : memref<!tpu.dma_semaphore, #tpu.memory_space<semaphore_mem>>)
      %dma_wait3A = arith.constant 0 : i32
      %dma_wait3A_743 = tpu.memref_slice %arg8[%add3A_552, %dma_wait3A] : memref<20480x128xf32, #tpu.memory_space<hbm>> -> memref<16x128xf32, #tpu.memory_space<hbm>>
      %dma_wait3A_744 = arith.constant 0 : i32
      %dma_wait3A_745 = tpu.memref_slice %arg8[%add3A_552, %dma_wait3A_744] : memref<20480x128xf32, #tpu.memory_space<hbm>> -> memref<16x128xf32, #tpu.memory_space<hbm>>
      tpu.wait_dma2 semaphore(%run_scoped3A : memref<!tpu.dma_semaphore, #tpu.memory_space<semaphore_mem>>) src(%arg19 : memref<16x128xf32, #tpu.memory_space<vmem>>) dst(%dma_wait3A_745 : memref<16x128xf32, #tpu.memory_space<hbm>>)
      tpu.yield
    }) : () -> ()
    %mul3A_553 = arith.constant 640 : i32
    %mul3A_554 = arith.muli %arg1, %mul3A_553 : i32
    %add3A_555 = arith.constant 368 : i32
    %add3A_556 = arith.addi %mul3A_554, %add3A_555 : i32
    "tpu.region"() ({
      %run_scoped3A = tpu.sem_alloc : memref<!tpu.dma_semaphore, #tpu.memory_space<semaphore_mem>>
      %dma_start3A = arith.constant 0 : i32
      %dma_start3A_740 = tpu.memref_slice %arg20[%add3A_556, %dma_start3A] : memref<10240x128xf32, #tpu.memory_space<vmem_shared>> -> memref<16x128xf32, #tpu.memory_space<vmem_shared>>
      %dma_start3A_741 = arith.constant 0 : i32
      %dma_start3A_742 = tpu.memref_slice %arg20[%add3A_556, %dma_start3A_741] : memref<10240x128xf32, #tpu.memory_space<vmem_shared>> -> memref<16x128xf32, #tpu.memory_space<vmem_shared>>
      tpu.enqueue_dma source(%dma_start3A_742 : memref<16x128xf32, #tpu.memory_space<vmem_shared>>) target(%arg19 : memref<16x128xf32, #tpu.memory_space<vmem>>) target_semaphore(%run_scoped3A : memref<!tpu.dma_semaphore, #tpu.memory_space<semaphore_mem>>)
      %dma_wait3A = arith.constant 0 : i32
      %dma_wait3A_743 = tpu.memref_slice %arg20[%add3A_556, %dma_wait3A] : memref<10240x128xf32, #tpu.memory_space<vmem_shared>> -> memref<16x128xf32, #tpu.memory_space<vmem_shared>>
      %dma_wait3A_744 = arith.constant 0 : i32
      %dma_wait3A_745 = tpu.memref_slice %arg20[%add3A_556, %dma_wait3A_744] : memref<10240x128xf32, #tpu.memory_space<vmem_shared>> -> memref<16x128xf32, #tpu.memory_space<vmem_shared>>
      tpu.wait_dma2 semaphore(%run_scoped3A : memref<!tpu.dma_semaphore, #tpu.memory_space<semaphore_mem>>) src(%dma_wait3A_745 : memref<16x128xf32, #tpu.memory_space<vmem_shared>>) dst(%arg19 : memref<16x128xf32, #tpu.memory_space<vmem>>)
      tpu.yield
    }) : () -> ()
    %mul3A_557 = arith.constant 10240 : i32
    %mul3A_558 = arith.muli %arg0, %mul3A_557 : i32
    %mul3A_559 = arith.constant 640 : i32
    %mul3A_560 = arith.muli %arg1, %mul3A_559 : i32
    %add3A_561 = arith.addi %mul3A_558, %mul3A_560 : i32
    %add3A_562 = arith.constant 368 : i32
    %add3A_563 = arith.addi %add3A_561, %add3A_562 : i32
    "tpu.region"() ({
      %run_scoped3A = tpu.sem_alloc : memref<!tpu.dma_semaphore, #tpu.memory_space<semaphore_mem>>
      %dma_start3A = arith.constant 0 : i32
      %dma_start3A_740 = tpu.memref_slice %arg8[%add3A_563, %dma_start3A] : memref<20480x128xf32, #tpu.memory_space<hbm>> -> memref<16x128xf32, #tpu.memory_space<hbm>>
      %dma_start3A_741 = arith.constant 0 : i32
      %dma_start3A_742 = tpu.memref_slice %arg8[%add3A_563, %dma_start3A_741] : memref<20480x128xf32, #tpu.memory_space<hbm>> -> memref<16x128xf32, #tpu.memory_space<hbm>>
      tpu.enqueue_dma source(%arg19 : memref<16x128xf32, #tpu.memory_space<vmem>>) target(%dma_start3A_742 : memref<16x128xf32, #tpu.memory_space<hbm>>) target_semaphore(%run_scoped3A : memref<!tpu.dma_semaphore, #tpu.memory_space<semaphore_mem>>)
      %dma_wait3A = arith.constant 0 : i32
      %dma_wait3A_743 = tpu.memref_slice %arg8[%add3A_563, %dma_wait3A] : memref<20480x128xf32, #tpu.memory_space<hbm>> -> memref<16x128xf32, #tpu.memory_space<hbm>>
      %dma_wait3A_744 = arith.constant 0 : i32
      %dma_wait3A_745 = tpu.memref_slice %arg8[%add3A_563, %dma_wait3A_744] : memref<20480x128xf32, #tpu.memory_space<hbm>> -> memref<16x128xf32, #tpu.memory_space<hbm>>
      tpu.wait_dma2 semaphore(%run_scoped3A : memref<!tpu.dma_semaphore, #tpu.memory_space<semaphore_mem>>) src(%arg19 : memref<16x128xf32, #tpu.memory_space<vmem>>) dst(%dma_wait3A_745 : memref<16x128xf32, #tpu.memory_space<hbm>>)
      tpu.yield
    }) : () -> ()
    %mul3A_564 = arith.constant 640 : i32
    %mul3A_565 = arith.muli %arg1, %mul3A_564 : i32
    %add3A_566 = arith.constant 384 : i32
    %add3A_567 = arith.addi %mul3A_565, %add3A_566 : i32
    "tpu.region"() ({
      %run_scoped3A = tpu.sem_alloc : memref<!tpu.dma_semaphore, #tpu.memory_space<semaphore_mem>>
      %dma_start3A = arith.constant 0 : i32
      %dma_start3A_740 = tpu.memref_slice %arg20[%add3A_567, %dma_start3A] : memref<10240x128xf32, #tpu.memory_space<vmem_shared>> -> memref<16x128xf32, #tpu.memory_space<vmem_shared>>
      %dma_start3A_741 = arith.constant 0 : i32
      %dma_start3A_742 = tpu.memref_slice %arg20[%add3A_567, %dma_start3A_741] : memref<10240x128xf32, #tpu.memory_space<vmem_shared>> -> memref<16x128xf32, #tpu.memory_space<vmem_shared>>
      tpu.enqueue_dma source(%dma_start3A_742 : memref<16x128xf32, #tpu.memory_space<vmem_shared>>) target(%arg19 : memref<16x128xf32, #tpu.memory_space<vmem>>) target_semaphore(%run_scoped3A : memref<!tpu.dma_semaphore, #tpu.memory_space<semaphore_mem>>)
      %dma_wait3A = arith.constant 0 : i32
      %dma_wait3A_743 = tpu.memref_slice %arg20[%add3A_567, %dma_wait3A] : memref<10240x128xf32, #tpu.memory_space<vmem_shared>> -> memref<16x128xf32, #tpu.memory_space<vmem_shared>>
      %dma_wait3A_744 = arith.constant 0 : i32
      %dma_wait3A_745 = tpu.memref_slice %arg20[%add3A_567, %dma_wait3A_744] : memref<10240x128xf32, #tpu.memory_space<vmem_shared>> -> memref<16x128xf32, #tpu.memory_space<vmem_shared>>
      tpu.wait_dma2 semaphore(%run_scoped3A : memref<!tpu.dma_semaphore, #tpu.memory_space<semaphore_mem>>) src(%dma_wait3A_745 : memref<16x128xf32, #tpu.memory_space<vmem_shared>>) dst(%arg19 : memref<16x128xf32, #tpu.memory_space<vmem>>)
      tpu.yield
    }) : () -> ()
    %mul3A_568 = arith.constant 10240 : i32
    %mul3A_569 = arith.muli %arg0, %mul3A_568 : i32
    %mul3A_570 = arith.constant 640 : i32
    %mul3A_571 = arith.muli %arg1, %mul3A_570 : i32
    %add3A_572 = arith.addi %mul3A_569, %mul3A_571 : i32
    %add3A_573 = arith.constant 384 : i32
    %add3A_574 = arith.addi %add3A_572, %add3A_573 : i32
    "tpu.region"() ({
      %run_scoped3A = tpu.sem_alloc : memref<!tpu.dma_semaphore, #tpu.memory_space<semaphore_mem>>
      %dma_start3A = arith.constant 0 : i32
      %dma_start3A_740 = tpu.memref_slice %arg8[%add3A_574, %dma_start3A] : memref<20480x128xf32, #tpu.memory_space<hbm>> -> memref<16x128xf32, #tpu.memory_space<hbm>>
      %dma_start3A_741 = arith.constant 0 : i32
      %dma_start3A_742 = tpu.memref_slice %arg8[%add3A_574, %dma_start3A_741] : memref<20480x128xf32, #tpu.memory_space<hbm>> -> memref<16x128xf32, #tpu.memory_space<hbm>>
      tpu.enqueue_dma source(%arg19 : memref<16x128xf32, #tpu.memory_space<vmem>>) target(%dma_start3A_742 : memref<16x128xf32, #tpu.memory_space<hbm>>) target_semaphore(%run_scoped3A : memref<!tpu.dma_semaphore, #tpu.memory_space<semaphore_mem>>)
      %dma_wait3A = arith.constant 0 : i32
      %dma_wait3A_743 = tpu.memref_slice %arg8[%add3A_574, %dma_wait3A] : memref<20480x128xf32, #tpu.memory_space<hbm>> -> memref<16x128xf32, #tpu.memory_space<hbm>>
      %dma_wait3A_744 = arith.constant 0 : i32
      %dma_wait3A_745 = tpu.memref_slice %arg8[%add3A_574, %dma_wait3A_744] : memref<20480x128xf32, #tpu.memory_space<hbm>> -> memref<16x128xf32, #tpu.memory_space<hbm>>
      tpu.wait_dma2 semaphore(%run_scoped3A : memref<!tpu.dma_semaphore, #tpu.memory_space<semaphore_mem>>) src(%arg19 : memref<16x128xf32, #tpu.memory_space<vmem>>) dst(%dma_wait3A_745 : memref<16x128xf32, #tpu.memory_space<hbm>>)
      tpu.yield
    }) : () -> ()
    %mul3A_575 = arith.constant 640 : i32
    %mul3A_576 = arith.muli %arg1, %mul3A_575 : i32
    %add3A_577 = arith.constant 400 : i32
    %add3A_578 = arith.addi %mul3A_576, %add3A_577 : i32
    "tpu.region"() ({
      %run_scoped3A = tpu.sem_alloc : memref<!tpu.dma_semaphore, #tpu.memory_space<semaphore_mem>>
      %dma_start3A = arith.constant 0 : i32
      %dma_start3A_740 = tpu.memref_slice %arg20[%add3A_578, %dma_start3A] : memref<10240x128xf32, #tpu.memory_space<vmem_shared>> -> memref<16x128xf32, #tpu.memory_space<vmem_shared>>
      %dma_start3A_741 = arith.constant 0 : i32
      %dma_start3A_742 = tpu.memref_slice %arg20[%add3A_578, %dma_start3A_741] : memref<10240x128xf32, #tpu.memory_space<vmem_shared>> -> memref<16x128xf32, #tpu.memory_space<vmem_shared>>
      tpu.enqueue_dma source(%dma_start3A_742 : memref<16x128xf32, #tpu.memory_space<vmem_shared>>) target(%arg19 : memref<16x128xf32, #tpu.memory_space<vmem>>) target_semaphore(%run_scoped3A : memref<!tpu.dma_semaphore, #tpu.memory_space<semaphore_mem>>)
      %dma_wait3A = arith.constant 0 : i32
      %dma_wait3A_743 = tpu.memref_slice %arg20[%add3A_578, %dma_wait3A] : memref<10240x128xf32, #tpu.memory_space<vmem_shared>> -> memref<16x128xf32, #tpu.memory_space<vmem_shared>>
      %dma_wait3A_744 = arith.constant 0 : i32
      %dma_wait3A_745 = tpu.memref_slice %arg20[%add3A_578, %dma_wait3A_744] : memref<10240x128xf32, #tpu.memory_space<vmem_shared>> -> memref<16x128xf32, #tpu.memory_space<vmem_shared>>
      tpu.wait_dma2 semaphore(%run_scoped3A : memref<!tpu.dma_semaphore, #tpu.memory_space<semaphore_mem>>) src(%dma_wait3A_745 : memref<16x128xf32, #tpu.memory_space<vmem_shared>>) dst(%arg19 : memref<16x128xf32, #tpu.memory_space<vmem>>)
      tpu.yield
    }) : () -> ()
    %mul3A_579 = arith.constant 10240 : i32
    %mul3A_580 = arith.muli %arg0, %mul3A_579 : i32
    %mul3A_581 = arith.constant 640 : i32
    %mul3A_582 = arith.muli %arg1, %mul3A_581 : i32
    %add3A_583 = arith.addi %mul3A_580, %mul3A_582 : i32
    %add3A_584 = arith.constant 400 : i32
    %add3A_585 = arith.addi %add3A_583, %add3A_584 : i32
    "tpu.region"() ({
      %run_scoped3A = tpu.sem_alloc : memref<!tpu.dma_semaphore, #tpu.memory_space<semaphore_mem>>
      %dma_start3A = arith.constant 0 : i32
      %dma_start3A_740 = tpu.memref_slice %arg8[%add3A_585, %dma_start3A] : memref<20480x128xf32, #tpu.memory_space<hbm>> -> memref<16x128xf32, #tpu.memory_space<hbm>>
      %dma_start3A_741 = arith.constant 0 : i32
      %dma_start3A_742 = tpu.memref_slice %arg8[%add3A_585, %dma_start3A_741] : memref<20480x128xf32, #tpu.memory_space<hbm>> -> memref<16x128xf32, #tpu.memory_space<hbm>>
      tpu.enqueue_dma source(%arg19 : memref<16x128xf32, #tpu.memory_space<vmem>>) target(%dma_start3A_742 : memref<16x128xf32, #tpu.memory_space<hbm>>) target_semaphore(%run_scoped3A : memref<!tpu.dma_semaphore, #tpu.memory_space<semaphore_mem>>)
      %dma_wait3A = arith.constant 0 : i32
      %dma_wait3A_743 = tpu.memref_slice %arg8[%add3A_585, %dma_wait3A] : memref<20480x128xf32, #tpu.memory_space<hbm>> -> memref<16x128xf32, #tpu.memory_space<hbm>>
      %dma_wait3A_744 = arith.constant 0 : i32
      %dma_wait3A_745 = tpu.memref_slice %arg8[%add3A_585, %dma_wait3A_744] : memref<20480x128xf32, #tpu.memory_space<hbm>> -> memref<16x128xf32, #tpu.memory_space<hbm>>
      tpu.wait_dma2 semaphore(%run_scoped3A : memref<!tpu.dma_semaphore, #tpu.memory_space<semaphore_mem>>) src(%arg19 : memref<16x128xf32, #tpu.memory_space<vmem>>) dst(%dma_wait3A_745 : memref<16x128xf32, #tpu.memory_space<hbm>>)
      tpu.yield
    }) : () -> ()
    %mul3A_586 = arith.constant 640 : i32
    %mul3A_587 = arith.muli %arg1, %mul3A_586 : i32
    %add3A_588 = arith.constant 416 : i32
    %add3A_589 = arith.addi %mul3A_587, %add3A_588 : i32
    "tpu.region"() ({
      %run_scoped3A = tpu.sem_alloc : memref<!tpu.dma_semaphore, #tpu.memory_space<semaphore_mem>>
      %dma_start3A = arith.constant 0 : i32
      %dma_start3A_740 = tpu.memref_slice %arg20[%add3A_589, %dma_start3A] : memref<10240x128xf32, #tpu.memory_space<vmem_shared>> -> memref<16x128xf32, #tpu.memory_space<vmem_shared>>
      %dma_start3A_741 = arith.constant 0 : i32
      %dma_start3A_742 = tpu.memref_slice %arg20[%add3A_589, %dma_start3A_741] : memref<10240x128xf32, #tpu.memory_space<vmem_shared>> -> memref<16x128xf32, #tpu.memory_space<vmem_shared>>
      tpu.enqueue_dma source(%dma_start3A_742 : memref<16x128xf32, #tpu.memory_space<vmem_shared>>) target(%arg19 : memref<16x128xf32, #tpu.memory_space<vmem>>) target_semaphore(%run_scoped3A : memref<!tpu.dma_semaphore, #tpu.memory_space<semaphore_mem>>)
      %dma_wait3A = arith.constant 0 : i32
      %dma_wait3A_743 = tpu.memref_slice %arg20[%add3A_589, %dma_wait3A] : memref<10240x128xf32, #tpu.memory_space<vmem_shared>> -> memref<16x128xf32, #tpu.memory_space<vmem_shared>>
      %dma_wait3A_744 = arith.constant 0 : i32
      %dma_wait3A_745 = tpu.memref_slice %arg20[%add3A_589, %dma_wait3A_744] : memref<10240x128xf32, #tpu.memory_space<vmem_shared>> -> memref<16x128xf32, #tpu.memory_space<vmem_shared>>
      tpu.wait_dma2 semaphore(%run_scoped3A : memref<!tpu.dma_semaphore, #tpu.memory_space<semaphore_mem>>) src(%dma_wait3A_745 : memref<16x128xf32, #tpu.memory_space<vmem_shared>>) dst(%arg19 : memref<16x128xf32, #tpu.memory_space<vmem>>)
      tpu.yield
    }) : () -> ()
    %mul3A_590 = arith.constant 10240 : i32
    %mul3A_591 = arith.muli %arg0, %mul3A_590 : i32
    %mul3A_592 = arith.constant 640 : i32
    %mul3A_593 = arith.muli %arg1, %mul3A_592 : i32
    %add3A_594 = arith.addi %mul3A_591, %mul3A_593 : i32
    %add3A_595 = arith.constant 416 : i32
    %add3A_596 = arith.addi %add3A_594, %add3A_595 : i32
    "tpu.region"() ({
      %run_scoped3A = tpu.sem_alloc : memref<!tpu.dma_semaphore, #tpu.memory_space<semaphore_mem>>
      %dma_start3A = arith.constant 0 : i32
      %dma_start3A_740 = tpu.memref_slice %arg8[%add3A_596, %dma_start3A] : memref<20480x128xf32, #tpu.memory_space<hbm>> -> memref<16x128xf32, #tpu.memory_space<hbm>>
      %dma_start3A_741 = arith.constant 0 : i32
      %dma_start3A_742 = tpu.memref_slice %arg8[%add3A_596, %dma_start3A_741] : memref<20480x128xf32, #tpu.memory_space<hbm>> -> memref<16x128xf32, #tpu.memory_space<hbm>>
      tpu.enqueue_dma source(%arg19 : memref<16x128xf32, #tpu.memory_space<vmem>>) target(%dma_start3A_742 : memref<16x128xf32, #tpu.memory_space<hbm>>) target_semaphore(%run_scoped3A : memref<!tpu.dma_semaphore, #tpu.memory_space<semaphore_mem>>)
      %dma_wait3A = arith.constant 0 : i32
      %dma_wait3A_743 = tpu.memref_slice %arg8[%add3A_596, %dma_wait3A] : memref<20480x128xf32, #tpu.memory_space<hbm>> -> memref<16x128xf32, #tpu.memory_space<hbm>>
      %dma_wait3A_744 = arith.constant 0 : i32
      %dma_wait3A_745 = tpu.memref_slice %arg8[%add3A_596, %dma_wait3A_744] : memref<20480x128xf32, #tpu.memory_space<hbm>> -> memref<16x128xf32, #tpu.memory_space<hbm>>
      tpu.wait_dma2 semaphore(%run_scoped3A : memref<!tpu.dma_semaphore, #tpu.memory_space<semaphore_mem>>) src(%arg19 : memref<16x128xf32, #tpu.memory_space<vmem>>) dst(%dma_wait3A_745 : memref<16x128xf32, #tpu.memory_space<hbm>>)
      tpu.yield
    }) : () -> ()
    %mul3A_597 = arith.constant 640 : i32
    %mul3A_598 = arith.muli %arg1, %mul3A_597 : i32
    %add3A_599 = arith.constant 432 : i32
    %add3A_600 = arith.addi %mul3A_598, %add3A_599 : i32
    "tpu.region"() ({
      %run_scoped3A = tpu.sem_alloc : memref<!tpu.dma_semaphore, #tpu.memory_space<semaphore_mem>>
      %dma_start3A = arith.constant 0 : i32
      %dma_start3A_740 = tpu.memref_slice %arg20[%add3A_600, %dma_start3A] : memref<10240x128xf32, #tpu.memory_space<vmem_shared>> -> memref<16x128xf32, #tpu.memory_space<vmem_shared>>
      %dma_start3A_741 = arith.constant 0 : i32
      %dma_start3A_742 = tpu.memref_slice %arg20[%add3A_600, %dma_start3A_741] : memref<10240x128xf32, #tpu.memory_space<vmem_shared>> -> memref<16x128xf32, #tpu.memory_space<vmem_shared>>
      tpu.enqueue_dma source(%dma_start3A_742 : memref<16x128xf32, #tpu.memory_space<vmem_shared>>) target(%arg19 : memref<16x128xf32, #tpu.memory_space<vmem>>) target_semaphore(%run_scoped3A : memref<!tpu.dma_semaphore, #tpu.memory_space<semaphore_mem>>)
      %dma_wait3A = arith.constant 0 : i32
      %dma_wait3A_743 = tpu.memref_slice %arg20[%add3A_600, %dma_wait3A] : memref<10240x128xf32, #tpu.memory_space<vmem_shared>> -> memref<16x128xf32, #tpu.memory_space<vmem_shared>>
      %dma_wait3A_744 = arith.constant 0 : i32
      %dma_wait3A_745 = tpu.memref_slice %arg20[%add3A_600, %dma_wait3A_744] : memref<10240x128xf32, #tpu.memory_space<vmem_shared>> -> memref<16x128xf32, #tpu.memory_space<vmem_shared>>
      tpu.wait_dma2 semaphore(%run_scoped3A : memref<!tpu.dma_semaphore, #tpu.memory_space<semaphore_mem>>) src(%dma_wait3A_745 : memref<16x128xf32, #tpu.memory_space<vmem_shared>>) dst(%arg19 : memref<16x128xf32, #tpu.memory_space<vmem>>)
      tpu.yield
    }) : () -> ()
    %mul3A_601 = arith.constant 10240 : i32
    %mul3A_602 = arith.muli %arg0, %mul3A_601 : i32
    %mul3A_603 = arith.constant 640 : i32
    %mul3A_604 = arith.muli %arg1, %mul3A_603 : i32
    %add3A_605 = arith.addi %mul3A_602, %mul3A_604 : i32
    %add3A_606 = arith.constant 432 : i32
    %add3A_607 = arith.addi %add3A_605, %add3A_606 : i32
    "tpu.region"() ({
      %run_scoped3A = tpu.sem_alloc : memref<!tpu.dma_semaphore, #tpu.memory_space<semaphore_mem>>
      %dma_start3A = arith.constant 0 : i32
      %dma_start3A_740 = tpu.memref_slice %arg8[%add3A_607, %dma_start3A] : memref<20480x128xf32, #tpu.memory_space<hbm>> -> memref<16x128xf32, #tpu.memory_space<hbm>>
      %dma_start3A_741 = arith.constant 0 : i32
      %dma_start3A_742 = tpu.memref_slice %arg8[%add3A_607, %dma_start3A_741] : memref<20480x128xf32, #tpu.memory_space<hbm>> -> memref<16x128xf32, #tpu.memory_space<hbm>>
      tpu.enqueue_dma source(%arg19 : memref<16x128xf32, #tpu.memory_space<vmem>>) target(%dma_start3A_742 : memref<16x128xf32, #tpu.memory_space<hbm>>) target_semaphore(%run_scoped3A : memref<!tpu.dma_semaphore, #tpu.memory_space<semaphore_mem>>)
      %dma_wait3A = arith.constant 0 : i32
      %dma_wait3A_743 = tpu.memref_slice %arg8[%add3A_607, %dma_wait3A] : memref<20480x128xf32, #tpu.memory_space<hbm>> -> memref<16x128xf32, #tpu.memory_space<hbm>>
      %dma_wait3A_744 = arith.constant 0 : i32
      %dma_wait3A_745 = tpu.memref_slice %arg8[%add3A_607, %dma_wait3A_744] : memref<20480x128xf32, #tpu.memory_space<hbm>> -> memref<16x128xf32, #tpu.memory_space<hbm>>
      tpu.wait_dma2 semaphore(%run_scoped3A : memref<!tpu.dma_semaphore, #tpu.memory_space<semaphore_mem>>) src(%arg19 : memref<16x128xf32, #tpu.memory_space<vmem>>) dst(%dma_wait3A_745 : memref<16x128xf32, #tpu.memory_space<hbm>>)
      tpu.yield
    }) : () -> ()
    %mul3A_608 = arith.constant 640 : i32
    %mul3A_609 = arith.muli %arg1, %mul3A_608 : i32
    %add3A_610 = arith.constant 448 : i32
    %add3A_611 = arith.addi %mul3A_609, %add3A_610 : i32
    "tpu.region"() ({
      %run_scoped3A = tpu.sem_alloc : memref<!tpu.dma_semaphore, #tpu.memory_space<semaphore_mem>>
      %dma_start3A = arith.constant 0 : i32
      %dma_start3A_740 = tpu.memref_slice %arg20[%add3A_611, %dma_start3A] : memref<10240x128xf32, #tpu.memory_space<vmem_shared>> -> memref<16x128xf32, #tpu.memory_space<vmem_shared>>
      %dma_start3A_741 = arith.constant 0 : i32
      %dma_start3A_742 = tpu.memref_slice %arg20[%add3A_611, %dma_start3A_741] : memref<10240x128xf32, #tpu.memory_space<vmem_shared>> -> memref<16x128xf32, #tpu.memory_space<vmem_shared>>
      tpu.enqueue_dma source(%dma_start3A_742 : memref<16x128xf32, #tpu.memory_space<vmem_shared>>) target(%arg19 : memref<16x128xf32, #tpu.memory_space<vmem>>) target_semaphore(%run_scoped3A : memref<!tpu.dma_semaphore, #tpu.memory_space<semaphore_mem>>)
      %dma_wait3A = arith.constant 0 : i32
      %dma_wait3A_743 = tpu.memref_slice %arg20[%add3A_611, %dma_wait3A] : memref<10240x128xf32, #tpu.memory_space<vmem_shared>> -> memref<16x128xf32, #tpu.memory_space<vmem_shared>>
      %dma_wait3A_744 = arith.constant 0 : i32
      %dma_wait3A_745 = tpu.memref_slice %arg20[%add3A_611, %dma_wait3A_744] : memref<10240x128xf32, #tpu.memory_space<vmem_shared>> -> memref<16x128xf32, #tpu.memory_space<vmem_shared>>
      tpu.wait_dma2 semaphore(%run_scoped3A : memref<!tpu.dma_semaphore, #tpu.memory_space<semaphore_mem>>) src(%dma_wait3A_745 : memref<16x128xf32, #tpu.memory_space<vmem_shared>>) dst(%arg19 : memref<16x128xf32, #tpu.memory_space<vmem>>)
      tpu.yield
    }) : () -> ()
    %mul3A_612 = arith.constant 10240 : i32
    %mul3A_613 = arith.muli %arg0, %mul3A_612 : i32
    %mul3A_614 = arith.constant 640 : i32
    %mul3A_615 = arith.muli %arg1, %mul3A_614 : i32
    %add3A_616 = arith.addi %mul3A_613, %mul3A_615 : i32
    %add3A_617 = arith.constant 448 : i32
    %add3A_618 = arith.addi %add3A_616, %add3A_617 : i32
    "tpu.region"() ({
      %run_scoped3A = tpu.sem_alloc : memref<!tpu.dma_semaphore, #tpu.memory_space<semaphore_mem>>
      %dma_start3A = arith.constant 0 : i32
      %dma_start3A_740 = tpu.memref_slice %arg8[%add3A_618, %dma_start3A] : memref<20480x128xf32, #tpu.memory_space<hbm>> -> memref<16x128xf32, #tpu.memory_space<hbm>>
      %dma_start3A_741 = arith.constant 0 : i32
      %dma_start3A_742 = tpu.memref_slice %arg8[%add3A_618, %dma_start3A_741] : memref<20480x128xf32, #tpu.memory_space<hbm>> -> memref<16x128xf32, #tpu.memory_space<hbm>>
      tpu.enqueue_dma source(%arg19 : memref<16x128xf32, #tpu.memory_space<vmem>>) target(%dma_start3A_742 : memref<16x128xf32, #tpu.memory_space<hbm>>) target_semaphore(%run_scoped3A : memref<!tpu.dma_semaphore, #tpu.memory_space<semaphore_mem>>)
      %dma_wait3A = arith.constant 0 : i32
      %dma_wait3A_743 = tpu.memref_slice %arg8[%add3A_618, %dma_wait3A] : memref<20480x128xf32, #tpu.memory_space<hbm>> -> memref<16x128xf32, #tpu.memory_space<hbm>>
      %dma_wait3A_744 = arith.constant 0 : i32
      %dma_wait3A_745 = tpu.memref_slice %arg8[%add3A_618, %dma_wait3A_744] : memref<20480x128xf32, #tpu.memory_space<hbm>> -> memref<16x128xf32, #tpu.memory_space<hbm>>
      tpu.wait_dma2 semaphore(%run_scoped3A : memref<!tpu.dma_semaphore, #tpu.memory_space<semaphore_mem>>) src(%arg19 : memref<16x128xf32, #tpu.memory_space<vmem>>) dst(%dma_wait3A_745 : memref<16x128xf32, #tpu.memory_space<hbm>>)
      tpu.yield
    }) : () -> ()
    %mul3A_619 = arith.constant 640 : i32
    %mul3A_620 = arith.muli %arg1, %mul3A_619 : i32
    %add3A_621 = arith.constant 464 : i32
    %add3A_622 = arith.addi %mul3A_620, %add3A_621 : i32
    "tpu.region"() ({
      %run_scoped3A = tpu.sem_alloc : memref<!tpu.dma_semaphore, #tpu.memory_space<semaphore_mem>>
      %dma_start3A = arith.constant 0 : i32
      %dma_start3A_740 = tpu.memref_slice %arg20[%add3A_622, %dma_start3A] : memref<10240x128xf32, #tpu.memory_space<vmem_shared>> -> memref<16x128xf32, #tpu.memory_space<vmem_shared>>
      %dma_start3A_741 = arith.constant 0 : i32
      %dma_start3A_742 = tpu.memref_slice %arg20[%add3A_622, %dma_start3A_741] : memref<10240x128xf32, #tpu.memory_space<vmem_shared>> -> memref<16x128xf32, #tpu.memory_space<vmem_shared>>
      tpu.enqueue_dma source(%dma_start3A_742 : memref<16x128xf32, #tpu.memory_space<vmem_shared>>) target(%arg19 : memref<16x128xf32, #tpu.memory_space<vmem>>) target_semaphore(%run_scoped3A : memref<!tpu.dma_semaphore, #tpu.memory_space<semaphore_mem>>)
      %dma_wait3A = arith.constant 0 : i32
      %dma_wait3A_743 = tpu.memref_slice %arg20[%add3A_622, %dma_wait3A] : memref<10240x128xf32, #tpu.memory_space<vmem_shared>> -> memref<16x128xf32, #tpu.memory_space<vmem_shared>>
      %dma_wait3A_744 = arith.constant 0 : i32
      %dma_wait3A_745 = tpu.memref_slice %arg20[%add3A_622, %dma_wait3A_744] : memref<10240x128xf32, #tpu.memory_space<vmem_shared>> -> memref<16x128xf32, #tpu.memory_space<vmem_shared>>
      tpu.wait_dma2 semaphore(%run_scoped3A : memref<!tpu.dma_semaphore, #tpu.memory_space<semaphore_mem>>) src(%dma_wait3A_745 : memref<16x128xf32, #tpu.memory_space<vmem_shared>>) dst(%arg19 : memref<16x128xf32, #tpu.memory_space<vmem>>)
      tpu.yield
    }) : () -> ()
    %mul3A_623 = arith.constant 10240 : i32
    %mul3A_624 = arith.muli %arg0, %mul3A_623 : i32
    %mul3A_625 = arith.constant 640 : i32
    %mul3A_626 = arith.muli %arg1, %mul3A_625 : i32
    %add3A_627 = arith.addi %mul3A_624, %mul3A_626 : i32
    %add3A_628 = arith.constant 464 : i32
    %add3A_629 = arith.addi %add3A_627, %add3A_628 : i32
    "tpu.region"() ({
      %run_scoped3A = tpu.sem_alloc : memref<!tpu.dma_semaphore, #tpu.memory_space<semaphore_mem>>
      %dma_start3A = arith.constant 0 : i32
      %dma_start3A_740 = tpu.memref_slice %arg8[%add3A_629, %dma_start3A] : memref<20480x128xf32, #tpu.memory_space<hbm>> -> memref<16x128xf32, #tpu.memory_space<hbm>>
      %dma_start3A_741 = arith.constant 0 : i32
      %dma_start3A_742 = tpu.memref_slice %arg8[%add3A_629, %dma_start3A_741] : memref<20480x128xf32, #tpu.memory_space<hbm>> -> memref<16x128xf32, #tpu.memory_space<hbm>>
      tpu.enqueue_dma source(%arg19 : memref<16x128xf32, #tpu.memory_space<vmem>>) target(%dma_start3A_742 : memref<16x128xf32, #tpu.memory_space<hbm>>) target_semaphore(%run_scoped3A : memref<!tpu.dma_semaphore, #tpu.memory_space<semaphore_mem>>)
      %dma_wait3A = arith.constant 0 : i32
      %dma_wait3A_743 = tpu.memref_slice %arg8[%add3A_629, %dma_wait3A] : memref<20480x128xf32, #tpu.memory_space<hbm>> -> memref<16x128xf32, #tpu.memory_space<hbm>>
      %dma_wait3A_744 = arith.constant 0 : i32
      %dma_wait3A_745 = tpu.memref_slice %arg8[%add3A_629, %dma_wait3A_744] : memref<20480x128xf32, #tpu.memory_space<hbm>> -> memref<16x128xf32, #tpu.memory_space<hbm>>
      tpu.wait_dma2 semaphore(%run_scoped3A : memref<!tpu.dma_semaphore, #tpu.memory_space<semaphore_mem>>) src(%arg19 : memref<16x128xf32, #tpu.memory_space<vmem>>) dst(%dma_wait3A_745 : memref<16x128xf32, #tpu.memory_space<hbm>>)
      tpu.yield
    }) : () -> ()
    %mul3A_630 = arith.constant 640 : i32
    %mul3A_631 = arith.muli %arg1, %mul3A_630 : i32
    %add3A_632 = arith.constant 480 : i32
    %add3A_633 = arith.addi %mul3A_631, %add3A_632 : i32
    "tpu.region"() ({
      %run_scoped3A = tpu.sem_alloc : memref<!tpu.dma_semaphore, #tpu.memory_space<semaphore_mem>>
      %dma_start3A = arith.constant 0 : i32
      %dma_start3A_740 = tpu.memref_slice %arg20[%add3A_633, %dma_start3A] : memref<10240x128xf32, #tpu.memory_space<vmem_shared>> -> memref<16x128xf32, #tpu.memory_space<vmem_shared>>
      %dma_start3A_741 = arith.constant 0 : i32
      %dma_start3A_742 = tpu.memref_slice %arg20[%add3A_633, %dma_start3A_741] : memref<10240x128xf32, #tpu.memory_space<vmem_shared>> -> memref<16x128xf32, #tpu.memory_space<vmem_shared>>
      tpu.enqueue_dma source(%dma_start3A_742 : memref<16x128xf32, #tpu.memory_space<vmem_shared>>) target(%arg19 : memref<16x128xf32, #tpu.memory_space<vmem>>) target_semaphore(%run_scoped3A : memref<!tpu.dma_semaphore, #tpu.memory_space<semaphore_mem>>)
      %dma_wait3A = arith.constant 0 : i32
      %dma_wait3A_743 = tpu.memref_slice %arg20[%add3A_633, %dma_wait3A] : memref<10240x128xf32, #tpu.memory_space<vmem_shared>> -> memref<16x128xf32, #tpu.memory_space<vmem_shared>>
      %dma_wait3A_744 = arith.constant 0 : i32
      %dma_wait3A_745 = tpu.memref_slice %arg20[%add3A_633, %dma_wait3A_744] : memref<10240x128xf32, #tpu.memory_space<vmem_shared>> -> memref<16x128xf32, #tpu.memory_space<vmem_shared>>
      tpu.wait_dma2 semaphore(%run_scoped3A : memref<!tpu.dma_semaphore, #tpu.memory_space<semaphore_mem>>) src(%dma_wait3A_745 : memref<16x128xf32, #tpu.memory_space<vmem_shared>>) dst(%arg19 : memref<16x128xf32, #tpu.memory_space<vmem>>)
      tpu.yield
    }) : () -> ()
    %mul3A_634 = arith.constant 10240 : i32
    %mul3A_635 = arith.muli %arg0, %mul3A_634 : i32
    %mul3A_636 = arith.constant 640 : i32
    %mul3A_637 = arith.muli %arg1, %mul3A_636 : i32
    %add3A_638 = arith.addi %mul3A_635, %mul3A_637 : i32
    %add3A_639 = arith.constant 480 : i32
    %add3A_640 = arith.addi %add3A_638, %add3A_639 : i32
    "tpu.region"() ({
      %run_scoped3A = tpu.sem_alloc : memref<!tpu.dma_semaphore, #tpu.memory_space<semaphore_mem>>
      %dma_start3A = arith.constant 0 : i32
      %dma_start3A_740 = tpu.memref_slice %arg8[%add3A_640, %dma_start3A] : memref<20480x128xf32, #tpu.memory_space<hbm>> -> memref<16x128xf32, #tpu.memory_space<hbm>>
      %dma_start3A_741 = arith.constant 0 : i32
      %dma_start3A_742 = tpu.memref_slice %arg8[%add3A_640, %dma_start3A_741] : memref<20480x128xf32, #tpu.memory_space<hbm>> -> memref<16x128xf32, #tpu.memory_space<hbm>>
      tpu.enqueue_dma source(%arg19 : memref<16x128xf32, #tpu.memory_space<vmem>>) target(%dma_start3A_742 : memref<16x128xf32, #tpu.memory_space<hbm>>) target_semaphore(%run_scoped3A : memref<!tpu.dma_semaphore, #tpu.memory_space<semaphore_mem>>)
      %dma_wait3A = arith.constant 0 : i32
      %dma_wait3A_743 = tpu.memref_slice %arg8[%add3A_640, %dma_wait3A] : memref<20480x128xf32, #tpu.memory_space<hbm>> -> memref<16x128xf32, #tpu.memory_space<hbm>>
      %dma_wait3A_744 = arith.constant 0 : i32
      %dma_wait3A_745 = tpu.memref_slice %arg8[%add3A_640, %dma_wait3A_744] : memref<20480x128xf32, #tpu.memory_space<hbm>> -> memref<16x128xf32, #tpu.memory_space<hbm>>
      tpu.wait_dma2 semaphore(%run_scoped3A : memref<!tpu.dma_semaphore, #tpu.memory_space<semaphore_mem>>) src(%arg19 : memref<16x128xf32, #tpu.memory_space<vmem>>) dst(%dma_wait3A_745 : memref<16x128xf32, #tpu.memory_space<hbm>>)
      tpu.yield
    }) : () -> ()
    %mul3A_641 = arith.constant 640 : i32
    %mul3A_642 = arith.muli %arg1, %mul3A_641 : i32
    %add3A_643 = arith.constant 496 : i32
    %add3A_644 = arith.addi %mul3A_642, %add3A_643 : i32
    "tpu.region"() ({
      %run_scoped3A = tpu.sem_alloc : memref<!tpu.dma_semaphore, #tpu.memory_space<semaphore_mem>>
      %dma_start3A = arith.constant 0 : i32
      %dma_start3A_740 = tpu.memref_slice %arg20[%add3A_644, %dma_start3A] : memref<10240x128xf32, #tpu.memory_space<vmem_shared>> -> memref<16x128xf32, #tpu.memory_space<vmem_shared>>
      %dma_start3A_741 = arith.constant 0 : i32
      %dma_start3A_742 = tpu.memref_slice %arg20[%add3A_644, %dma_start3A_741] : memref<10240x128xf32, #tpu.memory_space<vmem_shared>> -> memref<16x128xf32, #tpu.memory_space<vmem_shared>>
      tpu.enqueue_dma source(%dma_start3A_742 : memref<16x128xf32, #tpu.memory_space<vmem_shared>>) target(%arg19 : memref<16x128xf32, #tpu.memory_space<vmem>>) target_semaphore(%run_scoped3A : memref<!tpu.dma_semaphore, #tpu.memory_space<semaphore_mem>>)
      %dma_wait3A = arith.constant 0 : i32
      %dma_wait3A_743 = tpu.memref_slice %arg20[%add3A_644, %dma_wait3A] : memref<10240x128xf32, #tpu.memory_space<vmem_shared>> -> memref<16x128xf32, #tpu.memory_space<vmem_shared>>
      %dma_wait3A_744 = arith.constant 0 : i32
      %dma_wait3A_745 = tpu.memref_slice %arg20[%add3A_644, %dma_wait3A_744] : memref<10240x128xf32, #tpu.memory_space<vmem_shared>> -> memref<16x128xf32, #tpu.memory_space<vmem_shared>>
      tpu.wait_dma2 semaphore(%run_scoped3A : memref<!tpu.dma_semaphore, #tpu.memory_space<semaphore_mem>>) src(%dma_wait3A_745 : memref<16x128xf32, #tpu.memory_space<vmem_shared>>) dst(%arg19 : memref<16x128xf32, #tpu.memory_space<vmem>>)
      tpu.yield
    }) : () -> ()
    %mul3A_645 = arith.constant 10240 : i32
    %mul3A_646 = arith.muli %arg0, %mul3A_645 : i32
    %mul3A_647 = arith.constant 640 : i32
    %mul3A_648 = arith.muli %arg1, %mul3A_647 : i32
    %add3A_649 = arith.addi %mul3A_646, %mul3A_648 : i32
    %add3A_650 = arith.constant 496 : i32
    %add3A_651 = arith.addi %add3A_649, %add3A_650 : i32
    "tpu.region"() ({
      %run_scoped3A = tpu.sem_alloc : memref<!tpu.dma_semaphore, #tpu.memory_space<semaphore_mem>>
      %dma_start3A = arith.constant 0 : i32
      %dma_start3A_740 = tpu.memref_slice %arg8[%add3A_651, %dma_start3A] : memref<20480x128xf32, #tpu.memory_space<hbm>> -> memref<16x128xf32, #tpu.memory_space<hbm>>
      %dma_start3A_741 = arith.constant 0 : i32
      %dma_start3A_742 = tpu.memref_slice %arg8[%add3A_651, %dma_start3A_741] : memref<20480x128xf32, #tpu.memory_space<hbm>> -> memref<16x128xf32, #tpu.memory_space<hbm>>
      tpu.enqueue_dma source(%arg19 : memref<16x128xf32, #tpu.memory_space<vmem>>) target(%dma_start3A_742 : memref<16x128xf32, #tpu.memory_space<hbm>>) target_semaphore(%run_scoped3A : memref<!tpu.dma_semaphore, #tpu.memory_space<semaphore_mem>>)
      %dma_wait3A = arith.constant 0 : i32
      %dma_wait3A_743 = tpu.memref_slice %arg8[%add3A_651, %dma_wait3A] : memref<20480x128xf32, #tpu.memory_space<hbm>> -> memref<16x128xf32, #tpu.memory_space<hbm>>
      %dma_wait3A_744 = arith.constant 0 : i32
      %dma_wait3A_745 = tpu.memref_slice %arg8[%add3A_651, %dma_wait3A_744] : memref<20480x128xf32, #tpu.memory_space<hbm>> -> memref<16x128xf32, #tpu.memory_space<hbm>>
      tpu.wait_dma2 semaphore(%run_scoped3A : memref<!tpu.dma_semaphore, #tpu.memory_space<semaphore_mem>>) src(%arg19 : memref<16x128xf32, #tpu.memory_space<vmem>>) dst(%dma_wait3A_745 : memref<16x128xf32, #tpu.memory_space<hbm>>)
      tpu.yield
    }) : () -> ()
    %mul3A_652 = arith.constant 640 : i32
    %mul3A_653 = arith.muli %arg1, %mul3A_652 : i32
    %add3A_654 = arith.constant 512 : i32
    %add3A_655 = arith.addi %mul3A_653, %add3A_654 : i32
    "tpu.region"() ({
      %run_scoped3A = tpu.sem_alloc : memref<!tpu.dma_semaphore, #tpu.memory_space<semaphore_mem>>
      %dma_start3A = arith.constant 0 : i32
      %dma_start3A_740 = tpu.memref_slice %arg20[%add3A_655, %dma_start3A] : memref<10240x128xf32, #tpu.memory_space<vmem_shared>> -> memref<16x128xf32, #tpu.memory_space<vmem_shared>>
      %dma_start3A_741 = arith.constant 0 : i32
      %dma_start3A_742 = tpu.memref_slice %arg20[%add3A_655, %dma_start3A_741] : memref<10240x128xf32, #tpu.memory_space<vmem_shared>> -> memref<16x128xf32, #tpu.memory_space<vmem_shared>>
      tpu.enqueue_dma source(%dma_start3A_742 : memref<16x128xf32, #tpu.memory_space<vmem_shared>>) target(%arg19 : memref<16x128xf32, #tpu.memory_space<vmem>>) target_semaphore(%run_scoped3A : memref<!tpu.dma_semaphore, #tpu.memory_space<semaphore_mem>>)
      %dma_wait3A = arith.constant 0 : i32
      %dma_wait3A_743 = tpu.memref_slice %arg20[%add3A_655, %dma_wait3A] : memref<10240x128xf32, #tpu.memory_space<vmem_shared>> -> memref<16x128xf32, #tpu.memory_space<vmem_shared>>
      %dma_wait3A_744 = arith.constant 0 : i32
      %dma_wait3A_745 = tpu.memref_slice %arg20[%add3A_655, %dma_wait3A_744] : memref<10240x128xf32, #tpu.memory_space<vmem_shared>> -> memref<16x128xf32, #tpu.memory_space<vmem_shared>>
      tpu.wait_dma2 semaphore(%run_scoped3A : memref<!tpu.dma_semaphore, #tpu.memory_space<semaphore_mem>>) src(%dma_wait3A_745 : memref<16x128xf32, #tpu.memory_space<vmem_shared>>) dst(%arg19 : memref<16x128xf32, #tpu.memory_space<vmem>>)
      tpu.yield
    }) : () -> ()
    %mul3A_656 = arith.constant 10240 : i32
    %mul3A_657 = arith.muli %arg0, %mul3A_656 : i32
    %mul3A_658 = arith.constant 640 : i32
    %mul3A_659 = arith.muli %arg1, %mul3A_658 : i32
    %add3A_660 = arith.addi %mul3A_657, %mul3A_659 : i32
    %add3A_661 = arith.constant 512 : i32
    %add3A_662 = arith.addi %add3A_660, %add3A_661 : i32
    "tpu.region"() ({
      %run_scoped3A = tpu.sem_alloc : memref<!tpu.dma_semaphore, #tpu.memory_space<semaphore_mem>>
      %dma_start3A = arith.constant 0 : i32
      %dma_start3A_740 = tpu.memref_slice %arg8[%add3A_662, %dma_start3A] : memref<20480x128xf32, #tpu.memory_space<hbm>> -> memref<16x128xf32, #tpu.memory_space<hbm>>
      %dma_start3A_741 = arith.constant 0 : i32
      %dma_start3A_742 = tpu.memref_slice %arg8[%add3A_662, %dma_start3A_741] : memref<20480x128xf32, #tpu.memory_space<hbm>> -> memref<16x128xf32, #tpu.memory_space<hbm>>
      tpu.enqueue_dma source(%arg19 : memref<16x128xf32, #tpu.memory_space<vmem>>) target(%dma_start3A_742 : memref<16x128xf32, #tpu.memory_space<hbm>>) target_semaphore(%run_scoped3A : memref<!tpu.dma_semaphore, #tpu.memory_space<semaphore_mem>>)
      %dma_wait3A = arith.constant 0 : i32
      %dma_wait3A_743 = tpu.memref_slice %arg8[%add3A_662, %dma_wait3A] : memref<20480x128xf32, #tpu.memory_space<hbm>> -> memref<16x128xf32, #tpu.memory_space<hbm>>
      %dma_wait3A_744 = arith.constant 0 : i32
      %dma_wait3A_745 = tpu.memref_slice %arg8[%add3A_662, %dma_wait3A_744] : memref<20480x128xf32, #tpu.memory_space<hbm>> -> memref<16x128xf32, #tpu.memory_space<hbm>>
      tpu.wait_dma2 semaphore(%run_scoped3A : memref<!tpu.dma_semaphore, #tpu.memory_space<semaphore_mem>>) src(%arg19 : memref<16x128xf32, #tpu.memory_space<vmem>>) dst(%dma_wait3A_745 : memref<16x128xf32, #tpu.memory_space<hbm>>)
      tpu.yield
    }) : () -> ()
    %mul3A_663 = arith.constant 640 : i32
    %mul3A_664 = arith.muli %arg1, %mul3A_663 : i32
    %add3A_665 = arith.constant 528 : i32
    %add3A_666 = arith.addi %mul3A_664, %add3A_665 : i32
    "tpu.region"() ({
      %run_scoped3A = tpu.sem_alloc : memref<!tpu.dma_semaphore, #tpu.memory_space<semaphore_mem>>
      %dma_start3A = arith.constant 0 : i32
      %dma_start3A_740 = tpu.memref_slice %arg20[%add3A_666, %dma_start3A] : memref<10240x128xf32, #tpu.memory_space<vmem_shared>> -> memref<16x128xf32, #tpu.memory_space<vmem_shared>>
      %dma_start3A_741 = arith.constant 0 : i32
      %dma_start3A_742 = tpu.memref_slice %arg20[%add3A_666, %dma_start3A_741] : memref<10240x128xf32, #tpu.memory_space<vmem_shared>> -> memref<16x128xf32, #tpu.memory_space<vmem_shared>>
      tpu.enqueue_dma source(%dma_start3A_742 : memref<16x128xf32, #tpu.memory_space<vmem_shared>>) target(%arg19 : memref<16x128xf32, #tpu.memory_space<vmem>>) target_semaphore(%run_scoped3A : memref<!tpu.dma_semaphore, #tpu.memory_space<semaphore_mem>>)
      %dma_wait3A = arith.constant 0 : i32
      %dma_wait3A_743 = tpu.memref_slice %arg20[%add3A_666, %dma_wait3A] : memref<10240x128xf32, #tpu.memory_space<vmem_shared>> -> memref<16x128xf32, #tpu.memory_space<vmem_shared>>
      %dma_wait3A_744 = arith.constant 0 : i32
      %dma_wait3A_745 = tpu.memref_slice %arg20[%add3A_666, %dma_wait3A_744] : memref<10240x128xf32, #tpu.memory_space<vmem_shared>> -> memref<16x128xf32, #tpu.memory_space<vmem_shared>>
      tpu.wait_dma2 semaphore(%run_scoped3A : memref<!tpu.dma_semaphore, #tpu.memory_space<semaphore_mem>>) src(%dma_wait3A_745 : memref<16x128xf32, #tpu.memory_space<vmem_shared>>) dst(%arg19 : memref<16x128xf32, #tpu.memory_space<vmem>>)
      tpu.yield
    }) : () -> ()
    %mul3A_667 = arith.constant 10240 : i32
    %mul3A_668 = arith.muli %arg0, %mul3A_667 : i32
    %mul3A_669 = arith.constant 640 : i32
    %mul3A_670 = arith.muli %arg1, %mul3A_669 : i32
    %add3A_671 = arith.addi %mul3A_668, %mul3A_670 : i32
    %add3A_672 = arith.constant 528 : i32
    %add3A_673 = arith.addi %add3A_671, %add3A_672 : i32
    "tpu.region"() ({
      %run_scoped3A = tpu.sem_alloc : memref<!tpu.dma_semaphore, #tpu.memory_space<semaphore_mem>>
      %dma_start3A = arith.constant 0 : i32
      %dma_start3A_740 = tpu.memref_slice %arg8[%add3A_673, %dma_start3A] : memref<20480x128xf32, #tpu.memory_space<hbm>> -> memref<16x128xf32, #tpu.memory_space<hbm>>
      %dma_start3A_741 = arith.constant 0 : i32
      %dma_start3A_742 = tpu.memref_slice %arg8[%add3A_673, %dma_start3A_741] : memref<20480x128xf32, #tpu.memory_space<hbm>> -> memref<16x128xf32, #tpu.memory_space<hbm>>
      tpu.enqueue_dma source(%arg19 : memref<16x128xf32, #tpu.memory_space<vmem>>) target(%dma_start3A_742 : memref<16x128xf32, #tpu.memory_space<hbm>>) target_semaphore(%run_scoped3A : memref<!tpu.dma_semaphore, #tpu.memory_space<semaphore_mem>>)
      %dma_wait3A = arith.constant 0 : i32
      %dma_wait3A_743 = tpu.memref_slice %arg8[%add3A_673, %dma_wait3A] : memref<20480x128xf32, #tpu.memory_space<hbm>> -> memref<16x128xf32, #tpu.memory_space<hbm>>
      %dma_wait3A_744 = arith.constant 0 : i32
      %dma_wait3A_745 = tpu.memref_slice %arg8[%add3A_673, %dma_wait3A_744] : memref<20480x128xf32, #tpu.memory_space<hbm>> -> memref<16x128xf32, #tpu.memory_space<hbm>>
      tpu.wait_dma2 semaphore(%run_scoped3A : memref<!tpu.dma_semaphore, #tpu.memory_space<semaphore_mem>>) src(%arg19 : memref<16x128xf32, #tpu.memory_space<vmem>>) dst(%dma_wait3A_745 : memref<16x128xf32, #tpu.memory_space<hbm>>)
      tpu.yield
    }) : () -> ()
    %mul3A_674 = arith.constant 640 : i32
    %mul3A_675 = arith.muli %arg1, %mul3A_674 : i32
    %add3A_676 = arith.constant 544 : i32
    %add3A_677 = arith.addi %mul3A_675, %add3A_676 : i32
    "tpu.region"() ({
      %run_scoped3A = tpu.sem_alloc : memref<!tpu.dma_semaphore, #tpu.memory_space<semaphore_mem>>
      %dma_start3A = arith.constant 0 : i32
      %dma_start3A_740 = tpu.memref_slice %arg20[%add3A_677, %dma_start3A] : memref<10240x128xf32, #tpu.memory_space<vmem_shared>> -> memref<16x128xf32, #tpu.memory_space<vmem_shared>>
      %dma_start3A_741 = arith.constant 0 : i32
      %dma_start3A_742 = tpu.memref_slice %arg20[%add3A_677, %dma_start3A_741] : memref<10240x128xf32, #tpu.memory_space<vmem_shared>> -> memref<16x128xf32, #tpu.memory_space<vmem_shared>>
      tpu.enqueue_dma source(%dma_start3A_742 : memref<16x128xf32, #tpu.memory_space<vmem_shared>>) target(%arg19 : memref<16x128xf32, #tpu.memory_space<vmem>>) target_semaphore(%run_scoped3A : memref<!tpu.dma_semaphore, #tpu.memory_space<semaphore_mem>>)
      %dma_wait3A = arith.constant 0 : i32
      %dma_wait3A_743 = tpu.memref_slice %arg20[%add3A_677, %dma_wait3A] : memref<10240x128xf32, #tpu.memory_space<vmem_shared>> -> memref<16x128xf32, #tpu.memory_space<vmem_shared>>
      %dma_wait3A_744 = arith.constant 0 : i32
      %dma_wait3A_745 = tpu.memref_slice %arg20[%add3A_677, %dma_wait3A_744] : memref<10240x128xf32, #tpu.memory_space<vmem_shared>> -> memref<16x128xf32, #tpu.memory_space<vmem_shared>>
      tpu.wait_dma2 semaphore(%run_scoped3A : memref<!tpu.dma_semaphore, #tpu.memory_space<semaphore_mem>>) src(%dma_wait3A_745 : memref<16x128xf32, #tpu.memory_space<vmem_shared>>) dst(%arg19 : memref<16x128xf32, #tpu.memory_space<vmem>>)
      tpu.yield
    }) : () -> ()
    %mul3A_678 = arith.constant 10240 : i32
    %mul3A_679 = arith.muli %arg0, %mul3A_678 : i32
    %mul3A_680 = arith.constant 640 : i32
    %mul3A_681 = arith.muli %arg1, %mul3A_680 : i32
    %add3A_682 = arith.addi %mul3A_679, %mul3A_681 : i32
    %add3A_683 = arith.constant 544 : i32
    %add3A_684 = arith.addi %add3A_682, %add3A_683 : i32
    "tpu.region"() ({
      %run_scoped3A = tpu.sem_alloc : memref<!tpu.dma_semaphore, #tpu.memory_space<semaphore_mem>>
      %dma_start3A = arith.constant 0 : i32
      %dma_start3A_740 = tpu.memref_slice %arg8[%add3A_684, %dma_start3A] : memref<20480x128xf32, #tpu.memory_space<hbm>> -> memref<16x128xf32, #tpu.memory_space<hbm>>
      %dma_start3A_741 = arith.constant 0 : i32
      %dma_start3A_742 = tpu.memref_slice %arg8[%add3A_684, %dma_start3A_741] : memref<20480x128xf32, #tpu.memory_space<hbm>> -> memref<16x128xf32, #tpu.memory_space<hbm>>
      tpu.enqueue_dma source(%arg19 : memref<16x128xf32, #tpu.memory_space<vmem>>) target(%dma_start3A_742 : memref<16x128xf32, #tpu.memory_space<hbm>>) target_semaphore(%run_scoped3A : memref<!tpu.dma_semaphore, #tpu.memory_space<semaphore_mem>>)
      %dma_wait3A = arith.constant 0 : i32
      %dma_wait3A_743 = tpu.memref_slice %arg8[%add3A_684, %dma_wait3A] : memref<20480x128xf32, #tpu.memory_space<hbm>> -> memref<16x128xf32, #tpu.memory_space<hbm>>
      %dma_wait3A_744 = arith.constant 0 : i32
      %dma_wait3A_745 = tpu.memref_slice %arg8[%add3A_684, %dma_wait3A_744] : memref<20480x128xf32, #tpu.memory_space<hbm>> -> memref<16x128xf32, #tpu.memory_space<hbm>>
      tpu.wait_dma2 semaphore(%run_scoped3A : memref<!tpu.dma_semaphore, #tpu.memory_space<semaphore_mem>>) src(%arg19 : memref<16x128xf32, #tpu.memory_space<vmem>>) dst(%dma_wait3A_745 : memref<16x128xf32, #tpu.memory_space<hbm>>)
      tpu.yield
    }) : () -> ()
    %mul3A_685 = arith.constant 640 : i32
    %mul3A_686 = arith.muli %arg1, %mul3A_685 : i32
    %add3A_687 = arith.constant 560 : i32
    %add3A_688 = arith.addi %mul3A_686, %add3A_687 : i32
    "tpu.region"() ({
      %run_scoped3A = tpu.sem_alloc : memref<!tpu.dma_semaphore, #tpu.memory_space<semaphore_mem>>
      %dma_start3A = arith.constant 0 : i32
      %dma_start3A_740 = tpu.memref_slice %arg20[%add3A_688, %dma_start3A] : memref<10240x128xf32, #tpu.memory_space<vmem_shared>> -> memref<16x128xf32, #tpu.memory_space<vmem_shared>>
      %dma_start3A_741 = arith.constant 0 : i32
      %dma_start3A_742 = tpu.memref_slice %arg20[%add3A_688, %dma_start3A_741] : memref<10240x128xf32, #tpu.memory_space<vmem_shared>> -> memref<16x128xf32, #tpu.memory_space<vmem_shared>>
      tpu.enqueue_dma source(%dma_start3A_742 : memref<16x128xf32, #tpu.memory_space<vmem_shared>>) target(%arg19 : memref<16x128xf32, #tpu.memory_space<vmem>>) target_semaphore(%run_scoped3A : memref<!tpu.dma_semaphore, #tpu.memory_space<semaphore_mem>>)
      %dma_wait3A = arith.constant 0 : i32
      %dma_wait3A_743 = tpu.memref_slice %arg20[%add3A_688, %dma_wait3A] : memref<10240x128xf32, #tpu.memory_space<vmem_shared>> -> memref<16x128xf32, #tpu.memory_space<vmem_shared>>
      %dma_wait3A_744 = arith.constant 0 : i32
      %dma_wait3A_745 = tpu.memref_slice %arg20[%add3A_688, %dma_wait3A_744] : memref<10240x128xf32, #tpu.memory_space<vmem_shared>> -> memref<16x128xf32, #tpu.memory_space<vmem_shared>>
      tpu.wait_dma2 semaphore(%run_scoped3A : memref<!tpu.dma_semaphore, #tpu.memory_space<semaphore_mem>>) src(%dma_wait3A_745 : memref<16x128xf32, #tpu.memory_space<vmem_shared>>) dst(%arg19 : memref<16x128xf32, #tpu.memory_space<vmem>>)
      tpu.yield
    }) : () -> ()
    %mul3A_689 = arith.constant 10240 : i32
    %mul3A_690 = arith.muli %arg0, %mul3A_689 : i32
    %mul3A_691 = arith.constant 640 : i32
    %mul3A_692 = arith.muli %arg1, %mul3A_691 : i32
    %add3A_693 = arith.addi %mul3A_690, %mul3A_692 : i32
    %add3A_694 = arith.constant 560 : i32
    %add3A_695 = arith.addi %add3A_693, %add3A_694 : i32
    "tpu.region"() ({
      %run_scoped3A = tpu.sem_alloc : memref<!tpu.dma_semaphore, #tpu.memory_space<semaphore_mem>>
      %dma_start3A = arith.constant 0 : i32
      %dma_start3A_740 = tpu.memref_slice %arg8[%add3A_695, %dma_start3A] : memref<20480x128xf32, #tpu.memory_space<hbm>> -> memref<16x128xf32, #tpu.memory_space<hbm>>
      %dma_start3A_741 = arith.constant 0 : i32
      %dma_start3A_742 = tpu.memref_slice %arg8[%add3A_695, %dma_start3A_741] : memref<20480x128xf32, #tpu.memory_space<hbm>> -> memref<16x128xf32, #tpu.memory_space<hbm>>
      tpu.enqueue_dma source(%arg19 : memref<16x128xf32, #tpu.memory_space<vmem>>) target(%dma_start3A_742 : memref<16x128xf32, #tpu.memory_space<hbm>>) target_semaphore(%run_scoped3A : memref<!tpu.dma_semaphore, #tpu.memory_space<semaphore_mem>>)
      %dma_wait3A = arith.constant 0 : i32
      %dma_wait3A_743 = tpu.memref_slice %arg8[%add3A_695, %dma_wait3A] : memref<20480x128xf32, #tpu.memory_space<hbm>> -> memref<16x128xf32, #tpu.memory_space<hbm>>
      %dma_wait3A_744 = arith.constant 0 : i32
      %dma_wait3A_745 = tpu.memref_slice %arg8[%add3A_695, %dma_wait3A_744] : memref<20480x128xf32, #tpu.memory_space<hbm>> -> memref<16x128xf32, #tpu.memory_space<hbm>>
      tpu.wait_dma2 semaphore(%run_scoped3A : memref<!tpu.dma_semaphore, #tpu.memory_space<semaphore_mem>>) src(%arg19 : memref<16x128xf32, #tpu.memory_space<vmem>>) dst(%dma_wait3A_745 : memref<16x128xf32, #tpu.memory_space<hbm>>)
      tpu.yield
    }) : () -> ()
    %mul3A_696 = arith.constant 640 : i32
    %mul3A_697 = arith.muli %arg1, %mul3A_696 : i32
    %add3A_698 = arith.constant 576 : i32
    %add3A_699 = arith.addi %mul3A_697, %add3A_698 : i32
    "tpu.region"() ({
      %run_scoped3A = tpu.sem_alloc : memref<!tpu.dma_semaphore, #tpu.memory_space<semaphore_mem>>
      %dma_start3A = arith.constant 0 : i32
      %dma_start3A_740 = tpu.memref_slice %arg20[%add3A_699, %dma_start3A] : memref<10240x128xf32, #tpu.memory_space<vmem_shared>> -> memref<16x128xf32, #tpu.memory_space<vmem_shared>>
      %dma_start3A_741 = arith.constant 0 : i32
      %dma_start3A_742 = tpu.memref_slice %arg20[%add3A_699, %dma_start3A_741] : memref<10240x128xf32, #tpu.memory_space<vmem_shared>> -> memref<16x128xf32, #tpu.memory_space<vmem_shared>>
      tpu.enqueue_dma source(%dma_start3A_742 : memref<16x128xf32, #tpu.memory_space<vmem_shared>>) target(%arg19 : memref<16x128xf32, #tpu.memory_space<vmem>>) target_semaphore(%run_scoped3A : memref<!tpu.dma_semaphore, #tpu.memory_space<semaphore_mem>>)
      %dma_wait3A = arith.constant 0 : i32
      %dma_wait3A_743 = tpu.memref_slice %arg20[%add3A_699, %dma_wait3A] : memref<10240x128xf32, #tpu.memory_space<vmem_shared>> -> memref<16x128xf32, #tpu.memory_space<vmem_shared>>
      %dma_wait3A_744 = arith.constant 0 : i32
      %dma_wait3A_745 = tpu.memref_slice %arg20[%add3A_699, %dma_wait3A_744] : memref<10240x128xf32, #tpu.memory_space<vmem_shared>> -> memref<16x128xf32, #tpu.memory_space<vmem_shared>>
      tpu.wait_dma2 semaphore(%run_scoped3A : memref<!tpu.dma_semaphore, #tpu.memory_space<semaphore_mem>>) src(%dma_wait3A_745 : memref<16x128xf32, #tpu.memory_space<vmem_shared>>) dst(%arg19 : memref<16x128xf32, #tpu.memory_space<vmem>>)
      tpu.yield
    }) : () -> ()
    %mul3A_700 = arith.constant 10240 : i32
    %mul3A_701 = arith.muli %arg0, %mul3A_700 : i32
    %mul3A_702 = arith.constant 640 : i32
    %mul3A_703 = arith.muli %arg1, %mul3A_702 : i32
    %add3A_704 = arith.addi %mul3A_701, %mul3A_703 : i32
    %add3A_705 = arith.constant 576 : i32
    %add3A_706 = arith.addi %add3A_704, %add3A_705 : i32
    "tpu.region"() ({
      %run_scoped3A = tpu.sem_alloc : memref<!tpu.dma_semaphore, #tpu.memory_space<semaphore_mem>>
      %dma_start3A = arith.constant 0 : i32
      %dma_start3A_740 = tpu.memref_slice %arg8[%add3A_706, %dma_start3A] : memref<20480x128xf32, #tpu.memory_space<hbm>> -> memref<16x128xf32, #tpu.memory_space<hbm>>
      %dma_start3A_741 = arith.constant 0 : i32
      %dma_start3A_742 = tpu.memref_slice %arg8[%add3A_706, %dma_start3A_741] : memref<20480x128xf32, #tpu.memory_space<hbm>> -> memref<16x128xf32, #tpu.memory_space<hbm>>
      tpu.enqueue_dma source(%arg19 : memref<16x128xf32, #tpu.memory_space<vmem>>) target(%dma_start3A_742 : memref<16x128xf32, #tpu.memory_space<hbm>>) target_semaphore(%run_scoped3A : memref<!tpu.dma_semaphore, #tpu.memory_space<semaphore_mem>>)
      %dma_wait3A = arith.constant 0 : i32
      %dma_wait3A_743 = tpu.memref_slice %arg8[%add3A_706, %dma_wait3A] : memref<20480x128xf32, #tpu.memory_space<hbm>> -> memref<16x128xf32, #tpu.memory_space<hbm>>
      %dma_wait3A_744 = arith.constant 0 : i32
      %dma_wait3A_745 = tpu.memref_slice %arg8[%add3A_706, %dma_wait3A_744] : memref<20480x128xf32, #tpu.memory_space<hbm>> -> memref<16x128xf32, #tpu.memory_space<hbm>>
      tpu.wait_dma2 semaphore(%run_scoped3A : memref<!tpu.dma_semaphore, #tpu.memory_space<semaphore_mem>>) src(%arg19 : memref<16x128xf32, #tpu.memory_space<vmem>>) dst(%dma_wait3A_745 : memref<16x128xf32, #tpu.memory_space<hbm>>)
      tpu.yield
    }) : () -> ()
    %mul3A_707 = arith.constant 640 : i32
    %mul3A_708 = arith.muli %arg1, %mul3A_707 : i32
    %add3A_709 = arith.constant 592 : i32
    %add3A_710 = arith.addi %mul3A_708, %add3A_709 : i32
    "tpu.region"() ({
      %run_scoped3A = tpu.sem_alloc : memref<!tpu.dma_semaphore, #tpu.memory_space<semaphore_mem>>
      %dma_start3A = arith.constant 0 : i32
      %dma_start3A_740 = tpu.memref_slice %arg20[%add3A_710, %dma_start3A] : memref<10240x128xf32, #tpu.memory_space<vmem_shared>> -> memref<16x128xf32, #tpu.memory_space<vmem_shared>>
      %dma_start3A_741 = arith.constant 0 : i32
      %dma_start3A_742 = tpu.memref_slice %arg20[%add3A_710, %dma_start3A_741] : memref<10240x128xf32, #tpu.memory_space<vmem_shared>> -> memref<16x128xf32, #tpu.memory_space<vmem_shared>>
      tpu.enqueue_dma source(%dma_start3A_742 : memref<16x128xf32, #tpu.memory_space<vmem_shared>>) target(%arg19 : memref<16x128xf32, #tpu.memory_space<vmem>>) target_semaphore(%run_scoped3A : memref<!tpu.dma_semaphore, #tpu.memory_space<semaphore_mem>>)
      %dma_wait3A = arith.constant 0 : i32
      %dma_wait3A_743 = tpu.memref_slice %arg20[%add3A_710, %dma_wait3A] : memref<10240x128xf32, #tpu.memory_space<vmem_shared>> -> memref<16x128xf32, #tpu.memory_space<vmem_shared>>
      %dma_wait3A_744 = arith.constant 0 : i32
      %dma_wait3A_745 = tpu.memref_slice %arg20[%add3A_710, %dma_wait3A_744] : memref<10240x128xf32, #tpu.memory_space<vmem_shared>> -> memref<16x128xf32, #tpu.memory_space<vmem_shared>>
      tpu.wait_dma2 semaphore(%run_scoped3A : memref<!tpu.dma_semaphore, #tpu.memory_space<semaphore_mem>>) src(%dma_wait3A_745 : memref<16x128xf32, #tpu.memory_space<vmem_shared>>) dst(%arg19 : memref<16x128xf32, #tpu.memory_space<vmem>>)
      tpu.yield
    }) : () -> ()
    %mul3A_711 = arith.constant 10240 : i32
    %mul3A_712 = arith.muli %arg0, %mul3A_711 : i32
    %mul3A_713 = arith.constant 640 : i32
    %mul3A_714 = arith.muli %arg1, %mul3A_713 : i32
    %add3A_715 = arith.addi %mul3A_712, %mul3A_714 : i32
    %add3A_716 = arith.constant 592 : i32
    %add3A_717 = arith.addi %add3A_715, %add3A_716 : i32
    "tpu.region"() ({
      %run_scoped3A = tpu.sem_alloc : memref<!tpu.dma_semaphore, #tpu.memory_space<semaphore_mem>>
      %dma_start3A = arith.constant 0 : i32
      %dma_start3A_740 = tpu.memref_slice %arg8[%add3A_717, %dma_start3A] : memref<20480x128xf32, #tpu.memory_space<hbm>> -> memref<16x128xf32, #tpu.memory_space<hbm>>
      %dma_start3A_741 = arith.constant 0 : i32
      %dma_start3A_742 = tpu.memref_slice %arg8[%add3A_717, %dma_start3A_741] : memref<20480x128xf32, #tpu.memory_space<hbm>> -> memref<16x128xf32, #tpu.memory_space<hbm>>
      tpu.enqueue_dma source(%arg19 : memref<16x128xf32, #tpu.memory_space<vmem>>) target(%dma_start3A_742 : memref<16x128xf32, #tpu.memory_space<hbm>>) target_semaphore(%run_scoped3A : memref<!tpu.dma_semaphore, #tpu.memory_space<semaphore_mem>>)
      %dma_wait3A = arith.constant 0 : i32
      %dma_wait3A_743 = tpu.memref_slice %arg8[%add3A_717, %dma_wait3A] : memref<20480x128xf32, #tpu.memory_space<hbm>> -> memref<16x128xf32, #tpu.memory_space<hbm>>
      %dma_wait3A_744 = arith.constant 0 : i32
      %dma_wait3A_745 = tpu.memref_slice %arg8[%add3A_717, %dma_wait3A_744] : memref<20480x128xf32, #tpu.memory_space<hbm>> -> memref<16x128xf32, #tpu.memory_space<hbm>>
      tpu.wait_dma2 semaphore(%run_scoped3A : memref<!tpu.dma_semaphore, #tpu.memory_space<semaphore_mem>>) src(%arg19 : memref<16x128xf32, #tpu.memory_space<vmem>>) dst(%dma_wait3A_745 : memref<16x128xf32, #tpu.memory_space<hbm>>)
      tpu.yield
    }) : () -> ()
    %mul3A_718 = arith.constant 640 : i32
    %mul3A_719 = arith.muli %arg1, %mul3A_718 : i32
    %add3A_720 = arith.constant 608 : i32
    %add3A_721 = arith.addi %mul3A_719, %add3A_720 : i32
    "tpu.region"() ({
      %run_scoped3A = tpu.sem_alloc : memref<!tpu.dma_semaphore, #tpu.memory_space<semaphore_mem>>
      %dma_start3A = arith.constant 0 : i32
      %dma_start3A_740 = tpu.memref_slice %arg20[%add3A_721, %dma_start3A] : memref<10240x128xf32, #tpu.memory_space<vmem_shared>> -> memref<16x128xf32, #tpu.memory_space<vmem_shared>>
      %dma_start3A_741 = arith.constant 0 : i32
      %dma_start3A_742 = tpu.memref_slice %arg20[%add3A_721, %dma_start3A_741] : memref<10240x128xf32, #tpu.memory_space<vmem_shared>> -> memref<16x128xf32, #tpu.memory_space<vmem_shared>>
      tpu.enqueue_dma source(%dma_start3A_742 : memref<16x128xf32, #tpu.memory_space<vmem_shared>>) target(%arg19 : memref<16x128xf32, #tpu.memory_space<vmem>>) target_semaphore(%run_scoped3A : memref<!tpu.dma_semaphore, #tpu.memory_space<semaphore_mem>>)
      %dma_wait3A = arith.constant 0 : i32
      %dma_wait3A_743 = tpu.memref_slice %arg20[%add3A_721, %dma_wait3A] : memref<10240x128xf32, #tpu.memory_space<vmem_shared>> -> memref<16x128xf32, #tpu.memory_space<vmem_shared>>
      %dma_wait3A_744 = arith.constant 0 : i32
      %dma_wait3A_745 = tpu.memref_slice %arg20[%add3A_721, %dma_wait3A_744] : memref<10240x128xf32, #tpu.memory_space<vmem_shared>> -> memref<16x128xf32, #tpu.memory_space<vmem_shared>>
      tpu.wait_dma2 semaphore(%run_scoped3A : memref<!tpu.dma_semaphore, #tpu.memory_space<semaphore_mem>>) src(%dma_wait3A_745 : memref<16x128xf32, #tpu.memory_space<vmem_shared>>) dst(%arg19 : memref<16x128xf32, #tpu.memory_space<vmem>>)
      tpu.yield
    }) : () -> ()
    %mul3A_722 = arith.constant 10240 : i32
    %mul3A_723 = arith.muli %arg0, %mul3A_722 : i32
    %mul3A_724 = arith.constant 640 : i32
    %mul3A_725 = arith.muli %arg1, %mul3A_724 : i32
    %add3A_726 = arith.addi %mul3A_723, %mul3A_725 : i32
    %add3A_727 = arith.constant 608 : i32
    %add3A_728 = arith.addi %add3A_726, %add3A_727 : i32
    "tpu.region"() ({
      %run_scoped3A = tpu.sem_alloc : memref<!tpu.dma_semaphore, #tpu.memory_space<semaphore_mem>>
      %dma_start3A = arith.constant 0 : i32
      %dma_start3A_740 = tpu.memref_slice %arg8[%add3A_728, %dma_start3A] : memref<20480x128xf32, #tpu.memory_space<hbm>> -> memref<16x128xf32, #tpu.memory_space<hbm>>
      %dma_start3A_741 = arith.constant 0 : i32
      %dma_start3A_742 = tpu.memref_slice %arg8[%add3A_728, %dma_start3A_741] : memref<20480x128xf32, #tpu.memory_space<hbm>> -> memref<16x128xf32, #tpu.memory_space<hbm>>
      tpu.enqueue_dma source(%arg19 : memref<16x128xf32, #tpu.memory_space<vmem>>) target(%dma_start3A_742 : memref<16x128xf32, #tpu.memory_space<hbm>>) target_semaphore(%run_scoped3A : memref<!tpu.dma_semaphore, #tpu.memory_space<semaphore_mem>>)
      %dma_wait3A = arith.constant 0 : i32
      %dma_wait3A_743 = tpu.memref_slice %arg8[%add3A_728, %dma_wait3A] : memref<20480x128xf32, #tpu.memory_space<hbm>> -> memref<16x128xf32, #tpu.memory_space<hbm>>
      %dma_wait3A_744 = arith.constant 0 : i32
      %dma_wait3A_745 = tpu.memref_slice %arg8[%add3A_728, %dma_wait3A_744] : memref<20480x128xf32, #tpu.memory_space<hbm>> -> memref<16x128xf32, #tpu.memory_space<hbm>>
      tpu.wait_dma2 semaphore(%run_scoped3A : memref<!tpu.dma_semaphore, #tpu.memory_space<semaphore_mem>>) src(%arg19 : memref<16x128xf32, #tpu.memory_space<vmem>>) dst(%dma_wait3A_745 : memref<16x128xf32, #tpu.memory_space<hbm>>)
      tpu.yield
    }) : () -> ()
    %mul3A_729 = arith.constant 640 : i32
    %mul3A_730 = arith.muli %arg1, %mul3A_729 : i32
    %add3A_731 = arith.constant 624 : i32
    %add3A_732 = arith.addi %mul3A_730, %add3A_731 : i32
    "tpu.region"() ({
      %run_scoped3A = tpu.sem_alloc : memref<!tpu.dma_semaphore, #tpu.memory_space<semaphore_mem>>
      %dma_start3A = arith.constant 0 : i32
      %dma_start3A_740 = tpu.memref_slice %arg20[%add3A_732, %dma_start3A] : memref<10240x128xf32, #tpu.memory_space<vmem_shared>> -> memref<16x128xf32, #tpu.memory_space<vmem_shared>>
      %dma_start3A_741 = arith.constant 0 : i32
      %dma_start3A_742 = tpu.memref_slice %arg20[%add3A_732, %dma_start3A_741] : memref<10240x128xf32, #tpu.memory_space<vmem_shared>> -> memref<16x128xf32, #tpu.memory_space<vmem_shared>>
      tpu.enqueue_dma source(%dma_start3A_742 : memref<16x128xf32, #tpu.memory_space<vmem_shared>>) target(%arg19 : memref<16x128xf32, #tpu.memory_space<vmem>>) target_semaphore(%run_scoped3A : memref<!tpu.dma_semaphore, #tpu.memory_space<semaphore_mem>>)
      %dma_wait3A = arith.constant 0 : i32
      %dma_wait3A_743 = tpu.memref_slice %arg20[%add3A_732, %dma_wait3A] : memref<10240x128xf32, #tpu.memory_space<vmem_shared>> -> memref<16x128xf32, #tpu.memory_space<vmem_shared>>
      %dma_wait3A_744 = arith.constant 0 : i32
      %dma_wait3A_745 = tpu.memref_slice %arg20[%add3A_732, %dma_wait3A_744] : memref<10240x128xf32, #tpu.memory_space<vmem_shared>> -> memref<16x128xf32, #tpu.memory_space<vmem_shared>>
      tpu.wait_dma2 semaphore(%run_scoped3A : memref<!tpu.dma_semaphore, #tpu.memory_space<semaphore_mem>>) src(%dma_wait3A_745 : memref<16x128xf32, #tpu.memory_space<vmem_shared>>) dst(%arg19 : memref<16x128xf32, #tpu.memory_space<vmem>>)
      tpu.yield
    }) : () -> ()
    %mul3A_733 = arith.constant 10240 : i32
    %mul3A_734 = arith.muli %arg0, %mul3A_733 : i32
    %mul3A_735 = arith.constant 640 : i32
    %mul3A_736 = arith.muli %arg1, %mul3A_735 : i32
    %add3A_737 = arith.addi %mul3A_734, %mul3A_736 : i32
    %add3A_738 = arith.constant 624 : i32
    %add3A_739 = arith.addi %add3A_737, %add3A_738 : i32
    "tpu.region"() ({
      %run_scoped3A = tpu.sem_alloc : memref<!tpu.dma_semaphore, #tpu.memory_space<semaphore_mem>>
      %dma_start3A = arith.constant 0 : i32
      %dma_start3A_740 = tpu.memref_slice %arg8[%add3A_739, %dma_start3A] : memref<20480x128xf32, #tpu.memory_space<hbm>> -> memref<16x128xf32, #tpu.memory_space<hbm>>
      %dma_start3A_741 = arith.constant 0 : i32
      %dma_start3A_742 = tpu.memref_slice %arg8[%add3A_739, %dma_start3A_741] : memref<20480x128xf32, #tpu.memory_space<hbm>> -> memref<16x128xf32, #tpu.memory_space<hbm>>
      tpu.enqueue_dma source(%arg19 : memref<16x128xf32, #tpu.memory_space<vmem>>) target(%dma_start3A_742 : memref<16x128xf32, #tpu.memory_space<hbm>>) target_semaphore(%run_scoped3A : memref<!tpu.dma_semaphore, #tpu.memory_space<semaphore_mem>>)
      %dma_wait3A = arith.constant 0 : i32
      %dma_wait3A_743 = tpu.memref_slice %arg8[%add3A_739, %dma_wait3A] : memref<20480x128xf32, #tpu.memory_space<hbm>> -> memref<16x128xf32, #tpu.memory_space<hbm>>
      %dma_wait3A_744 = arith.constant 0 : i32
      %dma_wait3A_745 = tpu.memref_slice %arg8[%add3A_739, %dma_wait3A_744] : memref<20480x128xf32, #tpu.memory_space<hbm>> -> memref<16x128xf32, #tpu.memory_space<hbm>>
      tpu.wait_dma2 semaphore(%run_scoped3A : memref<!tpu.dma_semaphore, #tpu.memory_space<semaphore_mem>>) src(%arg19 : memref<16x128xf32, #tpu.memory_space<vmem>>) dst(%dma_wait3A_745 : memref<16x128xf32, #tpu.memory_space<hbm>>)
      tpu.yield
    }) : () -> ()
    return
  }
}

module attributes {stable_mosaic.version = 14 : i64} {
  func.func @_node_mm_body(%arg0: i32, %arg1: memref<2000x256xf32, #tpu.memory_space<vmem>>, %arg2: memref<256x256xf32, #tpu.memory_space<vmem>>, %arg3: memref<1x256xf32, #tpu.memory_space<vmem>>, %arg4: memref<256x256xf32, #tpu.memory_space<vmem>>, %arg5: memref<1x256xf32, #tpu.memory_space<vmem>>, %arg6: memref<256x256xf32, #tpu.memory_space<vmem>>, %arg7: memref<1x256xf32, #tpu.memory_space<vmem>>, %arg8: memref<256x256xf32, #tpu.memory_space<vmem>>, %arg9: memref<1x256xf32, #tpu.memory_space<vmem>>, %arg10: memref<2000x256xf32, #tpu.memory_space<vmem>>, %arg11: memref<2x2000x128xf32, #tpu.memory_space<vmem>>, %arg12: memref<2x2000x256xf32, #tpu.memory_space<vmem>>) attributes {dimension_semantics = [#tpu.dimension_semantics<arbitrary>], iteration_bounds = array<i64: 5>, scalar_prefetch = 0 : i64, scratch_operands = 0 : i64, tpu.core_type = #tpu.core_type<tc>, window_params = [{transform_indices = @transform_0, window_bounds = array<i64: 2000, 256>}, {pipeline_mode = #tpu.pipeline_mode<synchronous>, transform_indices = @transform_1, window_bounds = array<i64: 256, 256>}, {pipeline_mode = #tpu.pipeline_mode<synchronous>, transform_indices = @transform_2, window_bounds = array<i64: 1, 256>}, {pipeline_mode = #tpu.pipeline_mode<synchronous>, transform_indices = @transform_3, window_bounds = array<i64: 256, 256>}, {pipeline_mode = #tpu.pipeline_mode<synchronous>, transform_indices = @transform_4, window_bounds = array<i64: 1, 256>}, {pipeline_mode = #tpu.pipeline_mode<synchronous>, transform_indices = @transform_5, window_bounds = array<i64: 256, 256>}, {pipeline_mode = #tpu.pipeline_mode<synchronous>, transform_indices = @transform_6, window_bounds = array<i64: 1, 256>}, {pipeline_mode = #tpu.pipeline_mode<synchronous>, transform_indices = @transform_7, window_bounds = array<i64: 256, 256>}, {pipeline_mode = #tpu.pipeline_mode<synchronous>, transform_indices = @transform_8, window_bounds = array<i64: 1, 256>}, {transform_indices = @transform_9, window_bounds = array<i64: 2000, 256>}, {transform_indices = @transform_10, window_bounds = array<i64: 2, 2000, 128>}, {transform_indices = @transform_11, window_bounds = array<i64: 2, 2000, 256>}]} {
    %get3A = arith.constant 0 : index
    %get3A_0 = arith.constant 0 : index
    %get3A_1 = vector.load %arg1[%get3A, %get3A_0] : memref<2000x256xf32, #tpu.memory_space<vmem>>, vector<2000x256xf32>
    %convert_element_type3A = arith.truncf %get3A_1 : vector<2000x256xf32> to vector<2000x256xbf16>
    %get3A_2 = arith.constant 0 : index
    %get3A_3 = arith.constant 0 : index
    %get3A_4 = vector.load %arg2[%get3A_2, %get3A_3] : memref<256x256xf32, #tpu.memory_space<vmem>>, vector<256x256xf32>
    %convert_element_type3A_5 = arith.truncf %get3A_4 : vector<256x256xf32> to vector<256x256xbf16>
    %dot_general3A = arith.constant dense<0.000000e+00> : vector<2000x256xf32>
    %dot_general3A_6 = tpu.matmul %convert_element_type3A, %convert_element_type3A_5, %dot_general3A {dimension_numbers = #tpu.dot_dimension_numbers<[1], [1], [0], [0], [0, 0, 1, 0], [], []>, transpose_lhs_hint = false} : vector<2000x256xbf16>, vector<256x256xbf16>, vector<2000x256xf32> -> vector<2000x256xf32>
    %get3A_7 = arith.constant 0 : index
    %get3A_8 = arith.constant 0 : index
    %get3A_9 = vector.load %arg3[%get3A_7, %get3A_8] : memref<1x256xf32, #tpu.memory_space<vmem>>, vector<1x256xf32>
    %add3A = vector.broadcast %get3A_9 : vector<1x256xf32> to vector<2000x256xf32>
    %add3A_10 = arith.addf %dot_general3A_6, %add3A : vector<2000x256xf32>
    %get3A_11 = arith.constant 0 : index
    %get3A_12 = arith.constant 0 : index
    %get3A_13 = vector.load %arg4[%get3A_11, %get3A_12] : memref<256x256xf32, #tpu.memory_space<vmem>>, vector<256x256xf32>
    %convert_element_type3A_14 = arith.truncf %get3A_13 : vector<256x256xf32> to vector<256x256xbf16>
    %dot_general3A_15 = arith.constant dense<0.000000e+00> : vector<2000x256xf32>
    %dot_general3A_16 = tpu.matmul %convert_element_type3A, %convert_element_type3A_14, %dot_general3A_15 {dimension_numbers = #tpu.dot_dimension_numbers<[1], [1], [0], [0], [0, 0, 1, 0], [], []>, transpose_lhs_hint = false} : vector<2000x256xbf16>, vector<256x256xbf16>, vector<2000x256xf32> -> vector<2000x256xf32>
    %get3A_17 = arith.constant 0 : index
    %get3A_18 = arith.constant 0 : index
    %get3A_19 = vector.load %arg5[%get3A_17, %get3A_18] : memref<1x256xf32, #tpu.memory_space<vmem>>, vector<1x256xf32>
    %add3A_20 = vector.broadcast %get3A_19 : vector<1x256xf32> to vector<2000x256xf32>
    %add3A_21 = arith.addf %dot_general3A_16, %add3A_20 : vector<2000x256xf32>
    %get3A_22 = arith.constant 0 : index
    %get3A_23 = arith.constant 0 : index
    %get3A_24 = vector.load %arg6[%get3A_22, %get3A_23] : memref<256x256xf32, #tpu.memory_space<vmem>>, vector<256x256xf32>
    %convert_element_type3A_25 = arith.truncf %get3A_24 : vector<256x256xf32> to vector<256x256xbf16>
    %dot_general3A_26 = arith.constant dense<0.000000e+00> : vector<2000x256xf32>
    %dot_general3A_27 = tpu.matmul %convert_element_type3A, %convert_element_type3A_25, %dot_general3A_26 {dimension_numbers = #tpu.dot_dimension_numbers<[1], [1], [0], [0], [0, 0, 1, 0], [], []>, transpose_lhs_hint = false} : vector<2000x256xbf16>, vector<256x256xbf16>, vector<2000x256xf32> -> vector<2000x256xf32>
    %get3A_28 = arith.constant 0 : index
    %get3A_29 = arith.constant 0 : index
    %get3A_30 = vector.load %arg7[%get3A_28, %get3A_29] : memref<1x256xf32, #tpu.memory_space<vmem>>, vector<1x256xf32>
    %add3A_31 = vector.broadcast %get3A_30 : vector<1x256xf32> to vector<2000x256xf32>
    %add3A_32 = arith.addf %dot_general3A_27, %add3A_31 : vector<2000x256xf32>
    %get3A_33 = arith.constant 0 : index
    %get3A_34 = arith.constant 0 : index
    %get3A_35 = vector.load %arg8[%get3A_33, %get3A_34] : memref<256x256xf32, #tpu.memory_space<vmem>>, vector<256x256xf32>
    %convert_element_type3A_36 = arith.truncf %get3A_35 : vector<256x256xf32> to vector<256x256xbf16>
    %dot_general3A_37 = arith.constant dense<0.000000e+00> : vector<2000x256xf32>
    %dot_general3A_38 = tpu.matmul %convert_element_type3A, %convert_element_type3A_36, %dot_general3A_37 {dimension_numbers = #tpu.dot_dimension_numbers<[1], [1], [0], [0], [0, 0, 1, 0], [], []>, transpose_lhs_hint = false} : vector<2000x256xbf16>, vector<256x256xbf16>, vector<2000x256xf32> -> vector<2000x256xf32>
    %get3A_39 = arith.constant 0 : index
    %get3A_40 = arith.constant 0 : index
    %get3A_41 = vector.load %arg9[%get3A_39, %get3A_40] : memref<1x256xf32, #tpu.memory_space<vmem>>, vector<1x256xf32>
    %add3A_42 = vector.broadcast %get3A_41 : vector<1x256xf32> to vector<2000x256xf32>
    %add3A_43 = arith.addf %dot_general3A_38, %add3A_42 : vector<2000x256xf32>
    %swap3A = arith.constant 0 : index
    %swap3A_44 = arith.constant 0 : index
    %swap3A_45 = vector.load %arg10[%swap3A, %swap3A_44] : memref<2000x256xf32, #tpu.memory_space<vmem>>, vector<2000x256xf32>
    tpu.vector_store %arg10[%swap3A, %swap3A_44], %add3A_10 {strides = array<i32>} : memref<2000x256xf32, #tpu.memory_space<vmem>>, vector<2000x256xf32>,
    %slice3A = vector.extract_strided_slice %add3A_21 {offsets = [0, 0], sizes = [2000, 128], strides = [1, 1]} : vector<2000x256xf32> to vector<2000x128xf32>
    %swap3A_46 = arith.constant 0 : index
    %swap3A_47 = arith.constant 0 : index
    %swap3A_48 = arith.constant 0 : index
    %swap3A_49 = vector.load %arg11[%swap3A_46, %swap3A_47, %swap3A_48] : memref<2x2000x128xf32, #tpu.memory_space<vmem>>, vector<1x2000x128xf32>
    %swap3A_50 = vector.shape_cast %swap3A_49 : vector<1x2000x128xf32> to vector<2000x128xf32>
    %swap3A_51 = vector.shape_cast %slice3A : vector<2000x128xf32> to vector<1x2000x128xf32>
    tpu.vector_store %arg11[%swap3A_46, %swap3A_47, %swap3A_48], %swap3A_51 {strides = array<i32>} : memref<2x2000x128xf32, #tpu.memory_space<vmem>>, vector<1x2000x128xf32>,
    %slice3A_52 = vector.extract_strided_slice %add3A_21 {offsets = [0, 128], sizes = [2000, 128], strides = [1, 1]} : vector<2000x256xf32> to vector<2000x128xf32>
    %swap3A_53 = arith.constant 1 : index
    %swap3A_54 = arith.constant 0 : index
    %swap3A_55 = arith.constant 0 : index
    %swap3A_56 = vector.load %arg11[%swap3A_53, %swap3A_54, %swap3A_55] : memref<2x2000x128xf32, #tpu.memory_space<vmem>>, vector<1x2000x128xf32>
    %swap3A_57 = vector.shape_cast %swap3A_56 : vector<1x2000x128xf32> to vector<2000x128xf32>
    %swap3A_58 = vector.shape_cast %slice3A_52 : vector<2000x128xf32> to vector<1x2000x128xf32>
    tpu.vector_store %arg11[%swap3A_53, %swap3A_54, %swap3A_55], %swap3A_58 {strides = array<i32>} : memref<2x2000x128xf32, #tpu.memory_space<vmem>>, vector<1x2000x128xf32>,
    %slice3A_59 = vector.extract_strided_slice %add3A_32 {offsets = [0, 0], sizes = [2000, 128], strides = [1, 1]} : vector<2000x256xf32> to vector<2000x128xf32>
    %swap3A_60 = arith.constant 0 : index
    %swap3A_61 = arith.constant 0 : index
    %swap3A_62 = arith.constant 0 : index
    %swap3A_63 = vector.load %arg12[%swap3A_60, %swap3A_61, %swap3A_62] : memref<2x2000x256xf32, #tpu.memory_space<vmem>>, vector<1x2000x128xf32>
    %swap3A_64 = vector.shape_cast %swap3A_63 : vector<1x2000x128xf32> to vector<2000x128xf32>
    %swap3A_65 = vector.shape_cast %slice3A_59 : vector<2000x128xf32> to vector<1x2000x128xf32>
    tpu.vector_store %arg12[%swap3A_60, %swap3A_61, %swap3A_62], %swap3A_65 {strides = array<i32>} : memref<2x2000x256xf32, #tpu.memory_space<vmem>>, vector<1x2000x128xf32>,
    %slice3A_66 = vector.extract_strided_slice %add3A_43 {offsets = [0, 0], sizes = [2000, 128], strides = [1, 1]} : vector<2000x256xf32> to vector<2000x128xf32>
    %swap3A_67 = arith.constant 0 : index
    %swap3A_68 = arith.constant 0 : index
    %swap3A_69 = arith.constant 128 : index
    %swap3A_70 = vector.load %arg12[%swap3A_67, %swap3A_68, %swap3A_69] : memref<2x2000x256xf32, #tpu.memory_space<vmem>>, vector<1x2000x128xf32>
    %swap3A_71 = vector.shape_cast %swap3A_70 : vector<1x2000x128xf32> to vector<2000x128xf32>
    %swap3A_72 = vector.shape_cast %slice3A_66 : vector<2000x128xf32> to vector<1x2000x128xf32>
    tpu.vector_store %arg12[%swap3A_67, %swap3A_68, %swap3A_69], %swap3A_72 {strides = array<i32>} : memref<2x2000x256xf32, #tpu.memory_space<vmem>>, vector<1x2000x128xf32>,
    %slice3A_73 = vector.extract_strided_slice %add3A_32 {offsets = [0, 128], sizes = [2000, 128], strides = [1, 1]} : vector<2000x256xf32> to vector<2000x128xf32>
    %swap3A_74 = arith.constant 1 : index
    %swap3A_75 = arith.constant 0 : index
    %swap3A_76 = arith.constant 0 : index
    %swap3A_77 = vector.load %arg12[%swap3A_74, %swap3A_75, %swap3A_76] : memref<2x2000x256xf32, #tpu.memory_space<vmem>>, vector<1x2000x128xf32>
    %swap3A_78 = vector.shape_cast %swap3A_77 : vector<1x2000x128xf32> to vector<2000x128xf32>
    %swap3A_79 = vector.shape_cast %slice3A_73 : vector<2000x128xf32> to vector<1x2000x128xf32>
    tpu.vector_store %arg12[%swap3A_74, %swap3A_75, %swap3A_76], %swap3A_79 {strides = array<i32>} : memref<2x2000x256xf32, #tpu.memory_space<vmem>>, vector<1x2000x128xf32>,
    %slice3A_80 = vector.extract_strided_slice %add3A_43 {offsets = [0, 128], sizes = [2000, 128], strides = [1, 1]} : vector<2000x256xf32> to vector<2000x128xf32>
    %swap3A_81 = arith.constant 1 : index
    %swap3A_82 = arith.constant 0 : index
    %swap3A_83 = arith.constant 128 : index
    %swap3A_84 = vector.load %arg12[%swap3A_81, %swap3A_82, %swap3A_83] : memref<2x2000x256xf32, #tpu.memory_space<vmem>>, vector<1x2000x128xf32>
    %swap3A_85 = vector.shape_cast %swap3A_84 : vector<1x2000x128xf32> to vector<2000x128xf32>
    %swap3A_86 = vector.shape_cast %slice3A_80 : vector<2000x128xf32> to vector<1x2000x128xf32>
    tpu.vector_store %arg12[%swap3A_81, %swap3A_82, %swap3A_83], %swap3A_86 {strides = array<i32>} : memref<2x2000x256xf32, #tpu.memory_space<vmem>>, vector<1x2000x128xf32>,
    return
  }
  func.func @transform_0(%arg0: i32) -> (i32, i32) {
    %c0_i32 = arith.constant 0 : i32
    %c0_i32_0 = arith.constant 0 : i32
    return %arg0, %c0_i32 : i32, i32
  }
  func.func @transform_1(%arg0: i32) -> (i32, i32) {
    %c0_i32 = arith.constant 0 : i32
    %c0_i32_0 = arith.constant 0 : i32
    %c0_i32_1 = arith.constant 0 : i32
    return %c0_i32, %c0_i32_0 : i32, i32
  }
  func.func @transform_2(%arg0: i32) -> (i32, i32) {
    %c0_i32 = arith.constant 0 : i32
    %c0_i32_0 = arith.constant 0 : i32
    %c0_i32_1 = arith.constant 0 : i32
    return %c0_i32, %c0_i32_0 : i32, i32
  }
  func.func @transform_3(%arg0: i32) -> (i32, i32) {
    %c0_i32 = arith.constant 0 : i32
    %c0_i32_0 = arith.constant 0 : i32
    %c0_i32_1 = arith.constant 0 : i32
    return %c0_i32, %c0_i32_0 : i32, i32
  }
  func.func @transform_4(%arg0: i32) -> (i32, i32) {
    %c0_i32 = arith.constant 0 : i32
    %c0_i32_0 = arith.constant 0 : i32
    %c0_i32_1 = arith.constant 0 : i32
    return %c0_i32, %c0_i32_0 : i32, i32
  }
  func.func @transform_5(%arg0: i32) -> (i32, i32) {
    %c0_i32 = arith.constant 0 : i32
    %c0_i32_0 = arith.constant 0 : i32
    %c0_i32_1 = arith.constant 0 : i32
    return %c0_i32, %c0_i32_0 : i32, i32
  }
  func.func @transform_6(%arg0: i32) -> (i32, i32) {
    %c0_i32 = arith.constant 0 : i32
    %c0_i32_0 = arith.constant 0 : i32
    %c0_i32_1 = arith.constant 0 : i32
    return %c0_i32, %c0_i32_0 : i32, i32
  }
  func.func @transform_7(%arg0: i32) -> (i32, i32) {
    %c0_i32 = arith.constant 0 : i32
    %c0_i32_0 = arith.constant 0 : i32
    %c0_i32_1 = arith.constant 0 : i32
    return %c0_i32, %c0_i32_0 : i32, i32
  }
  func.func @transform_8(%arg0: i32) -> (i32, i32) {
    %c0_i32 = arith.constant 0 : i32
    %c0_i32_0 = arith.constant 0 : i32
    %c0_i32_1 = arith.constant 0 : i32
    return %c0_i32, %c0_i32_0 : i32, i32
  }
  func.func @transform_9(%arg0: i32) -> (i32, i32) {
    %c0_i32 = arith.constant 0 : i32
    %c0_i32_0 = arith.constant 0 : i32
    return %arg0, %c0_i32 : i32, i32
  }
  func.func @transform_10(%arg0: i32) -> (i32, i32, i32) {
    %c0_i32 = arith.constant 0 : i32
    %c0_i32_0 = arith.constant 0 : i32
    %c0_i32_1 = arith.constant 0 : i32
    return %c0_i32, %arg0, %c0_i32_0 : i32, i32, i32
  }
  func.func @transform_11(%arg0: i32) -> (i32, i32, i32) {
    %c0_i32 = arith.constant 0 : i32
    %c0_i32_0 = arith.constant 0 : i32
    %c0_i32_1 = arith.constant 0 : i32
    return %c0_i32, %arg0, %c0_i32_0 : i32, i32, i32
  }
}

module attributes {stable_mosaic.version = 14 : i64} {
  func.func @_xside_body(%arg0: memref<10000x256xf32, #tpu.memory_space<vmem>>, %arg1: memref<2x10240x128xf32, #tpu.memory_space<vmem>>, %arg2: memref<1x256xf32, #tpu.memory_space<vmem>>, %arg3: memref<1x256xf32, #tpu.memory_space<vmem>>, %arg4: memref<10000x256xf32, #tpu.memory_space<vmem>>) attributes {dimension_semantics = [], scalar_prefetch = 0 : i64, scratch_operands = 0 : i64, tpu.core_type = #tpu.core_type<tc>} {
    %get3A = arith.constant 0 : index
    %get3A_0 = arith.constant 0 : index
    %get3A_1 = vector.load %arg0[%get3A, %get3A_0] : memref<10000x256xf32, #tpu.memory_space<vmem>>, vector<10000x128xf32>
    %get3A_2 = arith.constant 0 : index
    %get3A_3 = arith.constant 0 : index
    %get3A_4 = arith.constant 0 : index
    %get3A_5 = vector.load %arg1[%get3A_2, %get3A_3, %get3A_4] : memref<2x10240x128xf32, #tpu.memory_space<vmem>>, vector<1x10000x128xf32>
    %get3A_6 = vector.shape_cast %get3A_5 : vector<1x10000x128xf32> to vector<10000x128xf32>
    %add3A = arith.addf %get3A_1, %get3A_6 : vector<10000x128xf32>
    %get3A_7 = arith.constant 0 : index
    %get3A_8 = arith.constant 128 : index
    %get3A_9 = vector.load %arg0[%get3A_7, %get3A_8] : memref<10000x256xf32, #tpu.memory_space<vmem>>, vector<10000x128xf32>
    %get3A_10 = arith.constant 1 : index
    %get3A_11 = arith.constant 0 : index
    %get3A_12 = arith.constant 0 : index
    %get3A_13 = vector.load %arg1[%get3A_10, %get3A_11, %get3A_12] : memref<2x10240x128xf32, #tpu.memory_space<vmem>>, vector<1x10000x128xf32>
    %get3A_14 = vector.shape_cast %get3A_13 : vector<1x10000x128xf32> to vector<10000x128xf32>
    %add3A_15 = arith.addf %get3A_9, %get3A_14 : vector<10000x128xf32>
    %concatenate3A = tpu.concatenate %add3A, %add3A_15 in 1 : vector<10000x128xf32>, vector<10000x128xf32> -> vector<10000x256xf32>
    %reduce_sum3A = arith.constant dense<0.000000e+00> : vector<256xf32>
    %reduce_sum3A_16 = vector.multi_reduction <add>, %concatenate3A, %reduce_sum3A [0] : vector<10000x256xf32> to vector<256xf32>
    %broadcast_in_dim3A = vector.shape_cast %reduce_sum3A_16 : vector<256xf32> to vector<1x256xf32>
    %div3A = arith.constant 1.000000e+04 : f32
    %div3A_17 = vector.broadcast %div3A : f32 to vector<1x256xf32>
    %div3A_18 = arith.divf %broadcast_in_dim3A, %div3A_17 : vector<1x256xf32>
    %sub3A = vector.broadcast %div3A_18 : vector<1x256xf32> to vector<10000x256xf32>
    %sub3A_19 = arith.subf %concatenate3A, %sub3A : vector<10000x256xf32>
    %integer_pow3A = arith.mulf %sub3A_19, %sub3A_19 : vector<10000x256xf32>
    %reduce_sum3A_20 = arith.constant dense<0.000000e+00> : vector<256xf32>
    %reduce_sum3A_21 = vector.multi_reduction <add>, %integer_pow3A, %reduce_sum3A_20 [0] : vector<10000x256xf32> to vector<256xf32>
    %broadcast_in_dim3A_22 = vector.shape_cast %reduce_sum3A_21 : vector<256xf32> to vector<1x256xf32>
    %div3A_23 = arith.constant 1.000000e+04 : f32
    %div3A_24 = vector.broadcast %div3A_23 : f32 to vector<1x256xf32>
    %div3A_25 = arith.divf %broadcast_in_dim3A_22, %div3A_24 : vector<1x256xf32>
    %sub3A_26 = vector.broadcast %div3A_18 : vector<1x256xf32> to vector<10000x256xf32>
    %sub3A_27 = arith.subf %concatenate3A, %sub3A_26 : vector<10000x256xf32>
    %add3A_28 = arith.constant 9.99999974E-6 : f32
    %add3A_29 = vector.broadcast %add3A_28 : f32 to vector<1x256xf32>
    %add3A_30 = arith.addf %div3A_25, %add3A_29 : vector<1x256xf32>
    %rsqrt3A = math.rsqrt %add3A_30 : vector<1x256xf32>
    %mul3A = vector.broadcast %rsqrt3A : vector<1x256xf32> to vector<10000x256xf32>
    %mul3A_31 = arith.mulf %sub3A_27, %mul3A : vector<10000x256xf32>
    %get3A_32 = arith.constant 0 : index
    %get3A_33 = arith.constant 0 : index
    %get3A_34 = vector.load %arg2[%get3A_32, %get3A_33] : memref<1x256xf32, #tpu.memory_space<vmem>>, vector<1x256xf32>
    %mul3A_35 = vector.broadcast %get3A_34 : vector<1x256xf32> to vector<10000x256xf32>
    %mul3A_36 = arith.mulf %mul3A_31, %mul3A_35 : vector<10000x256xf32>
    %get3A_37 = arith.constant 0 : index
    %get3A_38 = arith.constant 0 : index
    %get3A_39 = vector.load %arg3[%get3A_37, %get3A_38] : memref<1x256xf32, #tpu.memory_space<vmem>>, vector<1x256xf32>
    %add3A_40 = vector.broadcast %get3A_39 : vector<1x256xf32> to vector<10000x256xf32>
    %add3A_41 = arith.addf %mul3A_36, %add3A_40 : vector<10000x256xf32>
    %max3A = arith.constant 0.000000e+00 : f32
    %max3A_42 = vector.broadcast %max3A : f32 to vector<10000x256xf32>
    %max3A_43 = arith.maximumf %add3A_41, %max3A_42 : vector<10000x256xf32>
    %swap3A = arith.constant 0 : index
    %swap3A_44 = arith.constant 0 : index
    %swap3A_45 = vector.load %arg4[%swap3A, %swap3A_44] : memref<10000x256xf32, #tpu.memory_space<vmem>>, vector<10000x256xf32>
    tpu.vector_store %arg4[%swap3A, %swap3A_44], %max3A_43 {strides = array<i32>} : memref<10000x256xf32, #tpu.memory_space<vmem>>, vector<10000x256xf32>,
    return
  }
}

module attributes {stable_mosaic.version = 14 : i64} {
  func.func @_edge_mm_body(%arg0: i32, %arg1: memref<2000x256xf32, #tpu.memory_space<vmem>>, %arg2: memref<256x256xf32, #tpu.memory_space<vmem>>, %arg3: memref<1x256xf32, #tpu.memory_space<vmem>>, %arg4: memref<2x2000x128xf32, #tpu.memory_space<vmem>>) attributes {dimension_semantics = [#tpu.dimension_semantics<arbitrary>], iteration_bounds = array<i64: 80>, scalar_prefetch = 0 : i64, scratch_operands = 0 : i64, tpu.core_type = #tpu.core_type<tc>, window_params = [{transform_indices = @transform_0, window_bounds = array<i64: 2000, 256>}, {pipeline_mode = #tpu.pipeline_mode<synchronous>, transform_indices = @transform_1, window_bounds = array<i64: 256, 256>}, {pipeline_mode = #tpu.pipeline_mode<synchronous>, transform_indices = @transform_2, window_bounds = array<i64: 1, 256>}, {transform_indices = @transform_3, window_bounds = array<i64: 2, 2000, 128>}]} {
    %get3A = arith.constant 0 : index
    %get3A_0 = arith.constant 0 : index
    %get3A_1 = vector.load %arg1[%get3A, %get3A_0] : memref<2000x256xf32, #tpu.memory_space<vmem>>, vector<2000x256xf32>
    %convert_element_type3A = arith.truncf %get3A_1 : vector<2000x256xf32> to vector<2000x256xbf16>
    %get3A_2 = arith.constant 0 : index
    %get3A_3 = arith.constant 0 : index
    %get3A_4 = vector.load %arg2[%get3A_2, %get3A_3] : memref<256x256xf32, #tpu.memory_space<vmem>>, vector<256x256xf32>
    %convert_element_type3A_5 = arith.truncf %get3A_4 : vector<256x256xf32> to vector<256x256xbf16>
    %dot_general3A = arith.constant dense<0.000000e+00> : vector<2000x256xf32>
    %dot_general3A_6 = tpu.matmul %convert_element_type3A, %convert_element_type3A_5, %dot_general3A {dimension_numbers = #tpu.dot_dimension_numbers<[1], [1], [0], [0], [0, 0, 1, 0], [], []>, transpose_lhs_hint = false} : vector<2000x256xbf16>, vector<256x256xbf16>, vector<2000x256xf32> -> vector<2000x256xf32>
    %get3A_7 = arith.constant 0 : index
    %get3A_8 = arith.constant 0 : index
    %get3A_9 = vector.load %arg3[%get3A_7, %get3A_8] : memref<1x256xf32, #tpu.memory_space<vmem>>, vector<1x256xf32>
    %add3A = vector.broadcast %get3A_9 : vector<1x256xf32> to vector<2000x256xf32>
    %add3A_10 = arith.addf %dot_general3A_6, %add3A : vector<2000x256xf32>
    %slice3A = vector.extract_strided_slice %add3A_10 {offsets = [0, 0], sizes = [2000, 128], strides = [1, 1]} : vector<2000x256xf32> to vector<2000x128xf32>
    %swap3A = arith.constant 0 : index
    %swap3A_11 = arith.constant 0 : index
    %swap3A_12 = arith.constant 0 : index
    %swap3A_13 = vector.load %arg4[%swap3A, %swap3A_11, %swap3A_12] : memref<2x2000x128xf32, #tpu.memory_space<vmem>>, vector<1x2000x128xf32>
    %swap3A_14 = vector.shape_cast %swap3A_13 : vector<1x2000x128xf32> to vector<2000x128xf32>
    %swap3A_15 = vector.shape_cast %slice3A : vector<2000x128xf32> to vector<1x2000x128xf32>
    tpu.vector_store %arg4[%swap3A, %swap3A_11, %swap3A_12], %swap3A_15 {strides = array<i32>} : memref<2x2000x128xf32, #tpu.memory_space<vmem>>, vector<1x2000x128xf32>,
    %slice3A_16 = vector.extract_strided_slice %add3A_10 {offsets = [0, 128], sizes = [2000, 128], strides = [1, 1]} : vector<2000x256xf32> to vector<2000x128xf32>
    %swap3A_17 = arith.constant 1 : index
    %swap3A_18 = arith.constant 0 : index
    %swap3A_19 = arith.constant 0 : index
    %swap3A_20 = vector.load %arg4[%swap3A_17, %swap3A_18, %swap3A_19] : memref<2x2000x128xf32, #tpu.memory_space<vmem>>, vector<1x2000x128xf32>
    %swap3A_21 = vector.shape_cast %swap3A_20 : vector<1x2000x128xf32> to vector<2000x128xf32>
    %swap3A_22 = vector.shape_cast %slice3A_16 : vector<2000x128xf32> to vector<1x2000x128xf32>
    tpu.vector_store %arg4[%swap3A_17, %swap3A_18, %swap3A_19], %swap3A_22 {strides = array<i32>} : memref<2x2000x128xf32, #tpu.memory_space<vmem>>, vector<1x2000x128xf32>,
    return
  }
  func.func @transform_0(%arg0: i32) -> (i32, i32) {
    %c0_i32 = arith.constant 0 : i32
    %c0_i32_0 = arith.constant 0 : i32
    return %arg0, %c0_i32 : i32, i32
  }
  func.func @transform_1(%arg0: i32) -> (i32, i32) {
    %c0_i32 = arith.constant 0 : i32
    %c0_i32_0 = arith.constant 0 : i32
    %c0_i32_1 = arith.constant 0 : i32
    return %c0_i32, %c0_i32_0 : i32, i32
  }
  func.func @transform_2(%arg0: i32) -> (i32, i32) {
    %c0_i32 = arith.constant 0 : i32
    %c0_i32_0 = arith.constant 0 : i32
    %c0_i32_1 = arith.constant 0 : i32
    return %c0_i32, %c0_i32_0 : i32, i32
  }
  func.func @transform_3(%arg0: i32) -> (i32, i32, i32) {
    %c0_i32 = arith.constant 0 : i32
    %c0_i32_0 = arith.constant 0 : i32
    %c0_i32_1 = arith.constant 0 : i32
    return %c0_i32, %arg0, %c0_i32_0 : i32, i32, i32
  }
}

module attributes {stable_mosaic.version = 14 : i64} {
  func.func @_eside_body(%arg0: i32, %arg1: memref<2x16x2x128xf32, #tpu.memory_space<vmem>>, %arg2: memref<2x128xf32, #tpu.memory_space<vmem>>, %arg3: memref<2x128xf32, #tpu.memory_space<vmem>>, %arg4: memref<2x2000x128xf32, #tpu.memory_space<vmem>>, %arg5: memref<2000x256xf32, #tpu.memory_space<vmem>>) attributes {dimension_semantics = [#tpu.dimension_semantics<arbitrary>], iteration_bounds = array<i64: 80>, scalar_prefetch = 0 : i64, scratch_operands = 0 : i64, tpu.core_type = #tpu.core_type<tc>, window_params = [{pipeline_mode = #tpu.pipeline_mode<synchronous>, transform_indices = @transform_0, window_bounds = array<i64: 2, 16, 2, 128>}, {pipeline_mode = #tpu.pipeline_mode<synchronous>, transform_indices = @transform_1, window_bounds = array<i64: 2, 128>}, {pipeline_mode = #tpu.pipeline_mode<synchronous>, transform_indices = @transform_2, window_bounds = array<i64: 2, 128>}, {transform_indices = @transform_3, window_bounds = array<i64: 2, 2000, 128>}, {transform_indices = @transform_4, window_bounds = array<i64: 2000, 256>}]} {
    %get3A = arith.constant 0 : index
    %get3A_0 = arith.constant 0 : index
    %get3A_1 = arith.constant 0 : index
    %get3A_2 = arith.constant 0 : index
    %get3A_3 = vector.load %arg1[%get3A, %get3A_0, %get3A_1, %get3A_2] : memref<2x16x2x128xf32, #tpu.memory_space<vmem>>, vector<2x16x2x128xf32>
    %slice3A = vector.extract_strided_slice %get3A_3 {offsets = [0, 0, 0, 0], sizes = [2, 16, 1, 128], strides = [1, 1, 1, 1]} : vector<2x16x2x128xf32> to vector<2x16x1x128xf32>
    %squeeze3A = vector.shape_cast %slice3A : vector<2x16x1x128xf32> to vector<2x16x128xf32>
    %reduce_sum3A = arith.constant dense<0.000000e+00> : vector<2x128xf32>
    %reduce_sum3A_4 = vector.multi_reduction <add>, %squeeze3A, %reduce_sum3A [1] : vector<2x16x128xf32> to vector<2x128xf32>
    %slice3A_5 = vector.extract_strided_slice %get3A_3 {offsets = [0, 0, 1, 0], sizes = [2, 16, 1, 128], strides = [1, 1, 1, 1]} : vector<2x16x2x128xf32> to vector<2x16x1x128xf32>
    %squeeze3A_6 = vector.shape_cast %slice3A_5 : vector<2x16x1x128xf32> to vector<2x16x128xf32>
    %reduce_sum3A_7 = arith.constant dense<0.000000e+00> : vector<2x128xf32>
    %reduce_sum3A_8 = vector.multi_reduction <add>, %squeeze3A_6, %reduce_sum3A_7 [1] : vector<2x16x128xf32> to vector<2x128xf32>
    %div3A = arith.constant 1.600000e+05 : f32
    %div3A_9 = vector.broadcast %div3A : f32 to vector<2x128xf32>
    %div3A_10 = arith.divf %reduce_sum3A_4, %div3A_9 : vector<2x128xf32>
    %div3A_11 = arith.constant 1.600000e+05 : f32
    %div3A_12 = vector.broadcast %div3A_11 : f32 to vector<2x128xf32>
    %div3A_13 = arith.divf %reduce_sum3A_8, %div3A_12 : vector<2x128xf32>
    %mul3A = arith.mulf %div3A_10, %div3A_10 : vector<2x128xf32>
    %sub3A = arith.subf %div3A_13, %mul3A : vector<2x128xf32>
    %get3A_14 = arith.constant 0 : index
    %get3A_15 = arith.constant 0 : index
    %get3A_16 = vector.load %arg2[%get3A_14, %get3A_15] : memref<2x128xf32, #tpu.memory_space<vmem>>, vector<2x128xf32>
    %add3A = arith.constant 9.99999974E-6 : f32
    %add3A_17 = vector.broadcast %add3A : f32 to vector<2x128xf32>
    %add3A_18 = arith.addf %sub3A, %add3A_17 : vector<2x128xf32>
    %rsqrt3A = math.rsqrt %add3A_18 : vector<2x128xf32>
    %mul3A_19 = arith.mulf %get3A_16, %rsqrt3A : vector<2x128xf32>
    %get3A_20 = arith.constant 0 : index
    %get3A_21 = arith.constant 0 : index
    %get3A_22 = vector.load %arg3[%get3A_20, %get3A_21] : memref<2x128xf32, #tpu.memory_space<vmem>>, vector<2x128xf32>
    %mul3A_23 = arith.mulf %div3A_10, %mul3A_19 : vector<2x128xf32>
    %sub3A_24 = arith.subf %get3A_22, %mul3A_23 : vector<2x128xf32>
    %get3A_25 = arith.constant 0 : index
    %get3A_26 = arith.constant 0 : index
    %get3A_27 = arith.constant 0 : index
    %get3A_28 = vector.load %arg4[%get3A_25, %get3A_26, %get3A_27] : memref<2x2000x128xf32, #tpu.memory_space<vmem>>, vector<1x2000x128xf32>
    %get3A_29 = vector.shape_cast %get3A_28 : vector<1x2000x128xf32> to vector<2000x128xf32>
    %slice3A_30 = vector.extract_strided_slice %mul3A_19 {offsets = [0, 0], sizes = [1, 128], strides = [1, 1]} : vector<2x128xf32> to vector<1x128xf32>
    %squeeze3A_31 = vector.shape_cast %slice3A_30 : vector<1x128xf32> to vector<128xf32>
    %broadcast_in_dim3A = vector.shape_cast %squeeze3A_31 : vector<128xf32> to vector<1x128xf32>
    %mul3A_32 = vector.broadcast %broadcast_in_dim3A : vector<1x128xf32> to vector<2000x128xf32>
    %mul3A_33 = arith.mulf %get3A_29, %mul3A_32 : vector<2000x128xf32>
    %slice3A_34 = vector.extract_strided_slice %sub3A_24 {offsets = [0, 0], sizes = [1, 128], strides = [1, 1]} : vector<2x128xf32> to vector<1x128xf32>
    %squeeze3A_35 = vector.shape_cast %slice3A_34 : vector<1x128xf32> to vector<128xf32>
    %broadcast_in_dim3A_36 = vector.shape_cast %squeeze3A_35 : vector<128xf32> to vector<1x128xf32>
    %add3A_37 = vector.broadcast %broadcast_in_dim3A_36 : vector<1x128xf32> to vector<2000x128xf32>
    %add3A_38 = arith.addf %mul3A_33, %add3A_37 : vector<2000x128xf32>
    %get3A_39 = arith.constant 1 : index
    %get3A_40 = arith.constant 0 : index
    %get3A_41 = arith.constant 0 : index
    %get3A_42 = vector.load %arg4[%get3A_39, %get3A_40, %get3A_41] : memref<2x2000x128xf32, #tpu.memory_space<vmem>>, vector<1x2000x128xf32>
    %get3A_43 = vector.shape_cast %get3A_42 : vector<1x2000x128xf32> to vector<2000x128xf32>
    %slice3A_44 = vector.extract_strided_slice %mul3A_19 {offsets = [1, 0], sizes = [1, 128], strides = [1, 1]} : vector<2x128xf32> to vector<1x128xf32>
    %squeeze3A_45 = vector.shape_cast %slice3A_44 : vector<1x128xf32> to vector<128xf32>
    %broadcast_in_dim3A_46 = vector.shape_cast %squeeze3A_45 : vector<128xf32> to vector<1x128xf32>
    %mul3A_47 = vector.broadcast %broadcast_in_dim3A_46 : vector<1x128xf32> to vector<2000x128xf32>
    %mul3A_48 = arith.mulf %get3A_43, %mul3A_47 : vector<2000x128xf32>
    %slice3A_49 = vector.extract_strided_slice %sub3A_24 {offsets = [1, 0], sizes = [1, 128], strides = [1, 1]} : vector<2x128xf32> to vector<1x128xf32>
    %squeeze3A_50 = vector.shape_cast %slice3A_49 : vector<1x128xf32> to vector<128xf32>
    %broadcast_in_dim3A_51 = vector.shape_cast %squeeze3A_50 : vector<128xf32> to vector<1x128xf32>
    %add3A_52 = vector.broadcast %broadcast_in_dim3A_51 : vector<1x128xf32> to vector<2000x128xf32>
    %add3A_53 = arith.addf %mul3A_48, %add3A_52 : vector<2000x128xf32>
    %max3A = arith.constant 0.000000e+00 : f32
    %max3A_54 = vector.broadcast %max3A : f32 to vector<2000x128xf32>
    %max3A_55 = arith.maximumf %add3A_38, %max3A_54 : vector<2000x128xf32>
    %swap3A = arith.constant 0 : index
    %swap3A_56 = arith.constant 0 : index
    %swap3A_57 = vector.load %arg5[%swap3A, %swap3A_56] : memref<2000x256xf32, #tpu.memory_space<vmem>>, vector<2000x128xf32>
    tpu.vector_store %arg5[%swap3A, %swap3A_56], %max3A_55 {strides = array<i32>} : memref<2000x256xf32, #tpu.memory_space<vmem>>, vector<2000x128xf32>,
    %max3A_58 = arith.constant 0.000000e+00 : f32
    %max3A_59 = vector.broadcast %max3A_58 : f32 to vector<2000x128xf32>
    %max3A_60 = arith.maximumf %add3A_53, %max3A_59 : vector<2000x128xf32>
    %swap3A_61 = arith.constant 0 : index
    %swap3A_62 = arith.constant 128 : index
    %swap3A_63 = vector.load %arg5[%swap3A_61, %swap3A_62] : memref<2000x256xf32, #tpu.memory_space<vmem>>, vector<2000x128xf32>
    tpu.vector_store %arg5[%swap3A_61, %swap3A_62], %max3A_60 {strides = array<i32>} : memref<2000x256xf32, #tpu.memory_space<vmem>>, vector<2000x128xf32>,
    return
  }
  func.func @transform_0(%arg0: i32) -> (i32, i32, i32, i32) {
    %c0_i32 = arith.constant 0 : i32
    %c0_i32_0 = arith.constant 0 : i32
    %c0_i32_1 = arith.constant 0 : i32
    %c0_i32_2 = arith.constant 0 : i32
    %c0_i32_3 = arith.constant 0 : i32
    return %c0_i32, %c0_i32_0, %c0_i32_1, %c0_i32_2 : i32, i32, i32, i32
  }
  func.func @transform_1(%arg0: i32) -> (i32, i32) {
    %c0_i32 = arith.constant 0 : i32
    %c0_i32_0 = arith.constant 0 : i32
    %c0_i32_1 = arith.constant 0 : i32
    return %c0_i32, %c0_i32_0 : i32, i32
  }
  func.func @transform_2(%arg0: i32) -> (i32, i32) {
    %c0_i32 = arith.constant 0 : i32
    %c0_i32_0 = arith.constant 0 : i32
    %c0_i32_1 = arith.constant 0 : i32
    return %c0_i32, %c0_i32_0 : i32, i32
  }
  func.func @transform_3(%arg0: i32) -> (i32, i32, i32) {
    %c0_i32 = arith.constant 0 : i32
    %c0_i32_0 = arith.constant 0 : i32
    %c0_i32_1 = arith.constant 0 : i32
    return %c0_i32, %arg0, %c0_i32_0 : i32, i32, i32
  }
  func.func @transform_4(%arg0: i32) -> (i32, i32) {
    %c0_i32 = arith.constant 0 : i32
    %c0_i32_0 = arith.constant 0 : i32
    return %arg0, %c0_i32 : i32, i32
  }
}

</mosaic_0001>

<sc_bundles>
// kernel: kernel.7.cloned.1.call-start
scs
__scs_entry_jumppad:
0x0: {  	(pc) =	sbr.rel $0x88, $3  }
0x1: {  	(tag) =	ssettag $0x0;
	lr =	simm.s32 $0x1  }
0x2: {  	[smem:$0x3F90] =	sst lr;
	_ =	strace $0xD0000000  }
0x3: {  	_ = 	snop  }
0x4: {  	_ = 	snop  }
0x5: {  	_ = 	snop  }
0x6: {  	_ = 	snop  }
0x7: {  	_ = 	snop  }
__scs_overlays_trampoline_lowered:
0x8: {  	[smem:$0x3F9F] =	sst s0  }
0x9: {  	[smem:$0x3FA0] =	sst s1  }
0xa: {  	[smem:$0x3FA1] =	sst s2  }
0xb: {  	[smem:$0x3FA2] =	sst s3  }
0xc: {  	[smem:$0x3FA3] =	sst s4  }
0xd: {  	[smem:$0x3FA4] =	sst s5  }
0xe: {  	[smem:$0x3FA5] =	sst s6  }
0xf: {  	[smem:$0x3FA6] =	sst s7  }
0x10: {  	[smem:$0x3FA7] =	sst s8  }
0x11: {  	[smem:$0x3FA8] =	sst s9;
	s0 =	simm.s32 @!p0 $0x0  }
0x12: {  	s1 =	sld [smem:$0x3F8E];
	s0 =	simm.s32 @p0 $0x1  }
0x13: {  	[smem:$0x3FA9] =	sst s0;
	s0 =	simm.s32 @!p1 $0x0  }
0x14: {  	s2 =	sld [smem:$0x3F8D];
	s0 =	simm.s32 @p1 $0x1  }
0x15: {  	[smem:$0x3FAA] =	sst s0;
	s0 =	simm.s32 @!p2 $0x0  }
0x16: {  	s3 =	sld [smem:$0x3FDB];
	s0 =	simm.s32 @p2 $0x1  }
0x17: {  	s4 =	simm.s32 $0x1BF5;
	[smem:$0x3FAC] =	sst s0  }
0x18: {  	s0 =	sld [smem:$0x3F8F];
	_ =	swait.ge [sflag:s4], $0x0  }
0x19: {  	s7 =	sld [smem:$0x3F90]  }
0x1a: {  	s8 =	sadd.s32 $0xFFFFE003, lr  }
0x1b: {  	s9 =	sadd.s32 $0xFFFFFEF7, lr;
	s5 =	simm.s32 $0xFFFFFFFF;
	p2 =	slt.u32 s8, $0xFFFFF086  }
0x1c: {  	p1 =	slt.u32 s9, $0xF7A;
	s5 =	simm.s32 @!p2 $0x0  }
0x1d: {  	s5 =	simm.s32 @p1 $0x1;
	p0 =	seq.s32 s7, s2  }
0x1e: {  	s7 =	smul.u32 @!p0 $0xF7A, s2;
	p2 =	seq.s32 @!p0 s5, $0x0  }
0x1f: {  	s9 =	smul.u32 $0xF7A, s1;
	s8 =	simm.s32 @!p0 $0x1BF5;
	p2 =	por !p2, p0  }
0x20: {  	[sflag:s8] =	ssyncset.s32 @!p0 $0xFFFFF086;
	s6 =	sadd.s32 @!p0 s3, s7;
	s7 =	simm.s32 @!p0 $0x108  }
0x21: {  	s3 =	sadd.s32 s3, s9;
	s6 =	sadd.s32 @!p0 $0x88, s6;
	s7 =	simm.s32 @p2 $0x1082  }
0x22: {  	[simem:s7], [sflag:s8] =	dma.local @!p0 [hbm:s6], $0xF7A  }
0x23: {  	s9 =	sor.u32 $0xD0000000, s2;
	s6 =	simm.s32 $0x108;
	_ =	swait.ge @!p0 [sflag:s8], $0x0  }
0x24: {  	s3 =	sadd.s32 $0x88, s3;
	s6 =	simm.s32 @!p1 $0x1082;
	[sflag:s4] =	ssyncset.s32 $0xFFFFF086  }
0x25: {  	[simem:s6], [sflag:s4] =	dma.local [hbm:s3], $0xF7A  }
0x26: {  	[smem:$0x3F90] =	sst s1;
	(tag) =	ssettag s2;
	_ =	strace s9  }
0x27: {  	s1 =	sld [smem:$0x3FA0]  }
0x28: {  	s2 =	sld [smem:$0x3FA1]  }
0x29: {  	s4 =	sld [smem:$0x3FA3]  }
0x2a: {  	p0 =	seq.s32 s5, $0x0;
	s5 =	sld [smem:$0x3FA4]  }
0x2b: {  	s6 =	sld [smem:$0x3FA5]  }
0x2c: {  	s7 =	sld [smem:$0x3FA6]  }
0x2d: {  	s3 =	simm.s32 $0x108;
	s8 =	sld [smem:$0x3FA7]  }
0x2e: {  	s3 =	simm.s32 @!p0 $0x1082;
	s9 =	sld [smem:$0x3FA8]  }
0x2f: {  	lr =	sadd.s32 s0, s3;
	s0 =	sld [smem:$0x3F9F]  }
0x30: {  	s3 =	sld [smem:$0x3FA2]  }
0x31: {  	[smem:$0x3FAB] =	sst s10  }
0x32: {  	s10 =	sld [smem:$0x3FA9];
	_ =	sdelay $0x3  }
0x33: {  	p0 =	seq.s32 s10, $0x1;
	s10 =	sld [smem:$0x3FAB];
	_ =	sdelay $0x3  }
0x34: {  	[smem:$0x3FAB] =	sst s10  }
0x35: {  	s10 =	sld [smem:$0x3FAA];
	_ =	sdelay $0x3  }
0x36: {  	p1 =	seq.s32 s10, $0x1;
	s10 =	sld [smem:$0x3FAB];
	_ =	sdelay $0x3  }
0x37: {  	[smem:$0x3FAB] =	sst s10  }
0x38: {  	s10 =	sld [smem:$0x3FAC]  }
0x39: {  	_ = 	snop;
	(pc) =	sbr.ind lr, $3  }
0x3a: {  	_ = 	snop  }
0x3b: {  	_ = 	snop  }
0x3c: {  	p2 =	seq.s32 s10, $0x1;
	s10 =	sld [smem:$0x3FAB]  }
0x3d: {  	_ =	shalt  }
0x3e: {  	_ =	shalt  }
0x3f: {  	_ =	shalt  }
0x40: {  	_ =	shalt  }
0x41: {  	_ =	shalt  }
0x42: {  	_ =	shalt  }
0x43: {  	_ =	shalt  }
0x44: {  	_ =	shalt  }
0x45: {  	_ =	shalt  }
0x46: {  	_ =	shalt  }
0x47: {  	_ =	shalt  }
0x48: {  	_ =	shalt  }
0x49: {  	_ =	shalt  }
0x4a: {  	_ =	shalt  }
0x4b: {  	_ =	shalt  }
0x4c: {  	_ =	shalt  }
0x4d: {  	_ =	shalt  }
0x4e: {  	_ =	shalt  }
0x4f: {  	_ =	shalt  }
0x50: {  	_ =	shalt  }
0x51: {  	_ =	shalt  }
0x52: {  	_ =	shalt  }
0x53: {  	_ =	shalt  }
0x54: {  	_ =	shalt  }
0x55: {  	_ =	shalt  }
0x56: {  	_ =	shalt  }
0x57: {  	_ =	shalt  }
0x58: {  	_ =	shalt  }
0x59: {  	_ =	shalt  }
0x5a: {  	_ =	shalt  }
0x5b: {  	_ =	shalt  }
0x5c: {  	_ =	shalt  }
0x5d: {  	_ =	shalt  }
0x5e: {  	_ =	shalt  }
0x5f: {  	_ =	shalt  }
0x60: {  	_ =	shalt  }
0x61: {  	_ =	shalt  }
0x62: {  	_ =	shalt  }
0x63: {  	_ =	shalt  }
0x64: {  	_ =	shalt  }
0x65: {  	_ =	shalt  }
0x66: {  	_ =	shalt  }
0x67: {  	_ =	shalt  }
0x68: {  	_ =	shalt  }
0x69: {  	_ =	shalt  }
0x6a: {  	_ =	shalt  }
0x6b: {  	_ =	shalt  }
0x6c: {  	_ =	shalt  }
0x6d: {  	_ =	shalt  }
0x6e: {  	_ =	shalt  }
0x6f: {  	_ =	shalt  }
0x70: {  	_ =	shalt  }
0x71: {  	_ =	shalt  }
0x72: {  	_ =	shalt  }
0x73: {  	_ =	shalt  }
0x74: {  	_ =	shalt  }
0x75: {  	_ =	shalt  }
0x76: {  	_ =	shalt  }
0x77: {  	_ =	shalt  }
0x78: {  	_ =	shalt  }
0x79: {  	_ =	shalt  }
0x7a: {  	_ =	shalt  }
0x7b: {  	_ =	shalt  }
0x7c: {  	_ =	shalt  }
0x7d: {  	_ =	shalt  }
0x7e: {  	_ =	shalt  }
0x7f: {  	_ =	shalt  }
0x80: {  	_ =	shalt  }
0x81: {  	_ =	shalt  }
0x82: {  	_ =	shalt  }
0x83: {  	_ =	shalt  }
0x84: {  	_ =	shalt  }
0x85: {  	_ =	shalt  }
0x86: {  	_ =	shalt  }
0x87: {  	_ =	shalt  }
.Lfunc_end0:
.L_simem_size_0:
called_computation_lowered:
.L_overlay_start_0:
0x88: {  	s2 =	sld [smem:$0x3FD9]  }
0x89: {  	s3 =	sld [smem:$0x3FFE];
	_ =	sdelay $0x1  }
0x8a: {  	s1 =	srdreg.scid  }
0x8b: {  	s0 =	sand.u32 $0x1, s1  }
0x8c: {  	s14 =	sshll.u32 s0, $0xA;
	s2 =	sadd.s32 s3, s2  }
0x8d: {  	s2 =	sadd.s32 s2, s14  }
0x8e: {  	[smem:$0x3FB7] =	sst s2  }
0x8f: {  	_ = 	snop  }
0x90: {  	s2 =	sld [smem:$0x3FD0];
	_ =	sdelay $0x2  }
0x91: {  	s15 =	simm.s32 $0xA;
	s4 =	simm.s32 $0x10  }
0x92: {  	[smem:s4], [sflag:s15] =	dma.local [hbm:s2], $0x1  }
0x93: {  	_ =	swait.eq [sflag:s15], $0x1  }
0x94: {  	[sflag:s15] =	ssyncset.done $0x0  }
0x95: {  	[sflag:s15] =	ssyncadd.s32 $0xFFFFFFFF  }
0x96: {  	s16 =	sld [smem:$0x11];
	(tm) =	ssettm $0x1  }
0x97: {  	s17 =	sld [smem:$0x3FFB];
	_ =	sdelay $0x3  }
0x98: {  	_ =	strace s17  }
0x99: {  	s3 =	sld [smem:$0x3FFC];
	_ =	sdelay $0x3  }
0x9a: {  	_ =	strace s3  }
0x9b: {  	s3 =	sld [smem:$0x3FFD];
	_ =	sdelay $0x3  }
0x9c: {  	_ =	strace s3  }
0x9d: {  	_ =	strace $0x8FFFFFFF  }
0x9e: {  	s18 =	sld [smem:$0x3FDB];
	_ =	sdelay $0x1  }
0x9f: {  	s19 =	simm.s32 $_scs_section_size  }
0xa0: {  	s5 =	simm.s32 $_size__tile_overlayer_lowered;
	s6 =	simm.s32 $_tile_overlayer_lowered  }
0xa1: {  	s22 =	simm.s32 $0x1BFF;
	s21 =	sshll.u32 s6, $0x1;
	s3 =	sadd.s32 s19, s18  }
0xa2: {  	s7 =	simm.s32 $0x0;
	s20 =	sshll.u32 s5, $0x1;
	s5 =	sadd.s32 s21, s3  }
0xa3: {  	[timem:s7], [sflag:s22] =	dma.local [hbm:s5], s20  }
0xa4: {  	_ =	swait.ge [sflag:s22], s20  }
0xa5: {  	s4 =	ssub.s32 $0x0, s20;
	[sflag:s22] =	ssyncset.done $0x0  }
0xa6: {  	[sflag:s22] =	ssyncadd.s32 s4;
	_ =	sdelay $0x1  }
0xa7: {  	s23 =	simm.s32 $0x1B8B  }
0xa8: {  	_ =	swait.ge [sflag:s23], $0x1  }
0xa9: {  	[sflag:s23] =	ssyncset.done $0x0  }
0xaa: {  	s25 =	simm.s32 $0x1B8E;
	s24 =	sld [smem:$0x3FFE];
	[sflag:s23] =	ssyncadd.s32 $0xFFFFFFFF  }
0xab: {  	s26 =	simm.s32 $execute0_lowered;
	[smem:$0x3FD2] =	sst s25  }
0xac: {  	s5 =	sshll.u32 s26, $0x1;
	_ =	strace $0x80000046;
	[dreg:$0x1] =	wrdreg $0xFFFFFFFF  }
0xad: {  	s28 =	simm.s32 $_size_execute0_lowered;
	s3 =	sadd.s32 s3, s5;
	[dreg:$0x0] =	wrdreg $0x0  }
0xae: {  	s5 =	sshll.u32 s28, $0x1;
	[dreg:$0x2] =	wrdreg s3  }
0xaf: {  	[dreg:$0x3] =	wrdreg s5  }
0xb0: {  	[dreg:$0x4] =	wrdreg $0xC0  }
0xb1: {  	_ =	task [dreg:s7], $0x5FFFF  }
0xb2: {  	[dreg:$0x1] =	wrdreg $0xFFFFFFFF  }
0xb3: {  	[dreg:$0x0] =	wrdreg $0x60  }
0xb4: {  	[dreg:$0x2] =	wrdreg s24  }
0xb5: {  	[dreg:$0x3] =	wrdreg s16  }
0xb6: {  	[dreg:$0x4] =	wrdreg $0xBA800  }
0xb7: {  	[dreg:$0x5] =	wrdreg $0x9  }
0xb8: {  	_ =	task.clear_ibuf [dreg:s7], $0x6FFFF;
	_ =	strace $0x90000046  }
0xb9: {  	s29 =	simm.s32 $0x9;
	_ =	strace $0x80000048  }
0xba: {  	_ =	swait.ge [sflag:s29], $0x1  }
0xbb: {  	[sflag:s29] =	ssyncadd.s32 $0xFFFFFFFF  }
0xbc: {  	_ =	strace $0x90000048  }
0xbd: {  	_ =	sfence  }
0xbe: {  	s30 =	sld [smem:$0x0];
	_ =	sdelay $0x2  }
0xbf: {  	s31 =	sshll.u32 s1, $0xD;
	s1 =	sshrl.u32 s1, $0x2  }
0xc0: {  	s3 =	sand.u32 $0x4000, s31;
	s1 =	sadd.s32 s1, s30  }
0xc1: {  	s0 =	sor.u32 s3, s0;
	s1 =	sshll.u32 s1, $0x11  }
0xc2: {  	s0 =	sor.u32 s1, s0  }
0xc3: {  	s0 =	sadd.s32 $0x8F2B, s0  }
0xc4: {  	[sflag:s0] =	ssyncadd.remote.s32 $0x1  }
0xc5: {  	_ =	sfence.sel $0xFFFF  }
0xc6: {  	[dreg:$0x0] =	wrdreg $0xFFFFFFFF;
	(pc) =	sbr.abs _section_cstart, $3  }
0xc7: {  	[dreg:$0x1] =	wrdreg $0xFFFFFFFF  }
0xc8: {  	_ =	task.clear_ibuf [dreg:s7], $0x2FFFF;
	_ =	strace $0x9FFFFFFF  }
0xc9: {  	(tm) =	ssettm $0x7FFFFFFF  }
tec
execute0_lowered:
.L_overlay_start_1:
0x0: {  	(tag) =	ssettag $0x1  }
0x1: {  	s0 =	rddreg [dreg:$0x0]  }
0x2: {  	s15 =	rddreg [dreg:$0x2]  }
0x3: {  	s1 =	srdreg.scid;
	s14 =	stileid.u32  }
0x4: {  	s4 =	simm.s32 $0x0;
	s1 =	sand.u32 $0x1, s1;
	s2 =	smul.u32 $0x280, s14  }
0x5: {  	[smem:$0x7FF] =	sst s4;
	s5 =	sadd.s32 $0x7800, s0;
	s3 =	smul.u32 $0x2800, s1  }
0x6: {  	s6 =	sadd.s32 $0x2800, s0;
	s7 =	sadd.s32 $0xA8C00, s0;
	s12 =	smul.u32 $0x50000, s14  }
0x7: {  	s8 =	sadd.s32 $0xC800, s0;
	s9 =	sadd.s32 $0x147200, s0;
	s2 =	sadd.s32 s2, s3  }
0x8: {  	s10 =	sshll.u32 s14, $0x5;
	s17 =	sshrl.u32 s12, $0x2;
	s2 =	sshll.u32 s2, $0x4  }
0x9: {  	s13 =	sadd.s32 s2, s0;
	s0 =	sadd.s32 s10, s0;
	s10 =	sadd.s32 s17, s15  }
0xa: {  	_ =	strace $0x80000047;
	s19 =	sadd.s32 $0xF6E00, s13;
	[dreg:$0x4] =	wrdreg s10  }
0xb: {  	s20 =	sadd.s32 $0xF6F00, s13;
	[dreg:$0x6] =	wrdreg s19  }
0xc: {  	s21 =	sadd.s32 $0xF7000, s13;
	[dreg:$0x7] =	wrdreg s20  }
0xd: {  	s16 =	ssub.s32 $0x2, s1;
	s22 =	sadd.s32 $0xF7100, s13;
	[dreg:$0x8] =	wrdreg s21  }
0xe: {  	s18 =	sshll.u32 s1, $0x9;
	s23 =	sadd.s32 $0xF7200, s13;
	[dreg:$0x9] =	wrdreg s22  }
0xf: {  	s11 =	sshrl.u32 s16, $0x1;
	s24 =	sadd.s32 $0xF7300, s13;
	[dreg:$0xa] =	wrdreg s23  }
0x10: {  	s3 =	ssub.s32 s16, s11;
	s25 =	sadd.s32 $0xF7400, s13;
	[dreg:$0xb] =	wrdreg s24  }
0x11: {  	s11 =	smul.u32 $0x27100, s1;
	s26 =	sadd.s32 $0xF7500, s13;
	[dreg:$0xc] =	wrdreg s25  }
0x12: {  	s2 =	smul.u32 $0x2710, s1;
	s1 =	sadd.s32 $0xF7600, s13;
	[dreg:$0xd] =	wrdreg s26  }
0x13: {  	s12 =	sadd.s32 $0xF7700, s13;
	[dreg:$0xe] =	wrdreg s1  }
0x14: {  	s15 =	sadd.s32 $0xF7800, s13;
	[dreg:$0xf] =	wrdreg s12  }
0x15: {  	s16 =	sadd.s32 $0xF7900, s13;
	[dreg:$0x10] =	wrdreg s15  }
0x16: {  	s17 =	sadd.s32 $0xF7A00, s13;
	[dreg:$0x11] =	wrdreg s16  }
0x17: {  	s0 =	sadd.s32 s18, s0;
	s18 =	sadd.s32 $0xF7B00, s13;
	[dreg:$0x12] =	wrdreg s17  }
0x18: {  	s29 =	sadd.s32 $0x2800, s10;
	[dreg:$0x13] =	wrdreg s18  }
0x19: {  	s30 =	sadd.s32 $0x3000, s10;
	[smem:$0x7FC] =	sst s29  }
0x1a: {  	s0 =	sadd.s32 $0x146E00, s0;
	[smem:$0x7FD] =	sst s30  }
0x1b: {  	s19 =	sadd.s32 $0xF7C00, s13;
	[dreg:$0x5] =	wrdreg s0  }
0x1c: {  	s20 =	sadd.s32 $0xF7D00, s13;
	[dreg:$0x14] =	wrdreg s19  }
0x1d: {  	s21 =	sadd.s32 $0xF7E00, s13;
	[dreg:$0x15] =	wrdreg s20  }
0x1e: {  	s22 =	sadd.s32 $0xF7F00, s13;
	[dreg:$0x16] =	wrdreg s21  }
0x1f: {  	s23 =	sadd.s32 $0xF8000, s13;
	[dreg:$0x17] =	wrdreg s22  }
0x20: {  	s24 =	sadd.s32 $0xF8100, s13;
	[dreg:$0x18] =	wrdreg s23  }
0x21: {  	s25 =	sadd.s32 $0xF8200, s13;
	[dreg:$0x19] =	wrdreg s24  }
0x22: {  	s26 =	sadd.s32 $0xF8300, s13;
	[dreg:$0x1a] =	wrdreg s25  }
0x23: {  	s1 =	sadd.s32 $0xF8400, s13;
	[dreg:$0x1b] =	wrdreg s26  }
0x24: {  	s12 =	sadd.s32 $0xF8500, s13;
	[dreg:$0x1c] =	wrdreg s1  }
0x25: {  	s15 =	sadd.s32 $0xF8600, s13;
	[dreg:$0x1d] =	wrdreg s12  }
0x26: {  	s16 =	sadd.s32 $0xF8700, s13;
	[dreg:$0x1e] =	wrdreg s15  }
0x27: {  	s17 =	sadd.s32 $0xF8800, s13;
	[dreg:$0x1f] =	wrdreg s16  }
0x28: {  	s18 =	sadd.s32 $0xF8900, s13;
	[smem:$0x7C8] =	sst s17  }
0x29: {  	[smem:$0x7C9] =	sst s18;
	s19 =	sadd.s32 $0xF8A00, s13  }
0x2a: {  	s20 =	sadd.s32 $0xF8B00, s13;
	[smem:$0x7CA] =	sst s19  }
0x2b: {  	s21 =	sadd.s32 $0xF8C00, s13;
	[smem:$0x7CB] =	sst s20  }
0x2c: {  	s22 =	sadd.s32 $0xF8D00, s13;
	[smem:$0x7CC] =	sst s21  }
0x2d: {  	s23 =	sadd.s32 $0xF8E00, s13;
	[smem:$0x7CD] =	sst s22  }
0x2e: {  	s24 =	sadd.s32 $0xF8F00, s13;
	[smem:$0x7CE] =	sst s23  }
0x2f: {  	s25 =	sadd.s32 $0xF9000, s13;
	[smem:$0x7CF] =	sst s24  }
0x30: {  	s26 =	sadd.s32 $0xF9100, s13;
	[smem:$0x7D0] =	sst s25  }
0x31: {  	s1 =	sadd.s32 $0xF9200, s13;
	[smem:$0x7D1] =	sst s26  }
0x32: {  	s12 =	sadd.s32 $0xF9300, s13;
	[smem:$0x7D2] =	sst s1  }
0x33: {  	s15 =	sadd.s32 $0xF9400, s13;
	[smem:$0x7D3] =	sst s12  }
0x34: {  	s16 =	sadd.s32 $0xF9500, s13;
	[smem:$0x7D4] =	sst s15  }
0x35: {  	s17 =	smax.u32 s3, $0x1;
	[smem:$0x7D5] =	sst s16  }
0x36: {  	s18 =	sadd.s32 $0x3800, s10;
	[smem:$0x7D6] =	sst s17  }
0x37: {  	s3 =	sadd.s32 $0x8800, s10;
	[smem:$0x7D7] =	sst s18  }
0x38: {  	s13 =	sadd.s32 $0x800, s10;
	[smem:$0x7E1] =	sst s3  }
0x39: {  	s19 =	sadd.s32 $0x4000, s10;
	[smem:$0x7F8] =	sst s13  }
0x3a: {  	s20 =	sadd.s32 $0x4800, s10;
	[smem:$0x7D8] =	sst s19  }
0x3b: {  	s21 =	sadd.s32 $0x5000, s10;
	[smem:$0x7D9] =	sst s20  }
0x3c: {  	s22 =	sadd.s32 $0x5800, s10;
	[smem:$0x7DA] =	sst s21  }
0x3d: {  	s23 =	sadd.s32 $0x6000, s10;
	[smem:$0x7DB] =	sst s22  }
0x3e: {  	s24 =	sadd.s32 $0x6800, s10;
	[smem:$0x7DC] =	sst s23  }
0x3f: {  	s25 =	sadd.s32 $0x7000, s10;
	[smem:$0x7DD] =	sst s24  }
0x40: {  	s26 =	sadd.s32 $0x7800, s10;
	[smem:$0x7DE] =	sst s25  }
0x41: {  	s1 =	sadd.s32 $0x8000, s10;
	[smem:$0x7DF] =	sst s26  }
0x42: {  	s12 =	sadd.s32 $0x9000, s10;
	[smem:$0x7E0] =	sst s1  }
0x43: {  	s18 =	sadd.s32 $0x9800, s10;
	[smem:$0x7E2] =	sst s12  }
0x44: {  	s3 =	sadd.s32 $0xE800, s10;
	[smem:$0x7E3] =	sst s18  }
0x45: {  	s15 =	sadd.s32 $0x1000, s10;
	[smem:$0x7ED] =	sst s3  }
0x46: {  	s16 =	sadd.s32 $0x1800, s10;
	[smem:$0x7F9] =	sst s15  }
0x47: {  	s17 =	sadd.s32 $0x2000, s10;
	[smem:$0x7FA] =	sst s16  }
0x48: {  	s19 =	sadd.s32 $0xA000, s10;
	[smem:$0x7FB] =	sst s17  }
0x49: {  	s20 =	sadd.s32 $0xA800, s10;
	[smem:$0x7E4] =	sst s19  }
0x4a: {  	s21 =	sadd.s32 $0xB000, s10;
	[smem:$0x7E5] =	sst s20  }
0x4b: {  	s22 =	sadd.s32 $0xB800, s10;
	[smem:$0x7E6] =	sst s21  }
0x4c: {  	s23 =	sadd.s32 $0xC000, s10;
	[smem:$0x7E7] =	sst s22  }
0x4d: {  	s24 =	sadd.s32 $0xC800, s10;
	[smem:$0x7E8] =	sst s23  }
0x4e: {  	s25 =	sadd.s32 $0xD000, s10;
	[smem:$0x7E9] =	sst s24  }
0x4f: {  	s26 =	sadd.s32 $0xD800, s10;
	[smem:$0x7EA] =	sst s25  }
0x50: {  	s1 =	sadd.s32 $0xE000, s10;
	[smem:$0x7EB] =	sst s26  }
0x51: {  	s12 =	sadd.s32 $0xF000, s10;
	[smem:$0x7EC] =	sst s1  }
0x52: {  	s18 =	sadd.s32 $0xF800, s10;
	[smem:$0x7EE] =	sst s12  }
0x53: {  	s28 =	simm.s32 $0x1000;
	[smem:$0x7EF] =	sst s18;
	s19 =	sadd.s32 $0x10000, s10  }
0x54: {  	s31 =	smul.u32 $0x2710, s14;
	s20 =	sadd.s32 $0x10800, s10;
	[smem:$0x7F0] =	sst s19  }
0x55: {  	s14 =	simm.s32 $0x1180;
	s21 =	sadd.s32 $0x11000, s10;
	[smem:$0x7F1] =	sst s20  }
0x56: {  	s0 =	simm.s32 $0xB280;
	s22 =	sadd.s32 $0x11800, s10;
	[smem:$0x7F2] =	sst s21  }
0x57: {  	s3 =	simm.s32 $0x0;
	s23 =	sadd.s32 $0x12000, s10;
	[smem:$0x7F3] =	sst s22  }
0x58: {  	s24 =	sadd.s32 $0x12800, s10;
	s25 =	sadd.s32 $0x13000, s10;
	[smem:$0x7F4] =	sst s23  }
0x59: {  	s26 =	sadd.s32 $0x13800, s10;
	s1 =	simm.s32 $0x2;
	[smem:$0x7F5] =	sst s24  }
0x5a: {  	s12 =	simm.s32 $0x50;
	s18 =	simm.s32 $0x5180;
	[smem:$0x7F6] =	sst s25  }
0x5b: {  	v4 =	vlaneseq.u32;
	v1 =	vimm.f32 $0.0e+00;
	[smem:$0x7F7] =	sst s26;
	s19 =	simm.s32 $0x5980;
	s20 =	simm.s32 $0x6180  }
0x5c: {  	vm0 =	vmmov $0xffff;
	v2 =	vand.u32 $0x7, v4;
	v3 =	vshrl.u32 v4, $0x3;
	s21 =	simm.s32 $0x6980;
	s22 =	simm.s32 $0x7180;
	s23 =	simm.s32 $0x7980  }
0x5d: {  	v4 =	vor.u32 $0x8, v4;
	v3 =	vmul.u32 $0x8, v3;
	v0 =	vmov s2;
	s24 =	simm.s32 $0x8180;
	s25 =	simm.s32 $0x8980;
	s26 =	simm.s32 $0x1  }
.LBB2_1:
0x5e: {  	[smem:$0x7C7] =	sst s3;
	s2 =	simm.s32 $0x0;
	s3 =	simm.s32 $0x200  }
.LBB2_2:
0x5f: {  	p0 =	sne.s32 s3, $0x1E00;
	[tilespmem:s2+$0xB2F0] =	vst v1  }
0x60: {  	[tilespmem:s2+$0xB280] =	vst v1  }
0x61: {  	[tilespmem:s2+$0xB290] =	vst v1  }
.Ltmp0:
0x62: {  	[tilespmem:s2+$0xB2A0] =	vst v1;
	(pc) =	sbr.rel @p0 .LBB2_2-.Ltmp0, $4  }
0x63: {  	[tilespmem:s2+$0xB2B0] =	vst v1  }
0x64: {  	[tilespmem:s2+$0xB2C0] =	vst v1  }
0x65: {  	[tilespmem:s2+$0xB2D0] =	vst v1  }
0x66: {  	[tilespmem:s2+$0xB2E0] =	vst v1;
	s2 =	sshra.s32 s3, $0x2;
	s3 =	sadd.s32 $0x200, s3  }
0x67: {  	[tilespmem:s2+$0xB2F0] =	vst v1  }
0x68: {  	[tilespmem:s2+$0xB280] =	vst v1  }
0x69: {  	[tilespmem:s2+$0xB290] =	vst v1  }
0x6a: {  	[tilespmem:s2+$0xB2A0] =	vst v1  }
0x6b: {  	[tilespmem:s2+$0xB2B0] =	vst v1  }
0x6c: {  	[tilespmem:s2+$0xB2C0] =	vst v1  }
0x6d: {  	[tilespmem:s2+$0xB2D0] =	vst v1  }
0x6e: {  	[tilespmem:s2+$0xB2E0] =	vst v1  }
0x6f: {  	[spmem:s10] =	stream.linear.scatter [tilespmem:s0], [sflag:$0x2], $0x800, $0x38;
	[tilespmem:$0x1FA80] =	vst v63  }
0x70: {  	_ =	swait.ge [sflag:s1], $0x800  }
0x71: {  	[sflag:s1] =	ssyncset.done $0x0  }
0x72: {  	[sflag:s1] =	ssyncadd.s32 $0xFFFFF800  }
0x73: {  	[spmem:s13] =	stream.linear.scatter [tilespmem:s0], [sflag:$0x2], $0x800, $0x38;
	[tilespmem:$0x1FA80] =	vst v63  }
0x74: {  	_ =	swait.ge [sflag:s1], $0x800  }
0x75: {  	[sflag:s1] =	ssyncset.done $0x0  }
0x76: {  	[sflag:s1] =	ssyncadd.s32 $0xFFFFF800  }
0x77: {  	[spmem:s15] =	stream.linear.scatter [tilespmem:s0], [sflag:$0x2], $0x800, $0x38;
	[tilespmem:$0x1FA80] =	vst v63  }
0x78: {  	_ =	swait.ge [sflag:s1], $0x800  }
0x79: {  	[sflag:s1] =	ssyncset.done $0x0  }
0x7a: {  	[sflag:s1] =	ssyncadd.s32 $0xFFFFF800  }
0x7b: {  	[spmem:s16] =	stream.linear.scatter [tilespmem:s0], [sflag:$0x2], $0x800, $0x38;
	[tilespmem:$0x1FA80] =	vst v63  }
0x7c: {  	_ =	swait.ge [sflag:s1], $0x800  }
0x7d: {  	[sflag:s1] =	ssyncset.done $0x0  }
0x7e: {  	[sflag:s1] =	ssyncadd.s32 $0xFFFFF800  }
0x7f: {  	[spmem:s17] =	stream.linear.scatter [tilespmem:s0], [sflag:$0x2], $0x800, $0x38;
	[tilespmem:$0x1FA80] =	vst v63  }
0x80: {  	_ =	swait.ge [sflag:s1], $0x800  }
0x81: {  	[sflag:s1] =	ssyncset.done $0x0  }
0x82: {  	[sflag:s1] =	ssyncadd.s32 $0xFFFFF800  }
0x83: {  	[spmem:s29] =	stream.linear.scatter [tilespmem:s0], [sflag:$0x2], $0x800, $0x38;
	[tilespmem:$0x1FA80] =	vst v63  }
0x84: {  	_ =	swait.ge [sflag:s1], $0x800  }
0x85: {  	[sflag:s1] =	ssyncset.done $0x0  }
0x86: {  	[sflag:s1] =	ssyncadd.s32 $0xFFFFF800  }
0x87: {  	[spmem:s30] =	stream.linear.scatter [tilespmem:s0], [sflag:$0x2], $0x800, $0x38;
	[tilespmem:$0x1FA80] =	vst v63  }
0x88: {  	_ =	swait.ge [sflag:s1], $0x800  }
0x89: {  	s13 =	sld [smem:$0x7D7]  }
0x8a: {  	[sflag:s1] =	ssyncset.done $0x0  }
0x8b: {  	[sflag:s1] =	ssyncadd.s32 $0xFFFFF800  }
0x8c: {  	[spmem:s13] =	stream.linear.scatter [tilespmem:s0], [sflag:$0x2], $0x800, $0x38;
	[tilespmem:$0x1FA80] =	vst v63  }
0x8d: {  	_ =	swait.ge [sflag:s1], $0x800  }
0x8e: {  	s15 =	sld [smem:$0x7D8]  }
0x8f: {  	[sflag:s1] =	ssyncset.done $0x0  }
0x90: {  	[sflag:s1] =	ssyncadd.s32 $0xFFFFF800  }
0x91: {  	[spmem:s15] =	stream.linear.scatter [tilespmem:s0], [sflag:$0x2], $0x800, $0x38;
	[tilespmem:$0x1FA80] =	vst v63  }
0x92: {  	_ =	swait.ge [sflag:s1], $0x800  }
0x93: {  	s16 =	sld [smem:$0x7D9]  }
0x94: {  	[sflag:s1] =	ssyncset.done $0x0  }
0x95: {  	[sflag:s1] =	ssyncadd.s32 $0xFFFFF800  }
0x96: {  	[spmem:s16] =	stream.linear.scatter [tilespmem:s0], [sflag:$0x2], $0x800, $0x38;
	[tilespmem:$0x1FA80] =	vst v63  }
0x97: {  	_ =	swait.ge [sflag:s1], $0x800  }
0x98: {  	s17 =	sld [smem:$0x7DA]  }
0x99: {  	[sflag:s1] =	ssyncset.done $0x0  }
0x9a: {  	[sflag:s1] =	ssyncadd.s32 $0xFFFFF800  }
0x9b: {  	[spmem:s17] =	stream.linear.scatter [tilespmem:s0], [sflag:$0x2], $0x800, $0x38;
	[tilespmem:$0x1FA80] =	vst v63  }
0x9c: {  	_ =	swait.ge [sflag:s1], $0x800  }
0x9d: {  	s29 =	sld [smem:$0x7DB]  }
0x9e: {  	[sflag:s1] =	ssyncset.done $0x0  }
0x9f: {  	[sflag:s1] =	ssyncadd.s32 $0xFFFFF800  }
0xa0: {  	[spmem:s29] =	stream.linear.scatter [tilespmem:s0], [sflag:$0x2], $0x800, $0x38;
	[tilespmem:$0x1FA80] =	vst v63  }
0xa1: {  	_ =	swait.ge [sflag:s1], $0x800  }
0xa2: {  	s3 =	sld [smem:$0x7DC]  }
0xa3: {  	[sflag:s1] =	ssyncset.done $0x0  }
0xa4: {  	[sflag:s1] =	ssyncadd.s32 $0xFFFFF800  }
0xa5: {  	[spmem:s3] =	stream.linear.scatter [tilespmem:s0], [sflag:$0x2], $0x800, $0x38;
	[tilespmem:$0x1FA80] =	vst v63  }
0xa6: {  	_ =	swait.ge [sflag:s1], $0x800  }
0xa7: {  	s10 =	sld [smem:$0x7DD]  }
0xa8: {  	[sflag:s1] =	ssyncset.done $0x0  }
0xa9: {  	[sflag:s1] =	ssyncadd.s32 $0xFFFFF800  }
0xaa: {  	[spmem:s10] =	stream.linear.scatter [tilespmem:s0], [sflag:$0x2], $0x800, $0x38;
	[tilespmem:$0x1FA80] =	vst v63  }
0xab: {  	_ =	swait.ge [sflag:s1], $0x800  }
0xac: {  	s13 =	sld [smem:$0x7DE]  }
0xad: {  	[sflag:s1] =	ssyncset.done $0x0  }
0xae: {  	[sflag:s1] =	ssyncadd.s32 $0xFFFFF800  }
0xaf: {  	[spmem:s13] =	stream.linear.scatter [tilespmem:s0], [sflag:$0x2], $0x800, $0x38;
	[tilespmem:$0x1FA80] =	vst v63  }
0xb0: {  	_ =	swait.ge [sflag:s1], $0x800  }
0xb1: {  	s15 =	sld [smem:$0x7DF]  }
0xb2: {  	[sflag:s1] =	ssyncset.done $0x0  }
0xb3: {  	[sflag:s1] =	ssyncadd.s32 $0xFFFFF800  }
0xb4: {  	[spmem:s15] =	stream.linear.scatter [tilespmem:s0], [sflag:$0x2], $0x800, $0x38;
	[tilespmem:$0x1FA80] =	vst v63  }
0xb5: {  	_ =	swait.ge [sflag:s1], $0x800  }
0xb6: {  	s16 =	sld [smem:$0x7E0]  }
0xb7: {  	[sflag:s1] =	ssyncset.done $0x0  }
0xb8: {  	[sflag:s1] =	ssyncadd.s32 $0xFFFFF800  }
0xb9: {  	[spmem:s16] =	stream.linear.scatter [tilespmem:s0], [sflag:$0x2], $0x800, $0x38;
	[tilespmem:$0x1FA80] =	vst v63  }
0xba: {  	_ =	swait.ge [sflag:s1], $0x800  }
0xbb: {  	s17 =	sld [smem:$0x7E1]  }
0xbc: {  	[sflag:s1] =	ssyncset.done $0x0  }
0xbd: {  	[sflag:s1] =	ssyncadd.s32 $0xFFFFF800  }
0xbe: {  	[spmem:s17] =	stream.linear.scatter [tilespmem:s0], [sflag:$0x2], $0x800, $0x38;
	[tilespmem:$0x1FA80] =	vst v63  }
0xbf: {  	_ =	swait.ge [sflag:s1], $0x800  }
0xc0: {  	s29 =	sld [smem:$0x7E2]  }
0xc1: {  	[sflag:s1] =	ssyncset.done $0x0  }
0xc2: {  	[sflag:s1] =	ssyncadd.s32 $0xFFFFF800  }
0xc3: {  	[spmem:s29] =	stream.linear.scatter [tilespmem:s0], [sflag:$0x2], $0x800, $0x38;
	[tilespmem:$0x1FA80] =	vst v63  }
0xc4: {  	_ =	swait.ge [sflag:s1], $0x800  }
0xc5: {  	s3 =	sld [smem:$0x7E3]  }
0xc6: {  	[sflag:s1] =	ssyncset.done $0x0  }
0xc7: {  	[sflag:s1] =	ssyncadd.s32 $0xFFFFF800  }
0xc8: {  	[spmem:s3] =	stream.linear.scatter [tilespmem:s0], [sflag:$0x2], $0x800, $0x38;
	[tilespmem:$0x1FA80] =	vst v63  }
0xc9: {  	_ =	swait.ge [sflag:s1], $0x800  }
0xca: {  	s10 =	sld [smem:$0x7E4]  }
0xcb: {  	[sflag:s1] =	ssyncset.done $0x0  }
0xcc: {  	[sflag:s1] =	ssyncadd.s32 $0xFFFFF800  }
0xcd: {  	[spmem:s10] =	stream.linear.scatter [tilespmem:s0], [sflag:$0x2], $0x800, $0x38;
	[tilespmem:$0x1FA80] =	vst v63  }
0xce: {  	_ =	swait.ge [sflag:s1], $0x800  }
0xcf: {  	s13 =	sld [smem:$0x7E5]  }
0xd0: {  	[sflag:s1] =	ssyncset.done $0x0  }
0xd1: {  	[sflag:s1] =	ssyncadd.s32 $0xFFFFF800  }
0xd2: {  	[spmem:s13] =	stream.linear.scatter [tilespmem:s0], [sflag:$0x2], $0x800, $0x38;
	[tilespmem:$0x1FA80] =	vst v63  }
0xd3: {  	_ =	swait.ge [sflag:s1], $0x800  }
0xd4: {  	s15 =	sld [smem:$0x7E6]  }
0xd5: {  	[sflag:s1] =	ssyncset.done $0x0  }
0xd6: {  	[sflag:s1] =	ssyncadd.s32 $0xFFFFF800  }
0xd7: {  	[spmem:s15] =	stream.linear.scatter [tilespmem:s0], [sflag:$0x2], $0x800, $0x38;
	[tilespmem:$0x1FA80] =	vst v63  }
0xd8: {  	_ =	swait.ge [sflag:s1], $0x800  }
0xd9: {  	s16 =	sld [smem:$0x7E7]  }
0xda: {  	[sflag:s1] =	ssyncset.done $0x0  }
0xdb: {  	[sflag:s1] =	ssyncadd.s32 $0xFFFFF800  }
0xdc: {  	[spmem:s16] =	stream.linear.scatter [tilespmem:s0], [sflag:$0x2], $0x800, $0x38;
	[tilespmem:$0x1FA80] =	vst v63  }
0xdd: {  	_ =	swait.ge [sflag:s1], $0x800  }
0xde: {  	s17 =	sld [smem:$0x7E8]  }
0xdf: {  	[sflag:s1] =	ssyncset.done $0x0  }
0xe0: {  	[sflag:s1] =	ssyncadd.s32 $0xFFFFF800  }
0xe1: {  	[spmem:s17] =	stream.linear.scatter [tilespmem:s0], [sflag:$0x2], $0x800, $0x38;
	[tilespmem:$0x1FA80] =	vst v63  }
0xe2: {  	_ =	swait.ge [sflag:s1], $0x800  }
0xe3: {  	s29 =	sld [smem:$0x7E9]  }
0xe4: {  	[sflag:s1] =	ssyncset.done $0x0  }
0xe5: {  	[sflag:s1] =	ssyncadd.s32 $0xFFFFF800  }
0xe6: {  	[spmem:s29] =	stream.linear.scatter [tilespmem:s0], [sflag:$0x2], $0x800, $0x38;
	[tilespmem:$0x1FA80] =	vst v63  }
0xe7: {  	_ =	swait.ge [sflag:s1], $0x800  }
0xe8: {  	s3 =	sld [smem:$0x7EA]  }
0xe9: {  	[sflag:s1] =	ssyncset.done $0x0  }
0xea: {  	[sflag:s1] =	ssyncadd.s32 $0xFFFFF800  }
0xeb: {  	[spmem:s3] =	stream.linear.scatter [tilespmem:s0], [sflag:$0x2], $0x800, $0x38;
	[tilespmem:$0x1FA80] =	vst v63  }
0xec: {  	_ =	swait.ge [sflag:s1], $0x800  }
0xed: {  	s10 =	sld [smem:$0x7EB]  }
0xee: {  	[sflag:s1] =	ssyncset.done $0x0  }
0xef: {  	[sflag:s1] =	ssyncadd.s32 $0xFFFFF800  }
0xf0: {  	[spmem:s10] =	stream.linear.scatter [tilespmem:s0], [sflag:$0x2], $0x800, $0x38;
	[tilespmem:$0x1FA80] =	vst v63  }
0xf1: {  	_ =	swait.ge [sflag:s1], $0x800  }
0xf2: {  	s13 =	sld [smem:$0x7EC]  }
0xf3: {  	[sflag:s1] =	ssyncset.done $0x0  }
0xf4: {  	[sflag:s1] =	ssyncadd.s32 $0xFFFFF800  }
0xf5: {  	[spmem:s13] =	stream.linear.scatter [tilespmem:s0], [sflag:$0x2], $0x800, $0x38;
	[tilespmem:$0x1FA80] =	vst v63  }
0xf6: {  	_ =	swait.ge [sflag:s1], $0x800  }
0xf7: {  	s15 =	sld [smem:$0x7ED]  }
0xf8: {  	[sflag:s1] =	ssyncset.done $0x0  }
0xf9: {  	[sflag:s1] =	ssyncadd.s32 $0xFFFFF800  }
0xfa: {  	[spmem:s15] =	stream.linear.scatter [tilespmem:s0], [sflag:$0x2], $0x800, $0x38;
	[tilespmem:$0x1FA80] =	vst v63  }
0xfb: {  	_ =	swait.ge [sflag:s1], $0x800  }
0xfc: {  	s16 =	sld [smem:$0x7EE]  }
0xfd: {  	[sflag:s1] =	ssyncset.done $0x0  }
0xfe: {  	[sflag:s1] =	ssyncadd.s32 $0xFFFFF800  }
0xff: {  	[spmem:s16] =	stream.linear.scatter [tilespmem:s0], [sflag:$0x2], $0x800, $0x38;
	[tilespmem:$0x1FA80] =	vst v63  }
0x100: {  	_ =	swait.ge [sflag:s1], $0x800  }
0x101: {  	s17 =	sld [smem:$0x7EF]  }
0x102: {  	[sflag:s1] =	ssyncset.done $0x0  }
0x103: {  	[sflag:s1] =	ssyncadd.s32 $0xFFFFF800  }
0x104: {  	[spmem:s17] =	stream.linear.scatter [tilespmem:s0], [sflag:$0x2], $0x800, $0x38;
	[tilespmem:$0x1FA80] =	vst v63  }
0x105: {  	_ =	swait.ge [sflag:s1], $0x800  }
0x106: {  	s29 =	sld [smem:$0x7F0]  }
0x107: {  	[sflag:s1] =	ssyncset.done $0x0  }
0x108: {  	[sflag:s1] =	ssyncadd.s32 $0xFFFFF800  }
0x109: {  	[spmem:s29] =	stream.linear.scatter [tilespmem:s0], [sflag:$0x2], $0x800, $0x38;
	[tilespmem:$0x1FA80] =	vst v63  }
0x10a: {  	_ =	swait.ge [sflag:s1], $0x800  }
0x10b: {  	s3 =	sld [smem:$0x7F1]  }
0x10c: {  	[sflag:s1] =	ssyncset.done $0x0  }
0x10d: {  	[sflag:s1] =	ssyncadd.s32 $0xFFFFF800  }
0x10e: {  	[spmem:s3] =	stream.linear.scatter [tilespmem:s0], [sflag:$0x2], $0x800, $0x38;
	[tilespmem:$0x1FA80] =	vst v63  }
0x10f: {  	_ =	swait.ge [sflag:s1], $0x800  }
0x110: {  	s10 =	sld [smem:$0x7F2]  }
0x111: {  	[sflag:s1] =	ssyncset.done $0x0  }
0x112: {  	[sflag:s1] =	ssyncadd.s32 $0xFFFFF800  }
0x113: {  	[spmem:s10] =	stream.linear.scatter [tilespmem:s0], [sflag:$0x2], $0x800, $0x38;
	[tilespmem:$0x1FA80] =	vst v63  }
0x114: {  	_ =	swait.ge [sflag:s1], $0x800  }
0x115: {  	s13 =	sld [smem:$0x7F3]  }
0x116: {  	[sflag:s1] =	ssyncset.done $0x0  }
0x117: {  	[sflag:s1] =	ssyncadd.s32 $0xFFFFF800  }
0x118: {  	[spmem:s13] =	stream.linear.scatter [tilespmem:s0], [sflag:$0x2], $0x800, $0x38;
	[tilespmem:$0x1FA80] =	vst v63  }
0x119: {  	_ =	swait.ge [sflag:s1], $0x800  }
0x11a: {  	s15 =	sld [smem:$0x7F4]  }
0x11b: {  	[sflag:s1] =	ssyncset.done $0x0  }
0x11c: {  	[sflag:s1] =	ssyncadd.s32 $0xFFFFF800  }
0x11d: {  	[spmem:s15] =	stream.linear.scatter [tilespmem:s0], [sflag:$0x2], $0x800, $0x38;
	[tilespmem:$0x1FA80] =	vst v63  }
0x11e: {  	_ =	swait.ge [sflag:s1], $0x800  }
0x11f: {  	s16 =	sld [smem:$0x7F5]  }
0x120: {  	[sflag:s1] =	ssyncset.done $0x0  }
0x121: {  	[sflag:s1] =	ssyncadd.s32 $0xFFFFF800  }
0x122: {  	[spmem:s16] =	stream.linear.scatter [tilespmem:s0], [sflag:$0x2], $0x800, $0x38;
	[tilespmem:$0x1FA80] =	vst v63  }
0x123: {  	_ =	swait.ge [sflag:s1], $0x800  }
0x124: {  	s17 =	sld [smem:$0x7F6]  }
0x125: {  	[sflag:s1] =	ssyncset.done $0x0  }
0x126: {  	[sflag:s1] =	ssyncadd.s32 $0xFFFFF800  }
0x127: {  	[spmem:s17] =	stream.linear.scatter [tilespmem:s0], [sflag:$0x2], $0x800, $0x38;
	[tilespmem:$0x1FA80] =	vst v63  }
0x128: {  	_ =	swait.ge [sflag:s1], $0x800  }
0x129: {  	s29 =	sld [smem:$0x7F7]  }
0x12a: {  	[sflag:s1] =	ssyncset.done $0x0  }
0x12b: {  	v5 =	vimm.f32 $0.0e+00;
	[sflag:s1] =	ssyncadd.s32 $0xFFFFF800  }
0x12c: {  	v6 =	vimm.f32 $0.0e+00;
	v7 =	vimm.f32 $0.0e+00;
	v8 =	vimm.f32 $0.0e+00;
	[spmem:s29] =	stream.linear.scatter [tilespmem:s0], [sflag:$0x2], $0x800, $0x38;
	[tilespmem:$0x1FA80] =	vst v63  }
0x12d: {  	v10 =	vimm.f32 $0.0e+00;
	v12 =	vimm.f32 $0.0e+00;
	v14 =	vimm.f32 $0.0e+00;
	_ =	swait.ge [sflag:s1], $0x800  }
0x12e: {  	v16 =	vimm.f32 $0.0e+00;
	v9 =	vimm.f32 $0.0e+00;
	v11 =	vimm.f32 $0.0e+00;
	[sflag:s1] =	ssyncset.done $0x0  }
0x12f: {  	v13 =	vimm.f32 $0.0e+00;
	v15 =	vimm.f32 $0.0e+00;
	v17 =	vimm.f32 $0.0e+00;
	[sflag:s1] =	ssyncadd.s32 $0xFFFFF800  }
0x130: {  	v18 =	vimm.f32 $0.0e+00;
	v19 =	vimm.f32 $0.0e+00;
	v20 =	vimm.f32 $0.0e+00;
	s30 =	simm.s32 $0x0;
	s10 =	simm.s32 $0x0;
	[bflag:$0x0] =	sbarrier.arrive $0xFFFF  }
.LBB2_4:
0x131: {  	s2 =	smul.u32 $0x29, s10;
	_ =	sdelay $0x1  }
0x132: {  	s2 =	sshrl.u32 s2, $0xA  }
0x133: {  	s2 =	sand.u32 $0x3F, s2  }
0x134: {  	s2 =	smul.u32 $0x19, s2;
	_ =	sdelay $0x1  }
0x135: {  	s3 =	smul.u32 $0x50, s10;
	s2 =	ssub.s32 s10, s2  }
0x136: {  	s13 =	sand.u32 $0xFF, s2  }
0x137: {  	s2 =	sadd.s32 s31, s3;
	p0 =	sne.s32 s13, $0x0  }
0x138: {  	s3 =	sshrl.u32 @!p0 s2, $0x3  }
0x139: {  	s16 =	simm.s32 @!p0 $0x0;
	s15 =	sadd.s32 @!p0 s5, s3  }
0x13a: {  	[tilespmem:s16], [sflag:$0x2] =	stream.linear.gather @!p0 [hbm4b:s15+s16], $0x7D0, $0x38;
	[tilespmem:$0x1FA80] =	vst v63  }
0x13b: {  	s15 =	simm.s32 @!p0 $0x2  }
0x13c: {  	_ =	swait.ge @!p0 [sflag:s15], $0x7D0  }
0x13d: {  	[sflag:s15] =	ssyncset.done @!p0 $0x0  }
0x13e: {  	s29 =	simm.s32 @!p0 $0x800;
	s3 =	sadd.s32 @!p0 s6, s3;
	[sflag:s15] =	ssyncadd.s32 @!p0 $0xFFFFF830  }
0x13f: {  	[tilespmem:s29], [sflag:$0x2] =	stream.linear.gather @!p0 [hbm4b:s3+s16], $0x7D0, $0x38;
	[tilespmem:$0x1FA80] =	vst v63  }
0x140: {  	_ =	swait.ge @!p0 [sflag:s15], $0x7D0  }
0x141: {  	s16 =	smul.u32 $0x50, s13;
	[sflag:s15] =	ssyncset.done @!p0 $0x0  }
0x142: {  	[sflag:s15] =	ssyncadd.s32 @!p0 $0xFFFFF830  }
0x143: {  	v21 =	vld [tilespmem:s16+$0x0];
	_ =	sdelay $0x4  }
0x144: {  	[tilespmem:$0x1000] =	vst v21;
	v21 =	vadd.s32 v0, v21  }
0x145: {  	[tilespmem:$0x1080] =	vst v21  }
0x146: {  	v21 =	vld [tilespmem:s16+$0x800];
	_ =	sdelay $0x4  }
0x147: {  	v21 =	vadd.s32 v0, v21  }
0x148: {  	[tilespmem:$0x1100] =	vst v21  }
0x149: {  	v21 =	vld [tilespmem:s16+$0x10];
	_ =	sdelay $0x4  }
0x14a: {  	[tilespmem:$0x1010] =	vst v21;
	v21 =	vadd.s32 v0, v21  }
0x14b: {  	[tilespmem:$0x1090] =	vst v21  }
0x14c: {  	v21 =	vld [tilespmem:s16+$0x810];
	_ =	sdelay $0x4  }
0x14d: {  	v21 =	vadd.s32 v0, v21  }
0x14e: {  	[tilespmem:$0x1110] =	vst v21  }
0x14f: {  	v21 =	vld [tilespmem:s16+$0x20];
	_ =	sdelay $0x4  }
0x150: {  	[tilespmem:$0x1020] =	vst v21;
	v21 =	vadd.s32 v0, v21  }
0x151: {  	[tilespmem:$0x10A0] =	vst v21  }
0x152: {  	v21 =	vld [tilespmem:s16+$0x820];
	_ =	sdelay $0x4  }
0x153: {  	v21 =	vadd.s32 v0, v21  }
0x154: {  	[tilespmem:$0x1120] =	vst v21  }
0x155: {  	v21 =	vld [tilespmem:s16+$0x30];
	_ =	sdelay $0x4  }
0x156: {  	[tilespmem:$0x1030] =	vst v21;
	v21 =	vadd.s32 v0, v21  }
0x157: {  	[tilespmem:$0x10B0] =	vst v21  }
0x158: {  	v21 =	vld [tilespmem:s16+$0x830];
	_ =	sdelay $0x4  }
0x159: {  	v21 =	vadd.s32 v0, v21  }
0x15a: {  	[tilespmem:$0x1130] =	vst v21  }
0x15b: {  	v21 =	vld [tilespmem:s16+$0x40];
	_ =	sdelay $0x4  }
0x15c: {  	[tilespmem:$0x1040] =	vst v21;
	v21 =	vadd.s32 v0, v21  }
0x15d: {  	[tilespmem:$0x10C0] =	vst v21  }
0x15e: {  	v21 =	vld [tilespmem:s16+$0x840];
	_ =	sdelay $0x4  }
0x15f: {  	v21 =	vadd.s32 v0, v21  }
0x160: {  	s17 =	simm.s32 $0x1080;
	[tilespmem:$0x1140] =	vst v21  }
0x161: {  	[tilespmem:s14], [sflag:$0x1] =	stream.indirect.gather [hbm4b:s7+s12], $0x80, s17, s12, $0xb8;
	[tilespmem:$0x1FA80] =	vst v63  }
0x162: {  	v21 =	vld [tilespmem:$0x1100];
	_ =	sdelay $0x4  }
0x163: {  	v22 =	vshll.u32 v21, $0x1  }
0x164: {  	v21 =	vand.u32 $0x7, v21;
	v22 =	vand.u32 $0xFFFFFFF0, v22  }
0x165: {  	v21 =	vor.u32 v21, v22  }
0x166: {  	v22 =	vperm.xlane v21, v2;
	_ =	sdelay $0x1  }
0x167: {  	v21 =	vperm.xlane v21, v4;
	v22 =	vadd.s32 v3, v22;
	_ =	sdelay $0x1  }
0x168: {  	v21 =	vadd.s32 v3, v21;
	_ =	sdelay $0x1  }
0x169: {  	s13 =	simm.s32 $0x3980  }
0x16a: {  	[tilespmem:s13], [sflag:$0x1] =	stream.indirect_vreg.gather [hbm4b:s8+s30], $0x80, v22, vm0, $0xb8;
	[tilespmem:$0x1FA80] =	vst v63  }
0x16b: {  	s15 =	simm.s32 $0x4180  }
0x16c: {  	[tilespmem:s15], [sflag:$0x1] =	stream.indirect_vreg.gather [hbm4b:s8+s30], $0x80, v21, vm0, $0xb8;
	[tilespmem:$0x1FA80] =	vst v63  }
0x16d: {  	v21 =	vld [tilespmem:$0x1110];
	_ =	sdelay $0x4  }
0x16e: {  	v22 =	vshll.u32 v21, $0x1  }
0x16f: {  	v21 =	vand.u32 $0x7, v21;
	v22 =	vand.u32 $0xFFFFFFF0, v22  }
0x170: {  	v21 =	vor.u32 v21, v22  }
0x171: {  	v22 =	vperm.xlane v21, v2;
	_ =	sdelay $0x1  }
0x172: {  	v21 =	vperm.xlane v21, v4;
	v22 =	vadd.s32 v3, v22;
	_ =	sdelay $0x1  }
0x173: {  	v21 =	vadd.s32 v3, v21;
	_ =	sdelay $0x1  }
0x174: {  	s16 =	simm.s32 $0x4980  }
0x175: {  	[tilespmem:s16], [sflag:$0x1] =	stream.indirect_vreg.gather [hbm4b:s8+s30], $0x80, v22, vm0, $0xb8;
	[tilespmem:$0x1FA80] =	vst v63  }
0x176: {  	_ = 	snop  }
0x177: {  	[tilespmem:s18], [sflag:$0x1] =	stream.indirect_vreg.gather [hbm4b:s8+s30], $0x80, v21, vm0, $0xb8;
	[tilespmem:$0x1FA80] =	vst v63  }
0x178: {  	v21 =	vld [tilespmem:$0x1120];
	_ =	sdelay $0x4  }
0x179: {  	v22 =	vshll.u32 v21, $0x1  }
0x17a: {  	v21 =	vand.u32 $0x7, v21;
	v22 =	vand.u32 $0xFFFFFFF0, v22  }
0x17b: {  	v21 =	vor.u32 v21, v22  }
0x17c: {  	v22 =	vperm.xlane v21, v2;
	_ =	sdelay $0x1  }
0x17d: {  	v21 =	vperm.xlane v21, v4;
	v22 =	vadd.s32 v3, v22;
	_ =	sdelay $0x1  }
0x17e: {  	v21 =	vadd.s32 v3, v21;
	_ =	sdelay $0x2  }
0x17f: {  	[tilespmem:s19], [sflag:$0x1] =	stream.indirect_vreg.gather [hbm4b:s8+s30], $0x80, v22, vm0, $0xb8;
	[tilespmem:$0x1FA80] =	vst v63  }
0x180: {  	_ = 	snop  }
0x181: {  	[tilespmem:s20], [sflag:$0x1] =	stream.indirect_vreg.gather [hbm4b:s8+s30], $0x80, v21, vm0, $0xb8;
	[tilespmem:$0x1FA80] =	vst v63  }
0x182: {  	v21 =	vld [tilespmem:$0x1130];
	_ =	sdelay $0x4  }
0x183: {  	v22 =	vshll.u32 v21, $0x1  }
0x184: {  	v21 =	vand.u32 $0x7, v21;
	v22 =	vand.u32 $0xFFFFFFF0, v22  }
0x185: {  	v21 =	vor.u32 v21, v22  }
0x186: {  	v22 =	vperm.xlane v21, v2;
	_ =	sdelay $0x1  }
0x187: {  	v21 =	vperm.xlane v21, v4;
	v22 =	vadd.s32 v3, v22;
	_ =	sdelay $0x1  }
0x188: {  	v21 =	vadd.s32 v3, v21;
	_ =	sdelay $0x2  }
0x189: {  	[tilespmem:s21], [sflag:$0x1] =	stream.indirect_vreg.gather [hbm4b:s8+s30], $0x80, v22, vm0, $0xb8;
	[tilespmem:$0x1FA80] =	vst v63  }
0x18a: {  	_ = 	snop  }
0x18b: {  	[tilespmem:s22], [sflag:$0x1] =	stream.indirect_vreg.gather [hbm4b:s8+s30], $0x80, v21, vm0, $0xb8;
	[tilespmem:$0x1FA80] =	vst v63  }
0x18c: {  	v21 =	vld [tilespmem:$0x1140];
	_ =	sdelay $0x4  }
0x18d: {  	v22 =	vshll.u32 v21, $0x1  }
0x18e: {  	v21 =	vand.u32 $0x7, v21;
	v22 =	vand.u32 $0xFFFFFFF0, v22  }
0x18f: {  	v21 =	vor.u32 v21, v22  }
0x190: {  	v22 =	vperm.xlane v21, v2;
	_ =	sdelay $0x1  }
0x191: {  	v21 =	vperm.xlane v21, v4;
	v22 =	vadd.s32 v3, v22;
	_ =	sdelay $0x1  }
0x192: {  	v21 =	vadd.s32 v3, v21;
	_ =	sdelay $0x1  }
0x193: {  	s2 =	sadd.s32 s11, s2  }
0x194: {  	[tilespmem:s23], [sflag:$0x1] =	stream.indirect_vreg.gather [hbm4b:s8+s30], $0x80, v22, vm0, $0xb8;
	[tilespmem:$0x1FA80] =	vst v63  }
0x195: {  	s29 =	sshll.u32 s2, $0x4;
	s17 =	rddreg [dreg:$0x1]  }
0x196: {  	[tilespmem:s24], [sflag:$0x1] =	stream.indirect_vreg.gather [hbm4b:s8+s30], $0x80, v21, vm0, $0xb8;
	[tilespmem:$0x1FA80] =	vst v63  }
0x197: {  	s2 =	sadd.s32 s17, s29  }
0x198: {  	[tilespmem:s25], [sflag:$0x1] =	stream.linear.gather [hbm4b:s2+s30], $0x2800, $0x38;
	[tilespmem:$0x1FA80] =	vst v63  }
0x199: {  	_ =	swait.ge [sflag:s26], $0x2800  }
0x19a: {  	[sflag:s26] =	ssyncset.done $0x0  }
0x19b: {  	[sflag:s26] =	ssyncadd.s32 $0xFFFFD800  }
0x19c: {  	_ =	swait.ge [sflag:s26], $0x5000  }
0x19d: {  	[sflag:s26] =	ssyncset.done $0x0  }
0x19e: {  	[sflag:s26] =	ssyncadd.s32 $0xFFFFB000  }
0x19f: {  	_ =	swait.ge [sflag:s26], $0x2800  }
0x1a0: {  	s3 =	simm.s32 $0x89C0;
	s13 =	simm.s32 $0x0;
	[sflag:s26] =	ssyncset.done $0x0  }
0x1a1: {  	s15 =	simm.s32 $0x0;
	s2 =	simm.s32 $0x11C0;
	[sflag:s26] =	ssyncadd.s32 $0xFFFFD800  }
.LBB2_5:
0x1a2: {  	s16 =	sand.u32 $0x7800, s13;
	s17 =	sand.u32 $0x380, s15  }
0x1a3: {  	v21 =	vld [tilespmem:s2+$0xFFFFFFC0];
	s16 =	sor.u32 s17, s16  }
0x1a4: {  	v22 =	vld [tilespmem:s16+$0x3980];
	_ =	sdelay $0x1  }
0x1a5: {  	v23 =	vld [tilespmem:s3+$0xFFFFFFC0];
	_ =	sdelay $0x2  }
0x1a6: {  	v21 =	vadd.f32 v22, v21;
	_ =	sdelay $0x1  }
0x1a7: {  	v21 =	vadd.f32 v23, v21;
	_ =	sdelay $0x1  }
0x1a8: {  	v22 =	vsub.f32 $0.0e+00, v21;
	_ =	sdelay $0x1  }
0x1a9: {  	v22 =	vmul.f32 $1.442695020e+00, v22;
	_ =	sdelay $0x1  }
0x1aa: {  	(erf) = vpow2.f32 v22;
	_ =	sdelay $0x8  }
0x1ab: {  	v22 =	vpop (erf)  }
0x1ac: {  	v22 =	vadd.f32 $1.000000000e+00, v22;
	_ =	sdelay $0x1  }
0x1ad: {  	(erf) = vrcp.f32 v22;
	_ =	sdelay $0x3  }
0x1ae: {  	[tilespmem:s3+$0xFFFFFFC0] =	vst v21  }
0x1af: {  	v22 =	vld [tilespmem:s16+$0x3D80];
	_ =	sdelay $0x3  }
0x1b0: {  	v23 =	vpop (erf)  }
0x1b1: {  	v22 =	vmul.f32 v23, v22;
	_ =	sdelay $0x1  }
0x1b2: {  	[tilespmem:s2+$0xFFFFFFC0] =	vst v22;
	v22 =	vld [tilespmem:s2+$0xFFFFFFD0]  }
0x1b3: {  	v23 =	vld [tilespmem:s16+$0x3990];
	_ =	sdelay $0x1  }
0x1b4: {  	v24 =	vld [tilespmem:s3+$0xFFFFFFD0];
	_ =	sdelay $0x2  }
0x1b5: {  	v22 =	vadd.f32 v23, v22;
	_ =	sdelay $0x1  }
0x1b6: {  	v22 =	vadd.f32 v24, v22;
	_ =	sdelay $0x1  }
0x1b7: {  	v23 =	vsub.f32 $0.0e+00, v22;
	_ =	sdelay $0x1  }
0x1b8: {  	v23 =	vmul.f32 $1.442695020e+00, v23;
	_ =	sdelay $0x1  }
0x1b9: {  	(erf) = vpow2.f32 v23;
	_ =	sdelay $0x8  }
0x1ba: {  	v23 =	vpop (erf)  }
0x1bb: {  	v23 =	vadd.f32 $1.000000000e+00, v23;
	_ =	sdelay $0x1  }
0x1bc: {  	(erf) = vrcp.f32 v23;
	_ =	sdelay $0x3  }
0x1bd: {  	[tilespmem:s3+$0xFFFFFFD0] =	vst v22  }
0x1be: {  	v23 =	vld [tilespmem:s16+$0x3D90];
	_ =	sdelay $0x3  }
0x1bf: {  	v34 =	vpop (erf)  }
0x1c0: {  	v23 =	vmul.f32 v34, v23;
	_ =	sdelay $0x1  }
0x1c1: {  	[tilespmem:s2+$0xFFFFFFD0] =	vst v23;
	v23 =	vld [tilespmem:s2+$0xFFFFFFE0]  }
0x1c2: {  	v35 =	vld [tilespmem:s16+$0x39A0];
	_ =	sdelay $0x1  }
0x1c3: {  	v25 =	vld [tilespmem:s3+$0xFFFFFFE0];
	_ =	sdelay $0x2  }
0x1c4: {  	v23 =	vadd.f32 v35, v23;
	_ =	sdelay $0x1  }
0x1c5: {  	v23 =	vadd.f32 v25, v23;
	_ =	sdelay $0x1  }
0x1c6: {  	v36 =	vsub.f32 $0.0e+00, v23;
	_ =	sdelay $0x1  }
0x1c7: {  	v24 =	vmul.f32 $1.442695020e+00, v36;
	_ =	sdelay $0x1  }
0x1c8: {  	(erf) = vpow2.f32 v24;
	_ =	sdelay $0x8  }
0x1c9: {  	v24 =	vpop (erf)  }
0x1ca: {  	v24 =	vadd.f32 $1.000000000e+00, v24;
	_ =	sdelay $0x1  }
0x1cb: {  	(erf) = vrcp.f32 v24;
	_ =	sdelay $0x3  }
0x1cc: {  	[tilespmem:s3+$0xFFFFFFE0] =	vst v23  }
0x1cd: {  	v37 =	vld [tilespmem:s16+$0x3DA0];
	_ =	sdelay $0x3  }
0x1ce: {  	v38 =	vpop (erf)  }
0x1cf: {  	v24 =	vmul.f32 v38, v37;
	_ =	sdelay $0x1  }
0x1d0: {  	v39 =	vld [tilespmem:s2+$0xFFFFFFF0];
	[tilespmem:s2+$0xFFFFFFE0] =	vst v24  }
0x1d1: {  	v40 =	vld [tilespmem:s16+$0x39B0];
	_ =	sdelay $0x1  }
0x1d2: {  	v26 =	vld [tilespmem:s3+$0xFFFFFFF0];
	_ =	sdelay $0x2  }
0x1d3: {  	v24 =	vadd.f32 v40, v39;
	_ =	sdelay $0x1  }
0x1d4: {  	v24 =	vadd.f32 v26, v24;
	_ =	sdelay $0x1  }
0x1d5: {  	v41 =	vsub.f32 $0.0e+00, v24;
	_ =	sdelay $0x1  }
0x1d6: {  	v25 =	vmul.f32 $1.442695020e+00, v41;
	_ =	sdelay $0x1  }
0x1d7: {  	(erf) = vpow2.f32 v25;
	_ =	sdelay $0x8  }
0x1d8: {  	v25 =	vpop (erf)  }
0x1d9: {  	v25 =	vadd.f32 $1.000000000e+00, v25;
	_ =	sdelay $0x1  }
0x1da: {  	(erf) = vrcp.f32 v25;
	_ =	sdelay $0x3  }
0x1db: {  	[tilespmem:s3+$0xFFFFFFF0] =	vst v24  }
0x1dc: {  	v42 =	vld [tilespmem:s16+$0x3DB0];
	_ =	sdelay $0x3  }
0x1dd: {  	v43 =	vpop (erf)  }
0x1de: {  	v25 =	vmul.f32 v43, v42;
	_ =	sdelay $0x1  }
0x1df: {  	v44 =	vld [tilespmem:s2+$0x0];
	[tilespmem:s2+$0xFFFFFFF0] =	vst v25  }
0x1e0: {  	v45 =	vld [tilespmem:s16+$0x39C0];
	_ =	sdelay $0x1  }
0x1e1: {  	v27 =	vld [tilespmem:s3+$0x0];
	_ =	sdelay $0x2  }
0x1e2: {  	v25 =	vadd.f32 v45, v44;
	_ =	sdelay $0x1  }
0x1e3: {  	v25 =	vadd.f32 v27, v25;
	_ =	sdelay $0x1  }
0x1e4: {  	v46 =	vsub.f32 $0.0e+00, v25;
	_ =	sdelay $0x1  }
0x1e5: {  	v26 =	vmul.f32 $1.442695020e+00, v46;
	_ =	sdelay $0x1  }
0x1e6: {  	(erf) = vpow2.f32 v26;
	_ =	sdelay $0x8  }
0x1e7: {  	v26 =	vpop (erf)  }
0x1e8: {  	v26 =	vadd.f32 $1.000000000e+00, v26;
	_ =	sdelay $0x1  }
0x1e9: {  	(erf) = vrcp.f32 v26;
	_ =	sdelay $0x3  }
0x1ea: {  	[tilespmem:s3+$0x0] =	vst v25  }
0x1eb: {  	v47 =	vld [tilespmem:s16+$0x3DC0];
	_ =	sdelay $0x3  }
0x1ec: {  	v48 =	vpop (erf)  }
0x1ed: {  	v26 =	vmul.f32 v48, v47;
	_ =	sdelay $0x1  }
0x1ee: {  	v49 =	vld [tilespmem:s2+$0x10];
	[tilespmem:s2+$0x0] =	vst v26  }
0x1ef: {  	v50 =	vld [tilespmem:s16+$0x39D0];
	_ =	sdelay $0x1  }
0x1f0: {  	v28 =	vld [tilespmem:s3+$0x10];
	_ =	sdelay $0x2  }
0x1f1: {  	v26 =	vadd.f32 v50, v49;
	_ =	sdelay $0x1  }
0x1f2: {  	v26 =	vadd.f32 v28, v26;
	_ =	sdelay $0x1  }
0x1f3: {  	v51 =	vsub.f32 $0.0e+00, v26;
	_ =	sdelay $0x1  }
0x1f4: {  	v27 =	vmul.f32 $1.442695020e+00, v51;
	_ =	sdelay $0x1  }
0x1f5: {  	(erf) = vpow2.f32 v27;
	_ =	sdelay $0x8  }
0x1f6: {  	v27 =	vpop (erf)  }
0x1f7: {  	v27 =	vadd.f32 $1.000000000e+00, v27;
	_ =	sdelay $0x1  }
0x1f8: {  	(erf) = vrcp.f32 v27;
	_ =	sdelay $0x3  }
0x1f9: {  	[tilespmem:s3+$0x10] =	vst v26  }
0x1fa: {  	v52 =	vld [tilespmem:s16+$0x3DD0];
	_ =	sdelay $0x3  }
0x1fb: {  	v53 =	vpop (erf)  }
0x1fc: {  	v27 =	vmul.f32 v53, v52;
	_ =	sdelay $0x1  }
0x1fd: {  	v54 =	vld [tilespmem:s2+$0x20];
	[tilespmem:s2+$0x10] =	vst v27  }
0x1fe: {  	v55 =	vld [tilespmem:s16+$0x39E0];
	_ =	sdelay $0x1  }
0x1ff: {  	v29 =	vld [tilespmem:s3+$0x20];
	_ =	sdelay $0x2  }
0x200: {  	v27 =	vadd.f32 v55, v54;
	_ =	sdelay $0x1  }
0x201: {  	v27 =	vadd.f32 v29, v27;
	_ =	sdelay $0x1  }
0x202: {  	v56 =	vsub.f32 $0.0e+00, v27;
	_ =	sdelay $0x1  }
0x203: {  	v28 =	vmul.f32 $1.442695020e+00, v56;
	_ =	sdelay $0x1  }
0x204: {  	(erf) = vpow2.f32 v28;
	_ =	sdelay $0x8  }
0x205: {  	v28 =	vpop (erf)  }
0x206: {  	v28 =	vadd.f32 $1.000000000e+00, v28;
	_ =	sdelay $0x1  }
0x207: {  	(erf) = vrcp.f32 v28;
	_ =	sdelay $0x3  }
0x208: {  	[tilespmem:s3+$0x20] =	vst v27  }
0x209: {  	v57 =	vld [tilespmem:s16+$0x3DE0];
	_ =	sdelay $0x3  }
0x20a: {  	v58 =	vpop (erf)  }
0x20b: {  	v28 =	vmul.f32 v58, v57;
	_ =	sdelay $0x1  }
0x20c: {  	v59 =	vld [tilespmem:s2+$0x30];
	[tilespmem:s2+$0x20] =	vst v28  }
0x20d: {  	v60 =	vld [tilespmem:s16+$0x39F0];
	_ =	sdelay $0x1  }
0x20e: {  	v30 =	vld [tilespmem:s3+$0x30];
	_ =	sdelay $0x2  }
0x20f: {  	v28 =	vadd.f32 v60, v59;
	_ =	sdelay $0x1  }
0x210: {  	v28 =	vadd.f32 v30, v28;
	_ =	sdelay $0x1  }
0x211: {  	v61 =	vsub.f32 $0.0e+00, v28;
	_ =	sdelay $0x1  }
0x212: {  	v29 =	vmul.f32 $1.442695020e+00, v61;
	_ =	sdelay $0x1  }
0x213: {  	(erf) = vpow2.f32 v29;
	_ =	sdelay $0x8  }
0x214: {  	v29 =	vpop (erf)  }
0x215: {  	v29 =	vadd.f32 $1.000000000e+00, v29;
	_ =	sdelay $0x1  }
0x216: {  	(erf) = vrcp.f32 v29;
	_ =	sdelay $0x2  }
0x217: {  	v62 =	vmul.f32 v21, v21;
	v20 =	vadd.f32 v21, v20;
	v21 =	vmul.f32 v22, v22  }
0x218: {  	v19 =	vadd.f32 v22, v19;
	v22 =	vmul.f32 v23, v23;
	[tilespmem:s3+$0x30] =	vst v28  }
0x219: {  	v16 =	vadd.f32 v62, v16;
	v14 =	vadd.f32 v21, v14;
	v21 =	vmul.f32 v24, v24;
	v63 =	vld [tilespmem:s16+$0x3DF0]  }
0x21a: {  	v18 =	vadd.f32 v23, v18;
	v12 =	vadd.f32 v22, v12  }
0x21b: {  	p0 =	sne.s32 s15, $0x2780;
	v10 =	vadd.f32 v21, v10;
	v22 =	vmul.f32 v25, v25;
	v21 =	vmul.f32 v26, v26  }
.Ltmp1:
0x21c: {  	v17 =	vadd.f32 v24, v17;
	v15 =	vadd.f32 v25, v15;
	(pc) =	sbr.rel @p0 .LBB2_5-.Ltmp1, $4  }
0x21d: {  	v8 =	vadd.f32 v22, v8;
	v7 =	vadd.f32 v21, v7;
	v21 =	vmul.f32 v28, v28;
	v23 =	vpop (erf)  }
0x21e: {  	v13 =	vadd.f32 v26, v13;
	v22 =	vmul.f32 v23, v63;
	v23 =	vmul.f32 v27, v27  }
0x21f: {  	s13 =	sadd.s32 $0x100, s13;
	v11 =	vadd.f32 v27, v11;
	v9 =	vadd.f32 v28, v9  }
0x220: {  	s15 =	sadd.s32 $0x80, s15;
	s3 =	sadd.s32 $0x80, s3;
	v5 =	vadd.f32 v21, v5;
	v6 =	vadd.f32 v23, v6;
	[tilespmem:s2+$0x30] =	vst v22;
	s2 =	sadd.s32 $0x80, s2  }
0x221: {  	s2 =	sadd.s32 s9, s29  }
0x222: {  	[hbm4b:s2+s4] =	stream.linear.scatter [tilespmem:s25], [sflag:$0x2], $0x2800, $0x38;
	[tilespmem:$0x1FA80] =	vst v63  }
0x223: {  	_ =	swait.ge [sflag:s1], $0x2800  }
0x224: {  	s10 =	sadd.s32 $0x1, s10;
	[sflag:s1] =	ssyncset.done $0x0  }
0x225: {  	p0 =	sne.s32 s10, $0x7D;
	[sflag:s1] =	ssyncadd.s32 $0xFFFFD800  }
.Ltmp2:
0x226: {  	s29 =	rddreg [dreg:$0x2];
	(pc) =	sbr.rel @p0 .LBB2_4-.Ltmp2, $4  }
0x227: {  	[spmem:s29] =	stream.indirect.scatter.add.f32 [tilespmem:s14], [sflag:$0x2], $0x80, s28, s12, $0xb8;
	[tilespmem:$0x1FA80] =	vst v63  }
0x228: {  	_ =	swait.ge [sflag:s1], $0x2800  }
0x229: {  	[sflag:s1] =	ssyncset.done $0x0  }
0x22a: {  	[sflag:s1] =	ssyncadd.s32 $0xFFFFD800  }
0x22b: {  	[tilespmem:$0xB180] =	vst v20  }
0x22c: {  	[tilespmem:$0xB200] =	vst v16  }
0x22d: {  	[tilespmem:$0xB190] =	vst v19  }
0x22e: {  	[tilespmem:$0xB210] =	vst v14  }
0x22f: {  	[tilespmem:$0xB1A0] =	vst v18  }
0x230: {  	[tilespmem:$0xB220] =	vst v12  }
0x231: {  	[tilespmem:$0xB1B0] =	vst v17  }
0x232: {  	[tilespmem:$0xB230] =	vst v10  }
0x233: {  	[tilespmem:$0xB1C0] =	vst v15  }
0x234: {  	[tilespmem:$0xB240] =	vst v8  }
0x235: {  	[tilespmem:$0xB1D0] =	vst v13  }
0x236: {  	[tilespmem:$0xB250] =	vst v7  }
0x237: {  	[tilespmem:$0xB1E0] =	vst v11  }
0x238: {  	[tilespmem:$0xB260] =	vst v6  }
0x239: {  	[tilespmem:$0xB1F0] =	vst v9  }
0x23a: {  	[tilespmem:$0xB270] =	vst v5;
	s2 =	rddreg [dreg:$0x5];
	s3 =	simm.s32 $0xB180  }
0x23b: {  	[hbm4b:s2+s4] =	stream.linear.scatter [tilespmem:s3], [sflag:$0x2], $0x100, $0x38;
	[tilespmem:$0x1FA80] =	vst v63  }
0x23c: {  	_ =	swait.ge [sflag:s1], $0x100  }
0x23d: {  	[sflag:s1] =	ssyncset.done $0x0  }
0x23e: {  	[sflag:s1] =	ssyncadd.s32 $0xFFFFFF00  }
0x23f: {  	[bflag:$0x0] =	sbarrier.arrive $0xFFFF  }
0x240: {  	s10 =	rddreg [dreg:$0x4]  }
0x241: {  	[tilespmem:s0], [sflag:$0x2] =	stream.linear.gather [spmem:s10], $0x800, $0x38;
	[tilespmem:$0x1FA80] =	vst v63  }
0x242: {  	_ =	swait.ge [sflag:s1], $0x800  }
0x243: {  	[sflag:s1] =	ssyncset.done $0x0  }
0x244: {  	s13 =	rddreg [dreg:$0x6];
	[sflag:s1] =	ssyncadd.s32 $0xFFFFF800  }
0x245: {  	[hbm4b:s13+s4] =	stream.linear.scatter [tilespmem:s0], [sflag:$0x2], $0x800, $0x38;
	[tilespmem:$0x1FA80] =	vst v63  }
0x246: {  	_ =	swait.ge [sflag:s1], $0x800  }
0x247: {  	s13 =	sld [smem:$0x7F8]  }
0x248: {  	[sflag:s1] =	ssyncset.done $0x0  }
0x249: {  	[sflag:s1] =	ssyncadd.s32 $0xFFFFF800  }
0x24a: {  	[tilespmem:s0], [sflag:$0x2] =	stream.linear.gather [spmem:s13], $0x800, $0x38;
	[tilespmem:$0x1FA80] =	vst v63  }
0x24b: {  	_ =	swait.ge [sflag:s1], $0x800  }
0x24c: {  	[sflag:s1] =	ssyncset.done $0x0  }
0x24d: {  	s15 =	rddreg [dreg:$0x7];
	[sflag:s1] =	ssyncadd.s32 $0xFFFFF800  }
0x24e: {  	[hbm4b:s15+s4] =	stream.linear.scatter [tilespmem:s0], [sflag:$0x2], $0x800, $0x38;
	[tilespmem:$0x1FA80] =	vst v63  }
0x24f: {  	_ =	swait.ge [sflag:s1], $0x800  }
0x250: {  	s15 =	sld [smem:$0x7F9]  }
0x251: {  	[sflag:s1] =	ssyncset.done $0x0  }
0x252: {  	[sflag:s1] =	ssyncadd.s32 $0xFFFFF800  }
0x253: {  	[tilespmem:s0], [sflag:$0x2] =	stream.linear.gather [spmem:s15], $0x800, $0x38;
	[tilespmem:$0x1FA80] =	vst v63  }
0x254: {  	_ =	swait.ge [sflag:s1], $0x800  }
0x255: {  	[sflag:s1] =	ssyncset.done $0x0  }
0x256: {  	s16 =	rddreg [dreg:$0x8];
	[sflag:s1] =	ssyncadd.s32 $0xFFFFF800  }
0x257: {  	[hbm4b:s16+s4] =	stream.linear.scatter [tilespmem:s0], [sflag:$0x2], $0x800, $0x38;
	[tilespmem:$0x1FA80] =	vst v63  }
0x258: {  	_ =	swait.ge [sflag:s1], $0x800  }
0x259: {  	s16 =	sld [smem:$0x7FA]  }
0x25a: {  	[sflag:s1] =	ssyncset.done $0x0  }
0x25b: {  	[sflag:s1] =	ssyncadd.s32 $0xFFFFF800  }
0x25c: {  	[tilespmem:s0], [sflag:$0x2] =	stream.linear.gather [spmem:s16], $0x800, $0x38;
	[tilespmem:$0x1FA80] =	vst v63  }
0x25d: {  	_ =	swait.ge [sflag:s1], $0x800  }
0x25e: {  	[sflag:s1] =	ssyncset.done $0x0  }
0x25f: {  	s17 =	rddreg [dreg:$0x9];
	[sflag:s1] =	ssyncadd.s32 $0xFFFFF800  }
0x260: {  	[hbm4b:s17+s4] =	stream.linear.scatter [tilespmem:s0], [sflag:$0x2], $0x800, $0x38;
	[tilespmem:$0x1FA80] =	vst v63  }
0x261: {  	_ =	swait.ge [sflag:s1], $0x800  }
0x262: {  	s17 =	sld [smem:$0x7FB]  }
0x263: {  	[sflag:s1] =	ssyncset.done $0x0  }
0x264: {  	[sflag:s1] =	ssyncadd.s32 $0xFFFFF800  }
0x265: {  	[tilespmem:s0], [sflag:$0x2] =	stream.linear.gather [spmem:s17], $0x800, $0x38;
	[tilespmem:$0x1FA80] =	vst v63  }
0x266: {  	_ =	swait.ge [sflag:s1], $0x800  }
0x267: {  	[sflag:s1] =	ssyncset.done $0x0  }
0x268: {  	s3 =	rddreg [dreg:$0xa];
	[sflag:s1] =	ssyncadd.s32 $0xFFFFF800  }
0x269: {  	[hbm4b:s3+s4] =	stream.linear.scatter [tilespmem:s0], [sflag:$0x2], $0x800, $0x38;
	[tilespmem:$0x1FA80] =	vst v63  }
0x26a: {  	_ =	swait.ge [sflag:s1], $0x800  }
0x26b: {  	s29 =	sld [smem:$0x7FC]  }
0x26c: {  	[sflag:s1] =	ssyncset.done $0x0  }
0x26d: {  	[sflag:s1] =	ssyncadd.s32 $0xFFFFF800  }
0x26e: {  	[tilespmem:s0], [sflag:$0x2] =	stream.linear.gather [spmem:s29], $0x800, $0x38;
	[tilespmem:$0x1FA80] =	vst v63  }
0x26f: {  	_ =	swait.ge [sflag:s1], $0x800  }
0x270: {  	[sflag:s1] =	ssyncset.done $0x0  }
0x271: {  	s3 =	rddreg [dreg:$0xb];
	[sflag:s1] =	ssyncadd.s32 $0xFFFFF800  }
0x272: {  	[hbm4b:s3+s4] =	stream.linear.scatter [tilespmem:s0], [sflag:$0x2], $0x800, $0x38;
	[tilespmem:$0x1FA80] =	vst v63  }
0x273: {  	_ =	swait.ge [sflag:s1], $0x800  }
0x274: {  	s30 =	sld [smem:$0x7FD]  }
0x275: {  	[sflag:s1] =	ssyncset.done $0x0  }
0x276: {  	[sflag:s1] =	ssyncadd.s32 $0xFFFFF800  }
0x277: {  	[tilespmem:s0], [sflag:$0x2] =	stream.linear.gather [spmem:s30], $0x800, $0x38;
	[tilespmem:$0x1FA80] =	vst v63  }
0x278: {  	_ =	swait.ge [sflag:s1], $0x800  }
0x279: {  	[sflag:s1] =	ssyncset.done $0x0  }
0x27a: {  	s3 =	rddreg [dreg:$0xc];
	[sflag:s1] =	ssyncadd.s32 $0xFFFFF800  }
0x27b: {  	[hbm4b:s3+s4] =	stream.linear.scatter [tilespmem:s0], [sflag:$0x2], $0x800, $0x38;
	[tilespmem:$0x1FA80] =	vst v63  }
0x27c: {  	_ =	swait.ge [sflag:s1], $0x800  }
0x27d: {  	s3 =	sld [smem:$0x7D7]  }
0x27e: {  	[sflag:s1] =	ssyncset.done $0x0  }
0x27f: {  	[sflag:s1] =	ssyncadd.s32 $0xFFFFF800  }
0x280: {  	[tilespmem:s0], [sflag:$0x2] =	stream.linear.gather [spmem:s3], $0x800, $0x38;
	[tilespmem:$0x1FA80] =	vst v63  }
0x281: {  	_ =	swait.ge [sflag:s1], $0x800  }
0x282: {  	[sflag:s1] =	ssyncset.done $0x0  }
0x283: {  	s3 =	rddreg [dreg:$0xd];
	[sflag:s1] =	ssyncadd.s32 $0xFFFFF800  }
0x284: {  	[hbm4b:s3+s4] =	stream.linear.scatter [tilespmem:s0], [sflag:$0x2], $0x800, $0x38;
	[tilespmem:$0x1FA80] =	vst v63  }
0x285: {  	_ =	swait.ge [sflag:s1], $0x800  }
0x286: {  	s3 =	sld [smem:$0x7D8]  }
0x287: {  	[sflag:s1] =	ssyncset.done $0x0  }
0x288: {  	[sflag:s1] =	ssyncadd.s32 $0xFFFFF800  }
0x289: {  	[tilespmem:s0], [sflag:$0x2] =	stream.linear.gather [spmem:s3], $0x800, $0x38;
	[tilespmem:$0x1FA80] =	vst v63  }
0x28a: {  	_ =	swait.ge [sflag:s1], $0x800  }
0x28b: {  	[sflag:s1] =	ssyncset.done $0x0  }
0x28c: {  	s3 =	rddreg [dreg:$0xe];
	[sflag:s1] =	ssyncadd.s32 $0xFFFFF800  }
0x28d: {  	[hbm4b:s3+s4] =	stream.linear.scatter [tilespmem:s0], [sflag:$0x2], $0x800, $0x38;
	[tilespmem:$0x1FA80] =	vst v63  }
0x28e: {  	_ =	swait.ge [sflag:s1], $0x800  }
0x28f: {  	s3 =	sld [smem:$0x7D9]  }
0x290: {  	[sflag:s1] =	ssyncset.done $0x0  }
0x291: {  	[sflag:s1] =	ssyncadd.s32 $0xFFFFF800  }
0x292: {  	[tilespmem:s0], [sflag:$0x2] =	stream.linear.gather [spmem:s3], $0x800, $0x38;
	[tilespmem:$0x1FA80] =	vst v63  }
0x293: {  	_ =	swait.ge [sflag:s1], $0x800  }
0x294: {  	[sflag:s1] =	ssyncset.done $0x0  }
0x295: {  	s3 =	rddreg [dreg:$0xf];
	[sflag:s1] =	ssyncadd.s32 $0xFFFFF800  }
0x296: {  	[hbm4b:s3+s4] =	stream.linear.scatter [tilespmem:s0], [sflag:$0x2], $0x800, $0x38;
	[tilespmem:$0x1FA80] =	vst v63  }
0x297: {  	_ =	swait.ge [sflag:s1], $0x800  }
0x298: {  	s3 =	sld [smem:$0x7DA]  }
0x299: {  	[sflag:s1] =	ssyncset.done $0x0  }
0x29a: {  	[sflag:s1] =	ssyncadd.s32 $0xFFFFF800  }
0x29b: {  	[tilespmem:s0], [sflag:$0x2] =	stream.linear.gather [spmem:s3], $0x800, $0x38;
	[tilespmem:$0x1FA80] =	vst v63  }
0x29c: {  	_ =	swait.ge [sflag:s1], $0x800  }
0x29d: {  	[sflag:s1] =	ssyncset.done $0x0  }
0x29e: {  	s3 =	rddreg [dreg:$0x10];
	[sflag:s1] =	ssyncadd.s32 $0xFFFFF800  }
0x29f: {  	[hbm4b:s3+s4] =	stream.linear.scatter [tilespmem:s0], [sflag:$0x2], $0x800, $0x38;
	[tilespmem:$0x1FA80] =	vst v63  }
0x2a0: {  	_ =	swait.ge [sflag:s1], $0x800  }
0x2a1: {  	s3 =	sld [smem:$0x7DB]  }
0x2a2: {  	[sflag:s1] =	ssyncset.done $0x0  }
0x2a3: {  	[sflag:s1] =	ssyncadd.s32 $0xFFFFF800  }
0x2a4: {  	[tilespmem:s0], [sflag:$0x2] =	stream.linear.gather [spmem:s3], $0x800, $0x38;
	[tilespmem:$0x1FA80] =	vst v63  }
0x2a5: {  	_ =	swait.ge [sflag:s1], $0x800  }
0x2a6: {  	[sflag:s1] =	ssyncset.done $0x0  }
0x2a7: {  	s3 =	rddreg [dreg:$0x11];
	[sflag:s1] =	ssyncadd.s32 $0xFFFFF800  }
0x2a8: {  	[hbm4b:s3+s4] =	stream.linear.scatter [tilespmem:s0], [sflag:$0x2], $0x800, $0x38;
	[tilespmem:$0x1FA80] =	vst v63  }
0x2a9: {  	_ =	swait.ge [sflag:s1], $0x800  }
0x2aa: {  	s3 =	sld [smem:$0x7DC]  }
0x2ab: {  	[sflag:s1] =	ssyncset.done $0x0  }
0x2ac: {  	[sflag:s1] =	ssyncadd.s32 $0xFFFFF800  }
0x2ad: {  	[tilespmem:s0], [sflag:$0x2] =	stream.linear.gather [spmem:s3], $0x800, $0x38;
	[tilespmem:$0x1FA80] =	vst v63  }
0x2ae: {  	_ =	swait.ge [sflag:s1], $0x800  }
0x2af: {  	[sflag:s1] =	ssyncset.done $0x0  }
0x2b0: {  	s3 =	rddreg [dreg:$0x12];
	[sflag:s1] =	ssyncadd.s32 $0xFFFFF800  }
0x2b1: {  	[hbm4b:s3+s4] =	stream.linear.scatter [tilespmem:s0], [sflag:$0x2], $0x800, $0x38;
	[tilespmem:$0x1FA80] =	vst v63  }
0x2b2: {  	_ =	swait.ge [sflag:s1], $0x800  }
0x2b3: {  	s3 =	sld [smem:$0x7DD]  }
0x2b4: {  	[sflag:s1] =	ssyncset.done $0x0  }
0x2b5: {  	[sflag:s1] =	ssyncadd.s32 $0xFFFFF800  }
0x2b6: {  	[tilespmem:s0], [sflag:$0x2] =	stream.linear.gather [spmem:s3], $0x800, $0x38;
	[tilespmem:$0x1FA80] =	vst v63  }
0x2b7: {  	_ =	swait.ge [sflag:s1], $0x800  }
0x2b8: {  	[sflag:s1] =	ssyncset.done $0x0  }
0x2b9: {  	s3 =	rddreg [dreg:$0x13];
	[sflag:s1] =	ssyncadd.s32 $0xFFFFF800  }
0x2ba: {  	[hbm4b:s3+s4] =	stream.linear.scatter [tilespmem:s0], [sflag:$0x2], $0x800, $0x38;
	[tilespmem:$0x1FA80] =	vst v63  }
0x2bb: {  	_ =	swait.ge [sflag:s1], $0x800  }
0x2bc: {  	s3 =	sld [smem:$0x7DE]  }
0x2bd: {  	[sflag:s1] =	ssyncset.done $0x0  }
0x2be: {  	[sflag:s1] =	ssyncadd.s32 $0xFFFFF800  }
0x2bf: {  	[tilespmem:s0], [sflag:$0x2] =	stream.linear.gather [spmem:s3], $0x800, $0x38;
	[tilespmem:$0x1FA80] =	vst v63  }
0x2c0: {  	_ =	swait.ge [sflag:s1], $0x800  }
0x2c1: {  	[sflag:s1] =	ssyncset.done $0x0  }
0x2c2: {  	s3 =	rddreg [dreg:$0x14];
	[sflag:s1] =	ssyncadd.s32 $0xFFFFF800  }
0x2c3: {  	[hbm4b:s3+s4] =	stream.linear.scatter [tilespmem:s0], [sflag:$0x2], $0x800, $0x38;
	[tilespmem:$0x1FA80] =	vst v63  }
0x2c4: {  	_ =	swait.ge [sflag:s1], $0x800  }
0x2c5: {  	s3 =	sld [smem:$0x7DF]  }
0x2c6: {  	[sflag:s1] =	ssyncset.done $0x0  }
0x2c7: {  	[sflag:s1] =	ssyncadd.s32 $0xFFFFF800  }
0x2c8: {  	[tilespmem:s0], [sflag:$0x2] =	stream.linear.gather [spmem:s3], $0x800, $0x38;
	[tilespmem:$0x1FA80] =	vst v63  }
0x2c9: {  	_ =	swait.ge [sflag:s1], $0x800  }
0x2ca: {  	[sflag:s1] =	ssyncset.done $0x0  }
0x2cb: {  	s3 =	rddreg [dreg:$0x15];
	[sflag:s1] =	ssyncadd.s32 $0xFFFFF800  }
0x2cc: {  	[hbm4b:s3+s4] =	stream.linear.scatter [tilespmem:s0], [sflag:$0x2], $0x800, $0x38;
	[tilespmem:$0x1FA80] =	vst v63  }
0x2cd: {  	_ =	swait.ge [sflag:s1], $0x800  }
0x2ce: {  	s3 =	sld [smem:$0x7E0]  }
0x2cf: {  	[sflag:s1] =	ssyncset.done $0x0  }
0x2d0: {  	[sflag:s1] =	ssyncadd.s32 $0xFFFFF800  }
0x2d1: {  	[tilespmem:s0], [sflag:$0x2] =	stream.linear.gather [spmem:s3], $0x800, $0x38;
	[tilespmem:$0x1FA80] =	vst v63  }
0x2d2: {  	_ =	swait.ge [sflag:s1], $0x800  }
0x2d3: {  	[sflag:s1] =	ssyncset.done $0x0  }
0x2d4: {  	s3 =	rddreg [dreg:$0x16];
	[sflag:s1] =	ssyncadd.s32 $0xFFFFF800  }
0x2d5: {  	[hbm4b:s3+s4] =	stream.linear.scatter [tilespmem:s0], [sflag:$0x2], $0x800, $0x38;
	[tilespmem:$0x1FA80] =	vst v63  }
0x2d6: {  	_ =	swait.ge [sflag:s1], $0x800  }
0x2d7: {  	s3 =	sld [smem:$0x7E1]  }
0x2d8: {  	[sflag:s1] =	ssyncset.done $0x0  }
0x2d9: {  	[sflag:s1] =	ssyncadd.s32 $0xFFFFF800  }
0x2da: {  	[tilespmem:s0], [sflag:$0x2] =	stream.linear.gather [spmem:s3], $0x800, $0x38;
	[tilespmem:$0x1FA80] =	vst v63  }
0x2db: {  	_ =	swait.ge [sflag:s1], $0x800  }
0x2dc: {  	[sflag:s1] =	ssyncset.done $0x0  }
0x2dd: {  	s3 =	rddreg [dreg:$0x17];
	[sflag:s1] =	ssyncadd.s32 $0xFFFFF800  }
0x2de: {  	[hbm4b:s3+s4] =	stream.linear.scatter [tilespmem:s0], [sflag:$0x2], $0x800, $0x38;
	[tilespmem:$0x1FA80] =	vst v63  }
0x2df: {  	_ =	swait.ge [sflag:s1], $0x800  }
0x2e0: {  	s3 =	sld [smem:$0x7E2]  }
0x2e1: {  	[sflag:s1] =	ssyncset.done $0x0  }
0x2e2: {  	[sflag:s1] =	ssyncadd.s32 $0xFFFFF800  }
0x2e3: {  	[tilespmem:s0], [sflag:$0x2] =	stream.linear.gather [spmem:s3], $0x800, $0x38;
	[tilespmem:$0x1FA80] =	vst v63  }
0x2e4: {  	_ =	swait.ge [sflag:s1], $0x800  }
0x2e5: {  	[sflag:s1] =	ssyncset.done $0x0  }
0x2e6: {  	s3 =	rddreg [dreg:$0x18];
	[sflag:s1] =	ssyncadd.s32 $0xFFFFF800  }
0x2e7: {  	[hbm4b:s3+s4] =	stream.linear.scatter [tilespmem:s0], [sflag:$0x2], $0x800, $0x38;
	[tilespmem:$0x1FA80] =	vst v63  }
0x2e8: {  	_ =	swait.ge [sflag:s1], $0x800  }
0x2e9: {  	s3 =	sld [smem:$0x7E3]  }
0x2ea: {  	[sflag:s1] =	ssyncset.done $0x0  }
0x2eb: {  	[sflag:s1] =	ssyncadd.s32 $0xFFFFF800  }
0x2ec: {  	[tilespmem:s0], [sflag:$0x2] =	stream.linear.gather [spmem:s3], $0x800, $0x38;
	[tilespmem:$0x1FA80] =	vst v63  }
0x2ed: {  	_ =	swait.ge [sflag:s1], $0x800  }
0x2ee: {  	[sflag:s1] =	ssyncset.done $0x0  }
0x2ef: {  	s3 =	rddreg [dreg:$0x19];
	[sflag:s1] =	ssyncadd.s32 $0xFFFFF800  }
0x2f0: {  	[hbm4b:s3+s4] =	stream.linear.scatter [tilespmem:s0], [sflag:$0x2], $0x800, $0x38;
	[tilespmem:$0x1FA80] =	vst v63  }
0x2f1: {  	_ =	swait.ge [sflag:s1], $0x800  }
0x2f2: {  	s3 =	sld [smem:$0x7E4]  }
0x2f3: {  	[sflag:s1] =	ssyncset.done $0x0  }
0x2f4: {  	[sflag:s1] =	ssyncadd.s32 $0xFFFFF800  }
0x2f5: {  	[tilespmem:s0], [sflag:$0x2] =	stream.linear.gather [spmem:s3], $0x800, $0x38;
	[tilespmem:$0x1FA80] =	vst v63  }
0x2f6: {  	_ =	swait.ge [sflag:s1], $0x800  }
0x2f7: {  	[sflag:s1] =	ssyncset.done $0x0  }
0x2f8: {  	s3 =	rddreg [dreg:$0x1a];
	[sflag:s1] =	ssyncadd.s32 $0xFFFFF800  }
0x2f9: {  	[hbm4b:s3+s4] =	stream.linear.scatter [tilespmem:s0], [sflag:$0x2], $0x800, $0x38;
	[tilespmem:$0x1FA80] =	vst v63  }
0x2fa: {  	_ =	swait.ge [sflag:s1], $0x800  }
0x2fb: {  	s3 =	sld [smem:$0x7E5]  }
0x2fc: {  	[sflag:s1] =	ssyncset.done $0x0  }
0x2fd: {  	[sflag:s1] =	ssyncadd.s32 $0xFFFFF800  }
0x2fe: {  	[tilespmem:s0], [sflag:$0x2] =	stream.linear.gather [spmem:s3], $0x800, $0x38;
	[tilespmem:$0x1FA80] =	vst v63  }
0x2ff: {  	_ =	swait.ge [sflag:s1], $0x800  }
0x300: {  	[sflag:s1] =	ssyncset.done $0x0  }
0x301: {  	s3 =	rddreg [dreg:$0x1b];
	[sflag:s1] =	ssyncadd.s32 $0xFFFFF800  }
0x302: {  	[hbm4b:s3+s4] =	stream.linear.scatter [tilespmem:s0], [sflag:$0x2], $0x800, $0x38;
	[tilespmem:$0x1FA80] =	vst v63  }
0x303: {  	_ =	swait.ge [sflag:s1], $0x800  }
0x304: {  	s3 =	sld [smem:$0x7E6]  }
0x305: {  	[sflag:s1] =	ssyncset.done $0x0  }
0x306: {  	[sflag:s1] =	ssyncadd.s32 $0xFFFFF800  }
0x307: {  	[tilespmem:s0], [sflag:$0x2] =	stream.linear.gather [spmem:s3], $0x800, $0x38;
	[tilespmem:$0x1FA80] =	vst v63  }
0x308: {  	_ =	swait.ge [sflag:s1], $0x800  }
0x309: {  	[sflag:s1] =	ssyncset.done $0x0  }
0x30a: {  	s3 =	rddreg [dreg:$0x1c];
	[sflag:s1] =	ssyncadd.s32 $0xFFFFF800  }
0x30b: {  	[hbm4b:s3+s4] =	stream.linear.scatter [tilespmem:s0], [sflag:$0x2], $0x800, $0x38;
	[tilespmem:$0x1FA80] =	vst v63  }
0x30c: {  	_ =	swait.ge [sflag:s1], $0x800  }
0x30d: {  	s3 =	sld [smem:$0x7E7]  }
0x30e: {  	[sflag:s1] =	ssyncset.done $0x0  }
0x30f: {  	[sflag:s1] =	ssyncadd.s32 $0xFFFFF800  }
0x310: {  	[tilespmem:s0], [sflag:$0x2] =	stream.linear.gather [spmem:s3], $0x800, $0x38;
	[tilespmem:$0x1FA80] =	vst v63  }
0x311: {  	_ =	swait.ge [sflag:s1], $0x800  }
0x312: {  	[sflag:s1] =	ssyncset.done $0x0  }
0x313: {  	s3 =	rddreg [dreg:$0x1d];
	[sflag:s1] =	ssyncadd.s32 $0xFFFFF800  }
0x314: {  	[hbm4b:s3+s4] =	stream.linear.scatter [tilespmem:s0], [sflag:$0x2], $0x800, $0x38;
	[tilespmem:$0x1FA80] =	vst v63  }
0x315: {  	_ =	swait.ge [sflag:s1], $0x800  }
0x316: {  	s3 =	sld [smem:$0x7E8]  }
0x317: {  	[sflag:s1] =	ssyncset.done $0x0  }
0x318: {  	[sflag:s1] =	ssyncadd.s32 $0xFFFFF800  }
0x319: {  	[tilespmem:s0], [sflag:$0x2] =	stream.linear.gather [spmem:s3], $0x800, $0x38;
	[tilespmem:$0x1FA80] =	vst v63  }
0x31a: {  	_ =	swait.ge [sflag:s1], $0x800  }
0x31b: {  	[sflag:s1] =	ssyncset.done $0x0  }
0x31c: {  	s3 =	rddreg [dreg:$0x1e];
	[sflag:s1] =	ssyncadd.s32 $0xFFFFF800  }
0x31d: {  	[hbm4b:s3+s4] =	stream.linear.scatter [tilespmem:s0], [sflag:$0x2], $0x800, $0x38;
	[tilespmem:$0x1FA80] =	vst v63  }
0x31e: {  	_ =	swait.ge [sflag:s1], $0x800  }
0x31f: {  	s3 =	sld [smem:$0x7E9]  }
0x320: {  	[sflag:s1] =	ssyncset.done $0x0  }
0x321: {  	[sflag:s1] =	ssyncadd.s32 $0xFFFFF800  }
0x322: {  	[tilespmem:s0], [sflag:$0x2] =	stream.linear.gather [spmem:s3], $0x800, $0x38;
	[tilespmem:$0x1FA80] =	vst v63  }
0x323: {  	_ =	swait.ge [sflag:s1], $0x800  }
0x324: {  	[sflag:s1] =	ssyncset.done $0x0  }
0x325: {  	s3 =	rddreg [dreg:$0x1f];
	[sflag:s1] =	ssyncadd.s32 $0xFFFFF800  }
0x326: {  	[hbm4b:s3+s4] =	stream.linear.scatter [tilespmem:s0], [sflag:$0x2], $0x800, $0x38;
	[tilespmem:$0x1FA80] =	vst v63  }
0x327: {  	_ =	swait.ge [sflag:s1], $0x800  }
0x328: {  	s3 =	sld [smem:$0x7EA]  }
0x329: {  	[sflag:s1] =	ssyncset.done $0x0  }
0x32a: {  	[sflag:s1] =	ssyncadd.s32 $0xFFFFF800  }
0x32b: {  	[tilespmem:s0], [sflag:$0x2] =	stream.linear.gather [spmem:s3], $0x800, $0x38;
	[tilespmem:$0x1FA80] =	vst v63  }
0x32c: {  	_ =	swait.ge [sflag:s1], $0x800  }
0x32d: {  	s3 =	sld [smem:$0x7C8]  }
0x32e: {  	[sflag:s1] =	ssyncset.done $0x0  }
0x32f: {  	[sflag:s1] =	ssyncadd.s32 $0xFFFFF800  }
0x330: {  	[hbm4b:s3+s4] =	stream.linear.scatter [tilespmem:s0], [sflag:$0x2], $0x800, $0x38;
	[tilespmem:$0x1FA80] =	vst v63  }
0x331: {  	_ =	swait.ge [sflag:s1], $0x800  }
0x332: {  	s3 =	sld [smem:$0x7EB]  }
0x333: {  	[sflag:s1] =	ssyncset.done $0x0  }
0x334: {  	[sflag:s1] =	ssyncadd.s32 $0xFFFFF800  }
0x335: {  	[tilespmem:s0], [sflag:$0x2] =	stream.linear.gather [spmem:s3], $0x800, $0x38;
	[tilespmem:$0x1FA80] =	vst v63  }
0x336: {  	_ =	swait.ge [sflag:s1], $0x800  }
0x337: {  	s3 =	sld [smem:$0x7C9]  }
0x338: {  	[sflag:s1] =	ssyncset.done $0x0  }
0x339: {  	[sflag:s1] =	ssyncadd.s32 $0xFFFFF800  }
0x33a: {  	[hbm4b:s3+s4] =	stream.linear.scatter [tilespmem:s0], [sflag:$0x2], $0x800, $0x38;
	[tilespmem:$0x1FA80] =	vst v63  }
0x33b: {  	_ =	swait.ge [sflag:s1], $0x800  }
0x33c: {  	s3 =	sld [smem:$0x7EC]  }
0x33d: {  	[sflag:s1] =	ssyncset.done $0x0  }
0x33e: {  	[sflag:s1] =	ssyncadd.s32 $0xFFFFF800  }
0x33f: {  	[tilespmem:s0], [sflag:$0x2] =	stream.linear.gather [spmem:s3], $0x800, $0x38;
	[tilespmem:$0x1FA80] =	vst v63  }
0x340: {  	_ =	swait.ge [sflag:s1], $0x800  }
0x341: {  	s3 =	sld [smem:$0x7CA]  }
0x342: {  	[sflag:s1] =	ssyncset.done $0x0  }
0x343: {  	[sflag:s1] =	ssyncadd.s32 $0xFFFFF800  }
0x344: {  	[hbm4b:s3+s4] =	stream.linear.scatter [tilespmem:s0], [sflag:$0x2], $0x800, $0x38;
	[tilespmem:$0x1FA80] =	vst v63  }
0x345: {  	_ =	swait.ge [sflag:s1], $0x800  }
0x346: {  	s3 =	sld [smem:$0x7ED]  }
0x347: {  	[sflag:s1] =	ssyncset.done $0x0  }
0x348: {  	[sflag:s1] =	ssyncadd.s32 $0xFFFFF800  }
0x349: {  	[tilespmem:s0], [sflag:$0x2] =	stream.linear.gather [spmem:s3], $0x800, $0x38;
	[tilespmem:$0x1FA80] =	vst v63  }
0x34a: {  	_ =	swait.ge [sflag:s1], $0x800  }
0x34b: {  	s3 =	sld [smem:$0x7CB]  }
0x34c: {  	[sflag:s1] =	ssyncset.done $0x0  }
0x34d: {  	[sflag:s1] =	ssyncadd.s32 $0xFFFFF800  }
0x34e: {  	[hbm4b:s3+s4] =	stream.linear.scatter [tilespmem:s0], [sflag:$0x2], $0x800, $0x38;
	[tilespmem:$0x1FA80] =	vst v63  }
0x34f: {  	_ =	swait.ge [sflag:s1], $0x800  }
0x350: {  	s3 =	sld [smem:$0x7EE]  }
0x351: {  	[sflag:s1] =	ssyncset.done $0x0  }
0x352: {  	[sflag:s1] =	ssyncadd.s32 $0xFFFFF800  }
0x353: {  	[tilespmem:s0], [sflag:$0x2] =	stream.linear.gather [spmem:s3], $0x800, $0x38;
	[tilespmem:$0x1FA80] =	vst v63  }
0x354: {  	_ =	swait.ge [sflag:s1], $0x800  }
0x355: {  	s3 =	sld [smem:$0x7CC]  }
0x356: {  	[sflag:s1] =	ssyncset.done $0x0  }
0x357: {  	[sflag:s1] =	ssyncadd.s32 $0xFFFFF800  }
0x358: {  	[hbm4b:s3+s4] =	stream.linear.scatter [tilespmem:s0], [sflag:$0x2], $0x800, $0x38;
	[tilespmem:$0x1FA80] =	vst v63  }
0x359: {  	_ =	swait.ge [sflag:s1], $0x800  }
0x35a: {  	s3 =	sld [smem:$0x7EF]  }
0x35b: {  	[sflag:s1] =	ssyncset.done $0x0  }
0x35c: {  	[sflag:s1] =	ssyncadd.s32 $0xFFFFF800  }
0x35d: {  	[tilespmem:s0], [sflag:$0x2] =	stream.linear.gather [spmem:s3], $0x800, $0x38;
	[tilespmem:$0x1FA80] =	vst v63  }
0x35e: {  	_ =	swait.ge [sflag:s1], $0x800  }
0x35f: {  	s3 =	sld [smem:$0x7CD]  }
0x360: {  	[sflag:s1] =	ssyncset.done $0x0  }
0x361: {  	[sflag:s1] =	ssyncadd.s32 $0xFFFFF800  }
0x362: {  	[hbm4b:s3+s4] =	stream.linear.scatter [tilespmem:s0], [sflag:$0x2], $0x800, $0x38;
	[tilespmem:$0x1FA80] =	vst v63  }
0x363: {  	_ =	swait.ge [sflag:s1], $0x800  }
0x364: {  	s3 =	sld [smem:$0x7F0]  }
0x365: {  	[sflag:s1] =	ssyncset.done $0x0  }
0x366: {  	[sflag:s1] =	ssyncadd.s32 $0xFFFFF800  }
0x367: {  	[tilespmem:s0], [sflag:$0x2] =	stream.linear.gather [spmem:s3], $0x800, $0x38;
	[tilespmem:$0x1FA80] =	vst v63  }
0x368: {  	_ =	swait.ge [sflag:s1], $0x800  }
0x369: {  	s3 =	sld [smem:$0x7CE]  }
0x36a: {  	[sflag:s1] =	ssyncset.done $0x0  }
0x36b: {  	[sflag:s1] =	ssyncadd.s32 $0xFFFFF800  }
0x36c: {  	[hbm4b:s3+s4] =	stream.linear.scatter [tilespmem:s0], [sflag:$0x2], $0x800, $0x38;
	[tilespmem:$0x1FA80] =	vst v63  }
0x36d: {  	_ =	swait.ge [sflag:s1], $0x800  }
0x36e: {  	s3 =	sld [smem:$0x7F1]  }
0x36f: {  	[sflag:s1] =	ssyncset.done $0x0  }
0x370: {  	[sflag:s1] =	ssyncadd.s32 $0xFFFFF800  }
0x371: {  	[tilespmem:s0], [sflag:$0x2] =	stream.linear.gather [spmem:s3], $0x800, $0x38;
	[tilespmem:$0x1FA80] =	vst v63  }
0x372: {  	_ =	swait.ge [sflag:s1], $0x800  }
0x373: {  	s3 =	sld [smem:$0x7CF]  }
0x374: {  	[sflag:s1] =	ssyncset.done $0x0  }
0x375: {  	[sflag:s1] =	ssyncadd.s32 $0xFFFFF800  }
0x376: {  	[hbm4b:s3+s4] =	stream.linear.scatter [tilespmem:s0], [sflag:$0x2], $0x800, $0x38;
	[tilespmem:$0x1FA80] =	vst v63  }
0x377: {  	_ =	swait.ge [sflag:s1], $0x800  }
0x378: {  	s3 =	sld [smem:$0x7F2]  }
0x379: {  	[sflag:s1] =	ssyncset.done $0x0  }
0x37a: {  	[sflag:s1] =	ssyncadd.s32 $0xFFFFF800  }
0x37b: {  	[tilespmem:s0], [sflag:$0x2] =	stream.linear.gather [spmem:s3], $0x800, $0x38;
	[tilespmem:$0x1FA80] =	vst v63  }
0x37c: {  	_ =	swait.ge [sflag:s1], $0x800  }
0x37d: {  	s3 =	sld [smem:$0x7D0]  }
0x37e: {  	[sflag:s1] =	ssyncset.done $0x0  }
0x37f: {  	[sflag:s1] =	ssyncadd.s32 $0xFFFFF800  }
0x380: {  	[hbm4b:s3+s4] =	stream.linear.scatter [tilespmem:s0], [sflag:$0x2], $0x800, $0x38;
	[tilespmem:$0x1FA80] =	vst v63  }
0x381: {  	_ =	swait.ge [sflag:s1], $0x800  }
0x382: {  	s3 =	sld [smem:$0x7F3]  }
0x383: {  	[sflag:s1] =	ssyncset.done $0x0  }
0x384: {  	[sflag:s1] =	ssyncadd.s32 $0xFFFFF800  }
0x385: {  	[tilespmem:s0], [sflag:$0x2] =	stream.linear.gather [spmem:s3], $0x800, $0x38;
	[tilespmem:$0x1FA80] =	vst v63  }
0x386: {  	_ =	swait.ge [sflag:s1], $0x800  }
0x387: {  	s3 =	sld [smem:$0x7D1]  }
0x388: {  	[sflag:s1] =	ssyncset.done $0x0  }
0x389: {  	[sflag:s1] =	ssyncadd.s32 $0xFFFFF800  }
0x38a: {  	[hbm4b:s3+s4] =	stream.linear.scatter [tilespmem:s0], [sflag:$0x2], $0x800, $0x38;
	[tilespmem:$0x1FA80] =	vst v63  }
0x38b: {  	_ =	swait.ge [sflag:s1], $0x800  }
0x38c: {  	s3 =	sld [smem:$0x7F4]  }
0x38d: {  	[sflag:s1] =	ssyncset.done $0x0  }
0x38e: {  	[sflag:s1] =	ssyncadd.s32 $0xFFFFF800  }
0x38f: {  	[tilespmem:s0], [sflag:$0x2] =	stream.linear.gather [spmem:s3], $0x800, $0x38;
	[tilespmem:$0x1FA80] =	vst v63  }
0x390: {  	_ =	swait.ge [sflag:s1], $0x800  }
0x391: {  	s3 =	sld [smem:$0x7D2]  }
0x392: {  	[sflag:s1] =	ssyncset.done $0x0  }
0x393: {  	[sflag:s1] =	ssyncadd.s32 $0xFFFFF800  }
0x394: {  	[hbm4b:s3+s4] =	stream.linear.scatter [tilespmem:s0], [sflag:$0x2], $0x800, $0x38;
	[tilespmem:$0x1FA80] =	vst v63  }
0x395: {  	_ =	swait.ge [sflag:s1], $0x800  }
0x396: {  	s3 =	sld [smem:$0x7F5]  }
0x397: {  	[sflag:s1] =	ssyncset.done $0x0  }
0x398: {  	[sflag:s1] =	ssyncadd.s32 $0xFFFFF800  }
0x399: {  	[tilespmem:s0], [sflag:$0x2] =	stream.linear.gather [spmem:s3], $0x800, $0x38;
	[tilespmem:$0x1FA80] =	vst v63  }
0x39a: {  	_ =	swait.ge [sflag:s1], $0x800  }
0x39b: {  	s3 =	sld [smem:$0x7D3]  }
0x39c: {  	[sflag:s1] =	ssyncset.done $0x0  }
0x39d: {  	[sflag:s1] =	ssyncadd.s32 $0xFFFFF800  }
0x39e: {  	[hbm4b:s3+s4] =	stream.linear.scatter [tilespmem:s0], [sflag:$0x2], $0x800, $0x38;
	[tilespmem:$0x1FA80] =	vst v63  }
0x39f: {  	_ =	swait.ge [sflag:s1], $0x800  }
0x3a0: {  	s3 =	sld [smem:$0x7F6]  }
0x3a1: {  	[sflag:s1] =	ssyncset.done $0x0  }
0x3a2: {  	[sflag:s1] =	ssyncadd.s32 $0xFFFFF800  }
0x3a3: {  	[tilespmem:s0], [sflag:$0x2] =	stream.linear.gather [spmem:s3], $0x800, $0x38;
	[tilespmem:$0x1FA80] =	vst v63  }
0x3a4: {  	_ =	swait.ge [sflag:s1], $0x800  }
0x3a5: {  	s3 =	sld [smem:$0x7D4]  }
0x3a6: {  	[sflag:s1] =	ssyncset.done $0x0  }
0x3a7: {  	[sflag:s1] =	ssyncadd.s32 $0xFFFFF800  }
0x3a8: {  	[hbm4b:s3+s4] =	stream.linear.scatter [tilespmem:s0], [sflag:$0x2], $0x800, $0x38;
	[tilespmem:$0x1FA80] =	vst v63  }
0x3a9: {  	_ =	swait.ge [sflag:s1], $0x800  }
0x3aa: {  	s3 =	sld [smem:$0x7F7]  }
0x3ab: {  	[sflag:s1] =	ssyncset.done $0x0  }
0x3ac: {  	[sflag:s1] =	ssyncadd.s32 $0xFFFFF800  }
0x3ad: {  	[tilespmem:s0], [sflag:$0x2] =	stream.linear.gather [spmem:s3], $0x800, $0x38;
	[tilespmem:$0x1FA80] =	vst v63  }
0x3ae: {  	_ =	swait.ge [sflag:s1], $0x800  }
0x3af: {  	s3 =	sld [smem:$0x7D5]  }
0x3b0: {  	[sflag:s1] =	ssyncset.done $0x0  }
0x3b1: {  	[sflag:s1] =	ssyncadd.s32 $0xFFFFF800  }
0x3b2: {  	[hbm4b:s3+s4] =	stream.linear.scatter [tilespmem:s0], [sflag:$0x2], $0x800, $0x38;
	[tilespmem:$0x1FA80] =	vst v63  }
0x3b3: {  	_ =	swait.ge [sflag:s1], $0x800  }
0x3b4: {  	s2 =	sld [smem:$0x7C7];
	_ =	sdelay $0x2  }
0x3b5: {  	s3 =	sadd.s32 $0x1, s2;
	s2 =	sld [smem:$0x7D6];
	_ =	sdelay $0x2  }
0x3b6: {  	p0 =	sne.s32 s3, s2  }
.Ltmp3:
0x3b7: {  	_ = 	snop;
	(pc) =	sbr.rel @p0 .LBB2_1-.Ltmp3, $3  }
0x3b8: {  	_ =	sdelay $0x1  }
0x3b9: {  	[sflag:s1] =	ssyncset.done $0x0  }
0x3ba: {  	[sflag:s1] =	ssyncadd.s32 $0xFFFFF800  }
0x3bb: {  	_ =	sfence.sel $0x180000  }
0x3bc: {  	[bflag:$0x0] =	sbarrier.arrive $0xFFFF  }
0x3bd: {  	_ =	strace $0x90000047  }
0x3be: {  	s0 =	stileid.u32;
	[bflag:$0x2] =	sbarrier.arrive $0xFFFF  }
0x3bf: {  	p0 =	sne.s32 s0, $0x0;
	s0 =	rddreg [dreg:$0x3]  }
0x3c0: {  	s0 =	sadd.s32 @!p0 $0x100000, s0  }
0x3c1: {  	[sflag:s0] =	ssyncadd.tile.s32 @!p0 $0x1;
	_ =	shalt  }
.Lfunc_end2:
_tile_overlayer_lowered:
.L_overlay_start_2:
0x3c2: {  	(tag) =	ssettag $0x2  }
0x3c3: {  	s0 =	rddreg [dreg:$0x0];
	s2 =	stileid.u32  }
0x3c4: {  	s1 =	rddreg [dreg:$0x1];
	p0 =	sne.s32 s2, $0x0  }
0x3c5: {  	s3 =	rddreg [dreg:$0x2];
	[bflag:$0x3] =	sbarrier.arrive $0xFFFF;
	s2 =	simm.s32 @!p0 $0x1C02  }
0x3c6: {  	[timem:s3], [sflag:s2] =	dma.local @!p0 [hbm:s0], s1  }
0x3c7: {  	s0 =	simm.s32 @!p0 $0x2  }
0x3c8: {  	_ =	swait.ge @!p0 [sflag:s0], s1  }
0x3c9: {  	s1 =	ssub.s32 @!p0 $0x0, s1;
	[sflag:s0] =	ssyncset.done @!p0 $0x0  }
0x3ca: {  	[sflag:s0] =	ssyncadd.s32 @!p0 s1  }
0x3cb: {  	[bflag:$0x3] =	sbarrier.arrive $0xFFFF  }
0x3cc: {  	_ =	shalt  }

</sc_bundles>
